<compile_context>
chip_gen: v7x
topology: tpu7x:2x2x1
jax: 0.10.2.dev20260603
libtpu: 0.0.44.dev20260713+nightly
codegen_flags: <defaults>
</compile_context>

<pallas_src>
import functools

import jax
import jax.numpy as jnp
from jax import lax
from jax.experimental import pallas as pl
from jax.experimental.pallas import tpu as pltpu
from jax.experimental.pallas import tpu_sc as plsc

N = 2_000_000
BATCH = 16
RES = 128
NCELLS = BATCH * RES * RES * RES
G = NCELLS // (32 * 128)
NC = 2
NS = 16
NW = NC * NS
C = 16000
H = C // 2
NCHUNK = N // C
LANES = 16


def _sc_idx_body(ptst_hbm, bidx_hbm, pk_hbm,
                 px_v, py_v, pz_v, pk_v, sem_in):
    wid = lax.axis_index("s") * NC + lax.axis_index("c")
    n_my = (NCHUNK - wid + NW - 1) // NW

    def chunk_body(i, carry):
        base = (wid + i * NW) * C
        cp1 = pltpu.async_copy(ptst_hbm.at[pl.ds(0, 1), pl.ds(base, C)],
                               px_v, sem_in)
        cp2 = pltpu.async_copy(ptst_hbm.at[pl.ds(1, 1), pl.ds(base, C)],
                               py_v, sem_in)
        cp3 = pltpu.async_copy(ptst_hbm.at[pl.ds(2, 1), pl.ds(base, C)],
                               pz_v, sem_in)
        cp4 = pltpu.async_copy(bidx_hbm.at[pl.ds(base, C)], pk_v, sem_in)
        cp1.wait()
        cp2.wait()
        cp3.wait()
        cp4.wait()

        def idx_body(j, carry2):
            sl = pl.ds(j * LANES, LANES)
            x = px_v[0, sl]
            y = py_v[0, sl]
            z = pz_v[0, sl]
            b = pk_v[sl]
            scale = jnp.float32(RES)
            gx = ((x * 0.5 + 0.5) * scale).astype(jnp.int32)
            gy = ((y * 0.5 + 0.5) * scale).astype(jnp.int32)
            gz = ((z * 0.5 + 0.5) * scale).astype(jnp.int32)
            gx = jnp.minimum(jnp.maximum(gx, 0), RES - 1)
            gy = jnp.minimum(jnp.maximum(gy, 0), RES - 1)
            gz = jnp.minimum(jnp.maximum(gz, 0), RES - 1)
            widx = (lax.shift_left(b * 512 + gx * 4
                                   + lax.shift_right_logical(gy, 5), 7) | gz)
            pk_v[sl] = lax.shift_left(widx, 5) | (gy & 31)
            return carry2

        lax.fori_loop(0, C // LANES, idx_body, 0)
        pltpu.sync_copy(pk_v, pk_hbm.at[pl.ds(base, C)])
        return carry

    lax.fori_loop(0, n_my, chunk_body, 0)


def _sc_gather_body(pk_hbm, grid_hbm, out_hbm,
                    pk0_v, pk1_v, widx_v, gath_v, grid_sh,
                    sem_pk0, sem_pk1, sem_g1, sem_g2, sem_g3, sem_g4,
                    sem_out, sem_grid):
    wid = lax.axis_index("s") * NC + lax.axis_index("c")
    sid = lax.axis_index("s")
    n_my = (NCHUNK - wid + NW - 1) // NW
    pk_bufs = (pk0_v, pk1_v)
    pk_sems = (sem_pk0, sem_pk1)

    @pl.when(sid == 0)
    def _():
        pltpu.sync_copy(grid_hbm, grid_sh)

    pltpu.async_copy(pk_hbm.at[pl.ds(wid * C, C)], pk0_v, sem_pk0).wait()
    plsc.subcore_barrier()

    UNROLL = 8

    def unpack_half(pk_v, lo, hi):
        def unpack_body(j, carry2):
            for u in range(UNROLL):
                sl = pl.ds(j * LANES * UNROLL + u * LANES, LANES)
                widx_v[sl] = lax.shift_right_logical(pk_v[sl], 5)
            return carry2

        lax.fori_loop(lo // (LANES * UNROLL), hi // (LANES * UNROLL),
                      unpack_body, 0)

    def out_half(pk_v, lo, hi):
        def out_body(j, carry2):
            for u in range(UNROLL):
                sl = pl.ds(j * LANES * UNROLL + u * LANES, LANES)
                gath_v[sl] = lax.shift_right_logical(
                    gath_v[sl], pk_v[sl] & 31) & 1
            return carry2

        lax.fori_loop(lo // (LANES * UNROLL), hi // (LANES * UNROLL),
                      out_body, 0)

    def pair_body(ii, carry):
        for b in range(2):
            i = ii * 2 + b

            @pl.when(i < n_my)
            def _():
                base = (wid + i * NW) * C
                pk_v = pk_bufs[b]
                nxt = (wid + (i + 1) * NW) * C

                @pl.when(i + 1 < n_my)
                def _():
                    pltpu.make_async_copy(
                        pk_hbm.at[pl.ds(nxt, C)], pk_bufs[1 - b],
                        pk_sems[1 - b]).start()

                Q = C // 4
                unpack_half(pk_v, 0, Q)
                @pl.when(i > 0)
                def _():
                    pltpu.make_async_copy(
                        gath_v, out_hbm.at[pl.ds(base, C)], sem_out).wait()

                g1 = pltpu.async_copy(grid_sh.at[widx_v.at[pl.ds(0, Q)]],
                                      gath_v.at[pl.ds(0, Q)], sem_g1)
                unpack_half(pk_v, Q, 2 * Q)
                g2 = pltpu.async_copy(grid_sh.at[widx_v.at[pl.ds(Q, Q)]],
                                      gath_v.at[pl.ds(Q, Q)], sem_g2)
                unpack_half(pk_v, 2 * Q, 3 * Q)
                g3 = pltpu.async_copy(
                    grid_sh.at[widx_v.at[pl.ds(2 * Q, Q)]],
                    gath_v.at[pl.ds(2 * Q, Q)], sem_g3)
                unpack_half(pk_v, 3 * Q, C)
                g4 = pltpu.async_copy(
                    grid_sh.at[widx_v.at[pl.ds(3 * Q, Q)]],
                    gath_v.at[pl.ds(3 * Q, Q)], sem_g4)
                g1.wait()
                out_half(pk_v, 0, Q)
                g2.wait()
                out_half(pk_v, Q, 2 * Q)
                g3.wait()
                out_half(pk_v, 2 * Q, 3 * Q)
                g4.wait()
                out_half(pk_v, 3 * Q, C)
                pltpu.make_async_copy(
                    gath_v, out_hbm.at[pl.ds(base, C)], sem_out).start()

                @pl.when(i + 1 < n_my)
                def _():
                    pltpu.make_async_copy(
                        pk_hbm.at[pl.ds(nxt, C)], pk_bufs[1 - b],
                        pk_sems[1 - b]).wait()
        return carry

    lax.fori_loop(0, (NCHUNK + NW - 1) // NW // 2 + 1, pair_body, 0)

    @pl.when(n_my > 0)
    def _():
        last_base = (wid + (n_my - 1) * NW) * C
        pltpu.make_async_copy(
            gath_v, out_hbm.at[pl.ds(last_base, C)], sem_out).wait()


@jax.jit
def _run(ptst, bidx32, grid_words):
    mesh = plsc.VectorSubcoreMesh(core_axis_name="c", subcore_axis_name="s")
    idx_k = functools.partial(
        pl.kernel,
        out_type=jax.ShapeDtypeStruct((N,), jnp.int32),
        mesh=mesh,
        scratch_types=[
            pltpu.VMEM((1, C), jnp.float32),
            pltpu.VMEM((1, C), jnp.float32),
            pltpu.VMEM((1, C), jnp.float32),
            pltpu.VMEM((C,), jnp.int32),
            pltpu.SemaphoreType.DMA,
        ],
    )(_sc_idx_body)
    pk = idx_k(ptst, bidx32)
    gather_k = functools.partial(
        pl.kernel,
        out_type=jax.ShapeDtypeStruct((N,), jnp.int32),
        mesh=mesh,
        scratch_types=[
            pltpu.VMEM((C,), jnp.int32),
            pltpu.VMEM((C,), jnp.int32),
            pltpu.VMEM((C,), jnp.int32),
            pltpu.VMEM((C,), jnp.int32),
            pltpu.VMEM_SHARED((NCELLS // 32,), jnp.int32),
            pltpu.SemaphoreType.DMA,
            pltpu.SemaphoreType.DMA,
            pltpu.SemaphoreType.DMA,
            pltpu.SemaphoreType.DMA,
            pltpu.SemaphoreType.DMA,
            pltpu.SemaphoreType.DMA,
            pltpu.SemaphoreType.DMA,
            pltpu.SemaphoreType.DMA,
        ],
    )(_sc_gather_body)
    return gather_k(pk, grid_words)


def kernel(pts, bidx, occ_grid_per_batch):
    occ3d = occ_grid_per_batch.reshape(G, 32, 128)
    weights = lax.shift_left(
        jnp.int32(1), lax.broadcasted_iota(jnp.int32, (1, 32, 1), 1))
    grid_words = jnp.sum(
        jnp.where(occ3d[:, :, :], weights, 0), axis=1,
        dtype=jnp.int32).reshape(-1)
    out = _run(pts.T, bidx.astype(jnp.int32), grid_words)
    return out.astype(bool)

# --- scband reference (transcript-rebuilt; emitter-appended) ---
"""Pipeline reference for scband-occ-grid-accel-batched-getter-21242908246559 (READ-ONLY COPY).

The authoritative reference and input builder live on the scoring server;
editing this copy changes nothing except your own understanding.
"""

import jax, jax.numpy as jnp
import numpy as np

B = 16
R = 128
N = 2000000

def setup_inputs(seed: int = 0) -> dict:
    key = jax.random.key(seed)
    k1, k2, k3 = jax.random.split(key, 3)
    # query points, expected to be in [-1, 1]
    pts = jax.random.uniform(k1, (N, 3), dtype=jnp.float32, minval=-1.0, maxval=1.0)
    # batch index of each query point
    bidx = jax.random.randint(k2, (N,), 0, B).astype(jnp.int64)
    # per-batch occupancy grid (what set_condition() would have produced via occ_getter)
    occ_grid_per_batch = jax.random.uniform(k3, (B, R, R, R), dtype=jnp.float32) > 0.5
    return {"pts": pts, "bidx": bidx, "occ_grid_per_batch": occ_grid_per_batch}


def reference(pts, bidx, occ_grid_per_batch):
    # Faithful port of OccGridAccelBatched_Base.cur_batch__query_occupancy:
    #   gidx = ((pts / 2 + 0.5) * resolution).long().clamp(0, resolution - 1)
    #   return occ_grid_per_batch[(bidx,) + tuple(gidx.movedim(-1, 0))]
    res = jnp.asarray(occ_grid_per_batch.shape[1:], dtype=pts.dtype)  # [3]
    gidx = ((pts / 2.0 + 0.5) * res).astype(jnp.int32)
    gidx = jnp.clip(gidx, 0, jnp.asarray(occ_grid_per_batch.shape[1:], dtype=jnp.int32) - 1)
    bidx = bidx.astype(jnp.int32)
    # gather: one bool per query point
    out = occ_grid_per_batch[bidx, gidx[:, 0], gidx[:, 1], gidx[:, 2]]
    return out

if __name__ == "__main__":
    import jax
    _d = setup_inputs()
    print(jax.jit(kernel)(*tuple(_d.values())))

</pallas_src>

<mosaic_0001>
#map = affine_map<(d0, d1) -> (0, 0)>
#map1 = affine_map<(d0, d1) -> (0)>
module attributes {stable_mosaic.version = 14 : i64} {
  func.func @_sc_idx_body(%arg0: i32, %arg1: i32, %arg2: memref<3x2000000xf32, #tpu.memory_space<hbm>>, %arg3: memref<2000000xi32, #tpu.memory_space<hbm>>, %arg4: memref<2000000xi32, #tpu.memory_space<hbm>>, %arg5: memref<1x16000xf32, #tpu.memory_space<vmem>>, %arg6: memref<1x16000xf32, #tpu.memory_space<vmem>>, %arg7: memref<1x16000xf32, #tpu.memory_space<vmem>>, %arg8: memref<16000xi32, #tpu.memory_space<vmem>>, %arg9: memref<!tpu.dma_semaphore, #tpu.memory_space<semaphore_mem>>) attributes {dimension_semantics = [#tpu.dimension_semantics<core_parallel>, #tpu.dimension_semantics<subcore_parallel>], iteration_bounds = array<i64: 2, 16>, scalar_prefetch = 0 : i64, scratch_operands = 5 : i64, tpu.core_type = #tpu.core_type<sc_vector_subcore>, window_params = [{transform_indices = #map}, {transform_indices = #map1}, {transform_indices = #map1}]} {
    %mul3A = arith.constant 2 : i32
    %mul3A_0 = arith.muli %arg1, %mul3A : i32
    %add3A = arith.addi %mul3A_0, %arg0 : i32
    %sub3A = arith.constant 125 : i32
    %sub3A_1 = arith.subi %sub3A, %add3A : i32
    %add3A_2 = arith.constant 32 : i32
    %add3A_3 = arith.addi %sub3A_1, %add3A_2 : i32
    %sub3A_4 = arith.constant 1 : i32
    %sub3A_5 = arith.subi %add3A_3, %sub3A_4 : i32
    %jit3A = arith.constant 32 : i32
    %div3A = arith.divsi %sub3A_5, %jit3A : i32
    %sign3A = arith.constant 0 : i32
    %sign3A_6 = arith.cmpi sgt, %sub3A_5, %sign3A : i32
    %sign3A_7 = arith.extui %sign3A_6 : i1 to i32
    %sign3A_8 = arith.constant 0 : i32
    %sign3A_9 = arith.cmpi slt, %sub3A_5, %sign3A_8 : i32
    %sign3A_10 = arith.extui %sign3A_9 : i1 to i32
    %sign3A_11 = arith.subi %sign3A_7, %sign3A_10 : i32
    %sign3A_12 = arith.constant 0 : i32
    %sign3A_13 = arith.cmpi sgt, %jit3A, %sign3A_12 : i32
    %sign3A_14 = arith.extui %sign3A_13 : i1 to i32
    %sign3A_15 = arith.constant 0 : i32
    %sign3A_16 = arith.cmpi slt, %jit3A, %sign3A_15 : i32
    %sign3A_17 = arith.extui %sign3A_16 : i1 to i32
    %sign3A_18 = arith.subi %sign3A_14, %sign3A_17 : i32
    %ne3A = arith.cmpi ne, %sign3A_11, %sign3A_18 : i32
    %rem3A = arith.remsi %sub3A_5, %jit3A : i32
    %ne3A_19 = arith.constant 0 : i32
    %ne3A_20 = arith.cmpi ne, %rem3A, %ne3A_19 : i32
    %and3A = arith.andi %ne3A, %ne3A_20 : i1
    %sub3A_21 = arith.constant 1 : i32
    %sub3A_22 = arith.subi %div3A, %sub3A_21 : i32
    %select_n3A = arith.select %and3A, %sub3A_22, %div3A : i32
    %while3A = arith.constant 0 : i32
    %while3A_23 = arith.constant 0 : i32
    %while3A_24 = arith.subi %select_n3A, %while3A_23 : i32
    %while3A_25 = arith.addi %while3A_23, %while3A_24 : i32
    %while3A_26 = arith.constant 1 : i32
    %while3A_27 = arith.divsi %while3A_24, %while3A_26 : i32
    %while3A_28 = arith.muli %while3A_27, %while3A_26 : i32
    %while3A_29 = arith.addi %while3A_23, %while3A_28 : i32
    %while3A_30 = arith.constant 1 : i32
    scf.for %while3A_32 = %while3A_23 to %while3A_29 step %while3A_30  : i32 {
      %mul3A_33 = arith.constant 32 : i32
      %mul3A_34 = arith.muli %while3A_32, %mul3A_33 : i32
      %add3A_35 = arith.addi %add3A, %mul3A_34 : i32
      %mul3A_36 = arith.constant 16000 : i32
      %mul3A_37 = arith.muli %add3A_35, %mul3A_36 : i32
      %dma_start3A = arith.constant 0 : i32
      %dma_start3A_38 = tpu.memref_slice %arg2[%dma_start3A, %mul3A_37] : memref<3x2000000xf32, #tpu.memory_space<hbm>> -> memref<1x16000xf32, #tpu.memory_space<hbm>>
      %dma_start3A_39 = arith.constant 0 : i32
      %dma_start3A_40 = tpu.memref_slice %arg2[%dma_start3A_39, %mul3A_37] : memref<3x2000000xf32, #tpu.memory_space<hbm>> -> memref<1x16000xf32, #tpu.memory_space<hbm>>
      tpu.enqueue_dma source(%dma_start3A_40 : memref<1x16000xf32, #tpu.memory_space<hbm>>) target(%arg5 : memref<1x16000xf32, #tpu.memory_space<vmem>>) target_semaphore(%arg9 : memref<!tpu.dma_semaphore, #tpu.memory_space<semaphore_mem>>)
      %dma_start3A_41 = arith.constant 1 : i32
      %dma_start3A_42 = tpu.memref_slice %arg2[%dma_start3A_41, %mul3A_37] : memref<3x2000000xf32, #tpu.memory_space<hbm>> -> memref<1x16000xf32, #tpu.memory_space<hbm>>
      %dma_start3A_43 = arith.constant 1 : i32
      %dma_start3A_44 = tpu.memref_slice %arg2[%dma_start3A_43, %mul3A_37] : memref<3x2000000xf32, #tpu.memory_space<hbm>> -> memref<1x16000xf32, #tpu.memory_space<hbm>>
      tpu.enqueue_dma source(%dma_start3A_44 : memref<1x16000xf32, #tpu.memory_space<hbm>>) target(%arg6 : memref<1x16000xf32, #tpu.memory_space<vmem>>) target_semaphore(%arg9 : memref<!tpu.dma_semaphore, #tpu.memory_space<semaphore_mem>>)
      %dma_start3A_45 = arith.constant 2 : i32
      %dma_start3A_46 = tpu.memref_slice %arg2[%dma_start3A_45, %mul3A_37] : memref<3x2000000xf32, #tpu.memory_space<hbm>> -> memref<1x16000xf32, #tpu.memory_space<hbm>>
      %dma_start3A_47 = arith.constant 2 : i32
      %dma_start3A_48 = tpu.memref_slice %arg2[%dma_start3A_47, %mul3A_37] : memref<3x2000000xf32, #tpu.memory_space<hbm>> -> memref<1x16000xf32, #tpu.memory_space<hbm>>
      tpu.enqueue_dma source(%dma_start3A_48 : memref<1x16000xf32, #tpu.memory_space<hbm>>) target(%arg7 : memref<1x16000xf32, #tpu.memory_space<vmem>>) target_semaphore(%arg9 : memref<!tpu.dma_semaphore, #tpu.memory_space<semaphore_mem>>)
      %dma_start3A_49 = tpu.memref_slice %arg3[%mul3A_37] : memref<2000000xi32, #tpu.memory_space<hbm>> -> memref<16000xi32, #tpu.memory_space<hbm>>
      %dma_start3A_50 = tpu.memref_slice %arg3[%mul3A_37] : memref<2000000xi32, #tpu.memory_space<hbm>> -> memref<16000xi32, #tpu.memory_space<hbm>>
      tpu.enqueue_dma source(%dma_start3A_50 : memref<16000xi32, #tpu.memory_space<hbm>>) target(%arg8 : memref<16000xi32, #tpu.memory_space<vmem>>) target_semaphore(%arg9 : memref<!tpu.dma_semaphore, #tpu.memory_space<semaphore_mem>>)
      %dma_wait3A = arith.constant 0 : i32
      %dma_wait3A_51 = tpu.memref_slice %arg2[%dma_wait3A, %mul3A_37] : memref<3x2000000xf32, #tpu.memory_space<hbm>> -> memref<1x16000xf32, #tpu.memory_space<hbm>>
      %dma_wait3A_52 = arith.constant 0 : i32
      %dma_wait3A_53 = tpu.memref_slice %arg2[%dma_wait3A_52, %mul3A_37] : memref<3x2000000xf32, #tpu.memory_space<hbm>> -> memref<1x16000xf32, #tpu.memory_space<hbm>>
      tpu.wait_dma2 semaphore(%arg9 : memref<!tpu.dma_semaphore, #tpu.memory_space<semaphore_mem>>) src(%dma_wait3A_53 : memref<1x16000xf32, #tpu.memory_space<hbm>>) dst(%arg5 : memref<1x16000xf32, #tpu.memory_space<vmem>>)
      %dma_wait3A_54 = arith.constant 1 : i32
      %dma_wait3A_55 = tpu.memref_slice %arg2[%dma_wait3A_54, %mul3A_37] : memref<3x2000000xf32, #tpu.memory_space<hbm>> -> memref<1x16000xf32, #tpu.memory_space<hbm>>
      %dma_wait3A_56 = arith.constant 1 : i32
      %dma_wait3A_57 = tpu.memref_slice %arg2[%dma_wait3A_56, %mul3A_37] : memref<3x2000000xf32, #tpu.memory_space<hbm>> -> memref<1x16000xf32, #tpu.memory_space<hbm>>
      tpu.wait_dma2 semaphore(%arg9 : memref<!tpu.dma_semaphore, #tpu.memory_space<semaphore_mem>>) src(%dma_wait3A_57 : memref<1x16000xf32, #tpu.memory_space<hbm>>) dst(%arg6 : memref<1x16000xf32, #tpu.memory_space<vmem>>)
      %dma_wait3A_58 = arith.constant 2 : i32
      %dma_wait3A_59 = tpu.memref_slice %arg2[%dma_wait3A_58, %mul3A_37] : memref<3x2000000xf32, #tpu.memory_space<hbm>> -> memref<1x16000xf32, #tpu.memory_space<hbm>>
      %dma_wait3A_60 = arith.constant 2 : i32
      %dma_wait3A_61 = tpu.memref_slice %arg2[%dma_wait3A_60, %mul3A_37] : memref<3x2000000xf32, #tpu.memory_space<hbm>> -> memref<1x16000xf32, #tpu.memory_space<hbm>>
      tpu.wait_dma2 semaphore(%arg9 : memref<!tpu.dma_semaphore, #tpu.memory_space<semaphore_mem>>) src(%dma_wait3A_61 : memref<1x16000xf32, #tpu.memory_space<hbm>>) dst(%arg7 : memref<1x16000xf32, #tpu.memory_space<vmem>>)
      %dma_wait3A_62 = tpu.memref_slice %arg3[%mul3A_37] : memref<2000000xi32, #tpu.memory_space<hbm>> -> memref<16000xi32, #tpu.memory_space<hbm>>
      %dma_wait3A_63 = tpu.memref_slice %arg3[%mul3A_37] : memref<2000000xi32, #tpu.memory_space<hbm>> -> memref<16000xi32, #tpu.memory_space<hbm>>
      tpu.wait_dma2 semaphore(%arg9 : memref<!tpu.dma_semaphore, #tpu.memory_space<semaphore_mem>>) src(%dma_wait3A_63 : memref<16000xi32, #tpu.memory_space<hbm>>) dst(%arg8 : memref<16000xi32, #tpu.memory_space<vmem>>)
      %scan3A = arith.constant 0 : i32
      %scan3A_64 = arith.constant 0 : i32
      %scan3A_65 = arith.constant 1000 : i32
      %scan3A_66 = arith.addi %scan3A_64, %scan3A_65 : i32
      %scan3A_67 = arith.constant 1 : i32
      scf.for %scan3A_69 = %scan3A_64 to %scan3A_66 step %scan3A_67  : i32 {
        %mul3A_70 = arith.constant 16 : i32
        %mul3A_71 = arith.muli %scan3A_69, %mul3A_70 : i32
        %get3A = arith.constant 0 : i32
        %get3A_72 = arith.index_cast %get3A : i32 to index
        %get3A_73 = arith.index_cast %mul3A_71 : i32 to index
        %get3A_74 = tpu.vector_load %arg5[%get3A_72, %get3A_73] {strides = array<i32>} : memref<1x16000xf32, #tpu.memory_space<vmem>>, vector<1x16xf32>,
        %get3A_75 = vector.shape_cast %get3A_74 : vector<1x16xf32> to vector<16xf32>
        %get3A_76 = arith.constant 0 : i32
        %get3A_77 = arith.index_cast %get3A_76 : i32 to index
        %get3A_78 = arith.index_cast %mul3A_71 : i32 to index
        %get3A_79 = tpu.vector_load %arg6[%get3A_77, %get3A_78] {strides = array<i32>} : memref<1x16000xf32, #tpu.memory_space<vmem>>, vector<1x16xf32>,
        %get3A_80 = vector.shape_cast %get3A_79 : vector<1x16xf32> to vector<16xf32>
        %get3A_81 = arith.constant 0 : i32
        %get3A_82 = arith.index_cast %get3A_81 : i32 to index
        %get3A_83 = arith.index_cast %mul3A_71 : i32 to index
        %get3A_84 = tpu.vector_load %arg7[%get3A_82, %get3A_83] {strides = array<i32>} : memref<1x16000xf32, #tpu.memory_space<vmem>>, vector<1x16xf32>,
        %get3A_85 = vector.shape_cast %get3A_84 : vector<1x16xf32> to vector<16xf32>
        %get3A_86 = arith.index_cast %mul3A_71 : i32 to index
        %get3A_87 = tpu.vector_load %arg8[%get3A_86] {strides = array<i32>} : memref<16000xi32, #tpu.memory_space<vmem>>, vector<16xi32>,
        %get3A_88 = vector.shape_cast %get3A_87 : vector<16xi32> to vector<16xi32>
        %mul3A_89 = arith.constant 5.000000e-01 : f32
        %mul3A_90 = vector.broadcast %mul3A_89 : f32 to vector<16xf32>
        %mul3A_91 = arith.mulf %get3A_75, %mul3A_90 : vector<16xf32>
        %add3A_92 = arith.constant 5.000000e-01 : f32
        %add3A_93 = vector.broadcast %add3A_92 : f32 to vector<16xf32>
        %add3A_94 = arith.addf %mul3A_91, %add3A_93 : vector<16xf32>
        %mul3A_95 = arith.constant 1.280000e+02 : f32
        %mul3A_96 = vector.broadcast %mul3A_95 : f32 to vector<16xf32>
        %mul3A_97 = arith.mulf %add3A_94, %mul3A_96 : vector<16xf32>
        %convert_element_type3A = arith.fptosi %mul3A_97 : vector<16xf32> to vector<16xi32>
        %mul3A_98 = arith.constant 5.000000e-01 : f32
        %mul3A_99 = vector.broadcast %mul3A_98 : f32 to vector<16xf32>
        %mul3A_100 = arith.mulf %get3A_80, %mul3A_99 : vector<16xf32>
        %add3A_101 = arith.constant 5.000000e-01 : f32
        %add3A_102 = vector.broadcast %add3A_101 : f32 to vector<16xf32>
        %add3A_103 = arith.addf %mul3A_100, %add3A_102 : vector<16xf32>
        %mul3A_104 = arith.constant 1.280000e+02 : f32
        %mul3A_105 = vector.broadcast %mul3A_104 : f32 to vector<16xf32>
        %mul3A_106 = arith.mulf %add3A_103, %mul3A_105 : vector<16xf32>
        %convert_element_type3A_107 = arith.fptosi %mul3A_106 : vector<16xf32> to vector<16xi32>
        %mul3A_108 = arith.constant 5.000000e-01 : f32
        %mul3A_109 = vector.broadcast %mul3A_108 : f32 to vector<16xf32>
        %mul3A_110 = arith.mulf %get3A_85, %mul3A_109 : vector<16xf32>
        %add3A_111 = arith.constant 5.000000e-01 : f32
        %add3A_112 = vector.broadcast %add3A_111 : f32 to vector<16xf32>
        %add3A_113 = arith.addf %mul3A_110, %add3A_112 : vector<16xf32>
        %mul3A_114 = arith.constant 1.280000e+02 : f32
        %mul3A_115 = vector.broadcast %mul3A_114 : f32 to vector<16xf32>
        %mul3A_116 = arith.mulf %add3A_113, %mul3A_115 : vector<16xf32>
        %convert_element_type3A_117 = arith.fptosi %mul3A_116 : vector<16xf32> to vector<16xi32>
        %max3A = arith.constant 0 : i32
        %max3A_118 = vector.broadcast %max3A : i32 to vector<16xi32>
        %max3A_119 = arith.maxsi %convert_element_type3A, %max3A_118 : vector<16xi32>
        %min3A = arith.constant 127 : i32
        %min3A_120 = vector.broadcast %min3A : i32 to vector<16xi32>
        %min3A_121 = arith.minsi %max3A_119, %min3A_120 : vector<16xi32>
        %max3A_122 = arith.constant 0 : i32
        %max3A_123 = vector.broadcast %max3A_122 : i32 to vector<16xi32>
        %max3A_124 = arith.maxsi %convert_element_type3A_107, %max3A_123 : vector<16xi32>
        %min3A_125 = arith.constant 127 : i32
        %min3A_126 = vector.broadcast %min3A_125 : i32 to vector<16xi32>
        %min3A_127 = arith.minsi %max3A_124, %min3A_126 : vector<16xi32>
        %max3A_128 = arith.constant 0 : i32
        %max3A_129 = vector.broadcast %max3A_128 : i32 to vector<16xi32>
        %max3A_130 = arith.maxsi %convert_element_type3A_117, %max3A_129 : vector<16xi32>
        %min3A_131 = arith.constant 127 : i32
        %min3A_132 = vector.broadcast %min3A_131 : i32 to vector<16xi32>
        %min3A_133 = arith.minsi %max3A_130, %min3A_132 : vector<16xi32>
        %mul3A_134 = arith.constant 512 : i32
        %mul3A_135 = vector.broadcast %mul3A_134 : i32 to vector<16xi32>
        %mul3A_136 = arith.muli %get3A_88, %mul3A_135 : vector<16xi32>
        %mul3A_137 = arith.constant 4 : i32
        %mul3A_138 = vector.broadcast %mul3A_137 : i32 to vector<16xi32>
        %mul3A_139 = arith.muli %min3A_121, %mul3A_138 : vector<16xi32>
        %add3A_140 = arith.addi %mul3A_136, %mul3A_139 : vector<16xi32>
        %shift_right_logical3A = arith.constant 5 : i32
        %shift_right_logical3A_141 = vector.broadcast %shift_right_logical3A : i32 to vector<16xi32>
        %shift_right_logical3A_142 = arith.shrui %min3A_127, %shift_right_logical3A_141 : vector<16xi32>
        %add3A_143 = arith.addi %add3A_140, %shift_right_logical3A_142 : vector<16xi32>
        %shift_left3A = arith.constant 7 : i32
        %shift_left3A_144 = vector.broadcast %shift_left3A : i32 to vector<16xi32>
        %shift_left3A_145 = arith.shli %add3A_143, %shift_left3A_144 : vector<16xi32>
        %or3A = arith.ori %shift_left3A_145, %min3A_133 : vector<16xi32>
        %shift_left3A_146 = arith.constant 5 : i32
        %shift_left3A_147 = vector.broadcast %shift_left3A_146 : i32 to vector<16xi32>
        %shift_left3A_148 = arith.shli %or3A, %shift_left3A_147 : vector<16xi32>
        %and3A_149 = arith.constant 31 : i32
        %and3A_150 = vector.broadcast %and3A_149 : i32 to vector<16xi32>
        %and3A_151 = arith.andi %min3A_127, %and3A_150 : vector<16xi32>
        %or3A_152 = arith.ori %shift_left3A_148, %and3A_151 : vector<16xi32>
        %swap3A = arith.index_cast %mul3A_71 : i32 to index
        %swap3A_153 = tpu.vector_load %arg8[%swap3A] {strides = array<i32>} : memref<16000xi32, #tpu.memory_space<vmem>>, vector<16xi32>,
        %swap3A_154 = vector.shape_cast %swap3A_153 : vector<16xi32> to vector<16xi32>
        %swap3A_155 = vector.shape_cast %or3A_152 : vector<16xi32> to vector<16xi32>
        tpu.vector_store %arg8[%swap3A], %swap3A_155 {strides = array<i32>} : memref<16000xi32, #tpu.memory_space<vmem>>, vector<16xi32>,
      }
      %scan3A_68 = arith.constant 1000 : i32
      "tpu.region"() ({
        %run_scoped3A = tpu.sem_alloc : memref<!tpu.dma_semaphore, #tpu.memory_space<semaphore_mem>>
        %dma_start3A_69 = tpu.memref_slice %arg4[%mul3A_37] : memref<2000000xi32, #tpu.memory_space<hbm>> -> memref<16000xi32, #tpu.memory_space<hbm>>
        %dma_start3A_70 = tpu.memref_slice %arg4[%mul3A_37] : memref<2000000xi32, #tpu.memory_space<hbm>> -> memref<16000xi32, #tpu.memory_space<hbm>>
        tpu.enqueue_dma source(%arg8 : memref<16000xi32, #tpu.memory_space<vmem>>) target(%dma_start3A_70 : memref<16000xi32, #tpu.memory_space<hbm>>) target_semaphore(%run_scoped3A : memref<!tpu.dma_semaphore, #tpu.memory_space<semaphore_mem>>)
        %dma_wait3A_71 = tpu.memref_slice %arg4[%mul3A_37] : memref<2000000xi32, #tpu.memory_space<hbm>> -> memref<16000xi32, #tpu.memory_space<hbm>>
        %dma_wait3A_72 = tpu.memref_slice %arg4[%mul3A_37] : memref<2000000xi32, #tpu.memory_space<hbm>> -> memref<16000xi32, #tpu.memory_space<hbm>>
        tpu.wait_dma2 semaphore(%run_scoped3A : memref<!tpu.dma_semaphore, #tpu.memory_space<semaphore_mem>>) src(%arg8 : memref<16000xi32, #tpu.memory_space<vmem>>) dst(%dma_wait3A_72 : memref<16000xi32, #tpu.memory_space<hbm>>)
        tpu.yield
      }) : () -> ()
    }
    %while3A_31 = arith.constant 1 : i32
    scf.for %while3A_32 = %while3A_29 to %while3A_25 step %while3A_31  : i32 {
      %mul3A_33 = arith.constant 32 : i32
      %mul3A_34 = arith.muli %while3A_32, %mul3A_33 : i32
      %add3A_35 = arith.addi %add3A, %mul3A_34 : i32
      %mul3A_36 = arith.constant 16000 : i32
      %mul3A_37 = arith.muli %add3A_35, %mul3A_36 : i32
      %dma_start3A = arith.constant 0 : i32
      %dma_start3A_38 = tpu.memref_slice %arg2[%dma_start3A, %mul3A_37] : memref<3x2000000xf32, #tpu.memory_space<hbm>> -> memref<1x16000xf32, #tpu.memory_space<hbm>>
      %dma_start3A_39 = arith.constant 0 : i32
      %dma_start3A_40 = tpu.memref_slice %arg2[%dma_start3A_39, %mul3A_37] : memref<3x2000000xf32, #tpu.memory_space<hbm>> -> memref<1x16000xf32, #tpu.memory_space<hbm>>
      tpu.enqueue_dma source(%dma_start3A_40 : memref<1x16000xf32, #tpu.memory_space<hbm>>) target(%arg5 : memref<1x16000xf32, #tpu.memory_space<vmem>>) target_semaphore(%arg9 : memref<!tpu.dma_semaphore, #tpu.memory_space<semaphore_mem>>)
      %dma_start3A_41 = arith.constant 1 : i32
      %dma_start3A_42 = tpu.memref_slice %arg2[%dma_start3A_41, %mul3A_37] : memref<3x2000000xf32, #tpu.memory_space<hbm>> -> memref<1x16000xf32, #tpu.memory_space<hbm>>
      %dma_start3A_43 = arith.constant 1 : i32
      %dma_start3A_44 = tpu.memref_slice %arg2[%dma_start3A_43, %mul3A_37] : memref<3x2000000xf32, #tpu.memory_space<hbm>> -> memref<1x16000xf32, #tpu.memory_space<hbm>>
      tpu.enqueue_dma source(%dma_start3A_44 : memref<1x16000xf32, #tpu.memory_space<hbm>>) target(%arg6 : memref<1x16000xf32, #tpu.memory_space<vmem>>) target_semaphore(%arg9 : memref<!tpu.dma_semaphore, #tpu.memory_space<semaphore_mem>>)
      %dma_start3A_45 = arith.constant 2 : i32
      %dma_start3A_46 = tpu.memref_slice %arg2[%dma_start3A_45, %mul3A_37] : memref<3x2000000xf32, #tpu.memory_space<hbm>> -> memref<1x16000xf32, #tpu.memory_space<hbm>>
      %dma_start3A_47 = arith.constant 2 : i32
      %dma_start3A_48 = tpu.memref_slice %arg2[%dma_start3A_47, %mul3A_37] : memref<3x2000000xf32, #tpu.memory_space<hbm>> -> memref<1x16000xf32, #tpu.memory_space<hbm>>
      tpu.enqueue_dma source(%dma_start3A_48 : memref<1x16000xf32, #tpu.memory_space<hbm>>) target(%arg7 : memref<1x16000xf32, #tpu.memory_space<vmem>>) target_semaphore(%arg9 : memref<!tpu.dma_semaphore, #tpu.memory_space<semaphore_mem>>)
      %dma_start3A_49 = tpu.memref_slice %arg3[%mul3A_37] : memref<2000000xi32, #tpu.memory_space<hbm>> -> memref<16000xi32, #tpu.memory_space<hbm>>
      %dma_start3A_50 = tpu.memref_slice %arg3[%mul3A_37] : memref<2000000xi32, #tpu.memory_space<hbm>> -> memref<16000xi32, #tpu.memory_space<hbm>>
      tpu.enqueue_dma source(%dma_start3A_50 : memref<16000xi32, #tpu.memory_space<hbm>>) target(%arg8 : memref<16000xi32, #tpu.memory_space<vmem>>) target_semaphore(%arg9 : memref<!tpu.dma_semaphore, #tpu.memory_space<semaphore_mem>>)
      %dma_wait3A = arith.constant 0 : i32
      %dma_wait3A_51 = tpu.memref_slice %arg2[%dma_wait3A, %mul3A_37] : memref<3x2000000xf32, #tpu.memory_space<hbm>> -> memref<1x16000xf32, #tpu.memory_space<hbm>>
      %dma_wait3A_52 = arith.constant 0 : i32
      %dma_wait3A_53 = tpu.memref_slice %arg2[%dma_wait3A_52, %mul3A_37] : memref<3x2000000xf32, #tpu.memory_space<hbm>> -> memref<1x16000xf32, #tpu.memory_space<hbm>>
      tpu.wait_dma2 semaphore(%arg9 : memref<!tpu.dma_semaphore, #tpu.memory_space<semaphore_mem>>) src(%dma_wait3A_53 : memref<1x16000xf32, #tpu.memory_space<hbm>>) dst(%arg5 : memref<1x16000xf32, #tpu.memory_space<vmem>>)
      %dma_wait3A_54 = arith.constant 1 : i32
      %dma_wait3A_55 = tpu.memref_slice %arg2[%dma_wait3A_54, %mul3A_37] : memref<3x2000000xf32, #tpu.memory_space<hbm>> -> memref<1x16000xf32, #tpu.memory_space<hbm>>
      %dma_wait3A_56 = arith.constant 1 : i32
      %dma_wait3A_57 = tpu.memref_slice %arg2[%dma_wait3A_56, %mul3A_37] : memref<3x2000000xf32, #tpu.memory_space<hbm>> -> memref<1x16000xf32, #tpu.memory_space<hbm>>
      tpu.wait_dma2 semaphore(%arg9 : memref<!tpu.dma_semaphore, #tpu.memory_space<semaphore_mem>>) src(%dma_wait3A_57 : memref<1x16000xf32, #tpu.memory_space<hbm>>) dst(%arg6 : memref<1x16000xf32, #tpu.memory_space<vmem>>)
      %dma_wait3A_58 = arith.constant 2 : i32
      %dma_wait3A_59 = tpu.memref_slice %arg2[%dma_wait3A_58, %mul3A_37] : memref<3x2000000xf32, #tpu.memory_space<hbm>> -> memref<1x16000xf32, #tpu.memory_space<hbm>>
      %dma_wait3A_60 = arith.constant 2 : i32
      %dma_wait3A_61 = tpu.memref_slice %arg2[%dma_wait3A_60, %mul3A_37] : memref<3x2000000xf32, #tpu.memory_space<hbm>> -> memref<1x16000xf32, #tpu.memory_space<hbm>>
      tpu.wait_dma2 semaphore(%arg9 : memref<!tpu.dma_semaphore, #tpu.memory_space<semaphore_mem>>) src(%dma_wait3A_61 : memref<1x16000xf32, #tpu.memory_space<hbm>>) dst(%arg7 : memref<1x16000xf32, #tpu.memory_space<vmem>>)
      %dma_wait3A_62 = tpu.memref_slice %arg3[%mul3A_37] : memref<2000000xi32, #tpu.memory_space<hbm>> -> memref<16000xi32, #tpu.memory_space<hbm>>
      %dma_wait3A_63 = tpu.memref_slice %arg3[%mul3A_37] : memref<2000000xi32, #tpu.memory_space<hbm>> -> memref<16000xi32, #tpu.memory_space<hbm>>
      tpu.wait_dma2 semaphore(%arg9 : memref<!tpu.dma_semaphore, #tpu.memory_space<semaphore_mem>>) src(%dma_wait3A_63 : memref<16000xi32, #tpu.memory_space<hbm>>) dst(%arg8 : memref<16000xi32, #tpu.memory_space<vmem>>)
      %scan3A = arith.constant 0 : i32
      %scan3A_64 = arith.constant 0 : i32
      %scan3A_65 = arith.constant 1000 : i32
      %scan3A_66 = arith.addi %scan3A_64, %scan3A_65 : i32
      %scan3A_67 = arith.constant 1 : i32
      scf.for %scan3A_69 = %scan3A_64 to %scan3A_66 step %scan3A_67  : i32 {
        %mul3A_70 = arith.constant 16 : i32
        %mul3A_71 = arith.muli %scan3A_69, %mul3A_70 : i32
        %get3A = arith.constant 0 : i32
        %get3A_72 = arith.index_cast %get3A : i32 to index
        %get3A_73 = arith.index_cast %mul3A_71 : i32 to index
        %get3A_74 = tpu.vector_load %arg5[%get3A_72, %get3A_73] {strides = array<i32>} : memref<1x16000xf32, #tpu.memory_space<vmem>>, vector<1x16xf32>,
        %get3A_75 = vector.shape_cast %get3A_74 : vector<1x16xf32> to vector<16xf32>
        %get3A_76 = arith.constant 0 : i32
        %get3A_77 = arith.index_cast %get3A_76 : i32 to index
        %get3A_78 = arith.index_cast %mul3A_71 : i32 to index
        %get3A_79 = tpu.vector_load %arg6[%get3A_77, %get3A_78] {strides = array<i32>} : memref<1x16000xf32, #tpu.memory_space<vmem>>, vector<1x16xf32>,
        %get3A_80 = vector.shape_cast %get3A_79 : vector<1x16xf32> to vector<16xf32>
        %get3A_81 = arith.constant 0 : i32
        %get3A_82 = arith.index_cast %get3A_81 : i32 to index
        %get3A_83 = arith.index_cast %mul3A_71 : i32 to index
        %get3A_84 = tpu.vector_load %arg7[%get3A_82, %get3A_83] {strides = array<i32>} : memref<1x16000xf32, #tpu.memory_space<vmem>>, vector<1x16xf32>,
        %get3A_85 = vector.shape_cast %get3A_84 : vector<1x16xf32> to vector<16xf32>
        %get3A_86 = arith.index_cast %mul3A_71 : i32 to index
        %get3A_87 = tpu.vector_load %arg8[%get3A_86] {strides = array<i32>} : memref<16000xi32, #tpu.memory_space<vmem>>, vector<16xi32>,
        %get3A_88 = vector.shape_cast %get3A_87 : vector<16xi32> to vector<16xi32>
        %mul3A_89 = arith.constant 5.000000e-01 : f32
        %mul3A_90 = vector.broadcast %mul3A_89 : f32 to vector<16xf32>
        %mul3A_91 = arith.mulf %get3A_75, %mul3A_90 : vector<16xf32>
        %add3A_92 = arith.constant 5.000000e-01 : f32
        %add3A_93 = vector.broadcast %add3A_92 : f32 to vector<16xf32>
        %add3A_94 = arith.addf %mul3A_91, %add3A_93 : vector<16xf32>
        %mul3A_95 = arith.constant 1.280000e+02 : f32
        %mul3A_96 = vector.broadcast %mul3A_95 : f32 to vector<16xf32>
        %mul3A_97 = arith.mulf %add3A_94, %mul3A_96 : vector<16xf32>
        %convert_element_type3A = arith.fptosi %mul3A_97 : vector<16xf32> to vector<16xi32>
        %mul3A_98 = arith.constant 5.000000e-01 : f32
        %mul3A_99 = vector.broadcast %mul3A_98 : f32 to vector<16xf32>
        %mul3A_100 = arith.mulf %get3A_80, %mul3A_99 : vector<16xf32>
        %add3A_101 = arith.constant 5.000000e-01 : f32
        %add3A_102 = vector.broadcast %add3A_101 : f32 to vector<16xf32>
        %add3A_103 = arith.addf %mul3A_100, %add3A_102 : vector<16xf32>
        %mul3A_104 = arith.constant 1.280000e+02 : f32
        %mul3A_105 = vector.broadcast %mul3A_104 : f32 to vector<16xf32>
        %mul3A_106 = arith.mulf %add3A_103, %mul3A_105 : vector<16xf32>
        %convert_element_type3A_107 = arith.fptosi %mul3A_106 : vector<16xf32> to vector<16xi32>
        %mul3A_108 = arith.constant 5.000000e-01 : f32
        %mul3A_109 = vector.broadcast %mul3A_108 : f32 to vector<16xf32>
        %mul3A_110 = arith.mulf %get3A_85, %mul3A_109 : vector<16xf32>
        %add3A_111 = arith.constant 5.000000e-01 : f32
        %add3A_112 = vector.broadcast %add3A_111 : f32 to vector<16xf32>
        %add3A_113 = arith.addf %mul3A_110, %add3A_112 : vector<16xf32>
        %mul3A_114 = arith.constant 1.280000e+02 : f32
        %mul3A_115 = vector.broadcast %mul3A_114 : f32 to vector<16xf32>
        %mul3A_116 = arith.mulf %add3A_113, %mul3A_115 : vector<16xf32>
        %convert_element_type3A_117 = arith.fptosi %mul3A_116 : vector<16xf32> to vector<16xi32>
        %max3A = arith.constant 0 : i32
        %max3A_118 = vector.broadcast %max3A : i32 to vector<16xi32>
        %max3A_119 = arith.maxsi %convert_element_type3A, %max3A_118 : vector<16xi32>
        %min3A = arith.constant 127 : i32
        %min3A_120 = vector.broadcast %min3A : i32 to vector<16xi32>
        %min3A_121 = arith.minsi %max3A_119, %min3A_120 : vector<16xi32>
        %max3A_122 = arith.constant 0 : i32
        %max3A_123 = vector.broadcast %max3A_122 : i32 to vector<16xi32>
        %max3A_124 = arith.maxsi %convert_element_type3A_107, %max3A_123 : vector<16xi32>
        %min3A_125 = arith.constant 127 : i32
        %min3A_126 = vector.broadcast %min3A_125 : i32 to vector<16xi32>
        %min3A_127 = arith.minsi %max3A_124, %min3A_126 : vector<16xi32>
        %max3A_128 = arith.constant 0 : i32
        %max3A_129 = vector.broadcast %max3A_128 : i32 to vector<16xi32>
        %max3A_130 = arith.maxsi %convert_element_type3A_117, %max3A_129 : vector<16xi32>
        %min3A_131 = arith.constant 127 : i32
        %min3A_132 = vector.broadcast %min3A_131 : i32 to vector<16xi32>
        %min3A_133 = arith.minsi %max3A_130, %min3A_132 : vector<16xi32>
        %mul3A_134 = arith.constant 512 : i32
        %mul3A_135 = vector.broadcast %mul3A_134 : i32 to vector<16xi32>
        %mul3A_136 = arith.muli %get3A_88, %mul3A_135 : vector<16xi32>
        %mul3A_137 = arith.constant 4 : i32
        %mul3A_138 = vector.broadcast %mul3A_137 : i32 to vector<16xi32>
        %mul3A_139 = arith.muli %min3A_121, %mul3A_138 : vector<16xi32>
        %add3A_140 = arith.addi %mul3A_136, %mul3A_139 : vector<16xi32>
        %shift_right_logical3A = arith.constant 5 : i32
        %shift_right_logical3A_141 = vector.broadcast %shift_right_logical3A : i32 to vector<16xi32>
        %shift_right_logical3A_142 = arith.shrui %min3A_127, %shift_right_logical3A_141 : vector<16xi32>
        %add3A_143 = arith.addi %add3A_140, %shift_right_logical3A_142 : vector<16xi32>
        %shift_left3A = arith.constant 7 : i32
        %shift_left3A_144 = vector.broadcast %shift_left3A : i32 to vector<16xi32>
        %shift_left3A_145 = arith.shli %add3A_143, %shift_left3A_144 : vector<16xi32>
        %or3A = arith.ori %shift_left3A_145, %min3A_133 : vector<16xi32>
        %shift_left3A_146 = arith.constant 5 : i32
        %shift_left3A_147 = vector.broadcast %shift_left3A_146 : i32 to vector<16xi32>
        %shift_left3A_148 = arith.shli %or3A, %shift_left3A_147 : vector<16xi32>
        %and3A_149 = arith.constant 31 : i32
        %and3A_150 = vector.broadcast %and3A_149 : i32 to vector<16xi32>
        %and3A_151 = arith.andi %min3A_127, %and3A_150 : vector<16xi32>
        %or3A_152 = arith.ori %shift_left3A_148, %and3A_151 : vector<16xi32>
        %swap3A = arith.index_cast %mul3A_71 : i32 to index
        %swap3A_153 = tpu.vector_load %arg8[%swap3A] {strides = array<i32>} : memref<16000xi32, #tpu.memory_space<vmem>>, vector<16xi32>,
        %swap3A_154 = vector.shape_cast %swap3A_153 : vector<16xi32> to vector<16xi32>
        %swap3A_155 = vector.shape_cast %or3A_152 : vector<16xi32> to vector<16xi32>
        tpu.vector_store %arg8[%swap3A], %swap3A_155 {strides = array<i32>} : memref<16000xi32, #tpu.memory_space<vmem>>, vector<16xi32>,
      }
      %scan3A_68 = arith.constant 1000 : i32
      "tpu.region"() ({
        %run_scoped3A = tpu.sem_alloc : memref<!tpu.dma_semaphore, #tpu.memory_space<semaphore_mem>>
        %dma_start3A_69 = tpu.memref_slice %arg4[%mul3A_37] : memref<2000000xi32, #tpu.memory_space<hbm>> -> memref<16000xi32, #tpu.memory_space<hbm>>
        %dma_start3A_70 = tpu.memref_slice %arg4[%mul3A_37] : memref<2000000xi32, #tpu.memory_space<hbm>> -> memref<16000xi32, #tpu.memory_space<hbm>>
        tpu.enqueue_dma source(%arg8 : memref<16000xi32, #tpu.memory_space<vmem>>) target(%dma_start3A_70 : memref<16000xi32, #tpu.memory_space<hbm>>) target_semaphore(%run_scoped3A : memref<!tpu.dma_semaphore, #tpu.memory_space<semaphore_mem>>)
        %dma_wait3A_71 = tpu.memref_slice %arg4[%mul3A_37] : memref<2000000xi32, #tpu.memory_space<hbm>> -> memref<16000xi32, #tpu.memory_space<hbm>>
        %dma_wait3A_72 = tpu.memref_slice %arg4[%mul3A_37] : memref<2000000xi32, #tpu.memory_space<hbm>> -> memref<16000xi32, #tpu.memory_space<hbm>>
        tpu.wait_dma2 semaphore(%run_scoped3A : memref<!tpu.dma_semaphore, #tpu.memory_space<semaphore_mem>>) src(%arg8 : memref<16000xi32, #tpu.memory_space<vmem>>) dst(%dma_wait3A_72 : memref<16000xi32, #tpu.memory_space<hbm>>)
        tpu.yield
      }) : () -> ()
    }
    return
  }
}

#map = affine_map<(d0, d1) -> (0)>
module attributes {stable_mosaic.version = 14 : i64} {
  func.func @_sc_gather_body(%arg0: i32, %arg1: i32, %arg2: memref<2000000xi32, #tpu.memory_space<hbm>>, %arg3: memref<1048576xi32, #tpu.memory_space<hbm>>, %arg4: memref<2000000xi32, #tpu.memory_space<hbm>>, %arg5: memref<16000xi32, #tpu.memory_space<vmem>>, %arg6: memref<16000xi32, #tpu.memory_space<vmem>>, %arg7: memref<16000xi32, #tpu.memory_space<vmem>>, %arg8: memref<16000xi32, #tpu.memory_space<vmem>>, %arg9: memref<1048576xi32, #tpu.memory_space<vmem_shared>>, %arg10: memref<!tpu.dma_semaphore, #tpu.memory_space<semaphore_mem>>, %arg11: memref<!tpu.dma_semaphore, #tpu.memory_space<semaphore_mem>>, %arg12: memref<!tpu.dma_semaphore, #tpu.memory_space<semaphore_mem>>, %arg13: memref<!tpu.dma_semaphore, #tpu.memory_space<semaphore_mem>>, %arg14: memref<!tpu.dma_semaphore, #tpu.memory_space<semaphore_mem>>, %arg15: memref<!tpu.dma_semaphore, #tpu.memory_space<semaphore_mem>>, %arg16: memref<!tpu.dma_semaphore, #tpu.memory_space<semaphore_mem>>, %arg17: memref<!tpu.dma_semaphore, #tpu.memory_space<semaphore_mem>>) attributes {dimension_semantics = [#tpu.dimension_semantics<core_parallel>, #tpu.dimension_semantics<subcore_parallel>], iteration_bounds = array<i64: 2, 16>, scalar_prefetch = 0 : i64, scratch_operands = 13 : i64, tpu.core_type = #tpu.core_type<sc_vector_subcore>, window_params = [{transform_indices = #map}, {transform_indices = #map}, {transform_indices = #map}]} {
    %mul3A = arith.constant 2 : i32
    %mul3A_0 = arith.muli %arg1, %mul3A : i32
    %add3A = arith.addi %mul3A_0, %arg0 : i32
    %sub3A = arith.constant 125 : i32
    %sub3A_1 = arith.subi %sub3A, %add3A : i32
    %add3A_2 = arith.constant 32 : i32
    %add3A_3 = arith.addi %sub3A_1, %add3A_2 : i32
    %sub3A_4 = arith.constant 1 : i32
    %sub3A_5 = arith.subi %add3A_3, %sub3A_4 : i32
    %jit3A = arith.constant 32 : i32
    %div3A = arith.divsi %sub3A_5, %jit3A : i32
    %sign3A = arith.constant 0 : i32
    %sign3A_6 = arith.cmpi sgt, %sub3A_5, %sign3A : i32
    %sign3A_7 = arith.extui %sign3A_6 : i1 to i32
    %sign3A_8 = arith.constant 0 : i32
    %sign3A_9 = arith.cmpi slt, %sub3A_5, %sign3A_8 : i32
    %sign3A_10 = arith.extui %sign3A_9 : i1 to i32
    %sign3A_11 = arith.subi %sign3A_7, %sign3A_10 : i32
    %sign3A_12 = arith.constant 0 : i32
    %sign3A_13 = arith.cmpi sgt, %jit3A, %sign3A_12 : i32
    %sign3A_14 = arith.extui %sign3A_13 : i1 to i32
    %sign3A_15 = arith.constant 0 : i32
    %sign3A_16 = arith.cmpi slt, %jit3A, %sign3A_15 : i32
    %sign3A_17 = arith.extui %sign3A_16 : i1 to i32
    %sign3A_18 = arith.subi %sign3A_14, %sign3A_17 : i32
    %ne3A = arith.cmpi ne, %sign3A_11, %sign3A_18 : i32
    %rem3A = arith.remsi %sub3A_5, %jit3A : i32
    %ne3A_19 = arith.constant 0 : i32
    %ne3A_20 = arith.cmpi ne, %rem3A, %ne3A_19 : i32
    %and3A = arith.andi %ne3A, %ne3A_20 : i1
    %sub3A_21 = arith.constant 1 : i32
    %sub3A_22 = arith.subi %div3A, %sub3A_21 : i32
    %select_n3A = arith.select %and3A, %sub3A_22, %div3A : i32
    %eq3A = arith.constant 0 : i32
    %eq3A_23 = arith.cmpi eq, %arg1, %eq3A : i32
    %convert_element_type3A = arith.extui %eq3A_23 : i1 to i32
    %cond3A = arith.constant 0 : i32
    %cond3A_24 = arith.cmpi ne, %convert_element_type3A, %cond3A : i32
    scf.if %cond3A_24 {
      "tpu.region"() ({
        %run_scoped3A = tpu.sem_alloc : memref<!tpu.dma_semaphore, #tpu.memory_space<semaphore_mem>>
        tpu.enqueue_dma source(%arg3 : memref<1048576xi32, #tpu.memory_space<hbm>>) target(%arg9 : memref<1048576xi32, #tpu.memory_space<vmem_shared>>) target_semaphore(%run_scoped3A : memref<!tpu.dma_semaphore, #tpu.memory_space<semaphore_mem>>)
        tpu.wait_dma2 semaphore(%run_scoped3A : memref<!tpu.dma_semaphore, #tpu.memory_space<semaphore_mem>>) src(%arg3 : memref<1048576xi32, #tpu.memory_space<hbm>>) dst(%arg9 : memref<1048576xi32, #tpu.memory_space<vmem_shared>>)
        tpu.yield
      }) : () -> ()
    } else {
    }
    %mul3A_25 = arith.constant 16000 : i32
    %mul3A_26 = arith.muli %add3A, %mul3A_25 : i32
    %dma_start3A = tpu.memref_slice %arg2[%mul3A_26] : memref<2000000xi32, #tpu.memory_space<hbm>> -> memref<16000xi32, #tpu.memory_space<hbm>>
    %dma_start3A_27 = tpu.memref_slice %arg2[%mul3A_26] : memref<2000000xi32, #tpu.memory_space<hbm>> -> memref<16000xi32, #tpu.memory_space<hbm>>
    tpu.enqueue_dma source(%dma_start3A_27 : memref<16000xi32, #tpu.memory_space<hbm>>) target(%arg5 : memref<16000xi32, #tpu.memory_space<vmem>>) target_semaphore(%arg10 : memref<!tpu.dma_semaphore, #tpu.memory_space<semaphore_mem>>)
    %dma_wait3A = tpu.memref_slice %arg2[%mul3A_26] : memref<2000000xi32, #tpu.memory_space<hbm>> -> memref<16000xi32, #tpu.memory_space<hbm>>
    %dma_wait3A_28 = tpu.memref_slice %arg2[%mul3A_26] : memref<2000000xi32, #tpu.memory_space<hbm>> -> memref<16000xi32, #tpu.memory_space<hbm>>
    tpu.wait_dma2 semaphore(%arg10 : memref<!tpu.dma_semaphore, #tpu.memory_space<semaphore_mem>>) src(%dma_wait3A_28 : memref<16000xi32, #tpu.memory_space<hbm>>) dst(%arg5 : memref<16000xi32, #tpu.memory_space<vmem>>)
    %barrier3A = arith.constant 0 : index
    tpu.barrier barrier_id(%barrier3A)
    %scan3A = arith.constant 0 : i32
    %scan3A_29 = arith.constant 0 : i32
    %scan3A_30 = arith.constant 3 : i32
    %scan3A_31 = arith.addi %scan3A_29, %scan3A_30 : i32
    %scan3A_32 = arith.constant 1 : i32
    scf.for %scan3A_38 = %scan3A_29 to %scan3A_31 step %scan3A_32  : i32 {
      %mul3A_39 = arith.constant 2 : i32
      %mul3A_40 = arith.muli %scan3A_38, %mul3A_39 : i32
      %add3A_41 = arith.constant 0 : i32
      %add3A_42 = arith.addi %mul3A_40, %add3A_41 : i32
      %lt3A = arith.cmpi slt, %add3A_42, %select_n3A : i32
      %convert_element_type3A_43 = arith.extui %lt3A : i1 to i32
      %cond3A_44 = arith.constant 0 : i32
      %cond3A_45 = arith.cmpi ne, %convert_element_type3A_43, %cond3A_44 : i32
      scf.if %cond3A_45 {
        %mul3A_54 = arith.constant 32 : i32
        %mul3A_55 = arith.muli %add3A_42, %mul3A_54 : i32
        %add3A_56 = arith.addi %add3A, %mul3A_55 : i32
        %mul3A_57 = arith.constant 16000 : i32
        %mul3A_58 = arith.muli %add3A_56, %mul3A_57 : i32
        %add3A_59 = arith.constant 1 : i32
        %add3A_60 = arith.addi %add3A_42, %add3A_59 : i32
        %mul3A_61 = arith.constant 32 : i32
        %mul3A_62 = arith.muli %add3A_60, %mul3A_61 : i32
        %add3A_63 = arith.addi %add3A, %mul3A_62 : i32
        %mul3A_64 = arith.constant 16000 : i32
        %mul3A_65 = arith.muli %add3A_63, %mul3A_64 : i32
        %add3A_66 = arith.constant 1 : i32
        %add3A_67 = arith.addi %add3A_42, %add3A_66 : i32
        %lt3A_68 = arith.cmpi slt, %add3A_67, %select_n3A : i32
        %convert_element_type3A_69 = arith.extui %lt3A_68 : i1 to i32
        %cond3A_70 = arith.constant 0 : i32
        %cond3A_71 = arith.cmpi ne, %convert_element_type3A_69, %cond3A_70 : i32
        scf.if %cond3A_71 {
          %dma_start3A_181 = tpu.memref_slice %arg2[%mul3A_65] : memref<2000000xi32, #tpu.memory_space<hbm>> -> memref<16000xi32, #tpu.memory_space<hbm>>
          %dma_start3A_182 = tpu.memref_slice %arg2[%mul3A_65] : memref<2000000xi32, #tpu.memory_space<hbm>> -> memref<16000xi32, #tpu.memory_space<hbm>>
          tpu.enqueue_dma source(%dma_start3A_182 : memref<16000xi32, #tpu.memory_space<hbm>>) target(%arg6 : memref<16000xi32, #tpu.memory_space<vmem>>) target_semaphore(%arg11 : memref<!tpu.dma_semaphore, #tpu.memory_space<semaphore_mem>>)
        } else {
        }
        %scan3A_72 = arith.constant 0 : i32
        %scan3A_73 = arith.constant 0 : i32
        %scan3A_74 = arith.constant 31 : i32
        %scan3A_75 = arith.addi %scan3A_73, %scan3A_74 : i32
        %scan3A_76 = arith.constant 1 : i32
        scf.for %scan3A_181 = %scan3A_73 to %scan3A_75 step %scan3A_76  : i32 {
          %mul3A_182 = arith.constant 16 : i32
          %mul3A_183 = arith.muli %scan3A_181, %mul3A_182 : i32
          %mul3A_184 = arith.constant 8 : i32
          %mul3A_185 = arith.muli %mul3A_183, %mul3A_184 : i32
          %add3A_186 = arith.constant 0 : i32
          %add3A_187 = arith.addi %mul3A_185, %add3A_186 : i32
          %get3A = arith.index_cast %add3A_187 : i32 to index
          %get3A_188 = tpu.vector_load %arg5[%get3A] {strides = array<i32>} : memref<16000xi32, #tpu.memory_space<vmem>>, vector<16xi32>,
          %get3A_189 = vector.shape_cast %get3A_188 : vector<16xi32> to vector<16xi32>
          %shift_right_logical3A = arith.constant 5 : i32
          %shift_right_logical3A_190 = vector.broadcast %shift_right_logical3A : i32 to vector<16xi32>
          %shift_right_logical3A_191 = arith.shrui %get3A_189, %shift_right_logical3A_190 : vector<16xi32>
          %swap3A = arith.index_cast %add3A_187 : i32 to index
          %swap3A_192 = tpu.vector_load %arg7[%swap3A] {strides = array<i32>} : memref<16000xi32, #tpu.memory_space<vmem>>, vector<16xi32>,
          %swap3A_193 = vector.shape_cast %swap3A_192 : vector<16xi32> to vector<16xi32>
          %swap3A_194 = vector.shape_cast %shift_right_logical3A_191 : vector<16xi32> to vector<16xi32>
          tpu.vector_store %arg7[%swap3A], %swap3A_194 {strides = array<i32>} : memref<16000xi32, #tpu.memory_space<vmem>>, vector<16xi32>,
          %mul3A_195 = arith.constant 16 : i32
          %mul3A_196 = arith.muli %scan3A_181, %mul3A_195 : i32
          %mul3A_197 = arith.constant 8 : i32
          %mul3A_198 = arith.muli %mul3A_196, %mul3A_197 : i32
          %add3A_199 = arith.constant 16 : i32
          %add3A_200 = arith.addi %mul3A_198, %add3A_199 : i32
          %get3A_201 = arith.index_cast %add3A_200 : i32 to index
          %get3A_202 = tpu.vector_load %arg5[%get3A_201] {strides = array<i32>} : memref<16000xi32, #tpu.memory_space<vmem>>, vector<16xi32>,
          %get3A_203 = vector.shape_cast %get3A_202 : vector<16xi32> to vector<16xi32>
          %shift_right_logical3A_204 = arith.constant 5 : i32
          %shift_right_logical3A_205 = vector.broadcast %shift_right_logical3A_204 : i32 to vector<16xi32>
          %shift_right_logical3A_206 = arith.shrui %get3A_203, %shift_right_logical3A_205 : vector<16xi32>
          %swap3A_207 = arith.index_cast %add3A_200 : i32 to index
          %swap3A_208 = tpu.vector_load %arg7[%swap3A_207] {strides = array<i32>} : memref<16000xi32, #tpu.memory_space<vmem>>, vector<16xi32>,
          %swap3A_209 = vector.shape_cast %swap3A_208 : vector<16xi32> to vector<16xi32>
          %swap3A_210 = vector.shape_cast %shift_right_logical3A_206 : vector<16xi32> to vector<16xi32>
          tpu.vector_store %arg7[%swap3A_207], %swap3A_210 {strides = array<i32>} : memref<16000xi32, #tpu.memory_space<vmem>>, vector<16xi32>,
          %mul3A_211 = arith.constant 16 : i32
          %mul3A_212 = arith.muli %scan3A_181, %mul3A_211 : i32
          %mul3A_213 = arith.constant 8 : i32
          %mul3A_214 = arith.muli %mul3A_212, %mul3A_213 : i32
          %add3A_215 = arith.constant 32 : i32
          %add3A_216 = arith.addi %mul3A_214, %add3A_215 : i32
          %get3A_217 = arith.index_cast %add3A_216 : i32 to index
          %get3A_218 = tpu.vector_load %arg5[%get3A_217] {strides = array<i32>} : memref<16000xi32, #tpu.memory_space<vmem>>, vector<16xi32>,
          %get3A_219 = vector.shape_cast %get3A_218 : vector<16xi32> to vector<16xi32>
          %shift_right_logical3A_220 = arith.constant 5 : i32
          %shift_right_logical3A_221 = vector.broadcast %shift_right_logical3A_220 : i32 to vector<16xi32>
          %shift_right_logical3A_222 = arith.shrui %get3A_219, %shift_right_logical3A_221 : vector<16xi32>
          %swap3A_223 = arith.index_cast %add3A_216 : i32 to index
          %swap3A_224 = tpu.vector_load %arg7[%swap3A_223] {strides = array<i32>} : memref<16000xi32, #tpu.memory_space<vmem>>, vector<16xi32>,
          %swap3A_225 = vector.shape_cast %swap3A_224 : vector<16xi32> to vector<16xi32>
          %swap3A_226 = vector.shape_cast %shift_right_logical3A_222 : vector<16xi32> to vector<16xi32>
          tpu.vector_store %arg7[%swap3A_223], %swap3A_226 {strides = array<i32>} : memref<16000xi32, #tpu.memory_space<vmem>>, vector<16xi32>,
          %mul3A_227 = arith.constant 16 : i32
          %mul3A_228 = arith.muli %scan3A_181, %mul3A_227 : i32
          %mul3A_229 = arith.constant 8 : i32
          %mul3A_230 = arith.muli %mul3A_228, %mul3A_229 : i32
          %add3A_231 = arith.constant 48 : i32
          %add3A_232 = arith.addi %mul3A_230, %add3A_231 : i32
          %get3A_233 = arith.index_cast %add3A_232 : i32 to index
          %get3A_234 = tpu.vector_load %arg5[%get3A_233] {strides = array<i32>} : memref<16000xi32, #tpu.memory_space<vmem>>, vector<16xi32>,
          %get3A_235 = vector.shape_cast %get3A_234 : vector<16xi32> to vector<16xi32>
          %shift_right_logical3A_236 = arith.constant 5 : i32
          %shift_right_logical3A_237 = vector.broadcast %shift_right_logical3A_236 : i32 to vector<16xi32>
          %shift_right_logical3A_238 = arith.shrui %get3A_235, %shift_right_logical3A_237 : vector<16xi32>
          %swap3A_239 = arith.index_cast %add3A_232 : i32 to index
          %swap3A_240 = tpu.vector_load %arg7[%swap3A_239] {strides = array<i32>} : memref<16000xi32, #tpu.memory_space<vmem>>, vector<16xi32>,
          %swap3A_241 = vector.shape_cast %swap3A_240 : vector<16xi32> to vector<16xi32>
          %swap3A_242 = vector.shape_cast %shift_right_logical3A_238 : vector<16xi32> to vector<16xi32>
          tpu.vector_store %arg7[%swap3A_239], %swap3A_242 {strides = array<i32>} : memref<16000xi32, #tpu.memory_space<vmem>>, vector<16xi32>,
          %mul3A_243 = arith.constant 16 : i32
          %mul3A_244 = arith.muli %scan3A_181, %mul3A_243 : i32
          %mul3A_245 = arith.constant 8 : i32
          %mul3A_246 = arith.muli %mul3A_244, %mul3A_245 : i32
          %add3A_247 = arith.constant 64 : i32
          %add3A_248 = arith.addi %mul3A_246, %add3A_247 : i32
          %get3A_249 = arith.index_cast %add3A_248 : i32 to index
          %get3A_250 = tpu.vector_load %arg5[%get3A_249] {strides = array<i32>} : memref<16000xi32, #tpu.memory_space<vmem>>, vector<16xi32>,
          %get3A_251 = vector.shape_cast %get3A_250 : vector<16xi32> to vector<16xi32>
          %shift_right_logical3A_252 = arith.constant 5 : i32
          %shift_right_logical3A_253 = vector.broadcast %shift_right_logical3A_252 : i32 to vector<16xi32>
          %shift_right_logical3A_254 = arith.shrui %get3A_251, %shift_right_logical3A_253 : vector<16xi32>
          %swap3A_255 = arith.index_cast %add3A_248 : i32 to index
          %swap3A_256 = tpu.vector_load %arg7[%swap3A_255] {strides = array<i32>} : memref<16000xi32, #tpu.memory_space<vmem>>, vector<16xi32>,
          %swap3A_257 = vector.shape_cast %swap3A_256 : vector<16xi32> to vector<16xi32>
          %swap3A_258 = vector.shape_cast %shift_right_logical3A_254 : vector<16xi32> to vector<16xi32>
          tpu.vector_store %arg7[%swap3A_255], %swap3A_258 {strides = array<i32>} : memref<16000xi32, #tpu.memory_space<vmem>>, vector<16xi32>,
          %mul3A_259 = arith.constant 16 : i32
          %mul3A_260 = arith.muli %scan3A_181, %mul3A_259 : i32
          %mul3A_261 = arith.constant 8 : i32
          %mul3A_262 = arith.muli %mul3A_260, %mul3A_261 : i32
          %add3A_263 = arith.constant 80 : i32
          %add3A_264 = arith.addi %mul3A_262, %add3A_263 : i32
          %get3A_265 = arith.index_cast %add3A_264 : i32 to index
          %get3A_266 = tpu.vector_load %arg5[%get3A_265] {strides = array<i32>} : memref<16000xi32, #tpu.memory_space<vmem>>, vector<16xi32>,
          %get3A_267 = vector.shape_cast %get3A_266 : vector<16xi32> to vector<16xi32>
          %shift_right_logical3A_268 = arith.constant 5 : i32
          %shift_right_logical3A_269 = vector.broadcast %shift_right_logical3A_268 : i32 to vector<16xi32>
          %shift_right_logical3A_270 = arith.shrui %get3A_267, %shift_right_logical3A_269 : vector<16xi32>
          %swap3A_271 = arith.index_cast %add3A_264 : i32 to index
          %swap3A_272 = tpu.vector_load %arg7[%swap3A_271] {strides = array<i32>} : memref<16000xi32, #tpu.memory_space<vmem>>, vector<16xi32>,
          %swap3A_273 = vector.shape_cast %swap3A_272 : vector<16xi32> to vector<16xi32>
          %swap3A_274 = vector.shape_cast %shift_right_logical3A_270 : vector<16xi32> to vector<16xi32>
          tpu.vector_store %arg7[%swap3A_271], %swap3A_274 {strides = array<i32>} : memref<16000xi32, #tpu.memory_space<vmem>>, vector<16xi32>,
          %mul3A_275 = arith.constant 16 : i32
          %mul3A_276 = arith.muli %scan3A_181, %mul3A_275 : i32
          %mul3A_277 = arith.constant 8 : i32
          %mul3A_278 = arith.muli %mul3A_276, %mul3A_277 : i32
          %add3A_279 = arith.constant 96 : i32
          %add3A_280 = arith.addi %mul3A_278, %add3A_279 : i32
          %get3A_281 = arith.index_cast %add3A_280 : i32 to index
          %get3A_282 = tpu.vector_load %arg5[%get3A_281] {strides = array<i32>} : memref<16000xi32, #tpu.memory_space<vmem>>, vector<16xi32>,
          %get3A_283 = vector.shape_cast %get3A_282 : vector<16xi32> to vector<16xi32>
          %shift_right_logical3A_284 = arith.constant 5 : i32
          %shift_right_logical3A_285 = vector.broadcast %shift_right_logical3A_284 : i32 to vector<16xi32>
          %shift_right_logical3A_286 = arith.shrui %get3A_283, %shift_right_logical3A_285 : vector<16xi32>
          %swap3A_287 = arith.index_cast %add3A_280 : i32 to index
          %swap3A_288 = tpu.vector_load %arg7[%swap3A_287] {strides = array<i32>} : memref<16000xi32, #tpu.memory_space<vmem>>, vector<16xi32>,
          %swap3A_289 = vector.shape_cast %swap3A_288 : vector<16xi32> to vector<16xi32>
          %swap3A_290 = vector.shape_cast %shift_right_logical3A_286 : vector<16xi32> to vector<16xi32>
          tpu.vector_store %arg7[%swap3A_287], %swap3A_290 {strides = array<i32>} : memref<16000xi32, #tpu.memory_space<vmem>>, vector<16xi32>,
          %mul3A_291 = arith.constant 16 : i32
          %mul3A_292 = arith.muli %scan3A_181, %mul3A_291 : i32
          %mul3A_293 = arith.constant 8 : i32
          %mul3A_294 = arith.muli %mul3A_292, %mul3A_293 : i32
          %add3A_295 = arith.constant 112 : i32
          %add3A_296 = arith.addi %mul3A_294, %add3A_295 : i32
          %get3A_297 = arith.index_cast %add3A_296 : i32 to index
          %get3A_298 = tpu.vector_load %arg5[%get3A_297] {strides = array<i32>} : memref<16000xi32, #tpu.memory_space<vmem>>, vector<16xi32>,
          %get3A_299 = vector.shape_cast %get3A_298 : vector<16xi32> to vector<16xi32>
          %shift_right_logical3A_300 = arith.constant 5 : i32
          %shift_right_logical3A_301 = vector.broadcast %shift_right_logical3A_300 : i32 to vector<16xi32>
          %shift_right_logical3A_302 = arith.shrui %get3A_299, %shift_right_logical3A_301 : vector<16xi32>
          %swap3A_303 = arith.index_cast %add3A_296 : i32 to index
          %swap3A_304 = tpu.vector_load %arg7[%swap3A_303] {strides = array<i32>} : memref<16000xi32, #tpu.memory_space<vmem>>, vector<16xi32>,
          %swap3A_305 = vector.shape_cast %swap3A_304 : vector<16xi32> to vector<16xi32>
          %swap3A_306 = vector.shape_cast %shift_right_logical3A_302 : vector<16xi32> to vector<16xi32>
          tpu.vector_store %arg7[%swap3A_303], %swap3A_306 {strides = array<i32>} : memref<16000xi32, #tpu.memory_space<vmem>>, vector<16xi32>,
        }
        %scan3A_77 = arith.constant 31 : i32
        %gt3A_78 = arith.constant 0 : i32
        %gt3A_79 = arith.cmpi sgt, %add3A_42, %gt3A_78 : i32
        %convert_element_type3A_80 = arith.extui %gt3A_79 : i1 to i32
        %cond3A_81 = arith.constant 0 : i32
        %cond3A_82 = arith.cmpi ne, %convert_element_type3A_80, %cond3A_81 : i32
        scf.if %cond3A_82 {
          %dma_wait3A_181 = tpu.memref_slice %arg4[%mul3A_58] : memref<2000000xi32, #tpu.memory_space<hbm>> -> memref<16000xi32, #tpu.memory_space<hbm>>
          %dma_wait3A_182 = tpu.memref_slice %arg4[%mul3A_58] : memref<2000000xi32, #tpu.memory_space<hbm>> -> memref<16000xi32, #tpu.memory_space<hbm>>
          tpu.wait_dma2 semaphore(%arg16 : memref<!tpu.dma_semaphore, #tpu.memory_space<semaphore_mem>>) src(%arg8 : memref<16000xi32, #tpu.memory_space<vmem>>) dst(%dma_wait3A_182 : memref<16000xi32, #tpu.memory_space<hbm>>)
        } else {
        }
        %dma_start3A_83 = arith.constant 0 : i32
        %dma_start3A_84 = tpu.memref_slice %arg8[%dma_start3A_83] : memref<16000xi32, #tpu.memory_space<vmem>> -> memref<4000xi32, #tpu.memory_space<vmem>>
        %dma_start3A_85 = arith.constant 0 : i32
        %dma_start3A_86 = tpu.memref_slice %arg7[%dma_start3A_85] : memref<16000xi32, #tpu.memory_space<vmem>> -> memref<4000xi32, #tpu.memory_space<vmem>>
        %dma_start3A_87 = arith.constant 0 : i32
        %dma_start3A_88 = tpu.memref_slice %arg9[%dma_start3A_87] : memref<1048576xi32, #tpu.memory_space<vmem_shared>> -> memref<1048576xi32, #tpu.memory_space<vmem_shared>>
        tpu.enqueue_indirect_dma source(%dma_start3A_88 : memref<1048576xi32, #tpu.memory_space<vmem_shared>>) target(%dma_start3A_84 : memref<4000xi32, #tpu.memory_space<vmem>>) offsets(%dma_start3A_86 : memref<4000xi32, #tpu.memory_space<vmem>>) semaphore(%arg12 : memref<!tpu.dma_semaphore, #tpu.memory_space<semaphore_mem>>)
        %scan3A_89 = arith.constant 0 : i32
        %scan3A_90 = arith.constant 31 : i32
        %scan3A_91 = arith.constant 31 : i32
        %scan3A_92 = arith.addi %scan3A_90, %scan3A_91 : i32
        %scan3A_93 = arith.constant 1 : i32
        scf.for %scan3A_181 = %scan3A_90 to %scan3A_92 step %scan3A_93  : i32 {
          %mul3A_182 = arith.constant 16 : i32
          %mul3A_183 = arith.muli %scan3A_181, %mul3A_182 : i32
          %mul3A_184 = arith.constant 8 : i32
          %mul3A_185 = arith.muli %mul3A_183, %mul3A_184 : i32
          %add3A_186 = arith.constant 0 : i32
          %add3A_187 = arith.addi %mul3A_185, %add3A_186 : i32
          %get3A = arith.index_cast %add3A_187 : i32 to index
          %get3A_188 = tpu.vector_load %arg5[%get3A] {strides = array<i32>} : memref<16000xi32, #tpu.memory_space<vmem>>, vector<16xi32>,
          %get3A_189 = vector.shape_cast %get3A_188 : vector<16xi32> to vector<16xi32>
          %shift_right_logical3A = arith.constant 5 : i32
          %shift_right_logical3A_190 = vector.broadcast %shift_right_logical3A : i32 to vector<16xi32>
          %shift_right_logical3A_191 = arith.shrui %get3A_189, %shift_right_logical3A_190 : vector<16xi32>
          %swap3A = arith.index_cast %add3A_187 : i32 to index
          %swap3A_192 = tpu.vector_load %arg7[%swap3A] {strides = array<i32>} : memref<16000xi32, #tpu.memory_space<vmem>>, vector<16xi32>,
          %swap3A_193 = vector.shape_cast %swap3A_192 : vector<16xi32> to vector<16xi32>
          %swap3A_194 = vector.shape_cast %shift_right_logical3A_191 : vector<16xi32> to vector<16xi32>
          tpu.vector_store %arg7[%swap3A], %swap3A_194 {strides = array<i32>} : memref<16000xi32, #tpu.memory_space<vmem>>, vector<16xi32>,
          %mul3A_195 = arith.constant 16 : i32
          %mul3A_196 = arith.muli %scan3A_181, %mul3A_195 : i32
          %mul3A_197 = arith.constant 8 : i32
          %mul3A_198 = arith.muli %mul3A_196, %mul3A_197 : i32
          %add3A_199 = arith.constant 16 : i32
          %add3A_200 = arith.addi %mul3A_198, %add3A_199 : i32
          %get3A_201 = arith.index_cast %add3A_200 : i32 to index
          %get3A_202 = tpu.vector_load %arg5[%get3A_201] {strides = array<i32>} : memref<16000xi32, #tpu.memory_space<vmem>>, vector<16xi32>,
          %get3A_203 = vector.shape_cast %get3A_202 : vector<16xi32> to vector<16xi32>
          %shift_right_logical3A_204 = arith.constant 5 : i32
          %shift_right_logical3A_205 = vector.broadcast %shift_right_logical3A_204 : i32 to vector<16xi32>
          %shift_right_logical3A_206 = arith.shrui %get3A_203, %shift_right_logical3A_205 : vector<16xi32>
          %swap3A_207 = arith.index_cast %add3A_200 : i32 to index
          %swap3A_208 = tpu.vector_load %arg7[%swap3A_207] {strides = array<i32>} : memref<16000xi32, #tpu.memory_space<vmem>>, vector<16xi32>,
          %swap3A_209 = vector.shape_cast %swap3A_208 : vector<16xi32> to vector<16xi32>
          %swap3A_210 = vector.shape_cast %shift_right_logical3A_206 : vector<16xi32> to vector<16xi32>
          tpu.vector_store %arg7[%swap3A_207], %swap3A_210 {strides = array<i32>} : memref<16000xi32, #tpu.memory_space<vmem>>, vector<16xi32>,
          %mul3A_211 = arith.constant 16 : i32
          %mul3A_212 = arith.muli %scan3A_181, %mul3A_211 : i32
          %mul3A_213 = arith.constant 8 : i32
          %mul3A_214 = arith.muli %mul3A_212, %mul3A_213 : i32
          %add3A_215 = arith.constant 32 : i32
          %add3A_216 = arith.addi %mul3A_214, %add3A_215 : i32
          %get3A_217 = arith.index_cast %add3A_216 : i32 to index
          %get3A_218 = tpu.vector_load %arg5[%get3A_217] {strides = array<i32>} : memref<16000xi32, #tpu.memory_space<vmem>>, vector<16xi32>,
          %get3A_219 = vector.shape_cast %get3A_218 : vector<16xi32> to vector<16xi32>
          %shift_right_logical3A_220 = arith.constant 5 : i32
          %shift_right_logical3A_221 = vector.broadcast %shift_right_logical3A_220 : i32 to vector<16xi32>
          %shift_right_logical3A_222 = arith.shrui %get3A_219, %shift_right_logical3A_221 : vector<16xi32>
          %swap3A_223 = arith.index_cast %add3A_216 : i32 to index
          %swap3A_224 = tpu.vector_load %arg7[%swap3A_223] {strides = array<i32>} : memref<16000xi32, #tpu.memory_space<vmem>>, vector<16xi32>,
          %swap3A_225 = vector.shape_cast %swap3A_224 : vector<16xi32> to vector<16xi32>
          %swap3A_226 = vector.shape_cast %shift_right_logical3A_222 : vector<16xi32> to vector<16xi32>
          tpu.vector_store %arg7[%swap3A_223], %swap3A_226 {strides = array<i32>} : memref<16000xi32, #tpu.memory_space<vmem>>, vector<16xi32>,
          %mul3A_227 = arith.constant 16 : i32
          %mul3A_228 = arith.muli %scan3A_181, %mul3A_227 : i32
          %mul3A_229 = arith.constant 8 : i32
          %mul3A_230 = arith.muli %mul3A_228, %mul3A_229 : i32
          %add3A_231 = arith.constant 48 : i32
          %add3A_232 = arith.addi %mul3A_230, %add3A_231 : i32
          %get3A_233 = arith.index_cast %add3A_232 : i32 to index
          %get3A_234 = tpu.vector_load %arg5[%get3A_233] {strides = array<i32>} : memref<16000xi32, #tpu.memory_space<vmem>>, vector<16xi32>,
          %get3A_235 = vector.shape_cast %get3A_234 : vector<16xi32> to vector<16xi32>
          %shift_right_logical3A_236 = arith.constant 5 : i32
          %shift_right_logical3A_237 = vector.broadcast %shift_right_logical3A_236 : i32 to vector<16xi32>
          %shift_right_logical3A_238 = arith.shrui %get3A_235, %shift_right_logical3A_237 : vector<16xi32>
          %swap3A_239 = arith.index_cast %add3A_232 : i32 to index
          %swap3A_240 = tpu.vector_load %arg7[%swap3A_239] {strides = array<i32>} : memref<16000xi32, #tpu.memory_space<vmem>>, vector<16xi32>,
          %swap3A_241 = vector.shape_cast %swap3A_240 : vector<16xi32> to vector<16xi32>
          %swap3A_242 = vector.shape_cast %shift_right_logical3A_238 : vector<16xi32> to vector<16xi32>
          tpu.vector_store %arg7[%swap3A_239], %swap3A_242 {strides = array<i32>} : memref<16000xi32, #tpu.memory_space<vmem>>, vector<16xi32>,
          %mul3A_243 = arith.constant 16 : i32
          %mul3A_244 = arith.muli %scan3A_181, %mul3A_243 : i32
          %mul3A_245 = arith.constant 8 : i32
          %mul3A_246 = arith.muli %mul3A_244, %mul3A_245 : i32
          %add3A_247 = arith.constant 64 : i32
          %add3A_248 = arith.addi %mul3A_246, %add3A_247 : i32
          %get3A_249 = arith.index_cast %add3A_248 : i32 to index
          %get3A_250 = tpu.vector_load %arg5[%get3A_249] {strides = array<i32>} : memref<16000xi32, #tpu.memory_space<vmem>>, vector<16xi32>,
          %get3A_251 = vector.shape_cast %get3A_250 : vector<16xi32> to vector<16xi32>
          %shift_right_logical3A_252 = arith.constant 5 : i32
          %shift_right_logical3A_253 = vector.broadcast %shift_right_logical3A_252 : i32 to vector<16xi32>
          %shift_right_logical3A_254 = arith.shrui %get3A_251, %shift_right_logical3A_253 : vector<16xi32>
          %swap3A_255 = arith.index_cast %add3A_248 : i32 to index
          %swap3A_256 = tpu.vector_load %arg7[%swap3A_255] {strides = array<i32>} : memref<16000xi32, #tpu.memory_space<vmem>>, vector<16xi32>,
          %swap3A_257 = vector.shape_cast %swap3A_256 : vector<16xi32> to vector<16xi32>
          %swap3A_258 = vector.shape_cast %shift_right_logical3A_254 : vector<16xi32> to vector<16xi32>
          tpu.vector_store %arg7[%swap3A_255], %swap3A_258 {strides = array<i32>} : memref<16000xi32, #tpu.memory_space<vmem>>, vector<16xi32>,
          %mul3A_259 = arith.constant 16 : i32
          %mul3A_260 = arith.muli %scan3A_181, %mul3A_259 : i32
          %mul3A_261 = arith.constant 8 : i32
          %mul3A_262 = arith.muli %mul3A_260, %mul3A_261 : i32
          %add3A_263 = arith.constant 80 : i32
          %add3A_264 = arith.addi %mul3A_262, %add3A_263 : i32
          %get3A_265 = arith.index_cast %add3A_264 : i32 to index
          %get3A_266 = tpu.vector_load %arg5[%get3A_265] {strides = array<i32>} : memref<16000xi32, #tpu.memory_space<vmem>>, vector<16xi32>,
          %get3A_267 = vector.shape_cast %get3A_266 : vector<16xi32> to vector<16xi32>
          %shift_right_logical3A_268 = arith.constant 5 : i32
          %shift_right_logical3A_269 = vector.broadcast %shift_right_logical3A_268 : i32 to vector<16xi32>
          %shift_right_logical3A_270 = arith.shrui %get3A_267, %shift_right_logical3A_269 : vector<16xi32>
          %swap3A_271 = arith.index_cast %add3A_264 : i32 to index
          %swap3A_272 = tpu.vector_load %arg7[%swap3A_271] {strides = array<i32>} : memref<16000xi32, #tpu.memory_space<vmem>>, vector<16xi32>,
          %swap3A_273 = vector.shape_cast %swap3A_272 : vector<16xi32> to vector<16xi32>
          %swap3A_274 = vector.shape_cast %shift_right_logical3A_270 : vector<16xi32> to vector<16xi32>
          tpu.vector_store %arg7[%swap3A_271], %swap3A_274 {strides = array<i32>} : memref<16000xi32, #tpu.memory_space<vmem>>, vector<16xi32>,
          %mul3A_275 = arith.constant 16 : i32
          %mul3A_276 = arith.muli %scan3A_181, %mul3A_275 : i32
          %mul3A_277 = arith.constant 8 : i32
          %mul3A_278 = arith.muli %mul3A_276, %mul3A_277 : i32
          %add3A_279 = arith.constant 96 : i32
          %add3A_280 = arith.addi %mul3A_278, %add3A_279 : i32
          %get3A_281 = arith.index_cast %add3A_280 : i32 to index
          %get3A_282 = tpu.vector_load %arg5[%get3A_281] {strides = array<i32>} : memref<16000xi32, #tpu.memory_space<vmem>>, vector<16xi32>,
          %get3A_283 = vector.shape_cast %get3A_282 : vector<16xi32> to vector<16xi32>
          %shift_right_logical3A_284 = arith.constant 5 : i32
          %shift_right_logical3A_285 = vector.broadcast %shift_right_logical3A_284 : i32 to vector<16xi32>
          %shift_right_logical3A_286 = arith.shrui %get3A_283, %shift_right_logical3A_285 : vector<16xi32>
          %swap3A_287 = arith.index_cast %add3A_280 : i32 to index
          %swap3A_288 = tpu.vector_load %arg7[%swap3A_287] {strides = array<i32>} : memref<16000xi32, #tpu.memory_space<vmem>>, vector<16xi32>,
          %swap3A_289 = vector.shape_cast %swap3A_288 : vector<16xi32> to vector<16xi32>
          %swap3A_290 = vector.shape_cast %shift_right_logical3A_286 : vector<16xi32> to vector<16xi32>
          tpu.vector_store %arg7[%swap3A_287], %swap3A_290 {strides = array<i32>} : memref<16000xi32, #tpu.memory_space<vmem>>, vector<16xi32>,
          %mul3A_291 = arith.constant 16 : i32
          %mul3A_292 = arith.muli %scan3A_181, %mul3A_291 : i32
          %mul3A_293 = arith.constant 8 : i32
          %mul3A_294 = arith.muli %mul3A_292, %mul3A_293 : i32
          %add3A_295 = arith.constant 112 : i32
          %add3A_296 = arith.addi %mul3A_294, %add3A_295 : i32
          %get3A_297 = arith.index_cast %add3A_296 : i32 to index
          %get3A_298 = tpu.vector_load %arg5[%get3A_297] {strides = array<i32>} : memref<16000xi32, #tpu.memory_space<vmem>>, vector<16xi32>,
          %get3A_299 = vector.shape_cast %get3A_298 : vector<16xi32> to vector<16xi32>
          %shift_right_logical3A_300 = arith.constant 5 : i32
          %shift_right_logical3A_301 = vector.broadcast %shift_right_logical3A_300 : i32 to vector<16xi32>
          %shift_right_logical3A_302 = arith.shrui %get3A_299, %shift_right_logical3A_301 : vector<16xi32>
          %swap3A_303 = arith.index_cast %add3A_296 : i32 to index
          %swap3A_304 = tpu.vector_load %arg7[%swap3A_303] {strides = array<i32>} : memref<16000xi32, #tpu.memory_space<vmem>>, vector<16xi32>,
          %swap3A_305 = vector.shape_cast %swap3A_304 : vector<16xi32> to vector<16xi32>
          %swap3A_306 = vector.shape_cast %shift_right_logical3A_302 : vector<16xi32> to vector<16xi32>
          tpu.vector_store %arg7[%swap3A_303], %swap3A_306 {strides = array<i32>} : memref<16000xi32, #tpu.memory_space<vmem>>, vector<16xi32>,
        }
        %scan3A_94 = arith.constant 31 : i32
        %dma_start3A_95 = arith.constant 4000 : i32
        %dma_start3A_96 = tpu.memref_slice %arg8[%dma_start3A_95] : memref<16000xi32, #tpu.memory_space<vmem>> -> memref<4000xi32, #tpu.memory_space<vmem>>
        %dma_start3A_97 = arith.constant 4000 : i32
        %dma_start3A_98 = tpu.memref_slice %arg7[%dma_start3A_97] : memref<16000xi32, #tpu.memory_space<vmem>> -> memref<4000xi32, #tpu.memory_space<vmem>>
        %dma_start3A_99 = arith.constant 0 : i32
        %dma_start3A_100 = tpu.memref_slice %arg9[%dma_start3A_99] : memref<1048576xi32, #tpu.memory_space<vmem_shared>> -> memref<1048576xi32, #tpu.memory_space<vmem_shared>>
        tpu.enqueue_indirect_dma source(%dma_start3A_100 : memref<1048576xi32, #tpu.memory_space<vmem_shared>>) target(%dma_start3A_96 : memref<4000xi32, #tpu.memory_space<vmem>>) offsets(%dma_start3A_98 : memref<4000xi32, #tpu.memory_space<vmem>>) semaphore(%arg13 : memref<!tpu.dma_semaphore, #tpu.memory_space<semaphore_mem>>)
        %scan3A_101 = arith.constant 0 : i32
        %scan3A_102 = arith.constant 62 : i32
        %scan3A_103 = arith.constant 31 : i32
        %scan3A_104 = arith.addi %scan3A_102, %scan3A_103 : i32
        %scan3A_105 = arith.constant 1 : i32
        scf.for %scan3A_181 = %scan3A_102 to %scan3A_104 step %scan3A_105  : i32 {
          %mul3A_182 = arith.constant 16 : i32
          %mul3A_183 = arith.muli %scan3A_181, %mul3A_182 : i32
          %mul3A_184 = arith.constant 8 : i32
          %mul3A_185 = arith.muli %mul3A_183, %mul3A_184 : i32
          %add3A_186 = arith.constant 0 : i32
          %add3A_187 = arith.addi %mul3A_185, %add3A_186 : i32
          %get3A = arith.index_cast %add3A_187 : i32 to index
          %get3A_188 = tpu.vector_load %arg5[%get3A] {strides = array<i32>} : memref<16000xi32, #tpu.memory_space<vmem>>, vector<16xi32>,
          %get3A_189 = vector.shape_cast %get3A_188 : vector<16xi32> to vector<16xi32>
          %shift_right_logical3A = arith.constant 5 : i32
          %shift_right_logical3A_190 = vector.broadcast %shift_right_logical3A : i32 to vector<16xi32>
          %shift_right_logical3A_191 = arith.shrui %get3A_189, %shift_right_logical3A_190 : vector<16xi32>
          %swap3A = arith.index_cast %add3A_187 : i32 to index
          %swap3A_192 = tpu.vector_load %arg7[%swap3A] {strides = array<i32>} : memref<16000xi32, #tpu.memory_space<vmem>>, vector<16xi32>,
          %swap3A_193 = vector.shape_cast %swap3A_192 : vector<16xi32> to vector<16xi32>
          %swap3A_194 = vector.shape_cast %shift_right_logical3A_191 : vector<16xi32> to vector<16xi32>
          tpu.vector_store %arg7[%swap3A], %swap3A_194 {strides = array<i32>} : memref<16000xi32, #tpu.memory_space<vmem>>, vector<16xi32>,
          %mul3A_195 = arith.constant 16 : i32
          %mul3A_196 = arith.muli %scan3A_181, %mul3A_195 : i32
          %mul3A_197 = arith.constant 8 : i32
          %mul3A_198 = arith.muli %mul3A_196, %mul3A_197 : i32
          %add3A_199 = arith.constant 16 : i32
          %add3A_200 = arith.addi %mul3A_198, %add3A_199 : i32
          %get3A_201 = arith.index_cast %add3A_200 : i32 to index
          %get3A_202 = tpu.vector_load %arg5[%get3A_201] {strides = array<i32>} : memref<16000xi32, #tpu.memory_space<vmem>>, vector<16xi32>,
          %get3A_203 = vector.shape_cast %get3A_202 : vector<16xi32> to vector<16xi32>
          %shift_right_logical3A_204 = arith.constant 5 : i32
          %shift_right_logical3A_205 = vector.broadcast %shift_right_logical3A_204 : i32 to vector<16xi32>
          %shift_right_logical3A_206 = arith.shrui %get3A_203, %shift_right_logical3A_205 : vector<16xi32>
          %swap3A_207 = arith.index_cast %add3A_200 : i32 to index
          %swap3A_208 = tpu.vector_load %arg7[%swap3A_207] {strides = array<i32>} : memref<16000xi32, #tpu.memory_space<vmem>>, vector<16xi32>,
          %swap3A_209 = vector.shape_cast %swap3A_208 : vector<16xi32> to vector<16xi32>
          %swap3A_210 = vector.shape_cast %shift_right_logical3A_206 : vector<16xi32> to vector<16xi32>
          tpu.vector_store %arg7[%swap3A_207], %swap3A_210 {strides = array<i32>} : memref<16000xi32, #tpu.memory_space<vmem>>, vector<16xi32>,
          %mul3A_211 = arith.constant 16 : i32
          %mul3A_212 = arith.muli %scan3A_181, %mul3A_211 : i32
          %mul3A_213 = arith.constant 8 : i32
          %mul3A_214 = arith.muli %mul3A_212, %mul3A_213 : i32
          %add3A_215 = arith.constant 32 : i32
          %add3A_216 = arith.addi %mul3A_214, %add3A_215 : i32
          %get3A_217 = arith.index_cast %add3A_216 : i32 to index
          %get3A_218 = tpu.vector_load %arg5[%get3A_217] {strides = array<i32>} : memref<16000xi32, #tpu.memory_space<vmem>>, vector<16xi32>,
          %get3A_219 = vector.shape_cast %get3A_218 : vector<16xi32> to vector<16xi32>
          %shift_right_logical3A_220 = arith.constant 5 : i32
          %shift_right_logical3A_221 = vector.broadcast %shift_right_logical3A_220 : i32 to vector<16xi32>
          %shift_right_logical3A_222 = arith.shrui %get3A_219, %shift_right_logical3A_221 : vector<16xi32>
          %swap3A_223 = arith.index_cast %add3A_216 : i32 to index
          %swap3A_224 = tpu.vector_load %arg7[%swap3A_223] {strides = array<i32>} : memref<16000xi32, #tpu.memory_space<vmem>>, vector<16xi32>,
          %swap3A_225 = vector.shape_cast %swap3A_224 : vector<16xi32> to vector<16xi32>
          %swap3A_226 = vector.shape_cast %shift_right_logical3A_222 : vector<16xi32> to vector<16xi32>
          tpu.vector_store %arg7[%swap3A_223], %swap3A_226 {strides = array<i32>} : memref<16000xi32, #tpu.memory_space<vmem>>, vector<16xi32>,
          %mul3A_227 = arith.constant 16 : i32
          %mul3A_228 = arith.muli %scan3A_181, %mul3A_227 : i32
          %mul3A_229 = arith.constant 8 : i32
          %mul3A_230 = arith.muli %mul3A_228, %mul3A_229 : i32
          %add3A_231 = arith.constant 48 : i32
          %add3A_232 = arith.addi %mul3A_230, %add3A_231 : i32
          %get3A_233 = arith.index_cast %add3A_232 : i32 to index
          %get3A_234 = tpu.vector_load %arg5[%get3A_233] {strides = array<i32>} : memref<16000xi32, #tpu.memory_space<vmem>>, vector<16xi32>,
          %get3A_235 = vector.shape_cast %get3A_234 : vector<16xi32> to vector<16xi32>
          %shift_right_logical3A_236 = arith.constant 5 : i32
          %shift_right_logical3A_237 = vector.broadcast %shift_right_logical3A_236 : i32 to vector<16xi32>
          %shift_right_logical3A_238 = arith.shrui %get3A_235, %shift_right_logical3A_237 : vector<16xi32>
          %swap3A_239 = arith.index_cast %add3A_232 : i32 to index
          %swap3A_240 = tpu.vector_load %arg7[%swap3A_239] {strides = array<i32>} : memref<16000xi32, #tpu.memory_space<vmem>>, vector<16xi32>,
          %swap3A_241 = vector.shape_cast %swap3A_240 : vector<16xi32> to vector<16xi32>
          %swap3A_242 = vector.shape_cast %shift_right_logical3A_238 : vector<16xi32> to vector<16xi32>
          tpu.vector_store %arg7[%swap3A_239], %swap3A_242 {strides = array<i32>} : memref<16000xi32, #tpu.memory_space<vmem>>, vector<16xi32>,
          %mul3A_243 = arith.constant 16 : i32
          %mul3A_244 = arith.muli %scan3A_181, %mul3A_243 : i32
          %mul3A_245 = arith.constant 8 : i32
          %mul3A_246 = arith.muli %mul3A_244, %mul3A_245 : i32
          %add3A_247 = arith.constant 64 : i32
          %add3A_248 = arith.addi %mul3A_246, %add3A_247 : i32
          %get3A_249 = arith.index_cast %add3A_248 : i32 to index
          %get3A_250 = tpu.vector_load %arg5[%get3A_249] {strides = array<i32>} : memref<16000xi32, #tpu.memory_space<vmem>>, vector<16xi32>,
          %get3A_251 = vector.shape_cast %get3A_250 : vector<16xi32> to vector<16xi32>
          %shift_right_logical3A_252 = arith.constant 5 : i32
          %shift_right_logical3A_253 = vector.broadcast %shift_right_logical3A_252 : i32 to vector<16xi32>
          %shift_right_logical3A_254 = arith.shrui %get3A_251, %shift_right_logical3A_253 : vector<16xi32>
          %swap3A_255 = arith.index_cast %add3A_248 : i32 to index
          %swap3A_256 = tpu.vector_load %arg7[%swap3A_255] {strides = array<i32>} : memref<16000xi32, #tpu.memory_space<vmem>>, vector<16xi32>,
          %swap3A_257 = vector.shape_cast %swap3A_256 : vector<16xi32> to vector<16xi32>
          %swap3A_258 = vector.shape_cast %shift_right_logical3A_254 : vector<16xi32> to vector<16xi32>
          tpu.vector_store %arg7[%swap3A_255], %swap3A_258 {strides = array<i32>} : memref<16000xi32, #tpu.memory_space<vmem>>, vector<16xi32>,
          %mul3A_259 = arith.constant 16 : i32
          %mul3A_260 = arith.muli %scan3A_181, %mul3A_259 : i32
          %mul3A_261 = arith.constant 8 : i32
          %mul3A_262 = arith.muli %mul3A_260, %mul3A_261 : i32
          %add3A_263 = arith.constant 80 : i32
          %add3A_264 = arith.addi %mul3A_262, %add3A_263 : i32
          %get3A_265 = arith.index_cast %add3A_264 : i32 to index
          %get3A_266 = tpu.vector_load %arg5[%get3A_265] {strides = array<i32>} : memref<16000xi32, #tpu.memory_space<vmem>>, vector<16xi32>,
          %get3A_267 = vector.shape_cast %get3A_266 : vector<16xi32> to vector<16xi32>
          %shift_right_logical3A_268 = arith.constant 5 : i32
          %shift_right_logical3A_269 = vector.broadcast %shift_right_logical3A_268 : i32 to vector<16xi32>
          %shift_right_logical3A_270 = arith.shrui %get3A_267, %shift_right_logical3A_269 : vector<16xi32>
          %swap3A_271 = arith.index_cast %add3A_264 : i32 to index
          %swap3A_272 = tpu.vector_load %arg7[%swap3A_271] {strides = array<i32>} : memref<16000xi32, #tpu.memory_space<vmem>>, vector<16xi32>,
          %swap3A_273 = vector.shape_cast %swap3A_272 : vector<16xi32> to vector<16xi32>
          %swap3A_274 = vector.shape_cast %shift_right_logical3A_270 : vector<16xi32> to vector<16xi32>
          tpu.vector_store %arg7[%swap3A_271], %swap3A_274 {strides = array<i32>} : memref<16000xi32, #tpu.memory_space<vmem>>, vector<16xi32>,
          %mul3A_275 = arith.constant 16 : i32
          %mul3A_276 = arith.muli %scan3A_181, %mul3A_275 : i32
          %mul3A_277 = arith.constant 8 : i32
          %mul3A_278 = arith.muli %mul3A_276, %mul3A_277 : i32
          %add3A_279 = arith.constant 96 : i32
          %add3A_280 = arith.addi %mul3A_278, %add3A_279 : i32
          %get3A_281 = arith.index_cast %add3A_280 : i32 to index
          %get3A_282 = tpu.vector_load %arg5[%get3A_281] {strides = array<i32>} : memref<16000xi32, #tpu.memory_space<vmem>>, vector<16xi32>,
          %get3A_283 = vector.shape_cast %get3A_282 : vector<16xi32> to vector<16xi32>
          %shift_right_logical3A_284 = arith.constant 5 : i32
          %shift_right_logical3A_285 = vector.broadcast %shift_right_logical3A_284 : i32 to vector<16xi32>
          %shift_right_logical3A_286 = arith.shrui %get3A_283, %shift_right_logical3A_285 : vector<16xi32>
          %swap3A_287 = arith.index_cast %add3A_280 : i32 to index
          %swap3A_288 = tpu.vector_load %arg7[%swap3A_287] {strides = array<i32>} : memref<16000xi32, #tpu.memory_space<vmem>>, vector<16xi32>,
          %swap3A_289 = vector.shape_cast %swap3A_288 : vector<16xi32> to vector<16xi32>
          %swap3A_290 = vector.shape_cast %shift_right_logical3A_286 : vector<16xi32> to vector<16xi32>
          tpu.vector_store %arg7[%swap3A_287], %swap3A_290 {strides = array<i32>} : memref<16000xi32, #tpu.memory_space<vmem>>, vector<16xi32>,
          %mul3A_291 = arith.constant 16 : i32
          %mul3A_292 = arith.muli %scan3A_181, %mul3A_291 : i32
          %mul3A_293 = arith.constant 8 : i32
          %mul3A_294 = arith.muli %mul3A_292, %mul3A_293 : i32
          %add3A_295 = arith.constant 112 : i32
          %add3A_296 = arith.addi %mul3A_294, %add3A_295 : i32
          %get3A_297 = arith.index_cast %add3A_296 : i32 to index
          %get3A_298 = tpu.vector_load %arg5[%get3A_297] {strides = array<i32>} : memref<16000xi32, #tpu.memory_space<vmem>>, vector<16xi32>,
          %get3A_299 = vector.shape_cast %get3A_298 : vector<16xi32> to vector<16xi32>
          %shift_right_logical3A_300 = arith.constant 5 : i32
          %shift_right_logical3A_301 = vector.broadcast %shift_right_logical3A_300 : i32 to vector<16xi32>
          %shift_right_logical3A_302 = arith.shrui %get3A_299, %shift_right_logical3A_301 : vector<16xi32>
          %swap3A_303 = arith.index_cast %add3A_296 : i32 to index
          %swap3A_304 = tpu.vector_load %arg7[%swap3A_303] {strides = array<i32>} : memref<16000xi32, #tpu.memory_space<vmem>>, vector<16xi32>,
          %swap3A_305 = vector.shape_cast %swap3A_304 : vector<16xi32> to vector<16xi32>
          %swap3A_306 = vector.shape_cast %shift_right_logical3A_302 : vector<16xi32> to vector<16xi32>
          tpu.vector_store %arg7[%swap3A_303], %swap3A_306 {strides = array<i32>} : memref<16000xi32, #tpu.memory_space<vmem>>, vector<16xi32>,
        }
        %scan3A_106 = arith.constant 31 : i32
        %dma_start3A_107 = arith.constant 8000 : i32
        %dma_start3A_108 = tpu.memref_slice %arg8[%dma_start3A_107] : memref<16000xi32, #tpu.memory_space<vmem>> -> memref<4000xi32, #tpu.memory_space<vmem>>
        %dma_start3A_109 = arith.constant 8000 : i32
        %dma_start3A_110 = tpu.memref_slice %arg7[%dma_start3A_109] : memref<16000xi32, #tpu.memory_space<vmem>> -> memref<4000xi32, #tpu.memory_space<vmem>>
        %dma_start3A_111 = arith.constant 0 : i32
        %dma_start3A_112 = tpu.memref_slice %arg9[%dma_start3A_111] : memref<1048576xi32, #tpu.memory_space<vmem_shared>> -> memref<1048576xi32, #tpu.memory_space<vmem_shared>>
        tpu.enqueue_indirect_dma source(%dma_start3A_112 : memref<1048576xi32, #tpu.memory_space<vmem_shared>>) target(%dma_start3A_108 : memref<4000xi32, #tpu.memory_space<vmem>>) offsets(%dma_start3A_110 : memref<4000xi32, #tpu.memory_space<vmem>>) semaphore(%arg14 : memref<!tpu.dma_semaphore, #tpu.memory_space<semaphore_mem>>)
        %scan3A_113 = arith.constant 0 : i32
        %scan3A_114 = arith.constant 93 : i32
        %scan3A_115 = arith.constant 32 : i32
        %scan3A_116 = arith.addi %scan3A_114, %scan3A_115 : i32
        %scan3A_117 = arith.constant 1 : i32
        scf.for %scan3A_181 = %scan3A_114 to %scan3A_116 step %scan3A_117  : i32 {
          %mul3A_182 = arith.constant 16 : i32
          %mul3A_183 = arith.muli %scan3A_181, %mul3A_182 : i32
          %mul3A_184 = arith.constant 8 : i32
          %mul3A_185 = arith.muli %mul3A_183, %mul3A_184 : i32
          %add3A_186 = arith.constant 0 : i32
          %add3A_187 = arith.addi %mul3A_185, %add3A_186 : i32
          %get3A = arith.index_cast %add3A_187 : i32 to index
          %get3A_188 = tpu.vector_load %arg5[%get3A] {strides = array<i32>} : memref<16000xi32, #tpu.memory_space<vmem>>, vector<16xi32>,
          %get3A_189 = vector.shape_cast %get3A_188 : vector<16xi32> to vector<16xi32>
          %shift_right_logical3A = arith.constant 5 : i32
          %shift_right_logical3A_190 = vector.broadcast %shift_right_logical3A : i32 to vector<16xi32>
          %shift_right_logical3A_191 = arith.shrui %get3A_189, %shift_right_logical3A_190 : vector<16xi32>
          %swap3A = arith.index_cast %add3A_187 : i32 to index
          %swap3A_192 = tpu.vector_load %arg7[%swap3A] {strides = array<i32>} : memref<16000xi32, #tpu.memory_space<vmem>>, vector<16xi32>,
          %swap3A_193 = vector.shape_cast %swap3A_192 : vector<16xi32> to vector<16xi32>
          %swap3A_194 = vector.shape_cast %shift_right_logical3A_191 : vector<16xi32> to vector<16xi32>
          tpu.vector_store %arg7[%swap3A], %swap3A_194 {strides = array<i32>} : memref<16000xi32, #tpu.memory_space<vmem>>, vector<16xi32>,
          %mul3A_195 = arith.constant 16 : i32
          %mul3A_196 = arith.muli %scan3A_181, %mul3A_195 : i32
          %mul3A_197 = arith.constant 8 : i32
          %mul3A_198 = arith.muli %mul3A_196, %mul3A_197 : i32
          %add3A_199 = arith.constant 16 : i32
          %add3A_200 = arith.addi %mul3A_198, %add3A_199 : i32
          %get3A_201 = arith.index_cast %add3A_200 : i32 to index
          %get3A_202 = tpu.vector_load %arg5[%get3A_201] {strides = array<i32>} : memref<16000xi32, #tpu.memory_space<vmem>>, vector<16xi32>,
          %get3A_203 = vector.shape_cast %get3A_202 : vector<16xi32> to vector<16xi32>
          %shift_right_logical3A_204 = arith.constant 5 : i32
          %shift_right_logical3A_205 = vector.broadcast %shift_right_logical3A_204 : i32 to vector<16xi32>
          %shift_right_logical3A_206 = arith.shrui %get3A_203, %shift_right_logical3A_205 : vector<16xi32>
          %swap3A_207 = arith.index_cast %add3A_200 : i32 to index
          %swap3A_208 = tpu.vector_load %arg7[%swap3A_207] {strides = array<i32>} : memref<16000xi32, #tpu.memory_space<vmem>>, vector<16xi32>,
          %swap3A_209 = vector.shape_cast %swap3A_208 : vector<16xi32> to vector<16xi32>
          %swap3A_210 = vector.shape_cast %shift_right_logical3A_206 : vector<16xi32> to vector<16xi32>
          tpu.vector_store %arg7[%swap3A_207], %swap3A_210 {strides = array<i32>} : memref<16000xi32, #tpu.memory_space<vmem>>, vector<16xi32>,
          %mul3A_211 = arith.constant 16 : i32
          %mul3A_212 = arith.muli %scan3A_181, %mul3A_211 : i32
          %mul3A_213 = arith.constant 8 : i32
          %mul3A_214 = arith.muli %mul3A_212, %mul3A_213 : i32
          %add3A_215 = arith.constant 32 : i32
          %add3A_216 = arith.addi %mul3A_214, %add3A_215 : i32
          %get3A_217 = arith.index_cast %add3A_216 : i32 to index
          %get3A_218 = tpu.vector_load %arg5[%get3A_217] {strides = array<i32>} : memref<16000xi32, #tpu.memory_space<vmem>>, vector<16xi32>,
          %get3A_219 = vector.shape_cast %get3A_218 : vector<16xi32> to vector<16xi32>
          %shift_right_logical3A_220 = arith.constant 5 : i32
          %shift_right_logical3A_221 = vector.broadcast %shift_right_logical3A_220 : i32 to vector<16xi32>
          %shift_right_logical3A_222 = arith.shrui %get3A_219, %shift_right_logical3A_221 : vector<16xi32>
          %swap3A_223 = arith.index_cast %add3A_216 : i32 to index
          %swap3A_224 = tpu.vector_load %arg7[%swap3A_223] {strides = array<i32>} : memref<16000xi32, #tpu.memory_space<vmem>>, vector<16xi32>,
          %swap3A_225 = vector.shape_cast %swap3A_224 : vector<16xi32> to vector<16xi32>
          %swap3A_226 = vector.shape_cast %shift_right_logical3A_222 : vector<16xi32> to vector<16xi32>
          tpu.vector_store %arg7[%swap3A_223], %swap3A_226 {strides = array<i32>} : memref<16000xi32, #tpu.memory_space<vmem>>, vector<16xi32>,
          %mul3A_227 = arith.constant 16 : i32
          %mul3A_228 = arith.muli %scan3A_181, %mul3A_227 : i32
          %mul3A_229 = arith.constant 8 : i32
          %mul3A_230 = arith.muli %mul3A_228, %mul3A_229 : i32
          %add3A_231 = arith.constant 48 : i32
          %add3A_232 = arith.addi %mul3A_230, %add3A_231 : i32
          %get3A_233 = arith.index_cast %add3A_232 : i32 to index
          %get3A_234 = tpu.vector_load %arg5[%get3A_233] {strides = array<i32>} : memref<16000xi32, #tpu.memory_space<vmem>>, vector<16xi32>,
          %get3A_235 = vector.shape_cast %get3A_234 : vector<16xi32> to vector<16xi32>
          %shift_right_logical3A_236 = arith.constant 5 : i32
          %shift_right_logical3A_237 = vector.broadcast %shift_right_logical3A_236 : i32 to vector<16xi32>
          %shift_right_logical3A_238 = arith.shrui %get3A_235, %shift_right_logical3A_237 : vector<16xi32>
          %swap3A_239 = arith.index_cast %add3A_232 : i32 to index
          %swap3A_240 = tpu.vector_load %arg7[%swap3A_239] {strides = array<i32>} : memref<16000xi32, #tpu.memory_space<vmem>>, vector<16xi32>,
          %swap3A_241 = vector.shape_cast %swap3A_240 : vector<16xi32> to vector<16xi32>
          %swap3A_242 = vector.shape_cast %shift_right_logical3A_238 : vector<16xi32> to vector<16xi32>
          tpu.vector_store %arg7[%swap3A_239], %swap3A_242 {strides = array<i32>} : memref<16000xi32, #tpu.memory_space<vmem>>, vector<16xi32>,
          %mul3A_243 = arith.constant 16 : i32
          %mul3A_244 = arith.muli %scan3A_181, %mul3A_243 : i32
          %mul3A_245 = arith.constant 8 : i32
          %mul3A_246 = arith.muli %mul3A_244, %mul3A_245 : i32
          %add3A_247 = arith.constant 64 : i32
          %add3A_248 = arith.addi %mul3A_246, %add3A_247 : i32
          %get3A_249 = arith.index_cast %add3A_248 : i32 to index
          %get3A_250 = tpu.vector_load %arg5[%get3A_249] {strides = array<i32>} : memref<16000xi32, #tpu.memory_space<vmem>>, vector<16xi32>,
          %get3A_251 = vector.shape_cast %get3A_250 : vector<16xi32> to vector<16xi32>
          %shift_right_logical3A_252 = arith.constant 5 : i32
          %shift_right_logical3A_253 = vector.broadcast %shift_right_logical3A_252 : i32 to vector<16xi32>
          %shift_right_logical3A_254 = arith.shrui %get3A_251, %shift_right_logical3A_253 : vector<16xi32>
          %swap3A_255 = arith.index_cast %add3A_248 : i32 to index
          %swap3A_256 = tpu.vector_load %arg7[%swap3A_255] {strides = array<i32>} : memref<16000xi32, #tpu.memory_space<vmem>>, vector<16xi32>,
          %swap3A_257 = vector.shape_cast %swap3A_256 : vector<16xi32> to vector<16xi32>
          %swap3A_258 = vector.shape_cast %shift_right_logical3A_254 : vector<16xi32> to vector<16xi32>
          tpu.vector_store %arg7[%swap3A_255], %swap3A_258 {strides = array<i32>} : memref<16000xi32, #tpu.memory_space<vmem>>, vector<16xi32>,
          %mul3A_259 = arith.constant 16 : i32
          %mul3A_260 = arith.muli %scan3A_181, %mul3A_259 : i32
          %mul3A_261 = arith.constant 8 : i32
          %mul3A_262 = arith.muli %mul3A_260, %mul3A_261 : i32
          %add3A_263 = arith.constant 80 : i32
          %add3A_264 = arith.addi %mul3A_262, %add3A_263 : i32
          %get3A_265 = arith.index_cast %add3A_264 : i32 to index
          %get3A_266 = tpu.vector_load %arg5[%get3A_265] {strides = array<i32>} : memref<16000xi32, #tpu.memory_space<vmem>>, vector<16xi32>,
          %get3A_267 = vector.shape_cast %get3A_266 : vector<16xi32> to vector<16xi32>
          %shift_right_logical3A_268 = arith.constant 5 : i32
          %shift_right_logical3A_269 = vector.broadcast %shift_right_logical3A_268 : i32 to vector<16xi32>
          %shift_right_logical3A_270 = arith.shrui %get3A_267, %shift_right_logical3A_269 : vector<16xi32>
          %swap3A_271 = arith.index_cast %add3A_264 : i32 to index
          %swap3A_272 = tpu.vector_load %arg7[%swap3A_271] {strides = array<i32>} : memref<16000xi32, #tpu.memory_space<vmem>>, vector<16xi32>,
          %swap3A_273 = vector.shape_cast %swap3A_272 : vector<16xi32> to vector<16xi32>
          %swap3A_274 = vector.shape_cast %shift_right_logical3A_270 : vector<16xi32> to vector<16xi32>
          tpu.vector_store %arg7[%swap3A_271], %swap3A_274 {strides = array<i32>} : memref<16000xi32, #tpu.memory_space<vmem>>, vector<16xi32>,
          %mul3A_275 = arith.constant 16 : i32
          %mul3A_276 = arith.muli %scan3A_181, %mul3A_275 : i32
          %mul3A_277 = arith.constant 8 : i32
          %mul3A_278 = arith.muli %mul3A_276, %mul3A_277 : i32
          %add3A_279 = arith.constant 96 : i32
          %add3A_280 = arith.addi %mul3A_278, %add3A_279 : i32
          %get3A_281 = arith.index_cast %add3A_280 : i32 to index
          %get3A_282 = tpu.vector_load %arg5[%get3A_281] {strides = array<i32>} : memref<16000xi32, #tpu.memory_space<vmem>>, vector<16xi32>,
          %get3A_283 = vector.shape_cast %get3A_282 : vector<16xi32> to vector<16xi32>
          %shift_right_logical3A_284 = arith.constant 5 : i32
          %shift_right_logical3A_285 = vector.broadcast %shift_right_logical3A_284 : i32 to vector<16xi32>
          %shift_right_logical3A_286 = arith.shrui %get3A_283, %shift_right_logical3A_285 : vector<16xi32>
          %swap3A_287 = arith.index_cast %add3A_280 : i32 to index
          %swap3A_288 = tpu.vector_load %arg7[%swap3A_287] {strides = array<i32>} : memref<16000xi32, #tpu.memory_space<vmem>>, vector<16xi32>,
          %swap3A_289 = vector.shape_cast %swap3A_288 : vector<16xi32> to vector<16xi32>
          %swap3A_290 = vector.shape_cast %shift_right_logical3A_286 : vector<16xi32> to vector<16xi32>
          tpu.vector_store %arg7[%swap3A_287], %swap3A_290 {strides = array<i32>} : memref<16000xi32, #tpu.memory_space<vmem>>, vector<16xi32>,
          %mul3A_291 = arith.constant 16 : i32
          %mul3A_292 = arith.muli %scan3A_181, %mul3A_291 : i32
          %mul3A_293 = arith.constant 8 : i32
          %mul3A_294 = arith.muli %mul3A_292, %mul3A_293 : i32
          %add3A_295 = arith.constant 112 : i32
          %add3A_296 = arith.addi %mul3A_294, %add3A_295 : i32
          %get3A_297 = arith.index_cast %add3A_296 : i32 to index
          %get3A_298 = tpu.vector_load %arg5[%get3A_297] {strides = array<i32>} : memref<16000xi32, #tpu.memory_space<vmem>>, vector<16xi32>,
          %get3A_299 = vector.shape_cast %get3A_298 : vector<16xi32> to vector<16xi32>
          %shift_right_logical3A_300 = arith.constant 5 : i32
          %shift_right_logical3A_301 = vector.broadcast %shift_right_logical3A_300 : i32 to vector<16xi32>
          %shift_right_logical3A_302 = arith.shrui %get3A_299, %shift_right_logical3A_301 : vector<16xi32>
          %swap3A_303 = arith.index_cast %add3A_296 : i32 to index
          %swap3A_304 = tpu.vector_load %arg7[%swap3A_303] {strides = array<i32>} : memref<16000xi32, #tpu.memory_space<vmem>>, vector<16xi32>,
          %swap3A_305 = vector.shape_cast %swap3A_304 : vector<16xi32> to vector<16xi32>
          %swap3A_306 = vector.shape_cast %shift_right_logical3A_302 : vector<16xi32> to vector<16xi32>
          tpu.vector_store %arg7[%swap3A_303], %swap3A_306 {strides = array<i32>} : memref<16000xi32, #tpu.memory_space<vmem>>, vector<16xi32>,
        }
        %scan3A_118 = arith.constant 32 : i32
        %dma_start3A_119 = arith.constant 12000 : i32
        %dma_start3A_120 = tpu.memref_slice %arg8[%dma_start3A_119] : memref<16000xi32, #tpu.memory_space<vmem>> -> memref<4000xi32, #tpu.memory_space<vmem>>
        %dma_start3A_121 = arith.constant 12000 : i32
        %dma_start3A_122 = tpu.memref_slice %arg7[%dma_start3A_121] : memref<16000xi32, #tpu.memory_space<vmem>> -> memref<4000xi32, #tpu.memory_space<vmem>>
        %dma_start3A_123 = arith.constant 0 : i32
        %dma_start3A_124 = tpu.memref_slice %arg9[%dma_start3A_123] : memref<1048576xi32, #tpu.memory_space<vmem_shared>> -> memref<1048576xi32, #tpu.memory_space<vmem_shared>>
        tpu.enqueue_indirect_dma source(%dma_start3A_124 : memref<1048576xi32, #tpu.memory_space<vmem_shared>>) target(%dma_start3A_120 : memref<4000xi32, #tpu.memory_space<vmem>>) offsets(%dma_start3A_122 : memref<4000xi32, #tpu.memory_space<vmem>>) semaphore(%arg15 : memref<!tpu.dma_semaphore, #tpu.memory_space<semaphore_mem>>)
        %dma_wait3A_125 = arith.constant 0 : i32
        %dma_wait3A_126 = tpu.memref_slice %arg8[%dma_wait3A_125] : memref<16000xi32, #tpu.memory_space<vmem>> -> memref<4000xi32, #tpu.memory_space<vmem>>
        %dma_wait3A_127 = arith.constant 0 : i32
        %dma_wait3A_128 = tpu.memref_slice %arg7[%dma_wait3A_127] : memref<16000xi32, #tpu.memory_space<vmem>> -> memref<4000xi32, #tpu.memory_space<vmem>>
        %dma_wait3A_129 = arith.constant 0 : i32
        %dma_wait3A_130 = tpu.memref_slice %arg9[%dma_wait3A_129] : memref<1048576xi32, #tpu.memory_space<vmem_shared>> -> memref<1048576xi32, #tpu.memory_space<vmem_shared>>
        tpu.wait_indirect_dma semaphore(%arg12 : memref<!tpu.dma_semaphore, #tpu.memory_space<semaphore_mem>>) src(%dma_wait3A_130 : memref<1048576xi32, #tpu.memory_space<vmem_shared>>) dst(%dma_wait3A_126 : memref<4000xi32, #tpu.memory_space<vmem>>)
        %scan3A_131 = arith.constant 0 : i32
        %scan3A_132 = arith.constant 0 : i32
        %scan3A_133 = arith.constant 31 : i32
        %scan3A_134 = arith.addi %scan3A_132, %scan3A_133 : i32
        %scan3A_135 = arith.constant 1 : i32
        scf.for %scan3A_181 = %scan3A_132 to %scan3A_134 step %scan3A_135  : i32 {
          %mul3A_182 = arith.constant 16 : i32
          %mul3A_183 = arith.muli %scan3A_181, %mul3A_182 : i32
          %mul3A_184 = arith.constant 8 : i32
          %mul3A_185 = arith.muli %mul3A_183, %mul3A_184 : i32
          %add3A_186 = arith.constant 0 : i32
          %add3A_187 = arith.addi %mul3A_185, %add3A_186 : i32
          %get3A = arith.index_cast %add3A_187 : i32 to index
          %get3A_188 = tpu.vector_load %arg8[%get3A] {strides = array<i32>} : memref<16000xi32, #tpu.memory_space<vmem>>, vector<16xi32>,
          %get3A_189 = vector.shape_cast %get3A_188 : vector<16xi32> to vector<16xi32>
          %get3A_190 = arith.index_cast %add3A_187 : i32 to index
          %get3A_191 = tpu.vector_load %arg5[%get3A_190] {strides = array<i32>} : memref<16000xi32, #tpu.memory_space<vmem>>, vector<16xi32>,
          %get3A_192 = vector.shape_cast %get3A_191 : vector<16xi32> to vector<16xi32>
          %and3A_193 = arith.constant 31 : i32
          %and3A_194 = vector.broadcast %and3A_193 : i32 to vector<16xi32>
          %and3A_195 = arith.andi %get3A_192, %and3A_194 : vector<16xi32>
          %shift_right_logical3A = arith.shrui %get3A_189, %and3A_195 : vector<16xi32>
          %and3A_196 = arith.constant 1 : i32
          %and3A_197 = vector.broadcast %and3A_196 : i32 to vector<16xi32>
          %and3A_198 = arith.andi %shift_right_logical3A, %and3A_197 : vector<16xi32>
          %swap3A = arith.index_cast %add3A_187 : i32 to index
          %swap3A_199 = tpu.vector_load %arg8[%swap3A] {strides = array<i32>} : memref<16000xi32, #tpu.memory_space<vmem>>, vector<16xi32>,
          %swap3A_200 = vector.shape_cast %swap3A_199 : vector<16xi32> to vector<16xi32>
          %swap3A_201 = vector.shape_cast %and3A_198 : vector<16xi32> to vector<16xi32>
          tpu.vector_store %arg8[%swap3A], %swap3A_201 {strides = array<i32>} : memref<16000xi32, #tpu.memory_space<vmem>>, vector<16xi32>,
          %mul3A_202 = arith.constant 16 : i32
          %mul3A_203 = arith.muli %scan3A_181, %mul3A_202 : i32
          %mul3A_204 = arith.constant 8 : i32
          %mul3A_205 = arith.muli %mul3A_203, %mul3A_204 : i32
          %add3A_206 = arith.constant 16 : i32
          %add3A_207 = arith.addi %mul3A_205, %add3A_206 : i32
          %get3A_208 = arith.index_cast %add3A_207 : i32 to index
          %get3A_209 = tpu.vector_load %arg8[%get3A_208] {strides = array<i32>} : memref<16000xi32, #tpu.memory_space<vmem>>, vector<16xi32>,
          %get3A_210 = vector.shape_cast %get3A_209 : vector<16xi32> to vector<16xi32>
          %get3A_211 = arith.index_cast %add3A_207 : i32 to index
          %get3A_212 = tpu.vector_load %arg5[%get3A_211] {strides = array<i32>} : memref<16000xi32, #tpu.memory_space<vmem>>, vector<16xi32>,
          %get3A_213 = vector.shape_cast %get3A_212 : vector<16xi32> to vector<16xi32>
          %and3A_214 = arith.constant 31 : i32
          %and3A_215 = vector.broadcast %and3A_214 : i32 to vector<16xi32>
          %and3A_216 = arith.andi %get3A_213, %and3A_215 : vector<16xi32>
          %shift_right_logical3A_217 = arith.shrui %get3A_210, %and3A_216 : vector<16xi32>
          %and3A_218 = arith.constant 1 : i32
          %and3A_219 = vector.broadcast %and3A_218 : i32 to vector<16xi32>
          %and3A_220 = arith.andi %shift_right_logical3A_217, %and3A_219 : vector<16xi32>
          %swap3A_221 = arith.index_cast %add3A_207 : i32 to index
          %swap3A_222 = tpu.vector_load %arg8[%swap3A_221] {strides = array<i32>} : memref<16000xi32, #tpu.memory_space<vmem>>, vector<16xi32>,
          %swap3A_223 = vector.shape_cast %swap3A_222 : vector<16xi32> to vector<16xi32>
          %swap3A_224 = vector.shape_cast %and3A_220 : vector<16xi32> to vector<16xi32>
          tpu.vector_store %arg8[%swap3A_221], %swap3A_224 {strides = array<i32>} : memref<16000xi32, #tpu.memory_space<vmem>>, vector<16xi32>,
          %mul3A_225 = arith.constant 16 : i32
          %mul3A_226 = arith.muli %scan3A_181, %mul3A_225 : i32
          %mul3A_227 = arith.constant 8 : i32
          %mul3A_228 = arith.muli %mul3A_226, %mul3A_227 : i32
          %add3A_229 = arith.constant 32 : i32
          %add3A_230 = arith.addi %mul3A_228, %add3A_229 : i32
          %get3A_231 = arith.index_cast %add3A_230 : i32 to index
          %get3A_232 = tpu.vector_load %arg8[%get3A_231] {strides = array<i32>} : memref<16000xi32, #tpu.memory_space<vmem>>, vector<16xi32>,
          %get3A_233 = vector.shape_cast %get3A_232 : vector<16xi32> to vector<16xi32>
          %get3A_234 = arith.index_cast %add3A_230 : i32 to index
          %get3A_235 = tpu.vector_load %arg5[%get3A_234] {strides = array<i32>} : memref<16000xi32, #tpu.memory_space<vmem>>, vector<16xi32>,
          %get3A_236 = vector.shape_cast %get3A_235 : vector<16xi32> to vector<16xi32>
          %and3A_237 = arith.constant 31 : i32
          %and3A_238 = vector.broadcast %and3A_237 : i32 to vector<16xi32>
          %and3A_239 = arith.andi %get3A_236, %and3A_238 : vector<16xi32>
          %shift_right_logical3A_240 = arith.shrui %get3A_233, %and3A_239 : vector<16xi32>
          %and3A_241 = arith.constant 1 : i32
          %and3A_242 = vector.broadcast %and3A_241 : i32 to vector<16xi32>
          %and3A_243 = arith.andi %shift_right_logical3A_240, %and3A_242 : vector<16xi32>
          %swap3A_244 = arith.index_cast %add3A_230 : i32 to index
          %swap3A_245 = tpu.vector_load %arg8[%swap3A_244] {strides = array<i32>} : memref<16000xi32, #tpu.memory_space<vmem>>, vector<16xi32>,
          %swap3A_246 = vector.shape_cast %swap3A_245 : vector<16xi32> to vector<16xi32>
          %swap3A_247 = vector.shape_cast %and3A_243 : vector<16xi32> to vector<16xi32>
          tpu.vector_store %arg8[%swap3A_244], %swap3A_247 {strides = array<i32>} : memref<16000xi32, #tpu.memory_space<vmem>>, vector<16xi32>,
          %mul3A_248 = arith.constant 16 : i32
          %mul3A_249 = arith.muli %scan3A_181, %mul3A_248 : i32
          %mul3A_250 = arith.constant 8 : i32
          %mul3A_251 = arith.muli %mul3A_249, %mul3A_250 : i32
          %add3A_252 = arith.constant 48 : i32
          %add3A_253 = arith.addi %mul3A_251, %add3A_252 : i32
          %get3A_254 = arith.index_cast %add3A_253 : i32 to index
          %get3A_255 = tpu.vector_load %arg8[%get3A_254] {strides = array<i32>} : memref<16000xi32, #tpu.memory_space<vmem>>, vector<16xi32>,
          %get3A_256 = vector.shape_cast %get3A_255 : vector<16xi32> to vector<16xi32>
          %get3A_257 = arith.index_cast %add3A_253 : i32 to index
          %get3A_258 = tpu.vector_load %arg5[%get3A_257] {strides = array<i32>} : memref<16000xi32, #tpu.memory_space<vmem>>, vector<16xi32>,
          %get3A_259 = vector.shape_cast %get3A_258 : vector<16xi32> to vector<16xi32>
          %and3A_260 = arith.constant 31 : i32
          %and3A_261 = vector.broadcast %and3A_260 : i32 to vector<16xi32>
          %and3A_262 = arith.andi %get3A_259, %and3A_261 : vector<16xi32>
          %shift_right_logical3A_263 = arith.shrui %get3A_256, %and3A_262 : vector<16xi32>
          %and3A_264 = arith.constant 1 : i32
          %and3A_265 = vector.broadcast %and3A_264 : i32 to vector<16xi32>
          %and3A_266 = arith.andi %shift_right_logical3A_263, %and3A_265 : vector<16xi32>
          %swap3A_267 = arith.index_cast %add3A_253 : i32 to index
          %swap3A_268 = tpu.vector_load %arg8[%swap3A_267] {strides = array<i32>} : memref<16000xi32, #tpu.memory_space<vmem>>, vector<16xi32>,
          %swap3A_269 = vector.shape_cast %swap3A_268 : vector<16xi32> to vector<16xi32>
          %swap3A_270 = vector.shape_cast %and3A_266 : vector<16xi32> to vector<16xi32>
          tpu.vector_store %arg8[%swap3A_267], %swap3A_270 {strides = array<i32>} : memref<16000xi32, #tpu.memory_space<vmem>>, vector<16xi32>,
          %mul3A_271 = arith.constant 16 : i32
          %mul3A_272 = arith.muli %scan3A_181, %mul3A_271 : i32
          %mul3A_273 = arith.constant 8 : i32
          %mul3A_274 = arith.muli %mul3A_272, %mul3A_273 : i32
          %add3A_275 = arith.constant 64 : i32
          %add3A_276 = arith.addi %mul3A_274, %add3A_275 : i32
          %get3A_277 = arith.index_cast %add3A_276 : i32 to index
          %get3A_278 = tpu.vector_load %arg8[%get3A_277] {strides = array<i32>} : memref<16000xi32, #tpu.memory_space<vmem>>, vector<16xi32>,
          %get3A_279 = vector.shape_cast %get3A_278 : vector<16xi32> to vector<16xi32>
          %get3A_280 = arith.index_cast %add3A_276 : i32 to index
          %get3A_281 = tpu.vector_load %arg5[%get3A_280] {strides = array<i32>} : memref<16000xi32, #tpu.memory_space<vmem>>, vector<16xi32>,
          %get3A_282 = vector.shape_cast %get3A_281 : vector<16xi32> to vector<16xi32>
          %and3A_283 = arith.constant 31 : i32
          %and3A_284 = vector.broadcast %and3A_283 : i32 to vector<16xi32>
          %and3A_285 = arith.andi %get3A_282, %and3A_284 : vector<16xi32>
          %shift_right_logical3A_286 = arith.shrui %get3A_279, %and3A_285 : vector<16xi32>
          %and3A_287 = arith.constant 1 : i32
          %and3A_288 = vector.broadcast %and3A_287 : i32 to vector<16xi32>
          %and3A_289 = arith.andi %shift_right_logical3A_286, %and3A_288 : vector<16xi32>
          %swap3A_290 = arith.index_cast %add3A_276 : i32 to index
          %swap3A_291 = tpu.vector_load %arg8[%swap3A_290] {strides = array<i32>} : memref<16000xi32, #tpu.memory_space<vmem>>, vector<16xi32>,
          %swap3A_292 = vector.shape_cast %swap3A_291 : vector<16xi32> to vector<16xi32>
          %swap3A_293 = vector.shape_cast %and3A_289 : vector<16xi32> to vector<16xi32>
          tpu.vector_store %arg8[%swap3A_290], %swap3A_293 {strides = array<i32>} : memref<16000xi32, #tpu.memory_space<vmem>>, vector<16xi32>,
          %mul3A_294 = arith.constant 16 : i32
          %mul3A_295 = arith.muli %scan3A_181, %mul3A_294 : i32
          %mul3A_296 = arith.constant 8 : i32
          %mul3A_297 = arith.muli %mul3A_295, %mul3A_296 : i32
          %add3A_298 = arith.constant 80 : i32
          %add3A_299 = arith.addi %mul3A_297, %add3A_298 : i32
          %get3A_300 = arith.index_cast %add3A_299 : i32 to index
          %get3A_301 = tpu.vector_load %arg8[%get3A_300] {strides = array<i32>} : memref<16000xi32, #tpu.memory_space<vmem>>, vector<16xi32>,
          %get3A_302 = vector.shape_cast %get3A_301 : vector<16xi32> to vector<16xi32>
          %get3A_303 = arith.index_cast %add3A_299 : i32 to index
          %get3A_304 = tpu.vector_load %arg5[%get3A_303] {strides = array<i32>} : memref<16000xi32, #tpu.memory_space<vmem>>, vector<16xi32>,
          %get3A_305 = vector.shape_cast %get3A_304 : vector<16xi32> to vector<16xi32>
          %and3A_306 = arith.constant 31 : i32
          %and3A_307 = vector.broadcast %and3A_306 : i32 to vector<16xi32>
          %and3A_308 = arith.andi %get3A_305, %and3A_307 : vector<16xi32>
          %shift_right_logical3A_309 = arith.shrui %get3A_302, %and3A_308 : vector<16xi32>
          %and3A_310 = arith.constant 1 : i32
          %and3A_311 = vector.broadcast %and3A_310 : i32 to vector<16xi32>
          %and3A_312 = arith.andi %shift_right_logical3A_309, %and3A_311 : vector<16xi32>
          %swap3A_313 = arith.index_cast %add3A_299 : i32 to index
          %swap3A_314 = tpu.vector_load %arg8[%swap3A_313] {strides = array<i32>} : memref<16000xi32, #tpu.memory_space<vmem>>, vector<16xi32>,
          %swap3A_315 = vector.shape_cast %swap3A_314 : vector<16xi32> to vector<16xi32>
          %swap3A_316 = vector.shape_cast %and3A_312 : vector<16xi32> to vector<16xi32>
          tpu.vector_store %arg8[%swap3A_313], %swap3A_316 {strides = array<i32>} : memref<16000xi32, #tpu.memory_space<vmem>>, vector<16xi32>,
          %mul3A_317 = arith.constant 16 : i32
          %mul3A_318 = arith.muli %scan3A_181, %mul3A_317 : i32
          %mul3A_319 = arith.constant 8 : i32
          %mul3A_320 = arith.muli %mul3A_318, %mul3A_319 : i32
          %add3A_321 = arith.constant 96 : i32
          %add3A_322 = arith.addi %mul3A_320, %add3A_321 : i32
          %get3A_323 = arith.index_cast %add3A_322 : i32 to index
          %get3A_324 = tpu.vector_load %arg8[%get3A_323] {strides = array<i32>} : memref<16000xi32, #tpu.memory_space<vmem>>, vector<16xi32>,
          %get3A_325 = vector.shape_cast %get3A_324 : vector<16xi32> to vector<16xi32>
          %get3A_326 = arith.index_cast %add3A_322 : i32 to index
          %get3A_327 = tpu.vector_load %arg5[%get3A_326] {strides = array<i32>} : memref<16000xi32, #tpu.memory_space<vmem>>, vector<16xi32>,
          %get3A_328 = vector.shape_cast %get3A_327 : vector<16xi32> to vector<16xi32>
          %and3A_329 = arith.constant 31 : i32
          %and3A_330 = vector.broadcast %and3A_329 : i32 to vector<16xi32>
          %and3A_331 = arith.andi %get3A_328, %and3A_330 : vector<16xi32>
          %shift_right_logical3A_332 = arith.shrui %get3A_325, %and3A_331 : vector<16xi32>
          %and3A_333 = arith.constant 1 : i32
          %and3A_334 = vector.broadcast %and3A_333 : i32 to vector<16xi32>
          %and3A_335 = arith.andi %shift_right_logical3A_332, %and3A_334 : vector<16xi32>
          %swap3A_336 = arith.index_cast %add3A_322 : i32 to index
          %swap3A_337 = tpu.vector_load %arg8[%swap3A_336] {strides = array<i32>} : memref<16000xi32, #tpu.memory_space<vmem>>, vector<16xi32>,
          %swap3A_338 = vector.shape_cast %swap3A_337 : vector<16xi32> to vector<16xi32>
          %swap3A_339 = vector.shape_cast %and3A_335 : vector<16xi32> to vector<16xi32>
          tpu.vector_store %arg8[%swap3A_336], %swap3A_339 {strides = array<i32>} : memref<16000xi32, #tpu.memory_space<vmem>>, vector<16xi32>,
          %mul3A_340 = arith.constant 16 : i32
          %mul3A_341 = arith.muli %scan3A_181, %mul3A_340 : i32
          %mul3A_342 = arith.constant 8 : i32
          %mul3A_343 = arith.muli %mul3A_341, %mul3A_342 : i32
          %add3A_344 = arith.constant 112 : i32
          %add3A_345 = arith.addi %mul3A_343, %add3A_344 : i32
          %get3A_346 = arith.index_cast %add3A_345 : i32 to index
          %get3A_347 = tpu.vector_load %arg8[%get3A_346] {strides = array<i32>} : memref<16000xi32, #tpu.memory_space<vmem>>, vector<16xi32>,
          %get3A_348 = vector.shape_cast %get3A_347 : vector<16xi32> to vector<16xi32>
          %get3A_349 = arith.index_cast %add3A_345 : i32 to index
          %get3A_350 = tpu.vector_load %arg5[%get3A_349] {strides = array<i32>} : memref<16000xi32, #tpu.memory_space<vmem>>, vector<16xi32>,
          %get3A_351 = vector.shape_cast %get3A_350 : vector<16xi32> to vector<16xi32>
          %and3A_352 = arith.constant 31 : i32
          %and3A_353 = vector.broadcast %and3A_352 : i32 to vector<16xi32>
          %and3A_354 = arith.andi %get3A_351, %and3A_353 : vector<16xi32>
          %shift_right_logical3A_355 = arith.shrui %get3A_348, %and3A_354 : vector<16xi32>
          %and3A_356 = arith.constant 1 : i32
          %and3A_357 = vector.broadcast %and3A_356 : i32 to vector<16xi32>
          %and3A_358 = arith.andi %shift_right_logical3A_355, %and3A_357 : vector<16xi32>
          %swap3A_359 = arith.index_cast %add3A_345 : i32 to index
          %swap3A_360 = tpu.vector_load %arg8[%swap3A_359] {strides = array<i32>} : memref<16000xi32, #tpu.memory_space<vmem>>, vector<16xi32>,
          %swap3A_361 = vector.shape_cast %swap3A_360 : vector<16xi32> to vector<16xi32>
          %swap3A_362 = vector.shape_cast %and3A_358 : vector<16xi32> to vector<16xi32>
          tpu.vector_store %arg8[%swap3A_359], %swap3A_362 {strides = array<i32>} : memref<16000xi32, #tpu.memory_space<vmem>>, vector<16xi32>,
        }
        %scan3A_136 = arith.constant 31 : i32
        %dma_wait3A_137 = arith.constant 4000 : i32
        %dma_wait3A_138 = tpu.memref_slice %arg8[%dma_wait3A_137] : memref<16000xi32, #tpu.memory_space<vmem>> -> memref<4000xi32, #tpu.memory_space<vmem>>
        %dma_wait3A_139 = arith.constant 4000 : i32
        %dma_wait3A_140 = tpu.memref_slice %arg7[%dma_wait3A_139] : memref<16000xi32, #tpu.memory_space<vmem>> -> memref<4000xi32, #tpu.memory_space<vmem>>
        %dma_wait3A_141 = arith.constant 0 : i32
        %dma_wait3A_142 = tpu.memref_slice %arg9[%dma_wait3A_141] : memref<1048576xi32, #tpu.memory_space<vmem_shared>> -> memref<1048576xi32, #tpu.memory_space<vmem_shared>>
        tpu.wait_indirect_dma semaphore(%arg13 : memref<!tpu.dma_semaphore, #tpu.memory_space<semaphore_mem>>) src(%dma_wait3A_142 : memref<1048576xi32, #tpu.memory_space<vmem_shared>>) dst(%dma_wait3A_138 : memref<4000xi32, #tpu.memory_space<vmem>>)
        %scan3A_143 = arith.constant 0 : i32
        %scan3A_144 = arith.constant 31 : i32
        %scan3A_145 = arith.constant 31 : i32
        %scan3A_146 = arith.addi %scan3A_144, %scan3A_145 : i32
        %scan3A_147 = arith.constant 1 : i32
        scf.for %scan3A_181 = %scan3A_144 to %scan3A_146 step %scan3A_147  : i32 {
          %mul3A_182 = arith.constant 16 : i32
          %mul3A_183 = arith.muli %scan3A_181, %mul3A_182 : i32
          %mul3A_184 = arith.constant 8 : i32
          %mul3A_185 = arith.muli %mul3A_183, %mul3A_184 : i32
          %add3A_186 = arith.constant 0 : i32
          %add3A_187 = arith.addi %mul3A_185, %add3A_186 : i32
          %get3A = arith.index_cast %add3A_187 : i32 to index
          %get3A_188 = tpu.vector_load %arg8[%get3A] {strides = array<i32>} : memref<16000xi32, #tpu.memory_space<vmem>>, vector<16xi32>,
          %get3A_189 = vector.shape_cast %get3A_188 : vector<16xi32> to vector<16xi32>
          %get3A_190 = arith.index_cast %add3A_187 : i32 to index
          %get3A_191 = tpu.vector_load %arg5[%get3A_190] {strides = array<i32>} : memref<16000xi32, #tpu.memory_space<vmem>>, vector<16xi32>,
          %get3A_192 = vector.shape_cast %get3A_191 : vector<16xi32> to vector<16xi32>
          %and3A_193 = arith.constant 31 : i32
          %and3A_194 = vector.broadcast %and3A_193 : i32 to vector<16xi32>
          %and3A_195 = arith.andi %get3A_192, %and3A_194 : vector<16xi32>
          %shift_right_logical3A = arith.shrui %get3A_189, %and3A_195 : vector<16xi32>
          %and3A_196 = arith.constant 1 : i32
          %and3A_197 = vector.broadcast %and3A_196 : i32 to vector<16xi32>
          %and3A_198 = arith.andi %shift_right_logical3A, %and3A_197 : vector<16xi32>
          %swap3A = arith.index_cast %add3A_187 : i32 to index
          %swap3A_199 = tpu.vector_load %arg8[%swap3A] {strides = array<i32>} : memref<16000xi32, #tpu.memory_space<vmem>>, vector<16xi32>,
          %swap3A_200 = vector.shape_cast %swap3A_199 : vector<16xi32> to vector<16xi32>
          %swap3A_201 = vector.shape_cast %and3A_198 : vector<16xi32> to vector<16xi32>
          tpu.vector_store %arg8[%swap3A], %swap3A_201 {strides = array<i32>} : memref<16000xi32, #tpu.memory_space<vmem>>, vector<16xi32>,
          %mul3A_202 = arith.constant 16 : i32
          %mul3A_203 = arith.muli %scan3A_181, %mul3A_202 : i32
          %mul3A_204 = arith.constant 8 : i32
          %mul3A_205 = arith.muli %mul3A_203, %mul3A_204 : i32
          %add3A_206 = arith.constant 16 : i32
          %add3A_207 = arith.addi %mul3A_205, %add3A_206 : i32
          %get3A_208 = arith.index_cast %add3A_207 : i32 to index
          %get3A_209 = tpu.vector_load %arg8[%get3A_208] {strides = array<i32>} : memref<16000xi32, #tpu.memory_space<vmem>>, vector<16xi32>,
          %get3A_210 = vector.shape_cast %get3A_209 : vector<16xi32> to vector<16xi32>
          %get3A_211 = arith.index_cast %add3A_207 : i32 to index
          %get3A_212 = tpu.vector_load %arg5[%get3A_211] {strides = array<i32>} : memref<16000xi32, #tpu.memory_space<vmem>>, vector<16xi32>,
          %get3A_213 = vector.shape_cast %get3A_212 : vector<16xi32> to vector<16xi32>
          %and3A_214 = arith.constant 31 : i32
          %and3A_215 = vector.broadcast %and3A_214 : i32 to vector<16xi32>
          %and3A_216 = arith.andi %get3A_213, %and3A_215 : vector<16xi32>
          %shift_right_logical3A_217 = arith.shrui %get3A_210, %and3A_216 : vector<16xi32>
          %and3A_218 = arith.constant 1 : i32
          %and3A_219 = vector.broadcast %and3A_218 : i32 to vector<16xi32>
          %and3A_220 = arith.andi %shift_right_logical3A_217, %and3A_219 : vector<16xi32>
          %swap3A_221 = arith.index_cast %add3A_207 : i32 to index
          %swap3A_222 = tpu.vector_load %arg8[%swap3A_221] {strides = array<i32>} : memref<16000xi32, #tpu.memory_space<vmem>>, vector<16xi32>,
          %swap3A_223 = vector.shape_cast %swap3A_222 : vector<16xi32> to vector<16xi32>
          %swap3A_224 = vector.shape_cast %and3A_220 : vector<16xi32> to vector<16xi32>
          tpu.vector_store %arg8[%swap3A_221], %swap3A_224 {strides = array<i32>} : memref<16000xi32, #tpu.memory_space<vmem>>, vector<16xi32>,
          %mul3A_225 = arith.constant 16 : i32
          %mul3A_226 = arith.muli %scan3A_181, %mul3A_225 : i32
          %mul3A_227 = arith.constant 8 : i32
          %mul3A_228 = arith.muli %mul3A_226, %mul3A_227 : i32
          %add3A_229 = arith.constant 32 : i32
          %add3A_230 = arith.addi %mul3A_228, %add3A_229 : i32
          %get3A_231 = arith.index_cast %add3A_230 : i32 to index
          %get3A_232 = tpu.vector_load %arg8[%get3A_231] {strides = array<i32>} : memref<16000xi32, #tpu.memory_space<vmem>>, vector<16xi32>,
          %get3A_233 = vector.shape_cast %get3A_232 : vector<16xi32> to vector<16xi32>
          %get3A_234 = arith.index_cast %add3A_230 : i32 to index
          %get3A_235 = tpu.vector_load %arg5[%get3A_234] {strides = array<i32>} : memref<16000xi32, #tpu.memory_space<vmem>>, vector<16xi32>,
          %get3A_236 = vector.shape_cast %get3A_235 : vector<16xi32> to vector<16xi32>
          %and3A_237 = arith.constant 31 : i32
          %and3A_238 = vector.broadcast %and3A_237 : i32 to vector<16xi32>
          %and3A_239 = arith.andi %get3A_236, %and3A_238 : vector<16xi32>
          %shift_right_logical3A_240 = arith.shrui %get3A_233, %and3A_239 : vector<16xi32>
          %and3A_241 = arith.constant 1 : i32
          %and3A_242 = vector.broadcast %and3A_241 : i32 to vector<16xi32>
          %and3A_243 = arith.andi %shift_right_logical3A_240, %and3A_242 : vector<16xi32>
          %swap3A_244 = arith.index_cast %add3A_230 : i32 to index
          %swap3A_245 = tpu.vector_load %arg8[%swap3A_244] {strides = array<i32>} : memref<16000xi32, #tpu.memory_space<vmem>>, vector<16xi32>,
          %swap3A_246 = vector.shape_cast %swap3A_245 : vector<16xi32> to vector<16xi32>
          %swap3A_247 = vector.shape_cast %and3A_243 : vector<16xi32> to vector<16xi32>
          tpu.vector_store %arg8[%swap3A_244], %swap3A_247 {strides = array<i32>} : memref<16000xi32, #tpu.memory_space<vmem>>, vector<16xi32>,
          %mul3A_248 = arith.constant 16 : i32
          %mul3A_249 = arith.muli %scan3A_181, %mul3A_248 : i32
          %mul3A_250 = arith.constant 8 : i32
          %mul3A_251 = arith.muli %mul3A_249, %mul3A_250 : i32
          %add3A_252 = arith.constant 48 : i32
          %add3A_253 = arith.addi %mul3A_251, %add3A_252 : i32
          %get3A_254 = arith.index_cast %add3A_253 : i32 to index
          %get3A_255 = tpu.vector_load %arg8[%get3A_254] {strides = array<i32>} : memref<16000xi32, #tpu.memory_space<vmem>>, vector<16xi32>,
          %get3A_256 = vector.shape_cast %get3A_255 : vector<16xi32> to vector<16xi32>
          %get3A_257 = arith.index_cast %add3A_253 : i32 to index
          %get3A_258 = tpu.vector_load %arg5[%get3A_257] {strides = array<i32>} : memref<16000xi32, #tpu.memory_space<vmem>>, vector<16xi32>,
          %get3A_259 = vector.shape_cast %get3A_258 : vector<16xi32> to vector<16xi32>
          %and3A_260 = arith.constant 31 : i32
          %and3A_261 = vector.broadcast %and3A_260 : i32 to vector<16xi32>
          %and3A_262 = arith.andi %get3A_259, %and3A_261 : vector<16xi32>
          %shift_right_logical3A_263 = arith.shrui %get3A_256, %and3A_262 : vector<16xi32>
          %and3A_264 = arith.constant 1 : i32
          %and3A_265 = vector.broadcast %and3A_264 : i32 to vector<16xi32>
          %and3A_266 = arith.andi %shift_right_logical3A_263, %and3A_265 : vector<16xi32>
          %swap3A_267 = arith.index_cast %add3A_253 : i32 to index
          %swap3A_268 = tpu.vector_load %arg8[%swap3A_267] {strides = array<i32>} : memref<16000xi32, #tpu.memory_space<vmem>>, vector<16xi32>,
          %swap3A_269 = vector.shape_cast %swap3A_268 : vector<16xi32> to vector<16xi32>
          %swap3A_270 = vector.shape_cast %and3A_266 : vector<16xi32> to vector<16xi32>
          tpu.vector_store %arg8[%swap3A_267], %swap3A_270 {strides = array<i32>} : memref<16000xi32, #tpu.memory_space<vmem>>, vector<16xi32>,
          %mul3A_271 = arith.constant 16 : i32
          %mul3A_272 = arith.muli %scan3A_181, %mul3A_271 : i32
          %mul3A_273 = arith.constant 8 : i32
          %mul3A_274 = arith.muli %mul3A_272, %mul3A_273 : i32
          %add3A_275 = arith.constant 64 : i32
          %add3A_276 = arith.addi %mul3A_274, %add3A_275 : i32
          %get3A_277 = arith.index_cast %add3A_276 : i32 to index
          %get3A_278 = tpu.vector_load %arg8[%get3A_277] {strides = array<i32>} : memref<16000xi32, #tpu.memory_space<vmem>>, vector<16xi32>,
          %get3A_279 = vector.shape_cast %get3A_278 : vector<16xi32> to vector<16xi32>
          %get3A_280 = arith.index_cast %add3A_276 : i32 to index
          %get3A_281 = tpu.vector_load %arg5[%get3A_280] {strides = array<i32>} : memref<16000xi32, #tpu.memory_space<vmem>>, vector<16xi32>,
          %get3A_282 = vector.shape_cast %get3A_281 : vector<16xi32> to vector<16xi32>
          %and3A_283 = arith.constant 31 : i32
          %and3A_284 = vector.broadcast %and3A_283 : i32 to vector<16xi32>
          %and3A_285 = arith.andi %get3A_282, %and3A_284 : vector<16xi32>
          %shift_right_logical3A_286 = arith.shrui %get3A_279, %and3A_285 : vector<16xi32>
          %and3A_287 = arith.constant 1 : i32
          %and3A_288 = vector.broadcast %and3A_287 : i32 to vector<16xi32>
          %and3A_289 = arith.andi %shift_right_logical3A_286, %and3A_288 : vector<16xi32>
          %swap3A_290 = arith.index_cast %add3A_276 : i32 to index
          %swap3A_291 = tpu.vector_load %arg8[%swap3A_290] {strides = array<i32>} : memref<16000xi32, #tpu.memory_space<vmem>>, vector<16xi32>,
          %swap3A_292 = vector.shape_cast %swap3A_291 : vector<16xi32> to vector<16xi32>
          %swap3A_293 = vector.shape_cast %and3A_289 : vector<16xi32> to vector<16xi32>
          tpu.vector_store %arg8[%swap3A_290], %swap3A_293 {strides = array<i32>} : memref<16000xi32, #tpu.memory_space<vmem>>, vector<16xi32>,
          %mul3A_294 = arith.constant 16 : i32
          %mul3A_295 = arith.muli %scan3A_181, %mul3A_294 : i32
          %mul3A_296 = arith.constant 8 : i32
          %mul3A_297 = arith.muli %mul3A_295, %mul3A_296 : i32
          %add3A_298 = arith.constant 80 : i32
          %add3A_299 = arith.addi %mul3A_297, %add3A_298 : i32
          %get3A_300 = arith.index_cast %add3A_299 : i32 to index
          %get3A_301 = tpu.vector_load %arg8[%get3A_300] {strides = array<i32>} : memref<16000xi32, #tpu.memory_space<vmem>>, vector<16xi32>,
          %get3A_302 = vector.shape_cast %get3A_301 : vector<16xi32> to vector<16xi32>
          %get3A_303 = arith.index_cast %add3A_299 : i32 to index
          %get3A_304 = tpu.vector_load %arg5[%get3A_303] {strides = array<i32>} : memref<16000xi32, #tpu.memory_space<vmem>>, vector<16xi32>,
          %get3A_305 = vector.shape_cast %get3A_304 : vector<16xi32> to vector<16xi32>
          %and3A_306 = arith.constant 31 : i32
          %and3A_307 = vector.broadcast %and3A_306 : i32 to vector<16xi32>
          %and3A_308 = arith.andi %get3A_305, %and3A_307 : vector<16xi32>
          %shift_right_logical3A_309 = arith.shrui %get3A_302, %and3A_308 : vector<16xi32>
          %and3A_310 = arith.constant 1 : i32
          %and3A_311 = vector.broadcast %and3A_310 : i32 to vector<16xi32>
          %and3A_312 = arith.andi %shift_right_logical3A_309, %and3A_311 : vector<16xi32>
          %swap3A_313 = arith.index_cast %add3A_299 : i32 to index
          %swap3A_314 = tpu.vector_load %arg8[%swap3A_313] {strides = array<i32>} : memref<16000xi32, #tpu.memory_space<vmem>>, vector<16xi32>,
          %swap3A_315 = vector.shape_cast %swap3A_314 : vector<16xi32> to vector<16xi32>
          %swap3A_316 = vector.shape_cast %and3A_312 : vector<16xi32> to vector<16xi32>
          tpu.vector_store %arg8[%swap3A_313], %swap3A_316 {strides = array<i32>} : memref<16000xi32, #tpu.memory_space<vmem>>, vector<16xi32>,
          %mul3A_317 = arith.constant 16 : i32
          %mul3A_318 = arith.muli %scan3A_181, %mul3A_317 : i32
          %mul3A_319 = arith.constant 8 : i32
          %mul3A_320 = arith.muli %mul3A_318, %mul3A_319 : i32
          %add3A_321 = arith.constant 96 : i32
          %add3A_322 = arith.addi %mul3A_320, %add3A_321 : i32
          %get3A_323 = arith.index_cast %add3A_322 : i32 to index
          %get3A_324 = tpu.vector_load %arg8[%get3A_323] {strides = array<i32>} : memref<16000xi32, #tpu.memory_space<vmem>>, vector<16xi32>,
          %get3A_325 = vector.shape_cast %get3A_324 : vector<16xi32> to vector<16xi32>
          %get3A_326 = arith.index_cast %add3A_322 : i32 to index
          %get3A_327 = tpu.vector_load %arg5[%get3A_326] {strides = array<i32>} : memref<16000xi32, #tpu.memory_space<vmem>>, vector<16xi32>,
          %get3A_328 = vector.shape_cast %get3A_327 : vector<16xi32> to vector<16xi32>
          %and3A_329 = arith.constant 31 : i32
          %and3A_330 = vector.broadcast %and3A_329 : i32 to vector<16xi32>
          %and3A_331 = arith.andi %get3A_328, %and3A_330 : vector<16xi32>
          %shift_right_logical3A_332 = arith.shrui %get3A_325, %and3A_331 : vector<16xi32>
          %and3A_333 = arith.constant 1 : i32
          %and3A_334 = vector.broadcast %and3A_333 : i32 to vector<16xi32>
          %and3A_335 = arith.andi %shift_right_logical3A_332, %and3A_334 : vector<16xi32>
          %swap3A_336 = arith.index_cast %add3A_322 : i32 to index
          %swap3A_337 = tpu.vector_load %arg8[%swap3A_336] {strides = array<i32>} : memref<16000xi32, #tpu.memory_space<vmem>>, vector<16xi32>,
          %swap3A_338 = vector.shape_cast %swap3A_337 : vector<16xi32> to vector<16xi32>
          %swap3A_339 = vector.shape_cast %and3A_335 : vector<16xi32> to vector<16xi32>
          tpu.vector_store %arg8[%swap3A_336], %swap3A_339 {strides = array<i32>} : memref<16000xi32, #tpu.memory_space<vmem>>, vector<16xi32>,
          %mul3A_340 = arith.constant 16 : i32
          %mul3A_341 = arith.muli %scan3A_181, %mul3A_340 : i32
          %mul3A_342 = arith.constant 8 : i32
          %mul3A_343 = arith.muli %mul3A_341, %mul3A_342 : i32
          %add3A_344 = arith.constant 112 : i32
          %add3A_345 = arith.addi %mul3A_343, %add3A_344 : i32
          %get3A_346 = arith.index_cast %add3A_345 : i32 to index
          %get3A_347 = tpu.vector_load %arg8[%get3A_346] {strides = array<i32>} : memref<16000xi32, #tpu.memory_space<vmem>>, vector<16xi32>,
          %get3A_348 = vector.shape_cast %get3A_347 : vector<16xi32> to vector<16xi32>
          %get3A_349 = arith.index_cast %add3A_345 : i32 to index
          %get3A_350 = tpu.vector_load %arg5[%get3A_349] {strides = array<i32>} : memref<16000xi32, #tpu.memory_space<vmem>>, vector<16xi32>,
          %get3A_351 = vector.shape_cast %get3A_350 : vector<16xi32> to vector<16xi32>
          %and3A_352 = arith.constant 31 : i32
          %and3A_353 = vector.broadcast %and3A_352 : i32 to vector<16xi32>
          %and3A_354 = arith.andi %get3A_351, %and3A_353 : vector<16xi32>
          %shift_right_logical3A_355 = arith.shrui %get3A_348, %and3A_354 : vector<16xi32>
          %and3A_356 = arith.constant 1 : i32
          %and3A_357 = vector.broadcast %and3A_356 : i32 to vector<16xi32>
          %and3A_358 = arith.andi %shift_right_logical3A_355, %and3A_357 : vector<16xi32>
          %swap3A_359 = arith.index_cast %add3A_345 : i32 to index
          %swap3A_360 = tpu.vector_load %arg8[%swap3A_359] {strides = array<i32>} : memref<16000xi32, #tpu.memory_space<vmem>>, vector<16xi32>,
          %swap3A_361 = vector.shape_cast %swap3A_360 : vector<16xi32> to vector<16xi32>
          %swap3A_362 = vector.shape_cast %and3A_358 : vector<16xi32> to vector<16xi32>
          tpu.vector_store %arg8[%swap3A_359], %swap3A_362 {strides = array<i32>} : memref<16000xi32, #tpu.memory_space<vmem>>, vector<16xi32>,
        }
        %scan3A_148 = arith.constant 31 : i32
        %dma_wait3A_149 = arith.constant 8000 : i32
        %dma_wait3A_150 = tpu.memref_slice %arg8[%dma_wait3A_149] : memref<16000xi32, #tpu.memory_space<vmem>> -> memref<4000xi32, #tpu.memory_space<vmem>>
        %dma_wait3A_151 = arith.constant 8000 : i32
        %dma_wait3A_152 = tpu.memref_slice %arg7[%dma_wait3A_151] : memref<16000xi32, #tpu.memory_space<vmem>> -> memref<4000xi32, #tpu.memory_space<vmem>>
        %dma_wait3A_153 = arith.constant 0 : i32
        %dma_wait3A_154 = tpu.memref_slice %arg9[%dma_wait3A_153] : memref<1048576xi32, #tpu.memory_space<vmem_shared>> -> memref<1048576xi32, #tpu.memory_space<vmem_shared>>
        tpu.wait_indirect_dma semaphore(%arg14 : memref<!tpu.dma_semaphore, #tpu.memory_space<semaphore_mem>>) src(%dma_wait3A_154 : memref<1048576xi32, #tpu.memory_space<vmem_shared>>) dst(%dma_wait3A_150 : memref<4000xi32, #tpu.memory_space<vmem>>)
        %scan3A_155 = arith.constant 0 : i32
        %scan3A_156 = arith.constant 62 : i32
        %scan3A_157 = arith.constant 31 : i32
        %scan3A_158 = arith.addi %scan3A_156, %scan3A_157 : i32
        %scan3A_159 = arith.constant 1 : i32
        scf.for %scan3A_181 = %scan3A_156 to %scan3A_158 step %scan3A_159  : i32 {
          %mul3A_182 = arith.constant 16 : i32
          %mul3A_183 = arith.muli %scan3A_181, %mul3A_182 : i32
          %mul3A_184 = arith.constant 8 : i32
          %mul3A_185 = arith.muli %mul3A_183, %mul3A_184 : i32
          %add3A_186 = arith.constant 0 : i32
          %add3A_187 = arith.addi %mul3A_185, %add3A_186 : i32
          %get3A = arith.index_cast %add3A_187 : i32 to index
          %get3A_188 = tpu.vector_load %arg8[%get3A] {strides = array<i32>} : memref<16000xi32, #tpu.memory_space<vmem>>, vector<16xi32>,
          %get3A_189 = vector.shape_cast %get3A_188 : vector<16xi32> to vector<16xi32>
          %get3A_190 = arith.index_cast %add3A_187 : i32 to index
          %get3A_191 = tpu.vector_load %arg5[%get3A_190] {strides = array<i32>} : memref<16000xi32, #tpu.memory_space<vmem>>, vector<16xi32>,
          %get3A_192 = vector.shape_cast %get3A_191 : vector<16xi32> to vector<16xi32>
          %and3A_193 = arith.constant 31 : i32
          %and3A_194 = vector.broadcast %and3A_193 : i32 to vector<16xi32>
          %and3A_195 = arith.andi %get3A_192, %and3A_194 : vector<16xi32>
          %shift_right_logical3A = arith.shrui %get3A_189, %and3A_195 : vector<16xi32>
          %and3A_196 = arith.constant 1 : i32
          %and3A_197 = vector.broadcast %and3A_196 : i32 to vector<16xi32>
          %and3A_198 = arith.andi %shift_right_logical3A, %and3A_197 : vector<16xi32>
          %swap3A = arith.index_cast %add3A_187 : i32 to index
          %swap3A_199 = tpu.vector_load %arg8[%swap3A] {strides = array<i32>} : memref<16000xi32, #tpu.memory_space<vmem>>, vector<16xi32>,
          %swap3A_200 = vector.shape_cast %swap3A_199 : vector<16xi32> to vector<16xi32>
          %swap3A_201 = vector.shape_cast %and3A_198 : vector<16xi32> to vector<16xi32>
          tpu.vector_store %arg8[%swap3A], %swap3A_201 {strides = array<i32>} : memref<16000xi32, #tpu.memory_space<vmem>>, vector<16xi32>,
          %mul3A_202 = arith.constant 16 : i32
          %mul3A_203 = arith.muli %scan3A_181, %mul3A_202 : i32
          %mul3A_204 = arith.constant 8 : i32
          %mul3A_205 = arith.muli %mul3A_203, %mul3A_204 : i32
          %add3A_206 = arith.constant 16 : i32
          %add3A_207 = arith.addi %mul3A_205, %add3A_206 : i32
          %get3A_208 = arith.index_cast %add3A_207 : i32 to index
          %get3A_209 = tpu.vector_load %arg8[%get3A_208] {strides = array<i32>} : memref<16000xi32, #tpu.memory_space<vmem>>, vector<16xi32>,
          %get3A_210 = vector.shape_cast %get3A_209 : vector<16xi32> to vector<16xi32>
          %get3A_211 = arith.index_cast %add3A_207 : i32 to index
          %get3A_212 = tpu.vector_load %arg5[%get3A_211] {strides = array<i32>} : memref<16000xi32, #tpu.memory_space<vmem>>, vector<16xi32>,
          %get3A_213 = vector.shape_cast %get3A_212 : vector<16xi32> to vector<16xi32>
          %and3A_214 = arith.constant 31 : i32
          %and3A_215 = vector.broadcast %and3A_214 : i32 to vector<16xi32>
          %and3A_216 = arith.andi %get3A_213, %and3A_215 : vector<16xi32>
          %shift_right_logical3A_217 = arith.shrui %get3A_210, %and3A_216 : vector<16xi32>
          %and3A_218 = arith.constant 1 : i32
          %and3A_219 = vector.broadcast %and3A_218 : i32 to vector<16xi32>
          %and3A_220 = arith.andi %shift_right_logical3A_217, %and3A_219 : vector<16xi32>
          %swap3A_221 = arith.index_cast %add3A_207 : i32 to index
          %swap3A_222 = tpu.vector_load %arg8[%swap3A_221] {strides = array<i32>} : memref<16000xi32, #tpu.memory_space<vmem>>, vector<16xi32>,
          %swap3A_223 = vector.shape_cast %swap3A_222 : vector<16xi32> to vector<16xi32>
          %swap3A_224 = vector.shape_cast %and3A_220 : vector<16xi32> to vector<16xi32>
          tpu.vector_store %arg8[%swap3A_221], %swap3A_224 {strides = array<i32>} : memref<16000xi32, #tpu.memory_space<vmem>>, vector<16xi32>,
          %mul3A_225 = arith.constant 16 : i32
          %mul3A_226 = arith.muli %scan3A_181, %mul3A_225 : i32
          %mul3A_227 = arith.constant 8 : i32
          %mul3A_228 = arith.muli %mul3A_226, %mul3A_227 : i32
          %add3A_229 = arith.constant 32 : i32
          %add3A_230 = arith.addi %mul3A_228, %add3A_229 : i32
          %get3A_231 = arith.index_cast %add3A_230 : i32 to index
          %get3A_232 = tpu.vector_load %arg8[%get3A_231] {strides = array<i32>} : memref<16000xi32, #tpu.memory_space<vmem>>, vector<16xi32>,
          %get3A_233 = vector.shape_cast %get3A_232 : vector<16xi32> to vector<16xi32>
          %get3A_234 = arith.index_cast %add3A_230 : i32 to index
          %get3A_235 = tpu.vector_load %arg5[%get3A_234] {strides = array<i32>} : memref<16000xi32, #tpu.memory_space<vmem>>, vector<16xi32>,
          %get3A_236 = vector.shape_cast %get3A_235 : vector<16xi32> to vector<16xi32>
          %and3A_237 = arith.constant 31 : i32
          %and3A_238 = vector.broadcast %and3A_237 : i32 to vector<16xi32>
          %and3A_239 = arith.andi %get3A_236, %and3A_238 : vector<16xi32>
          %shift_right_logical3A_240 = arith.shrui %get3A_233, %and3A_239 : vector<16xi32>
          %and3A_241 = arith.constant 1 : i32
          %and3A_242 = vector.broadcast %and3A_241 : i32 to vector<16xi32>
          %and3A_243 = arith.andi %shift_right_logical3A_240, %and3A_242 : vector<16xi32>
          %swap3A_244 = arith.index_cast %add3A_230 : i32 to index
          %swap3A_245 = tpu.vector_load %arg8[%swap3A_244] {strides = array<i32>} : memref<16000xi32, #tpu.memory_space<vmem>>, vector<16xi32>,
          %swap3A_246 = vector.shape_cast %swap3A_245 : vector<16xi32> to vector<16xi32>
          %swap3A_247 = vector.shape_cast %and3A_243 : vector<16xi32> to vector<16xi32>
          tpu.vector_store %arg8[%swap3A_244], %swap3A_247 {strides = array<i32>} : memref<16000xi32, #tpu.memory_space<vmem>>, vector<16xi32>,
          %mul3A_248 = arith.constant 16 : i32
          %mul3A_249 = arith.muli %scan3A_181, %mul3A_248 : i32
          %mul3A_250 = arith.constant 8 : i32
          %mul3A_251 = arith.muli %mul3A_249, %mul3A_250 : i32
          %add3A_252 = arith.constant 48 : i32
          %add3A_253 = arith.addi %mul3A_251, %add3A_252 : i32
          %get3A_254 = arith.index_cast %add3A_253 : i32 to index
          %get3A_255 = tpu.vector_load %arg8[%get3A_254] {strides = array<i32>} : memref<16000xi32, #tpu.memory_space<vmem>>, vector<16xi32>,
          %get3A_256 = vector.shape_cast %get3A_255 : vector<16xi32> to vector<16xi32>
          %get3A_257 = arith.index_cast %add3A_253 : i32 to index
          %get3A_258 = tpu.vector_load %arg5[%get3A_257] {strides = array<i32>} : memref<16000xi32, #tpu.memory_space<vmem>>, vector<16xi32>,
          %get3A_259 = vector.shape_cast %get3A_258 : vector<16xi32> to vector<16xi32>
          %and3A_260 = arith.constant 31 : i32
          %and3A_261 = vector.broadcast %and3A_260 : i32 to vector<16xi32>
          %and3A_262 = arith.andi %get3A_259, %and3A_261 : vector<16xi32>
          %shift_right_logical3A_263 = arith.shrui %get3A_256, %and3A_262 : vector<16xi32>
          %and3A_264 = arith.constant 1 : i32
          %and3A_265 = vector.broadcast %and3A_264 : i32 to vector<16xi32>
          %and3A_266 = arith.andi %shift_right_logical3A_263, %and3A_265 : vector<16xi32>
          %swap3A_267 = arith.index_cast %add3A_253 : i32 to index
          %swap3A_268 = tpu.vector_load %arg8[%swap3A_267] {strides = array<i32>} : memref<16000xi32, #tpu.memory_space<vmem>>, vector<16xi32>,
          %swap3A_269 = vector.shape_cast %swap3A_268 : vector<16xi32> to vector<16xi32>
          %swap3A_270 = vector.shape_cast %and3A_266 : vector<16xi32> to vector<16xi32>
          tpu.vector_store %arg8[%swap3A_267], %swap3A_270 {strides = array<i32>} : memref<16000xi32, #tpu.memory_space<vmem>>, vector<16xi32>,
          %mul3A_271 = arith.constant 16 : i32
          %mul3A_272 = arith.muli %scan3A_181, %mul3A_271 : i32
          %mul3A_273 = arith.constant 8 : i32
          %mul3A_274 = arith.muli %mul3A_272, %mul3A_273 : i32
          %add3A_275 = arith.constant 64 : i32
          %add3A_276 = arith.addi %mul3A_274, %add3A_275 : i32
          %get3A_277 = arith.index_cast %add3A_276 : i32 to index
          %get3A_278 = tpu.vector_load %arg8[%get3A_277] {strides = array<i32>} : memref<16000xi32, #tpu.memory_space<vmem>>, vector<16xi32>,
          %get3A_279 = vector.shape_cast %get3A_278 : vector<16xi32> to vector<16xi32>
          %get3A_280 = arith.index_cast %add3A_276 : i32 to index
          %get3A_281 = tpu.vector_load %arg5[%get3A_280] {strides = array<i32>} : memref<16000xi32, #tpu.memory_space<vmem>>, vector<16xi32>,
          %get3A_282 = vector.shape_cast %get3A_281 : vector<16xi32> to vector<16xi32>
          %and3A_283 = arith.constant 31 : i32
          %and3A_284 = vector.broadcast %and3A_283 : i32 to vector<16xi32>
          %and3A_285 = arith.andi %get3A_282, %and3A_284 : vector<16xi32>
          %shift_right_logical3A_286 = arith.shrui %get3A_279, %and3A_285 : vector<16xi32>
          %and3A_287 = arith.constant 1 : i32
          %and3A_288 = vector.broadcast %and3A_287 : i32 to vector<16xi32>
          %and3A_289 = arith.andi %shift_right_logical3A_286, %and3A_288 : vector<16xi32>
          %swap3A_290 = arith.index_cast %add3A_276 : i32 to index
          %swap3A_291 = tpu.vector_load %arg8[%swap3A_290] {strides = array<i32>} : memref<16000xi32, #tpu.memory_space<vmem>>, vector<16xi32>,
          %swap3A_292 = vector.shape_cast %swap3A_291 : vector<16xi32> to vector<16xi32>
          %swap3A_293 = vector.shape_cast %and3A_289 : vector<16xi32> to vector<16xi32>
          tpu.vector_store %arg8[%swap3A_290], %swap3A_293 {strides = array<i32>} : memref<16000xi32, #tpu.memory_space<vmem>>, vector<16xi32>,
          %mul3A_294 = arith.constant 16 : i32
          %mul3A_295 = arith.muli %scan3A_181, %mul3A_294 : i32
          %mul3A_296 = arith.constant 8 : i32
          %mul3A_297 = arith.muli %mul3A_295, %mul3A_296 : i32
          %add3A_298 = arith.constant 80 : i32
          %add3A_299 = arith.addi %mul3A_297, %add3A_298 : i32
          %get3A_300 = arith.index_cast %add3A_299 : i32 to index
          %get3A_301 = tpu.vector_load %arg8[%get3A_300] {strides = array<i32>} : memref<16000xi32, #tpu.memory_space<vmem>>, vector<16xi32>,
          %get3A_302 = vector.shape_cast %get3A_301 : vector<16xi32> to vector<16xi32>
          %get3A_303 = arith.index_cast %add3A_299 : i32 to index
          %get3A_304 = tpu.vector_load %arg5[%get3A_303] {strides = array<i32>} : memref<16000xi32, #tpu.memory_space<vmem>>, vector<16xi32>,
          %get3A_305 = vector.shape_cast %get3A_304 : vector<16xi32> to vector<16xi32>
          %and3A_306 = arith.constant 31 : i32
          %and3A_307 = vector.broadcast %and3A_306 : i32 to vector<16xi32>
          %and3A_308 = arith.andi %get3A_305, %and3A_307 : vector<16xi32>
          %shift_right_logical3A_309 = arith.shrui %get3A_302, %and3A_308 : vector<16xi32>
          %and3A_310 = arith.constant 1 : i32
          %and3A_311 = vector.broadcast %and3A_310 : i32 to vector<16xi32>
          %and3A_312 = arith.andi %shift_right_logical3A_309, %and3A_311 : vector<16xi32>
          %swap3A_313 = arith.index_cast %add3A_299 : i32 to index
          %swap3A_314 = tpu.vector_load %arg8[%swap3A_313] {strides = array<i32>} : memref<16000xi32, #tpu.memory_space<vmem>>, vector<16xi32>,
          %swap3A_315 = vector.shape_cast %swap3A_314 : vector<16xi32> to vector<16xi32>
          %swap3A_316 = vector.shape_cast %and3A_312 : vector<16xi32> to vector<16xi32>
          tpu.vector_store %arg8[%swap3A_313], %swap3A_316 {strides = array<i32>} : memref<16000xi32, #tpu.memory_space<vmem>>, vector<16xi32>,
          %mul3A_317 = arith.constant 16 : i32
          %mul3A_318 = arith.muli %scan3A_181, %mul3A_317 : i32
          %mul3A_319 = arith.constant 8 : i32
          %mul3A_320 = arith.muli %mul3A_318, %mul3A_319 : i32
          %add3A_321 = arith.constant 96 : i32
          %add3A_322 = arith.addi %mul3A_320, %add3A_321 : i32
          %get3A_323 = arith.index_cast %add3A_322 : i32 to index
          %get3A_324 = tpu.vector_load %arg8[%get3A_323] {strides = array<i32>} : memref<16000xi32, #tpu.memory_space<vmem>>, vector<16xi32>,
          %get3A_325 = vector.shape_cast %get3A_324 : vector<16xi32> to vector<16xi32>
          %get3A_326 = arith.index_cast %add3A_322 : i32 to index
          %get3A_327 = tpu.vector_load %arg5[%get3A_326] {strides = array<i32>} : memref<16000xi32, #tpu.memory_space<vmem>>, vector<16xi32>,
          %get3A_328 = vector.shape_cast %get3A_327 : vector<16xi32> to vector<16xi32>
          %and3A_329 = arith.constant 31 : i32
          %and3A_330 = vector.broadcast %and3A_329 : i32 to vector<16xi32>
          %and3A_331 = arith.andi %get3A_328, %and3A_330 : vector<16xi32>
          %shift_right_logical3A_332 = arith.shrui %get3A_325, %and3A_331 : vector<16xi32>
          %and3A_333 = arith.constant 1 : i32
          %and3A_334 = vector.broadcast %and3A_333 : i32 to vector<16xi32>
          %and3A_335 = arith.andi %shift_right_logical3A_332, %and3A_334 : vector<16xi32>
          %swap3A_336 = arith.index_cast %add3A_322 : i32 to index
          %swap3A_337 = tpu.vector_load %arg8[%swap3A_336] {strides = array<i32>} : memref<16000xi32, #tpu.memory_space<vmem>>, vector<16xi32>,
          %swap3A_338 = vector.shape_cast %swap3A_337 : vector<16xi32> to vector<16xi32>
          %swap3A_339 = vector.shape_cast %and3A_335 : vector<16xi32> to vector<16xi32>
          tpu.vector_store %arg8[%swap3A_336], %swap3A_339 {strides = array<i32>} : memref<16000xi32, #tpu.memory_space<vmem>>, vector<16xi32>,
          %mul3A_340 = arith.constant 16 : i32
          %mul3A_341 = arith.muli %scan3A_181, %mul3A_340 : i32
          %mul3A_342 = arith.constant 8 : i32
          %mul3A_343 = arith.muli %mul3A_341, %mul3A_342 : i32
          %add3A_344 = arith.constant 112 : i32
          %add3A_345 = arith.addi %mul3A_343, %add3A_344 : i32
          %get3A_346 = arith.index_cast %add3A_345 : i32 to index
          %get3A_347 = tpu.vector_load %arg8[%get3A_346] {strides = array<i32>} : memref<16000xi32, #tpu.memory_space<vmem>>, vector<16xi32>,
          %get3A_348 = vector.shape_cast %get3A_347 : vector<16xi32> to vector<16xi32>
          %get3A_349 = arith.index_cast %add3A_345 : i32 to index
          %get3A_350 = tpu.vector_load %arg5[%get3A_349] {strides = array<i32>} : memref<16000xi32, #tpu.memory_space<vmem>>, vector<16xi32>,
          %get3A_351 = vector.shape_cast %get3A_350 : vector<16xi32> to vector<16xi32>
          %and3A_352 = arith.constant 31 : i32
          %and3A_353 = vector.broadcast %and3A_352 : i32 to vector<16xi32>
          %and3A_354 = arith.andi %get3A_351, %and3A_353 : vector<16xi32>
          %shift_right_logical3A_355 = arith.shrui %get3A_348, %and3A_354 : vector<16xi32>
          %and3A_356 = arith.constant 1 : i32
          %and3A_357 = vector.broadcast %and3A_356 : i32 to vector<16xi32>
          %and3A_358 = arith.andi %shift_right_logical3A_355, %and3A_357 : vector<16xi32>
          %swap3A_359 = arith.index_cast %add3A_345 : i32 to index
          %swap3A_360 = tpu.vector_load %arg8[%swap3A_359] {strides = array<i32>} : memref<16000xi32, #tpu.memory_space<vmem>>, vector<16xi32>,
          %swap3A_361 = vector.shape_cast %swap3A_360 : vector<16xi32> to vector<16xi32>
          %swap3A_362 = vector.shape_cast %and3A_358 : vector<16xi32> to vector<16xi32>
          tpu.vector_store %arg8[%swap3A_359], %swap3A_362 {strides = array<i32>} : memref<16000xi32, #tpu.memory_space<vmem>>, vector<16xi32>,
        }
        %scan3A_160 = arith.constant 31 : i32
        %dma_wait3A_161 = arith.constant 12000 : i32
        %dma_wait3A_162 = tpu.memref_slice %arg8[%dma_wait3A_161] : memref<16000xi32, #tpu.memory_space<vmem>> -> memref<4000xi32, #tpu.memory_space<vmem>>
        %dma_wait3A_163 = arith.constant 12000 : i32
        %dma_wait3A_164 = tpu.memref_slice %arg7[%dma_wait3A_163] : memref<16000xi32, #tpu.memory_space<vmem>> -> memref<4000xi32, #tpu.memory_space<vmem>>
        %dma_wait3A_165 = arith.constant 0 : i32
        %dma_wait3A_166 = tpu.memref_slice %arg9[%dma_wait3A_165] : memref<1048576xi32, #tpu.memory_space<vmem_shared>> -> memref<1048576xi32, #tpu.memory_space<vmem_shared>>
        tpu.wait_indirect_dma semaphore(%arg15 : memref<!tpu.dma_semaphore, #tpu.memory_space<semaphore_mem>>) src(%dma_wait3A_166 : memref<1048576xi32, #tpu.memory_space<vmem_shared>>) dst(%dma_wait3A_162 : memref<4000xi32, #tpu.memory_space<vmem>>)
        %scan3A_167 = arith.constant 0 : i32
        %scan3A_168 = arith.constant 93 : i32
        %scan3A_169 = arith.constant 32 : i32
        %scan3A_170 = arith.addi %scan3A_168, %scan3A_169 : i32
        %scan3A_171 = arith.constant 1 : i32
        scf.for %scan3A_181 = %scan3A_168 to %scan3A_170 step %scan3A_171  : i32 {
          %mul3A_182 = arith.constant 16 : i32
          %mul3A_183 = arith.muli %scan3A_181, %mul3A_182 : i32
          %mul3A_184 = arith.constant 8 : i32
          %mul3A_185 = arith.muli %mul3A_183, %mul3A_184 : i32
          %add3A_186 = arith.constant 0 : i32
          %add3A_187 = arith.addi %mul3A_185, %add3A_186 : i32
          %get3A = arith.index_cast %add3A_187 : i32 to index
          %get3A_188 = tpu.vector_load %arg8[%get3A] {strides = array<i32>} : memref<16000xi32, #tpu.memory_space<vmem>>, vector<16xi32>,
          %get3A_189 = vector.shape_cast %get3A_188 : vector<16xi32> to vector<16xi32>
          %get3A_190 = arith.index_cast %add3A_187 : i32 to index
          %get3A_191 = tpu.vector_load %arg5[%get3A_190] {strides = array<i32>} : memref<16000xi32, #tpu.memory_space<vmem>>, vector<16xi32>,
          %get3A_192 = vector.shape_cast %get3A_191 : vector<16xi32> to vector<16xi32>
          %and3A_193 = arith.constant 31 : i32
          %and3A_194 = vector.broadcast %and3A_193 : i32 to vector<16xi32>
          %and3A_195 = arith.andi %get3A_192, %and3A_194 : vector<16xi32>
          %shift_right_logical3A = arith.shrui %get3A_189, %and3A_195 : vector<16xi32>
          %and3A_196 = arith.constant 1 : i32
          %and3A_197 = vector.broadcast %and3A_196 : i32 to vector<16xi32>
          %and3A_198 = arith.andi %shift_right_logical3A, %and3A_197 : vector<16xi32>
          %swap3A = arith.index_cast %add3A_187 : i32 to index
          %swap3A_199 = tpu.vector_load %arg8[%swap3A] {strides = array<i32>} : memref<16000xi32, #tpu.memory_space<vmem>>, vector<16xi32>,
          %swap3A_200 = vector.shape_cast %swap3A_199 : vector<16xi32> to vector<16xi32>
          %swap3A_201 = vector.shape_cast %and3A_198 : vector<16xi32> to vector<16xi32>
          tpu.vector_store %arg8[%swap3A], %swap3A_201 {strides = array<i32>} : memref<16000xi32, #tpu.memory_space<vmem>>, vector<16xi32>,
          %mul3A_202 = arith.constant 16 : i32
          %mul3A_203 = arith.muli %scan3A_181, %mul3A_202 : i32
          %mul3A_204 = arith.constant 8 : i32
          %mul3A_205 = arith.muli %mul3A_203, %mul3A_204 : i32
          %add3A_206 = arith.constant 16 : i32
          %add3A_207 = arith.addi %mul3A_205, %add3A_206 : i32
          %get3A_208 = arith.index_cast %add3A_207 : i32 to index
          %get3A_209 = tpu.vector_load %arg8[%get3A_208] {strides = array<i32>} : memref<16000xi32, #tpu.memory_space<vmem>>, vector<16xi32>,
          %get3A_210 = vector.shape_cast %get3A_209 : vector<16xi32> to vector<16xi32>
          %get3A_211 = arith.index_cast %add3A_207 : i32 to index
          %get3A_212 = tpu.vector_load %arg5[%get3A_211] {strides = array<i32>} : memref<16000xi32, #tpu.memory_space<vmem>>, vector<16xi32>,
          %get3A_213 = vector.shape_cast %get3A_212 : vector<16xi32> to vector<16xi32>
          %and3A_214 = arith.constant 31 : i32
          %and3A_215 = vector.broadcast %and3A_214 : i32 to vector<16xi32>
          %and3A_216 = arith.andi %get3A_213, %and3A_215 : vector<16xi32>
          %shift_right_logical3A_217 = arith.shrui %get3A_210, %and3A_216 : vector<16xi32>
          %and3A_218 = arith.constant 1 : i32
          %and3A_219 = vector.broadcast %and3A_218 : i32 to vector<16xi32>
          %and3A_220 = arith.andi %shift_right_logical3A_217, %and3A_219 : vector<16xi32>
          %swap3A_221 = arith.index_cast %add3A_207 : i32 to index
          %swap3A_222 = tpu.vector_load %arg8[%swap3A_221] {strides = array<i32>} : memref<16000xi32, #tpu.memory_space<vmem>>, vector<16xi32>,
          %swap3A_223 = vector.shape_cast %swap3A_222 : vector<16xi32> to vector<16xi32>
          %swap3A_224 = vector.shape_cast %and3A_220 : vector<16xi32> to vector<16xi32>
          tpu.vector_store %arg8[%swap3A_221], %swap3A_224 {strides = array<i32>} : memref<16000xi32, #tpu.memory_space<vmem>>, vector<16xi32>,
          %mul3A_225 = arith.constant 16 : i32
          %mul3A_226 = arith.muli %scan3A_181, %mul3A_225 : i32
          %mul3A_227 = arith.constant 8 : i32
          %mul3A_228 = arith.muli %mul3A_226, %mul3A_227 : i32
          %add3A_229 = arith.constant 32 : i32
          %add3A_230 = arith.addi %mul3A_228, %add3A_229 : i32
          %get3A_231 = arith.index_cast %add3A_230 : i32 to index
          %get3A_232 = tpu.vector_load %arg8[%get3A_231] {strides = array<i32>} : memref<16000xi32, #tpu.memory_space<vmem>>, vector<16xi32>,
          %get3A_233 = vector.shape_cast %get3A_232 : vector<16xi32> to vector<16xi32>
          %get3A_234 = arith.index_cast %add3A_230 : i32 to index
          %get3A_235 = tpu.vector_load %arg5[%get3A_234] {strides = array<i32>} : memref<16000xi32, #tpu.memory_space<vmem>>, vector<16xi32>,
          %get3A_236 = vector.shape_cast %get3A_235 : vector<16xi32> to vector<16xi32>
          %and3A_237 = arith.constant 31 : i32
          %and3A_238 = vector.broadcast %and3A_237 : i32 to vector<16xi32>
          %and3A_239 = arith.andi %get3A_236, %and3A_238 : vector<16xi32>
          %shift_right_logical3A_240 = arith.shrui %get3A_233, %and3A_239 : vector<16xi32>
          %and3A_241 = arith.constant 1 : i32
          %and3A_242 = vector.broadcast %and3A_241 : i32 to vector<16xi32>
          %and3A_243 = arith.andi %shift_right_logical3A_240, %and3A_242 : vector<16xi32>
          %swap3A_244 = arith.index_cast %add3A_230 : i32 to index
          %swap3A_245 = tpu.vector_load %arg8[%swap3A_244] {strides = array<i32>} : memref<16000xi32, #tpu.memory_space<vmem>>, vector<16xi32>,
          %swap3A_246 = vector.shape_cast %swap3A_245 : vector<16xi32> to vector<16xi32>
          %swap3A_247 = vector.shape_cast %and3A_243 : vector<16xi32> to vector<16xi32>
          tpu.vector_store %arg8[%swap3A_244], %swap3A_247 {strides = array<i32>} : memref<16000xi32, #tpu.memory_space<vmem>>, vector<16xi32>,
          %mul3A_248 = arith.constant 16 : i32
          %mul3A_249 = arith.muli %scan3A_181, %mul3A_248 : i32
          %mul3A_250 = arith.constant 8 : i32
          %mul3A_251 = arith.muli %mul3A_249, %mul3A_250 : i32
          %add3A_252 = arith.constant 48 : i32
          %add3A_253 = arith.addi %mul3A_251, %add3A_252 : i32
          %get3A_254 = arith.index_cast %add3A_253 : i32 to index
          %get3A_255 = tpu.vector_load %arg8[%get3A_254] {strides = array<i32>} : memref<16000xi32, #tpu.memory_space<vmem>>, vector<16xi32>,
          %get3A_256 = vector.shape_cast %get3A_255 : vector<16xi32> to vector<16xi32>
          %get3A_257 = arith.index_cast %add3A_253 : i32 to index
          %get3A_258 = tpu.vector_load %arg5[%get3A_257] {strides = array<i32>} : memref<16000xi32, #tpu.memory_space<vmem>>, vector<16xi32>,
          %get3A_259 = vector.shape_cast %get3A_258 : vector<16xi32> to vector<16xi32>
          %and3A_260 = arith.constant 31 : i32
          %and3A_261 = vector.broadcast %and3A_260 : i32 to vector<16xi32>
          %and3A_262 = arith.andi %get3A_259, %and3A_261 : vector<16xi32>
          %shift_right_logical3A_263 = arith.shrui %get3A_256, %and3A_262 : vector<16xi32>
          %and3A_264 = arith.constant 1 : i32
          %and3A_265 = vector.broadcast %and3A_264 : i32 to vector<16xi32>
          %and3A_266 = arith.andi %shift_right_logical3A_263, %and3A_265 : vector<16xi32>
          %swap3A_267 = arith.index_cast %add3A_253 : i32 to index
          %swap3A_268 = tpu.vector_load %arg8[%swap3A_267] {strides = array<i32>} : memref<16000xi32, #tpu.memory_space<vmem>>, vector<16xi32>,
          %swap3A_269 = vector.shape_cast %swap3A_268 : vector<16xi32> to vector<16xi32>
          %swap3A_270 = vector.shape_cast %and3A_266 : vector<16xi32> to vector<16xi32>
          tpu.vector_store %arg8[%swap3A_267], %swap3A_270 {strides = array<i32>} : memref<16000xi32, #tpu.memory_space<vmem>>, vector<16xi32>,
          %mul3A_271 = arith.constant 16 : i32
          %mul3A_272 = arith.muli %scan3A_181, %mul3A_271 : i32
          %mul3A_273 = arith.constant 8 : i32
          %mul3A_274 = arith.muli %mul3A_272, %mul3A_273 : i32
          %add3A_275 = arith.constant 64 : i32
          %add3A_276 = arith.addi %mul3A_274, %add3A_275 : i32
          %get3A_277 = arith.index_cast %add3A_276 : i32 to index
          %get3A_278 = tpu.vector_load %arg8[%get3A_277] {strides = array<i32>} : memref<16000xi32, #tpu.memory_space<vmem>>, vector<16xi32>,
          %get3A_279 = vector.shape_cast %get3A_278 : vector<16xi32> to vector<16xi32>
          %get3A_280 = arith.index_cast %add3A_276 : i32 to index
          %get3A_281 = tpu.vector_load %arg5[%get3A_280] {strides = array<i32>} : memref<16000xi32, #tpu.memory_space<vmem>>, vector<16xi32>,
          %get3A_282 = vector.shape_cast %get3A_281 : vector<16xi32> to vector<16xi32>
          %and3A_283 = arith.constant 31 : i32
          %and3A_284 = vector.broadcast %and3A_283 : i32 to vector<16xi32>
          %and3A_285 = arith.andi %get3A_282, %and3A_284 : vector<16xi32>
          %shift_right_logical3A_286 = arith.shrui %get3A_279, %and3A_285 : vector<16xi32>
          %and3A_287 = arith.constant 1 : i32
          %and3A_288 = vector.broadcast %and3A_287 : i32 to vector<16xi32>
          %and3A_289 = arith.andi %shift_right_logical3A_286, %and3A_288 : vector<16xi32>
          %swap3A_290 = arith.index_cast %add3A_276 : i32 to index
          %swap3A_291 = tpu.vector_load %arg8[%swap3A_290] {strides = array<i32>} : memref<16000xi32, #tpu.memory_space<vmem>>, vector<16xi32>,
          %swap3A_292 = vector.shape_cast %swap3A_291 : vector<16xi32> to vector<16xi32>
          %swap3A_293 = vector.shape_cast %and3A_289 : vector<16xi32> to vector<16xi32>
          tpu.vector_store %arg8[%swap3A_290], %swap3A_293 {strides = array<i32>} : memref<16000xi32, #tpu.memory_space<vmem>>, vector<16xi32>,
          %mul3A_294 = arith.constant 16 : i32
          %mul3A_295 = arith.muli %scan3A_181, %mul3A_294 : i32
          %mul3A_296 = arith.constant 8 : i32
          %mul3A_297 = arith.muli %mul3A_295, %mul3A_296 : i32
          %add3A_298 = arith.constant 80 : i32
          %add3A_299 = arith.addi %mul3A_297, %add3A_298 : i32
          %get3A_300 = arith.index_cast %add3A_299 : i32 to index
          %get3A_301 = tpu.vector_load %arg8[%get3A_300] {strides = array<i32>} : memref<16000xi32, #tpu.memory_space<vmem>>, vector<16xi32>,
          %get3A_302 = vector.shape_cast %get3A_301 : vector<16xi32> to vector<16xi32>
          %get3A_303 = arith.index_cast %add3A_299 : i32 to index
          %get3A_304 = tpu.vector_load %arg5[%get3A_303] {strides = array<i32>} : memref<16000xi32, #tpu.memory_space<vmem>>, vector<16xi32>,
          %get3A_305 = vector.shape_cast %get3A_304 : vector<16xi32> to vector<16xi32>
          %and3A_306 = arith.constant 31 : i32
          %and3A_307 = vector.broadcast %and3A_306 : i32 to vector<16xi32>
          %and3A_308 = arith.andi %get3A_305, %and3A_307 : vector<16xi32>
          %shift_right_logical3A_309 = arith.shrui %get3A_302, %and3A_308 : vector<16xi32>
          %and3A_310 = arith.constant 1 : i32
          %and3A_311 = vector.broadcast %and3A_310 : i32 to vector<16xi32>
          %and3A_312 = arith.andi %shift_right_logical3A_309, %and3A_311 : vector<16xi32>
          %swap3A_313 = arith.index_cast %add3A_299 : i32 to index
          %swap3A_314 = tpu.vector_load %arg8[%swap3A_313] {strides = array<i32>} : memref<16000xi32, #tpu.memory_space<vmem>>, vector<16xi32>,
          %swap3A_315 = vector.shape_cast %swap3A_314 : vector<16xi32> to vector<16xi32>
          %swap3A_316 = vector.shape_cast %and3A_312 : vector<16xi32> to vector<16xi32>
          tpu.vector_store %arg8[%swap3A_313], %swap3A_316 {strides = array<i32>} : memref<16000xi32, #tpu.memory_space<vmem>>, vector<16xi32>,
          %mul3A_317 = arith.constant 16 : i32
          %mul3A_318 = arith.muli %scan3A_181, %mul3A_317 : i32
          %mul3A_319 = arith.constant 8 : i32
          %mul3A_320 = arith.muli %mul3A_318, %mul3A_319 : i32
          %add3A_321 = arith.constant 96 : i32
          %add3A_322 = arith.addi %mul3A_320, %add3A_321 : i32
          %get3A_323 = arith.index_cast %add3A_322 : i32 to index
          %get3A_324 = tpu.vector_load %arg8[%get3A_323] {strides = array<i32>} : memref<16000xi32, #tpu.memory_space<vmem>>, vector<16xi32>,
          %get3A_325 = vector.shape_cast %get3A_324 : vector<16xi32> to vector<16xi32>
          %get3A_326 = arith.index_cast %add3A_322 : i32 to index
          %get3A_327 = tpu.vector_load %arg5[%get3A_326] {strides = array<i32>} : memref<16000xi32, #tpu.memory_space<vmem>>, vector<16xi32>,
          %get3A_328 = vector.shape_cast %get3A_327 : vector<16xi32> to vector<16xi32>
          %and3A_329 = arith.constant 31 : i32
          %and3A_330 = vector.broadcast %and3A_329 : i32 to vector<16xi32>
          %and3A_331 = arith.andi %get3A_328, %and3A_330 : vector<16xi32>
          %shift_right_logical3A_332 = arith.shrui %get3A_325, %and3A_331 : vector<16xi32>
          %and3A_333 = arith.constant 1 : i32
          %and3A_334 = vector.broadcast %and3A_333 : i32 to vector<16xi32>
          %and3A_335 = arith.andi %shift_right_logical3A_332, %and3A_334 : vector<16xi32>
          %swap3A_336 = arith.index_cast %add3A_322 : i32 to index
          %swap3A_337 = tpu.vector_load %arg8[%swap3A_336] {strides = array<i32>} : memref<16000xi32, #tpu.memory_space<vmem>>, vector<16xi32>,
          %swap3A_338 = vector.shape_cast %swap3A_337 : vector<16xi32> to vector<16xi32>
          %swap3A_339 = vector.shape_cast %and3A_335 : vector<16xi32> to vector<16xi32>
          tpu.vector_store %arg8[%swap3A_336], %swap3A_339 {strides = array<i32>} : memref<16000xi32, #tpu.memory_space<vmem>>, vector<16xi32>,
          %mul3A_340 = arith.constant 16 : i32
          %mul3A_341 = arith.muli %scan3A_181, %mul3A_340 : i32
          %mul3A_342 = arith.constant 8 : i32
          %mul3A_343 = arith.muli %mul3A_341, %mul3A_342 : i32
          %add3A_344 = arith.constant 112 : i32
          %add3A_345 = arith.addi %mul3A_343, %add3A_344 : i32
          %get3A_346 = arith.index_cast %add3A_345 : i32 to index
          %get3A_347 = tpu.vector_load %arg8[%get3A_346] {strides = array<i32>} : memref<16000xi32, #tpu.memory_space<vmem>>, vector<16xi32>,
          %get3A_348 = vector.shape_cast %get3A_347 : vector<16xi32> to vector<16xi32>
          %get3A_349 = arith.index_cast %add3A_345 : i32 to index
          %get3A_350 = tpu.vector_load %arg5[%get3A_349] {strides = array<i32>} : memref<16000xi32, #tpu.memory_space<vmem>>, vector<16xi32>,
          %get3A_351 = vector.shape_cast %get3A_350 : vector<16xi32> to vector<16xi32>
          %and3A_352 = arith.constant 31 : i32
          %and3A_353 = vector.broadcast %and3A_352 : i32 to vector<16xi32>
          %and3A_354 = arith.andi %get3A_351, %and3A_353 : vector<16xi32>
          %shift_right_logical3A_355 = arith.shrui %get3A_348, %and3A_354 : vector<16xi32>
          %and3A_356 = arith.constant 1 : i32
          %and3A_357 = vector.broadcast %and3A_356 : i32 to vector<16xi32>
          %and3A_358 = arith.andi %shift_right_logical3A_355, %and3A_357 : vector<16xi32>
          %swap3A_359 = arith.index_cast %add3A_345 : i32 to index
          %swap3A_360 = tpu.vector_load %arg8[%swap3A_359] {strides = array<i32>} : memref<16000xi32, #tpu.memory_space<vmem>>, vector<16xi32>,
          %swap3A_361 = vector.shape_cast %swap3A_360 : vector<16xi32> to vector<16xi32>
          %swap3A_362 = vector.shape_cast %and3A_358 : vector<16xi32> to vector<16xi32>
          tpu.vector_store %arg8[%swap3A_359], %swap3A_362 {strides = array<i32>} : memref<16000xi32, #tpu.memory_space<vmem>>, vector<16xi32>,
        }
        %scan3A_172 = arith.constant 32 : i32
        %dma_start3A_173 = tpu.memref_slice %arg4[%mul3A_58] : memref<2000000xi32, #tpu.memory_space<hbm>> -> memref<16000xi32, #tpu.memory_space<hbm>>
        %dma_start3A_174 = tpu.memref_slice %arg4[%mul3A_58] : memref<2000000xi32, #tpu.memory_space<hbm>> -> memref<16000xi32, #tpu.memory_space<hbm>>
        tpu.enqueue_dma source(%arg8 : memref<16000xi32, #tpu.memory_space<vmem>>) target(%dma_start3A_174 : memref<16000xi32, #tpu.memory_space<hbm>>) target_semaphore(%arg16 : memref<!tpu.dma_semaphore, #tpu.memory_space<semaphore_mem>>)
        %add3A_175 = arith.constant 1 : i32
        %add3A_176 = arith.addi %add3A_42, %add3A_175 : i32
        %lt3A_177 = arith.cmpi slt, %add3A_176, %select_n3A : i32
        %convert_element_type3A_178 = arith.extui %lt3A_177 : i1 to i32
        %cond3A_179 = arith.constant 0 : i32
        %cond3A_180 = arith.cmpi ne, %convert_element_type3A_178, %cond3A_179 : i32
        scf.if %cond3A_180 {
          %dma_wait3A_181 = tpu.memref_slice %arg2[%mul3A_65] : memref<2000000xi32, #tpu.memory_space<hbm>> -> memref<16000xi32, #tpu.memory_space<hbm>>
          %dma_wait3A_182 = tpu.memref_slice %arg2[%mul3A_65] : memref<2000000xi32, #tpu.memory_space<hbm>> -> memref<16000xi32, #tpu.memory_space<hbm>>
          tpu.wait_dma2 semaphore(%arg11 : memref<!tpu.dma_semaphore, #tpu.memory_space<semaphore_mem>>) src(%dma_wait3A_182 : memref<16000xi32, #tpu.memory_space<hbm>>) dst(%arg6 : memref<16000xi32, #tpu.memory_space<vmem>>)
        } else {
        }
      } else {
      }
      %mul3A_46 = arith.constant 2 : i32
      %mul3A_47 = arith.muli %scan3A_38, %mul3A_46 : i32
      %add3A_48 = arith.constant 1 : i32
      %add3A_49 = arith.addi %mul3A_47, %add3A_48 : i32
      %lt3A_50 = arith.cmpi slt, %add3A_49, %select_n3A : i32
      %convert_element_type3A_51 = arith.extui %lt3A_50 : i1 to i32
      %cond3A_52 = arith.constant 0 : i32
      %cond3A_53 = arith.cmpi ne, %convert_element_type3A_51, %cond3A_52 : i32
      scf.if %cond3A_53 {
        %mul3A_54 = arith.constant 32 : i32
        %mul3A_55 = arith.muli %add3A_49, %mul3A_54 : i32
        %add3A_56 = arith.addi %add3A, %mul3A_55 : i32
        %mul3A_57 = arith.constant 16000 : i32
        %mul3A_58 = arith.muli %add3A_56, %mul3A_57 : i32
        %add3A_59 = arith.constant 1 : i32
        %add3A_60 = arith.addi %add3A_49, %add3A_59 : i32
        %mul3A_61 = arith.constant 32 : i32
        %mul3A_62 = arith.muli %add3A_60, %mul3A_61 : i32
        %add3A_63 = arith.addi %add3A, %mul3A_62 : i32
        %mul3A_64 = arith.constant 16000 : i32
        %mul3A_65 = arith.muli %add3A_63, %mul3A_64 : i32
        %add3A_66 = arith.constant 1 : i32
        %add3A_67 = arith.addi %add3A_49, %add3A_66 : i32
        %lt3A_68 = arith.cmpi slt, %add3A_67, %select_n3A : i32
        %convert_element_type3A_69 = arith.extui %lt3A_68 : i1 to i32
        %cond3A_70 = arith.constant 0 : i32
        %cond3A_71 = arith.cmpi ne, %convert_element_type3A_69, %cond3A_70 : i32
        scf.if %cond3A_71 {
          %dma_start3A_181 = tpu.memref_slice %arg2[%mul3A_65] : memref<2000000xi32, #tpu.memory_space<hbm>> -> memref<16000xi32, #tpu.memory_space<hbm>>
          %dma_start3A_182 = tpu.memref_slice %arg2[%mul3A_65] : memref<2000000xi32, #tpu.memory_space<hbm>> -> memref<16000xi32, #tpu.memory_space<hbm>>
          tpu.enqueue_dma source(%dma_start3A_182 : memref<16000xi32, #tpu.memory_space<hbm>>) target(%arg5 : memref<16000xi32, #tpu.memory_space<vmem>>) target_semaphore(%arg10 : memref<!tpu.dma_semaphore, #tpu.memory_space<semaphore_mem>>)
        } else {
        }
        %scan3A_72 = arith.constant 0 : i32
        %scan3A_73 = arith.constant 0 : i32
        %scan3A_74 = arith.constant 31 : i32
        %scan3A_75 = arith.addi %scan3A_73, %scan3A_74 : i32
        %scan3A_76 = arith.constant 1 : i32
        scf.for %scan3A_181 = %scan3A_73 to %scan3A_75 step %scan3A_76  : i32 {
          %mul3A_182 = arith.constant 16 : i32
          %mul3A_183 = arith.muli %scan3A_181, %mul3A_182 : i32
          %mul3A_184 = arith.constant 8 : i32
          %mul3A_185 = arith.muli %mul3A_183, %mul3A_184 : i32
          %add3A_186 = arith.constant 0 : i32
          %add3A_187 = arith.addi %mul3A_185, %add3A_186 : i32
          %get3A = arith.index_cast %add3A_187 : i32 to index
          %get3A_188 = tpu.vector_load %arg6[%get3A] {strides = array<i32>} : memref<16000xi32, #tpu.memory_space<vmem>>, vector<16xi32>,
          %get3A_189 = vector.shape_cast %get3A_188 : vector<16xi32> to vector<16xi32>
          %shift_right_logical3A = arith.constant 5 : i32
          %shift_right_logical3A_190 = vector.broadcast %shift_right_logical3A : i32 to vector<16xi32>
          %shift_right_logical3A_191 = arith.shrui %get3A_189, %shift_right_logical3A_190 : vector<16xi32>
          %swap3A = arith.index_cast %add3A_187 : i32 to index
          %swap3A_192 = tpu.vector_load %arg7[%swap3A] {strides = array<i32>} : memref<16000xi32, #tpu.memory_space<vmem>>, vector<16xi32>,
          %swap3A_193 = vector.shape_cast %swap3A_192 : vector<16xi32> to vector<16xi32>
          %swap3A_194 = vector.shape_cast %shift_right_logical3A_191 : vector<16xi32> to vector<16xi32>
          tpu.vector_store %arg7[%swap3A], %swap3A_194 {strides = array<i32>} : memref<16000xi32, #tpu.memory_space<vmem>>, vector<16xi32>,
          %mul3A_195 = arith.constant 16 : i32
          %mul3A_196 = arith.muli %scan3A_181, %mul3A_195 : i32
          %mul3A_197 = arith.constant 8 : i32
          %mul3A_198 = arith.muli %mul3A_196, %mul3A_197 : i32
          %add3A_199 = arith.constant 16 : i32
          %add3A_200 = arith.addi %mul3A_198, %add3A_199 : i32
          %get3A_201 = arith.index_cast %add3A_200 : i32 to index
          %get3A_202 = tpu.vector_load %arg6[%get3A_201] {strides = array<i32>} : memref<16000xi32, #tpu.memory_space<vmem>>, vector<16xi32>,
          %get3A_203 = vector.shape_cast %get3A_202 : vector<16xi32> to vector<16xi32>
          %shift_right_logical3A_204 = arith.constant 5 : i32
          %shift_right_logical3A_205 = vector.broadcast %shift_right_logical3A_204 : i32 to vector<16xi32>
          %shift_right_logical3A_206 = arith.shrui %get3A_203, %shift_right_logical3A_205 : vector<16xi32>
          %swap3A_207 = arith.index_cast %add3A_200 : i32 to index
          %swap3A_208 = tpu.vector_load %arg7[%swap3A_207] {strides = array<i32>} : memref<16000xi32, #tpu.memory_space<vmem>>, vector<16xi32>,
          %swap3A_209 = vector.shape_cast %swap3A_208 : vector<16xi32> to vector<16xi32>
          %swap3A_210 = vector.shape_cast %shift_right_logical3A_206 : vector<16xi32> to vector<16xi32>
          tpu.vector_store %arg7[%swap3A_207], %swap3A_210 {strides = array<i32>} : memref<16000xi32, #tpu.memory_space<vmem>>, vector<16xi32>,
          %mul3A_211 = arith.constant 16 : i32
          %mul3A_212 = arith.muli %scan3A_181, %mul3A_211 : i32
          %mul3A_213 = arith.constant 8 : i32
          %mul3A_214 = arith.muli %mul3A_212, %mul3A_213 : i32
          %add3A_215 = arith.constant 32 : i32
          %add3A_216 = arith.addi %mul3A_214, %add3A_215 : i32
          %get3A_217 = arith.index_cast %add3A_216 : i32 to index
          %get3A_218 = tpu.vector_load %arg6[%get3A_217] {strides = array<i32>} : memref<16000xi32, #tpu.memory_space<vmem>>, vector<16xi32>,
          %get3A_219 = vector.shape_cast %get3A_218 : vector<16xi32> to vector<16xi32>
          %shift_right_logical3A_220 = arith.constant 5 : i32
          %shift_right_logical3A_221 = vector.broadcast %shift_right_logical3A_220 : i32 to vector<16xi32>
          %shift_right_logical3A_222 = arith.shrui %get3A_219, %shift_right_logical3A_221 : vector<16xi32>
          %swap3A_223 = arith.index_cast %add3A_216 : i32 to index
          %swap3A_224 = tpu.vector_load %arg7[%swap3A_223] {strides = array<i32>} : memref<16000xi32, #tpu.memory_space<vmem>>, vector<16xi32>,
          %swap3A_225 = vector.shape_cast %swap3A_224 : vector<16xi32> to vector<16xi32>
          %swap3A_226 = vector.shape_cast %shift_right_logical3A_222 : vector<16xi32> to vector<16xi32>
          tpu.vector_store %arg7[%swap3A_223], %swap3A_226 {strides = array<i32>} : memref<16000xi32, #tpu.memory_space<vmem>>, vector<16xi32>,
          %mul3A_227 = arith.constant 16 : i32
          %mul3A_228 = arith.muli %scan3A_181, %mul3A_227 : i32
          %mul3A_229 = arith.constant 8 : i32
          %mul3A_230 = arith.muli %mul3A_228, %mul3A_229 : i32
          %add3A_231 = arith.constant 48 : i32
          %add3A_232 = arith.addi %mul3A_230, %add3A_231 : i32
          %get3A_233 = arith.index_cast %add3A_232 : i32 to index
          %get3A_234 = tpu.vector_load %arg6[%get3A_233] {strides = array<i32>} : memref<16000xi32, #tpu.memory_space<vmem>>, vector<16xi32>,
          %get3A_235 = vector.shape_cast %get3A_234 : vector<16xi32> to vector<16xi32>
          %shift_right_logical3A_236 = arith.constant 5 : i32
          %shift_right_logical3A_237 = vector.broadcast %shift_right_logical3A_236 : i32 to vector<16xi32>
          %shift_right_logical3A_238 = arith.shrui %get3A_235, %shift_right_logical3A_237 : vector<16xi32>
          %swap3A_239 = arith.index_cast %add3A_232 : i32 to index
          %swap3A_240 = tpu.vector_load %arg7[%swap3A_239] {strides = array<i32>} : memref<16000xi32, #tpu.memory_space<vmem>>, vector<16xi32>,
          %swap3A_241 = vector.shape_cast %swap3A_240 : vector<16xi32> to vector<16xi32>
          %swap3A_242 = vector.shape_cast %shift_right_logical3A_238 : vector<16xi32> to vector<16xi32>
          tpu.vector_store %arg7[%swap3A_239], %swap3A_242 {strides = array<i32>} : memref<16000xi32, #tpu.memory_space<vmem>>, vector<16xi32>,
          %mul3A_243 = arith.constant 16 : i32
          %mul3A_244 = arith.muli %scan3A_181, %mul3A_243 : i32
          %mul3A_245 = arith.constant 8 : i32
          %mul3A_246 = arith.muli %mul3A_244, %mul3A_245 : i32
          %add3A_247 = arith.constant 64 : i32
          %add3A_248 = arith.addi %mul3A_246, %add3A_247 : i32
          %get3A_249 = arith.index_cast %add3A_248 : i32 to index
          %get3A_250 = tpu.vector_load %arg6[%get3A_249] {strides = array<i32>} : memref<16000xi32, #tpu.memory_space<vmem>>, vector<16xi32>,
          %get3A_251 = vector.shape_cast %get3A_250 : vector<16xi32> to vector<16xi32>
          %shift_right_logical3A_252 = arith.constant 5 : i32
          %shift_right_logical3A_253 = vector.broadcast %shift_right_logical3A_252 : i32 to vector<16xi32>
          %shift_right_logical3A_254 = arith.shrui %get3A_251, %shift_right_logical3A_253 : vector<16xi32>
          %swap3A_255 = arith.index_cast %add3A_248 : i32 to index
          %swap3A_256 = tpu.vector_load %arg7[%swap3A_255] {strides = array<i32>} : memref<16000xi32, #tpu.memory_space<vmem>>, vector<16xi32>,
          %swap3A_257 = vector.shape_cast %swap3A_256 : vector<16xi32> to vector<16xi32>
          %swap3A_258 = vector.shape_cast %shift_right_logical3A_254 : vector<16xi32> to vector<16xi32>
          tpu.vector_store %arg7[%swap3A_255], %swap3A_258 {strides = array<i32>} : memref<16000xi32, #tpu.memory_space<vmem>>, vector<16xi32>,
          %mul3A_259 = arith.constant 16 : i32
          %mul3A_260 = arith.muli %scan3A_181, %mul3A_259 : i32
          %mul3A_261 = arith.constant 8 : i32
          %mul3A_262 = arith.muli %mul3A_260, %mul3A_261 : i32
          %add3A_263 = arith.constant 80 : i32
          %add3A_264 = arith.addi %mul3A_262, %add3A_263 : i32
          %get3A_265 = arith.index_cast %add3A_264 : i32 to index
          %get3A_266 = tpu.vector_load %arg6[%get3A_265] {strides = array<i32>} : memref<16000xi32, #tpu.memory_space<vmem>>, vector<16xi32>,
          %get3A_267 = vector.shape_cast %get3A_266 : vector<16xi32> to vector<16xi32>
          %shift_right_logical3A_268 = arith.constant 5 : i32
          %shift_right_logical3A_269 = vector.broadcast %shift_right_logical3A_268 : i32 to vector<16xi32>
          %shift_right_logical3A_270 = arith.shrui %get3A_267, %shift_right_logical3A_269 : vector<16xi32>
          %swap3A_271 = arith.index_cast %add3A_264 : i32 to index
          %swap3A_272 = tpu.vector_load %arg7[%swap3A_271] {strides = array<i32>} : memref<16000xi32, #tpu.memory_space<vmem>>, vector<16xi32>,
          %swap3A_273 = vector.shape_cast %swap3A_272 : vector<16xi32> to vector<16xi32>
          %swap3A_274 = vector.shape_cast %shift_right_logical3A_270 : vector<16xi32> to vector<16xi32>
          tpu.vector_store %arg7[%swap3A_271], %swap3A_274 {strides = array<i32>} : memref<16000xi32, #tpu.memory_space<vmem>>, vector<16xi32>,
          %mul3A_275 = arith.constant 16 : i32
          %mul3A_276 = arith.muli %scan3A_181, %mul3A_275 : i32
          %mul3A_277 = arith.constant 8 : i32
          %mul3A_278 = arith.muli %mul3A_276, %mul3A_277 : i32
          %add3A_279 = arith.constant 96 : i32
          %add3A_280 = arith.addi %mul3A_278, %add3A_279 : i32
          %get3A_281 = arith.index_cast %add3A_280 : i32 to index
          %get3A_282 = tpu.vector_load %arg6[%get3A_281] {strides = array<i32>} : memref<16000xi32, #tpu.memory_space<vmem>>, vector<16xi32>,
          %get3A_283 = vector.shape_cast %get3A_282 : vector<16xi32> to vector<16xi32>
          %shift_right_logical3A_284 = arith.constant 5 : i32
          %shift_right_logical3A_285 = vector.broadcast %shift_right_logical3A_284 : i32 to vector<16xi32>
          %shift_right_logical3A_286 = arith.shrui %get3A_283, %shift_right_logical3A_285 : vector<16xi32>
          %swap3A_287 = arith.index_cast %add3A_280 : i32 to index
          %swap3A_288 = tpu.vector_load %arg7[%swap3A_287] {strides = array<i32>} : memref<16000xi32, #tpu.memory_space<vmem>>, vector<16xi32>,
          %swap3A_289 = vector.shape_cast %swap3A_288 : vector<16xi32> to vector<16xi32>
          %swap3A_290 = vector.shape_cast %shift_right_logical3A_286 : vector<16xi32> to vector<16xi32>
          tpu.vector_store %arg7[%swap3A_287], %swap3A_290 {strides = array<i32>} : memref<16000xi32, #tpu.memory_space<vmem>>, vector<16xi32>,
          %mul3A_291 = arith.constant 16 : i32
          %mul3A_292 = arith.muli %scan3A_181, %mul3A_291 : i32
          %mul3A_293 = arith.constant 8 : i32
          %mul3A_294 = arith.muli %mul3A_292, %mul3A_293 : i32
          %add3A_295 = arith.constant 112 : i32
          %add3A_296 = arith.addi %mul3A_294, %add3A_295 : i32
          %get3A_297 = arith.index_cast %add3A_296 : i32 to index
          %get3A_298 = tpu.vector_load %arg6[%get3A_297] {strides = array<i32>} : memref<16000xi32, #tpu.memory_space<vmem>>, vector<16xi32>,
          %get3A_299 = vector.shape_cast %get3A_298 : vector<16xi32> to vector<16xi32>
          %shift_right_logical3A_300 = arith.constant 5 : i32
          %shift_right_logical3A_301 = vector.broadcast %shift_right_logical3A_300 : i32 to vector<16xi32>
          %shift_right_logical3A_302 = arith.shrui %get3A_299, %shift_right_logical3A_301 : vector<16xi32>
          %swap3A_303 = arith.index_cast %add3A_296 : i32 to index
          %swap3A_304 = tpu.vector_load %arg7[%swap3A_303] {strides = array<i32>} : memref<16000xi32, #tpu.memory_space<vmem>>, vector<16xi32>,
          %swap3A_305 = vector.shape_cast %swap3A_304 : vector<16xi32> to vector<16xi32>
          %swap3A_306 = vector.shape_cast %shift_right_logical3A_302 : vector<16xi32> to vector<16xi32>
          tpu.vector_store %arg7[%swap3A_303], %swap3A_306 {strides = array<i32>} : memref<16000xi32, #tpu.memory_space<vmem>>, vector<16xi32>,
        }
        %scan3A_77 = arith.constant 31 : i32
        %gt3A_78 = arith.constant 0 : i32
        %gt3A_79 = arith.cmpi sgt, %add3A_49, %gt3A_78 : i32
        %convert_element_type3A_80 = arith.extui %gt3A_79 : i1 to i32
        %cond3A_81 = arith.constant 0 : i32
        %cond3A_82 = arith.cmpi ne, %convert_element_type3A_80, %cond3A_81 : i32
        scf.if %cond3A_82 {
          %dma_wait3A_181 = tpu.memref_slice %arg4[%mul3A_58] : memref<2000000xi32, #tpu.memory_space<hbm>> -> memref<16000xi32, #tpu.memory_space<hbm>>
          %dma_wait3A_182 = tpu.memref_slice %arg4[%mul3A_58] : memref<2000000xi32, #tpu.memory_space<hbm>> -> memref<16000xi32, #tpu.memory_space<hbm>>
          tpu.wait_dma2 semaphore(%arg16 : memref<!tpu.dma_semaphore, #tpu.memory_space<semaphore_mem>>) src(%arg8 : memref<16000xi32, #tpu.memory_space<vmem>>) dst(%dma_wait3A_182 : memref<16000xi32, #tpu.memory_space<hbm>>)
        } else {
        }
        %dma_start3A_83 = arith.constant 0 : i32
        %dma_start3A_84 = tpu.memref_slice %arg8[%dma_start3A_83] : memref<16000xi32, #tpu.memory_space<vmem>> -> memref<4000xi32, #tpu.memory_space<vmem>>
        %dma_start3A_85 = arith.constant 0 : i32
        %dma_start3A_86 = tpu.memref_slice %arg7[%dma_start3A_85] : memref<16000xi32, #tpu.memory_space<vmem>> -> memref<4000xi32, #tpu.memory_space<vmem>>
        %dma_start3A_87 = arith.constant 0 : i32
        %dma_start3A_88 = tpu.memref_slice %arg9[%dma_start3A_87] : memref<1048576xi32, #tpu.memory_space<vmem_shared>> -> memref<1048576xi32, #tpu.memory_space<vmem_shared>>
        tpu.enqueue_indirect_dma source(%dma_start3A_88 : memref<1048576xi32, #tpu.memory_space<vmem_shared>>) target(%dma_start3A_84 : memref<4000xi32, #tpu.memory_space<vmem>>) offsets(%dma_start3A_86 : memref<4000xi32, #tpu.memory_space<vmem>>) semaphore(%arg12 : memref<!tpu.dma_semaphore, #tpu.memory_space<semaphore_mem>>)
        %scan3A_89 = arith.constant 0 : i32
        %scan3A_90 = arith.constant 31 : i32
        %scan3A_91 = arith.constant 31 : i32
        %scan3A_92 = arith.addi %scan3A_90, %scan3A_91 : i32
        %scan3A_93 = arith.constant 1 : i32
        scf.for %scan3A_181 = %scan3A_90 to %scan3A_92 step %scan3A_93  : i32 {
          %mul3A_182 = arith.constant 16 : i32
          %mul3A_183 = arith.muli %scan3A_181, %mul3A_182 : i32
          %mul3A_184 = arith.constant 8 : i32
          %mul3A_185 = arith.muli %mul3A_183, %mul3A_184 : i32
          %add3A_186 = arith.constant 0 : i32
          %add3A_187 = arith.addi %mul3A_185, %add3A_186 : i32
          %get3A = arith.index_cast %add3A_187 : i32 to index
          %get3A_188 = tpu.vector_load %arg6[%get3A] {strides = array<i32>} : memref<16000xi32, #tpu.memory_space<vmem>>, vector<16xi32>,
          %get3A_189 = vector.shape_cast %get3A_188 : vector<16xi32> to vector<16xi32>
          %shift_right_logical3A = arith.constant 5 : i32
          %shift_right_logical3A_190 = vector.broadcast %shift_right_logical3A : i32 to vector<16xi32>
          %shift_right_logical3A_191 = arith.shrui %get3A_189, %shift_right_logical3A_190 : vector<16xi32>
          %swap3A = arith.index_cast %add3A_187 : i32 to index
          %swap3A_192 = tpu.vector_load %arg7[%swap3A] {strides = array<i32>} : memref<16000xi32, #tpu.memory_space<vmem>>, vector<16xi32>,
          %swap3A_193 = vector.shape_cast %swap3A_192 : vector<16xi32> to vector<16xi32>
          %swap3A_194 = vector.shape_cast %shift_right_logical3A_191 : vector<16xi32> to vector<16xi32>
          tpu.vector_store %arg7[%swap3A], %swap3A_194 {strides = array<i32>} : memref<16000xi32, #tpu.memory_space<vmem>>, vector<16xi32>,
          %mul3A_195 = arith.constant 16 : i32
          %mul3A_196 = arith.muli %scan3A_181, %mul3A_195 : i32
          %mul3A_197 = arith.constant 8 : i32
          %mul3A_198 = arith.muli %mul3A_196, %mul3A_197 : i32
          %add3A_199 = arith.constant 16 : i32
          %add3A_200 = arith.addi %mul3A_198, %add3A_199 : i32
          %get3A_201 = arith.index_cast %add3A_200 : i32 to index
          %get3A_202 = tpu.vector_load %arg6[%get3A_201] {strides = array<i32>} : memref<16000xi32, #tpu.memory_space<vmem>>, vector<16xi32>,
          %get3A_203 = vector.shape_cast %get3A_202 : vector<16xi32> to vector<16xi32>
          %shift_right_logical3A_204 = arith.constant 5 : i32
          %shift_right_logical3A_205 = vector.broadcast %shift_right_logical3A_204 : i32 to vector<16xi32>
          %shift_right_logical3A_206 = arith.shrui %get3A_203, %shift_right_logical3A_205 : vector<16xi32>
          %swap3A_207 = arith.index_cast %add3A_200 : i32 to index
          %swap3A_208 = tpu.vector_load %arg7[%swap3A_207] {strides = array<i32>} : memref<16000xi32, #tpu.memory_space<vmem>>, vector<16xi32>,
          %swap3A_209 = vector.shape_cast %swap3A_208 : vector<16xi32> to vector<16xi32>
          %swap3A_210 = vector.shape_cast %shift_right_logical3A_206 : vector<16xi32> to vector<16xi32>
          tpu.vector_store %arg7[%swap3A_207], %swap3A_210 {strides = array<i32>} : memref<16000xi32, #tpu.memory_space<vmem>>, vector<16xi32>,
          %mul3A_211 = arith.constant 16 : i32
          %mul3A_212 = arith.muli %scan3A_181, %mul3A_211 : i32
          %mul3A_213 = arith.constant 8 : i32
          %mul3A_214 = arith.muli %mul3A_212, %mul3A_213 : i32
          %add3A_215 = arith.constant 32 : i32
          %add3A_216 = arith.addi %mul3A_214, %add3A_215 : i32
          %get3A_217 = arith.index_cast %add3A_216 : i32 to index
          %get3A_218 = tpu.vector_load %arg6[%get3A_217] {strides = array<i32>} : memref<16000xi32, #tpu.memory_space<vmem>>, vector<16xi32>,
          %get3A_219 = vector.shape_cast %get3A_218 : vector<16xi32> to vector<16xi32>
          %shift_right_logical3A_220 = arith.constant 5 : i32
          %shift_right_logical3A_221 = vector.broadcast %shift_right_logical3A_220 : i32 to vector<16xi32>
          %shift_right_logical3A_222 = arith.shrui %get3A_219, %shift_right_logical3A_221 : vector<16xi32>
          %swap3A_223 = arith.index_cast %add3A_216 : i32 to index
          %swap3A_224 = tpu.vector_load %arg7[%swap3A_223] {strides = array<i32>} : memref<16000xi32, #tpu.memory_space<vmem>>, vector<16xi32>,
          %swap3A_225 = vector.shape_cast %swap3A_224 : vector<16xi32> to vector<16xi32>
          %swap3A_226 = vector.shape_cast %shift_right_logical3A_222 : vector<16xi32> to vector<16xi32>
          tpu.vector_store %arg7[%swap3A_223], %swap3A_226 {strides = array<i32>} : memref<16000xi32, #tpu.memory_space<vmem>>, vector<16xi32>,
          %mul3A_227 = arith.constant 16 : i32
          %mul3A_228 = arith.muli %scan3A_181, %mul3A_227 : i32
          %mul3A_229 = arith.constant 8 : i32
          %mul3A_230 = arith.muli %mul3A_228, %mul3A_229 : i32
          %add3A_231 = arith.constant 48 : i32
          %add3A_232 = arith.addi %mul3A_230, %add3A_231 : i32
          %get3A_233 = arith.index_cast %add3A_232 : i32 to index
          %get3A_234 = tpu.vector_load %arg6[%get3A_233] {strides = array<i32>} : memref<16000xi32, #tpu.memory_space<vmem>>, vector<16xi32>,
          %get3A_235 = vector.shape_cast %get3A_234 : vector<16xi32> to vector<16xi32>
          %shift_right_logical3A_236 = arith.constant 5 : i32
          %shift_right_logical3A_237 = vector.broadcast %shift_right_logical3A_236 : i32 to vector<16xi32>
          %shift_right_logical3A_238 = arith.shrui %get3A_235, %shift_right_logical3A_237 : vector<16xi32>
          %swap3A_239 = arith.index_cast %add3A_232 : i32 to index
          %swap3A_240 = tpu.vector_load %arg7[%swap3A_239] {strides = array<i32>} : memref<16000xi32, #tpu.memory_space<vmem>>, vector<16xi32>,
          %swap3A_241 = vector.shape_cast %swap3A_240 : vector<16xi32> to vector<16xi32>
          %swap3A_242 = vector.shape_cast %shift_right_logical3A_238 : vector<16xi32> to vector<16xi32>
          tpu.vector_store %arg7[%swap3A_239], %swap3A_242 {strides = array<i32>} : memref<16000xi32, #tpu.memory_space<vmem>>, vector<16xi32>,
          %mul3A_243 = arith.constant 16 : i32
          %mul3A_244 = arith.muli %scan3A_181, %mul3A_243 : i32
          %mul3A_245 = arith.constant 8 : i32
          %mul3A_246 = arith.muli %mul3A_244, %mul3A_245 : i32
          %add3A_247 = arith.constant 64 : i32
          %add3A_248 = arith.addi %mul3A_246, %add3A_247 : i32
          %get3A_249 = arith.index_cast %add3A_248 : i32 to index
          %get3A_250 = tpu.vector_load %arg6[%get3A_249] {strides = array<i32>} : memref<16000xi32, #tpu.memory_space<vmem>>, vector<16xi32>,
          %get3A_251 = vector.shape_cast %get3A_250 : vector<16xi32> to vector<16xi32>
          %shift_right_logical3A_252 = arith.constant 5 : i32
          %shift_right_logical3A_253 = vector.broadcast %shift_right_logical3A_252 : i32 to vector<16xi32>
          %shift_right_logical3A_254 = arith.shrui %get3A_251, %shift_right_logical3A_253 : vector<16xi32>
          %swap3A_255 = arith.index_cast %add3A_248 : i32 to index
          %swap3A_256 = tpu.vector_load %arg7[%swap3A_255] {strides = array<i32>} : memref<16000xi32, #tpu.memory_space<vmem>>, vector<16xi32>,
          %swap3A_257 = vector.shape_cast %swap3A_256 : vector<16xi32> to vector<16xi32>
          %swap3A_258 = vector.shape_cast %shift_right_logical3A_254 : vector<16xi32> to vector<16xi32>
          tpu.vector_store %arg7[%swap3A_255], %swap3A_258 {strides = array<i32>} : memref<16000xi32, #tpu.memory_space<vmem>>, vector<16xi32>,
          %mul3A_259 = arith.constant 16 : i32
          %mul3A_260 = arith.muli %scan3A_181, %mul3A_259 : i32
          %mul3A_261 = arith.constant 8 : i32
          %mul3A_262 = arith.muli %mul3A_260, %mul3A_261 : i32
          %add3A_263 = arith.constant 80 : i32
          %add3A_264 = arith.addi %mul3A_262, %add3A_263 : i32
          %get3A_265 = arith.index_cast %add3A_264 : i32 to index
          %get3A_266 = tpu.vector_load %arg6[%get3A_265] {strides = array<i32>} : memref<16000xi32, #tpu.memory_space<vmem>>, vector<16xi32>,
          %get3A_267 = vector.shape_cast %get3A_266 : vector<16xi32> to vector<16xi32>
          %shift_right_logical3A_268 = arith.constant 5 : i32
          %shift_right_logical3A_269 = vector.broadcast %shift_right_logical3A_268 : i32 to vector<16xi32>
          %shift_right_logical3A_270 = arith.shrui %get3A_267, %shift_right_logical3A_269 : vector<16xi32>
          %swap3A_271 = arith.index_cast %add3A_264 : i32 to index
          %swap3A_272 = tpu.vector_load %arg7[%swap3A_271] {strides = array<i32>} : memref<16000xi32, #tpu.memory_space<vmem>>, vector<16xi32>,
          %swap3A_273 = vector.shape_cast %swap3A_272 : vector<16xi32> to vector<16xi32>
          %swap3A_274 = vector.shape_cast %shift_right_logical3A_270 : vector<16xi32> to vector<16xi32>
          tpu.vector_store %arg7[%swap3A_271], %swap3A_274 {strides = array<i32>} : memref<16000xi32, #tpu.memory_space<vmem>>, vector<16xi32>,
          %mul3A_275 = arith.constant 16 : i32
          %mul3A_276 = arith.muli %scan3A_181, %mul3A_275 : i32
          %mul3A_277 = arith.constant 8 : i32
          %mul3A_278 = arith.muli %mul3A_276, %mul3A_277 : i32
          %add3A_279 = arith.constant 96 : i32
          %add3A_280 = arith.addi %mul3A_278, %add3A_279 : i32
          %get3A_281 = arith.index_cast %add3A_280 : i32 to index
          %get3A_282 = tpu.vector_load %arg6[%get3A_281] {strides = array<i32>} : memref<16000xi32, #tpu.memory_space<vmem>>, vector<16xi32>,
          %get3A_283 = vector.shape_cast %get3A_282 : vector<16xi32> to vector<16xi32>
          %shift_right_logical3A_284 = arith.constant 5 : i32
          %shift_right_logical3A_285 = vector.broadcast %shift_right_logical3A_284 : i32 to vector<16xi32>
          %shift_right_logical3A_286 = arith.shrui %get3A_283, %shift_right_logical3A_285 : vector<16xi32>
          %swap3A_287 = arith.index_cast %add3A_280 : i32 to index
          %swap3A_288 = tpu.vector_load %arg7[%swap3A_287] {strides = array<i32>} : memref<16000xi32, #tpu.memory_space<vmem>>, vector<16xi32>,
          %swap3A_289 = vector.shape_cast %swap3A_288 : vector<16xi32> to vector<16xi32>
          %swap3A_290 = vector.shape_cast %shift_right_logical3A_286 : vector<16xi32> to vector<16xi32>
          tpu.vector_store %arg7[%swap3A_287], %swap3A_290 {strides = array<i32>} : memref<16000xi32, #tpu.memory_space<vmem>>, vector<16xi32>,
          %mul3A_291 = arith.constant 16 : i32
          %mul3A_292 = arith.muli %scan3A_181, %mul3A_291 : i32
          %mul3A_293 = arith.constant 8 : i32
          %mul3A_294 = arith.muli %mul3A_292, %mul3A_293 : i32
          %add3A_295 = arith.constant 112 : i32
          %add3A_296 = arith.addi %mul3A_294, %add3A_295 : i32
          %get3A_297 = arith.index_cast %add3A_296 : i32 to index
          %get3A_298 = tpu.vector_load %arg6[%get3A_297] {strides = array<i32>} : memref<16000xi32, #tpu.memory_space<vmem>>, vector<16xi32>,
          %get3A_299 = vector.shape_cast %get3A_298 : vector<16xi32> to vector<16xi32>
          %shift_right_logical3A_300 = arith.constant 5 : i32
          %shift_right_logical3A_301 = vector.broadcast %shift_right_logical3A_300 : i32 to vector<16xi32>
          %shift_right_logical3A_302 = arith.shrui %get3A_299, %shift_right_logical3A_301 : vector<16xi32>
          %swap3A_303 = arith.index_cast %add3A_296 : i32 to index
          %swap3A_304 = tpu.vector_load %arg7[%swap3A_303] {strides = array<i32>} : memref<16000xi32, #tpu.memory_space<vmem>>, vector<16xi32>,
          %swap3A_305 = vector.shape_cast %swap3A_304 : vector<16xi32> to vector<16xi32>
          %swap3A_306 = vector.shape_cast %shift_right_logical3A_302 : vector<16xi32> to vector<16xi32>
          tpu.vector_store %arg7[%swap3A_303], %swap3A_306 {strides = array<i32>} : memref<16000xi32, #tpu.memory_space<vmem>>, vector<16xi32>,
        }
        %scan3A_94 = arith.constant 31 : i32
        %dma_start3A_95 = arith.constant 4000 : i32
        %dma_start3A_96 = tpu.memref_slice %arg8[%dma_start3A_95] : memref<16000xi32, #tpu.memory_space<vmem>> -> memref<4000xi32, #tpu.memory_space<vmem>>
        %dma_start3A_97 = arith.constant 4000 : i32
        %dma_start3A_98 = tpu.memref_slice %arg7[%dma_start3A_97] : memref<16000xi32, #tpu.memory_space<vmem>> -> memref<4000xi32, #tpu.memory_space<vmem>>
        %dma_start3A_99 = arith.constant 0 : i32
        %dma_start3A_100 = tpu.memref_slice %arg9[%dma_start3A_99] : memref<1048576xi32, #tpu.memory_space<vmem_shared>> -> memref<1048576xi32, #tpu.memory_space<vmem_shared>>
        tpu.enqueue_indirect_dma source(%dma_start3A_100 : memref<1048576xi32, #tpu.memory_space<vmem_shared>>) target(%dma_start3A_96 : memref<4000xi32, #tpu.memory_space<vmem>>) offsets(%dma_start3A_98 : memref<4000xi32, #tpu.memory_space<vmem>>) semaphore(%arg13 : memref<!tpu.dma_semaphore, #tpu.memory_space<semaphore_mem>>)
        %scan3A_101 = arith.constant 0 : i32
        %scan3A_102 = arith.constant 62 : i32
        %scan3A_103 = arith.constant 31 : i32
        %scan3A_104 = arith.addi %scan3A_102, %scan3A_103 : i32
        %scan3A_105 = arith.constant 1 : i32
        scf.for %scan3A_181 = %scan3A_102 to %scan3A_104 step %scan3A_105  : i32 {
          %mul3A_182 = arith.constant 16 : i32
          %mul3A_183 = arith.muli %scan3A_181, %mul3A_182 : i32
          %mul3A_184 = arith.constant 8 : i32
          %mul3A_185 = arith.muli %mul3A_183, %mul3A_184 : i32
          %add3A_186 = arith.constant 0 : i32
          %add3A_187 = arith.addi %mul3A_185, %add3A_186 : i32
          %get3A = arith.index_cast %add3A_187 : i32 to index
          %get3A_188 = tpu.vector_load %arg6[%get3A] {strides = array<i32>} : memref<16000xi32, #tpu.memory_space<vmem>>, vector<16xi32>,
          %get3A_189 = vector.shape_cast %get3A_188 : vector<16xi32> to vector<16xi32>
          %shift_right_logical3A = arith.constant 5 : i32
          %shift_right_logical3A_190 = vector.broadcast %shift_right_logical3A : i32 to vector<16xi32>
          %shift_right_logical3A_191 = arith.shrui %get3A_189, %shift_right_logical3A_190 : vector<16xi32>
          %swap3A = arith.index_cast %add3A_187 : i32 to index
          %swap3A_192 = tpu.vector_load %arg7[%swap3A] {strides = array<i32>} : memref<16000xi32, #tpu.memory_space<vmem>>, vector<16xi32>,
          %swap3A_193 = vector.shape_cast %swap3A_192 : vector<16xi32> to vector<16xi32>
          %swap3A_194 = vector.shape_cast %shift_right_logical3A_191 : vector<16xi32> to vector<16xi32>
          tpu.vector_store %arg7[%swap3A], %swap3A_194 {strides = array<i32>} : memref<16000xi32, #tpu.memory_space<vmem>>, vector<16xi32>,
          %mul3A_195 = arith.constant 16 : i32
          %mul3A_196 = arith.muli %scan3A_181, %mul3A_195 : i32
          %mul3A_197 = arith.constant 8 : i32
          %mul3A_198 = arith.muli %mul3A_196, %mul3A_197 : i32
          %add3A_199 = arith.constant 16 : i32
          %add3A_200 = arith.addi %mul3A_198, %add3A_199 : i32
          %get3A_201 = arith.index_cast %add3A_200 : i32 to index
          %get3A_202 = tpu.vector_load %arg6[%get3A_201] {strides = array<i32>} : memref<16000xi32, #tpu.memory_space<vmem>>, vector<16xi32>,
          %get3A_203 = vector.shape_cast %get3A_202 : vector<16xi32> to vector<16xi32>
          %shift_right_logical3A_204 = arith.constant 5 : i32
          %shift_right_logical3A_205 = vector.broadcast %shift_right_logical3A_204 : i32 to vector<16xi32>
          %shift_right_logical3A_206 = arith.shrui %get3A_203, %shift_right_logical3A_205 : vector<16xi32>
          %swap3A_207 = arith.index_cast %add3A_200 : i32 to index
          %swap3A_208 = tpu.vector_load %arg7[%swap3A_207] {strides = array<i32>} : memref<16000xi32, #tpu.memory_space<vmem>>, vector<16xi32>,
          %swap3A_209 = vector.shape_cast %swap3A_208 : vector<16xi32> to vector<16xi32>
          %swap3A_210 = vector.shape_cast %shift_right_logical3A_206 : vector<16xi32> to vector<16xi32>
          tpu.vector_store %arg7[%swap3A_207], %swap3A_210 {strides = array<i32>} : memref<16000xi32, #tpu.memory_space<vmem>>, vector<16xi32>,
          %mul3A_211 = arith.constant 16 : i32
          %mul3A_212 = arith.muli %scan3A_181, %mul3A_211 : i32
          %mul3A_213 = arith.constant 8 : i32
          %mul3A_214 = arith.muli %mul3A_212, %mul3A_213 : i32
          %add3A_215 = arith.constant 32 : i32
          %add3A_216 = arith.addi %mul3A_214, %add3A_215 : i32
          %get3A_217 = arith.index_cast %add3A_216 : i32 to index
          %get3A_218 = tpu.vector_load %arg6[%get3A_217] {strides = array<i32>} : memref<16000xi32, #tpu.memory_space<vmem>>, vector<16xi32>,
          %get3A_219 = vector.shape_cast %get3A_218 : vector<16xi32> to vector<16xi32>
          %shift_right_logical3A_220 = arith.constant 5 : i32
          %shift_right_logical3A_221 = vector.broadcast %shift_right_logical3A_220 : i32 to vector<16xi32>
          %shift_right_logical3A_222 = arith.shrui %get3A_219, %shift_right_logical3A_221 : vector<16xi32>
          %swap3A_223 = arith.index_cast %add3A_216 : i32 to index
          %swap3A_224 = tpu.vector_load %arg7[%swap3A_223] {strides = array<i32>} : memref<16000xi32, #tpu.memory_space<vmem>>, vector<16xi32>,
          %swap3A_225 = vector.shape_cast %swap3A_224 : vector<16xi32> to vector<16xi32>
          %swap3A_226 = vector.shape_cast %shift_right_logical3A_222 : vector<16xi32> to vector<16xi32>
          tpu.vector_store %arg7[%swap3A_223], %swap3A_226 {strides = array<i32>} : memref<16000xi32, #tpu.memory_space<vmem>>, vector<16xi32>,
          %mul3A_227 = arith.constant 16 : i32
          %mul3A_228 = arith.muli %scan3A_181, %mul3A_227 : i32
          %mul3A_229 = arith.constant 8 : i32
          %mul3A_230 = arith.muli %mul3A_228, %mul3A_229 : i32
          %add3A_231 = arith.constant 48 : i32
          %add3A_232 = arith.addi %mul3A_230, %add3A_231 : i32
          %get3A_233 = arith.index_cast %add3A_232 : i32 to index
          %get3A_234 = tpu.vector_load %arg6[%get3A_233] {strides = array<i32>} : memref<16000xi32, #tpu.memory_space<vmem>>, vector<16xi32>,
          %get3A_235 = vector.shape_cast %get3A_234 : vector<16xi32> to vector<16xi32>
          %shift_right_logical3A_236 = arith.constant 5 : i32
          %shift_right_logical3A_237 = vector.broadcast %shift_right_logical3A_236 : i32 to vector<16xi32>
          %shift_right_logical3A_238 = arith.shrui %get3A_235, %shift_right_logical3A_237 : vector<16xi32>
          %swap3A_239 = arith.index_cast %add3A_232 : i32 to index
          %swap3A_240 = tpu.vector_load %arg7[%swap3A_239] {strides = array<i32>} : memref<16000xi32, #tpu.memory_space<vmem>>, vector<16xi32>,
          %swap3A_241 = vector.shape_cast %swap3A_240 : vector<16xi32> to vector<16xi32>
          %swap3A_242 = vector.shape_cast %shift_right_logical3A_238 : vector<16xi32> to vector<16xi32>
          tpu.vector_store %arg7[%swap3A_239], %swap3A_242 {strides = array<i32>} : memref<16000xi32, #tpu.memory_space<vmem>>, vector<16xi32>,
          %mul3A_243 = arith.constant 16 : i32
          %mul3A_244 = arith.muli %scan3A_181, %mul3A_243 : i32
          %mul3A_245 = arith.constant 8 : i32
          %mul3A_246 = arith.muli %mul3A_244, %mul3A_245 : i32
          %add3A_247 = arith.constant 64 : i32
          %add3A_248 = arith.addi %mul3A_246, %add3A_247 : i32
          %get3A_249 = arith.index_cast %add3A_248 : i32 to index
          %get3A_250 = tpu.vector_load %arg6[%get3A_249] {strides = array<i32>} : memref<16000xi32, #tpu.memory_space<vmem>>, vector<16xi32>,
          %get3A_251 = vector.shape_cast %get3A_250 : vector<16xi32> to vector<16xi32>
          %shift_right_logical3A_252 = arith.constant 5 : i32
          %shift_right_logical3A_253 = vector.broadcast %shift_right_logical3A_252 : i32 to vector<16xi32>
          %shift_right_logical3A_254 = arith.shrui %get3A_251, %shift_right_logical3A_253 : vector<16xi32>
          %swap3A_255 = arith.index_cast %add3A_248 : i32 to index
          %swap3A_256 = tpu.vector_load %arg7[%swap3A_255] {strides = array<i32>} : memref<16000xi32, #tpu.memory_space<vmem>>, vector<16xi32>,
          %swap3A_257 = vector.shape_cast %swap3A_256 : vector<16xi32> to vector<16xi32>
          %swap3A_258 = vector.shape_cast %shift_right_logical3A_254 : vector<16xi32> to vector<16xi32>
          tpu.vector_store %arg7[%swap3A_255], %swap3A_258 {strides = array<i32>} : memref<16000xi32, #tpu.memory_space<vmem>>, vector<16xi32>,
          %mul3A_259 = arith.constant 16 : i32
          %mul3A_260 = arith.muli %scan3A_181, %mul3A_259 : i32
          %mul3A_261 = arith.constant 8 : i32
          %mul3A_262 = arith.muli %mul3A_260, %mul3A_261 : i32
          %add3A_263 = arith.constant 80 : i32
          %add3A_264 = arith.addi %mul3A_262, %add3A_263 : i32
          %get3A_265 = arith.index_cast %add3A_264 : i32 to index
          %get3A_266 = tpu.vector_load %arg6[%get3A_265] {strides = array<i32>} : memref<16000xi32, #tpu.memory_space<vmem>>, vector<16xi32>,
          %get3A_267 = vector.shape_cast %get3A_266 : vector<16xi32> to vector<16xi32>
          %shift_right_logical3A_268 = arith.constant 5 : i32
          %shift_right_logical3A_269 = vector.broadcast %shift_right_logical3A_268 : i32 to vector<16xi32>
          %shift_right_logical3A_270 = arith.shrui %get3A_267, %shift_right_logical3A_269 : vector<16xi32>
          %swap3A_271 = arith.index_cast %add3A_264 : i32 to index
          %swap3A_272 = tpu.vector_load %arg7[%swap3A_271] {strides = array<i32>} : memref<16000xi32, #tpu.memory_space<vmem>>, vector<16xi32>,
          %swap3A_273 = vector.shape_cast %swap3A_272 : vector<16xi32> to vector<16xi32>
          %swap3A_274 = vector.shape_cast %shift_right_logical3A_270 : vector<16xi32> to vector<16xi32>
          tpu.vector_store %arg7[%swap3A_271], %swap3A_274 {strides = array<i32>} : memref<16000xi32, #tpu.memory_space<vmem>>, vector<16xi32>,
          %mul3A_275 = arith.constant 16 : i32
          %mul3A_276 = arith.muli %scan3A_181, %mul3A_275 : i32
          %mul3A_277 = arith.constant 8 : i32
          %mul3A_278 = arith.muli %mul3A_276, %mul3A_277 : i32
          %add3A_279 = arith.constant 96 : i32
          %add3A_280 = arith.addi %mul3A_278, %add3A_279 : i32
          %get3A_281 = arith.index_cast %add3A_280 : i32 to index
          %get3A_282 = tpu.vector_load %arg6[%get3A_281] {strides = array<i32>} : memref<16000xi32, #tpu.memory_space<vmem>>, vector<16xi32>,
          %get3A_283 = vector.shape_cast %get3A_282 : vector<16xi32> to vector<16xi32>
          %shift_right_logical3A_284 = arith.constant 5 : i32
          %shift_right_logical3A_285 = vector.broadcast %shift_right_logical3A_284 : i32 to vector<16xi32>
          %shift_right_logical3A_286 = arith.shrui %get3A_283, %shift_right_logical3A_285 : vector<16xi32>
          %swap3A_287 = arith.index_cast %add3A_280 : i32 to index
          %swap3A_288 = tpu.vector_load %arg7[%swap3A_287] {strides = array<i32>} : memref<16000xi32, #tpu.memory_space<vmem>>, vector<16xi32>,
          %swap3A_289 = vector.shape_cast %swap3A_288 : vector<16xi32> to vector<16xi32>
          %swap3A_290 = vector.shape_cast %shift_right_logical3A_286 : vector<16xi32> to vector<16xi32>
          tpu.vector_store %arg7[%swap3A_287], %swap3A_290 {strides = array<i32>} : memref<16000xi32, #tpu.memory_space<vmem>>, vector<16xi32>,
          %mul3A_291 = arith.constant 16 : i32
          %mul3A_292 = arith.muli %scan3A_181, %mul3A_291 : i32
          %mul3A_293 = arith.constant 8 : i32
          %mul3A_294 = arith.muli %mul3A_292, %mul3A_293 : i32
          %add3A_295 = arith.constant 112 : i32
          %add3A_296 = arith.addi %mul3A_294, %add3A_295 : i32
          %get3A_297 = arith.index_cast %add3A_296 : i32 to index
          %get3A_298 = tpu.vector_load %arg6[%get3A_297] {strides = array<i32>} : memref<16000xi32, #tpu.memory_space<vmem>>, vector<16xi32>,
          %get3A_299 = vector.shape_cast %get3A_298 : vector<16xi32> to vector<16xi32>
          %shift_right_logical3A_300 = arith.constant 5 : i32
          %shift_right_logical3A_301 = vector.broadcast %shift_right_logical3A_300 : i32 to vector<16xi32>
          %shift_right_logical3A_302 = arith.shrui %get3A_299, %shift_right_logical3A_301 : vector<16xi32>
          %swap3A_303 = arith.index_cast %add3A_296 : i32 to index
          %swap3A_304 = tpu.vector_load %arg7[%swap3A_303] {strides = array<i32>} : memref<16000xi32, #tpu.memory_space<vmem>>, vector<16xi32>,
          %swap3A_305 = vector.shape_cast %swap3A_304 : vector<16xi32> to vector<16xi32>
          %swap3A_306 = vector.shape_cast %shift_right_logical3A_302 : vector<16xi32> to vector<16xi32>
          tpu.vector_store %arg7[%swap3A_303], %swap3A_306 {strides = array<i32>} : memref<16000xi32, #tpu.memory_space<vmem>>, vector<16xi32>,
        }
        %scan3A_106 = arith.constant 31 : i32
        %dma_start3A_107 = arith.constant 8000 : i32
        %dma_start3A_108 = tpu.memref_slice %arg8[%dma_start3A_107] : memref<16000xi32, #tpu.memory_space<vmem>> -> memref<4000xi32, #tpu.memory_space<vmem>>
        %dma_start3A_109 = arith.constant 8000 : i32
        %dma_start3A_110 = tpu.memref_slice %arg7[%dma_start3A_109] : memref<16000xi32, #tpu.memory_space<vmem>> -> memref<4000xi32, #tpu.memory_space<vmem>>
        %dma_start3A_111 = arith.constant 0 : i32
        %dma_start3A_112 = tpu.memref_slice %arg9[%dma_start3A_111] : memref<1048576xi32, #tpu.memory_space<vmem_shared>> -> memref<1048576xi32, #tpu.memory_space<vmem_shared>>
        tpu.enqueue_indirect_dma source(%dma_start3A_112 : memref<1048576xi32, #tpu.memory_space<vmem_shared>>) target(%dma_start3A_108 : memref<4000xi32, #tpu.memory_space<vmem>>) offsets(%dma_start3A_110 : memref<4000xi32, #tpu.memory_space<vmem>>) semaphore(%arg14 : memref<!tpu.dma_semaphore, #tpu.memory_space<semaphore_mem>>)
        %scan3A_113 = arith.constant 0 : i32
        %scan3A_114 = arith.constant 93 : i32
        %scan3A_115 = arith.constant 32 : i32
        %scan3A_116 = arith.addi %scan3A_114, %scan3A_115 : i32
        %scan3A_117 = arith.constant 1 : i32
        scf.for %scan3A_181 = %scan3A_114 to %scan3A_116 step %scan3A_117  : i32 {
          %mul3A_182 = arith.constant 16 : i32
          %mul3A_183 = arith.muli %scan3A_181, %mul3A_182 : i32
          %mul3A_184 = arith.constant 8 : i32
          %mul3A_185 = arith.muli %mul3A_183, %mul3A_184 : i32
          %add3A_186 = arith.constant 0 : i32
          %add3A_187 = arith.addi %mul3A_185, %add3A_186 : i32
          %get3A = arith.index_cast %add3A_187 : i32 to index
          %get3A_188 = tpu.vector_load %arg6[%get3A] {strides = array<i32>} : memref<16000xi32, #tpu.memory_space<vmem>>, vector<16xi32>,
          %get3A_189 = vector.shape_cast %get3A_188 : vector<16xi32> to vector<16xi32>
          %shift_right_logical3A = arith.constant 5 : i32
          %shift_right_logical3A_190 = vector.broadcast %shift_right_logical3A : i32 to vector<16xi32>
          %shift_right_logical3A_191 = arith.shrui %get3A_189, %shift_right_logical3A_190 : vector<16xi32>
          %swap3A = arith.index_cast %add3A_187 : i32 to index
          %swap3A_192 = tpu.vector_load %arg7[%swap3A] {strides = array<i32>} : memref<16000xi32, #tpu.memory_space<vmem>>, vector<16xi32>,
          %swap3A_193 = vector.shape_cast %swap3A_192 : vector<16xi32> to vector<16xi32>
          %swap3A_194 = vector.shape_cast %shift_right_logical3A_191 : vector<16xi32> to vector<16xi32>
          tpu.vector_store %arg7[%swap3A], %swap3A_194 {strides = array<i32>} : memref<16000xi32, #tpu.memory_space<vmem>>, vector<16xi32>,
          %mul3A_195 = arith.constant 16 : i32
          %mul3A_196 = arith.muli %scan3A_181, %mul3A_195 : i32
          %mul3A_197 = arith.constant 8 : i32
          %mul3A_198 = arith.muli %mul3A_196, %mul3A_197 : i32
          %add3A_199 = arith.constant 16 : i32
          %add3A_200 = arith.addi %mul3A_198, %add3A_199 : i32
          %get3A_201 = arith.index_cast %add3A_200 : i32 to index
          %get3A_202 = tpu.vector_load %arg6[%get3A_201] {strides = array<i32>} : memref<16000xi32, #tpu.memory_space<vmem>>, vector<16xi32>,
          %get3A_203 = vector.shape_cast %get3A_202 : vector<16xi32> to vector<16xi32>
          %shift_right_logical3A_204 = arith.constant 5 : i32
          %shift_right_logical3A_205 = vector.broadcast %shift_right_logical3A_204 : i32 to vector<16xi32>
          %shift_right_logical3A_206 = arith.shrui %get3A_203, %shift_right_logical3A_205 : vector<16xi32>
          %swap3A_207 = arith.index_cast %add3A_200 : i32 to index
          %swap3A_208 = tpu.vector_load %arg7[%swap3A_207] {strides = array<i32>} : memref<16000xi32, #tpu.memory_space<vmem>>, vector<16xi32>,
          %swap3A_209 = vector.shape_cast %swap3A_208 : vector<16xi32> to vector<16xi32>
          %swap3A_210 = vector.shape_cast %shift_right_logical3A_206 : vector<16xi32> to vector<16xi32>
          tpu.vector_store %arg7[%swap3A_207], %swap3A_210 {strides = array<i32>} : memref<16000xi32, #tpu.memory_space<vmem>>, vector<16xi32>,
          %mul3A_211 = arith.constant 16 : i32
          %mul3A_212 = arith.muli %scan3A_181, %mul3A_211 : i32
          %mul3A_213 = arith.constant 8 : i32
          %mul3A_214 = arith.muli %mul3A_212, %mul3A_213 : i32
          %add3A_215 = arith.constant 32 : i32
          %add3A_216 = arith.addi %mul3A_214, %add3A_215 : i32
          %get3A_217 = arith.index_cast %add3A_216 : i32 to index
          %get3A_218 = tpu.vector_load %arg6[%get3A_217] {strides = array<i32>} : memref<16000xi32, #tpu.memory_space<vmem>>, vector<16xi32>,
          %get3A_219 = vector.shape_cast %get3A_218 : vector<16xi32> to vector<16xi32>
          %shift_right_logical3A_220 = arith.constant 5 : i32
          %shift_right_logical3A_221 = vector.broadcast %shift_right_logical3A_220 : i32 to vector<16xi32>
          %shift_right_logical3A_222 = arith.shrui %get3A_219, %shift_right_logical3A_221 : vector<16xi32>
          %swap3A_223 = arith.index_cast %add3A_216 : i32 to index
          %swap3A_224 = tpu.vector_load %arg7[%swap3A_223] {strides = array<i32>} : memref<16000xi32, #tpu.memory_space<vmem>>, vector<16xi32>,
          %swap3A_225 = vector.shape_cast %swap3A_224 : vector<16xi32> to vector<16xi32>
          %swap3A_226 = vector.shape_cast %shift_right_logical3A_222 : vector<16xi32> to vector<16xi32>
          tpu.vector_store %arg7[%swap3A_223], %swap3A_226 {strides = array<i32>} : memref<16000xi32, #tpu.memory_space<vmem>>, vector<16xi32>,
          %mul3A_227 = arith.constant 16 : i32
          %mul3A_228 = arith.muli %scan3A_181, %mul3A_227 : i32
          %mul3A_229 = arith.constant 8 : i32
          %mul3A_230 = arith.muli %mul3A_228, %mul3A_229 : i32
          %add3A_231 = arith.constant 48 : i32
          %add3A_232 = arith.addi %mul3A_230, %add3A_231 : i32
          %get3A_233 = arith.index_cast %add3A_232 : i32 to index
          %get3A_234 = tpu.vector_load %arg6[%get3A_233] {strides = array<i32>} : memref<16000xi32, #tpu.memory_space<vmem>>, vector<16xi32>,
          %get3A_235 = vector.shape_cast %get3A_234 : vector<16xi32> to vector<16xi32>
          %shift_right_logical3A_236 = arith.constant 5 : i32
          %shift_right_logical3A_237 = vector.broadcast %shift_right_logical3A_236 : i32 to vector<16xi32>
          %shift_right_logical3A_238 = arith.shrui %get3A_235, %shift_right_logical3A_237 : vector<16xi32>
          %swap3A_239 = arith.index_cast %add3A_232 : i32 to index
          %swap3A_240 = tpu.vector_load %arg7[%swap3A_239] {strides = array<i32>} : memref<16000xi32, #tpu.memory_space<vmem>>, vector<16xi32>,
          %swap3A_241 = vector.shape_cast %swap3A_240 : vector<16xi32> to vector<16xi32>
          %swap3A_242 = vector.shape_cast %shift_right_logical3A_238 : vector<16xi32> to vector<16xi32>
          tpu.vector_store %arg7[%swap3A_239], %swap3A_242 {strides = array<i32>} : memref<16000xi32, #tpu.memory_space<vmem>>, vector<16xi32>,
          %mul3A_243 = arith.constant 16 : i32
          %mul3A_244 = arith.muli %scan3A_181, %mul3A_243 : i32
          %mul3A_245 = arith.constant 8 : i32
          %mul3A_246 = arith.muli %mul3A_244, %mul3A_245 : i32
          %add3A_247 = arith.constant 64 : i32
          %add3A_248 = arith.addi %mul3A_246, %add3A_247 : i32
          %get3A_249 = arith.index_cast %add3A_248 : i32 to index
          %get3A_250 = tpu.vector_load %arg6[%get3A_249] {strides = array<i32>} : memref<16000xi32, #tpu.memory_space<vmem>>, vector<16xi32>,
          %get3A_251 = vector.shape_cast %get3A_250 : vector<16xi32> to vector<16xi32>
          %shift_right_logical3A_252 = arith.constant 5 : i32
          %shift_right_logical3A_253 = vector.broadcast %shift_right_logical3A_252 : i32 to vector<16xi32>
          %shift_right_logical3A_254 = arith.shrui %get3A_251, %shift_right_logical3A_253 : vector<16xi32>
          %swap3A_255 = arith.index_cast %add3A_248 : i32 to index
          %swap3A_256 = tpu.vector_load %arg7[%swap3A_255] {strides = array<i32>} : memref<16000xi32, #tpu.memory_space<vmem>>, vector<16xi32>,
          %swap3A_257 = vector.shape_cast %swap3A_256 : vector<16xi32> to vector<16xi32>
          %swap3A_258 = vector.shape_cast %shift_right_logical3A_254 : vector<16xi32> to vector<16xi32>
          tpu.vector_store %arg7[%swap3A_255], %swap3A_258 {strides = array<i32>} : memref<16000xi32, #tpu.memory_space<vmem>>, vector<16xi32>,
          %mul3A_259 = arith.constant 16 : i32
          %mul3A_260 = arith.muli %scan3A_181, %mul3A_259 : i32
          %mul3A_261 = arith.constant 8 : i32
          %mul3A_262 = arith.muli %mul3A_260, %mul3A_261 : i32
          %add3A_263 = arith.constant 80 : i32
          %add3A_264 = arith.addi %mul3A_262, %add3A_263 : i32
          %get3A_265 = arith.index_cast %add3A_264 : i32 to index
          %get3A_266 = tpu.vector_load %arg6[%get3A_265] {strides = array<i32>} : memref<16000xi32, #tpu.memory_space<vmem>>, vector<16xi32>,
          %get3A_267 = vector.shape_cast %get3A_266 : vector<16xi32> to vector<16xi32>
          %shift_right_logical3A_268 = arith.constant 5 : i32
          %shift_right_logical3A_269 = vector.broadcast %shift_right_logical3A_268 : i32 to vector<16xi32>
          %shift_right_logical3A_270 = arith.shrui %get3A_267, %shift_right_logical3A_269 : vector<16xi32>
          %swap3A_271 = arith.index_cast %add3A_264 : i32 to index
          %swap3A_272 = tpu.vector_load %arg7[%swap3A_271] {strides = array<i32>} : memref<16000xi32, #tpu.memory_space<vmem>>, vector<16xi32>,
          %swap3A_273 = vector.shape_cast %swap3A_272 : vector<16xi32> to vector<16xi32>
          %swap3A_274 = vector.shape_cast %shift_right_logical3A_270 : vector<16xi32> to vector<16xi32>
          tpu.vector_store %arg7[%swap3A_271], %swap3A_274 {strides = array<i32>} : memref<16000xi32, #tpu.memory_space<vmem>>, vector<16xi32>,
          %mul3A_275 = arith.constant 16 : i32
          %mul3A_276 = arith.muli %scan3A_181, %mul3A_275 : i32
          %mul3A_277 = arith.constant 8 : i32
          %mul3A_278 = arith.muli %mul3A_276, %mul3A_277 : i32
          %add3A_279 = arith.constant 96 : i32
          %add3A_280 = arith.addi %mul3A_278, %add3A_279 : i32
          %get3A_281 = arith.index_cast %add3A_280 : i32 to index
          %get3A_282 = tpu.vector_load %arg6[%get3A_281] {strides = array<i32>} : memref<16000xi32, #tpu.memory_space<vmem>>, vector<16xi32>,
          %get3A_283 = vector.shape_cast %get3A_282 : vector<16xi32> to vector<16xi32>
          %shift_right_logical3A_284 = arith.constant 5 : i32
          %shift_right_logical3A_285 = vector.broadcast %shift_right_logical3A_284 : i32 to vector<16xi32>
          %shift_right_logical3A_286 = arith.shrui %get3A_283, %shift_right_logical3A_285 : vector<16xi32>
          %swap3A_287 = arith.index_cast %add3A_280 : i32 to index
          %swap3A_288 = tpu.vector_load %arg7[%swap3A_287] {strides = array<i32>} : memref<16000xi32, #tpu.memory_space<vmem>>, vector<16xi32>,
          %swap3A_289 = vector.shape_cast %swap3A_288 : vector<16xi32> to vector<16xi32>
          %swap3A_290 = vector.shape_cast %shift_right_logical3A_286 : vector<16xi32> to vector<16xi32>
          tpu.vector_store %arg7[%swap3A_287], %swap3A_290 {strides = array<i32>} : memref<16000xi32, #tpu.memory_space<vmem>>, vector<16xi32>,
          %mul3A_291 = arith.constant 16 : i32
          %mul3A_292 = arith.muli %scan3A_181, %mul3A_291 : i32
          %mul3A_293 = arith.constant 8 : i32
          %mul3A_294 = arith.muli %mul3A_292, %mul3A_293 : i32
          %add3A_295 = arith.constant 112 : i32
          %add3A_296 = arith.addi %mul3A_294, %add3A_295 : i32
          %get3A_297 = arith.index_cast %add3A_296 : i32 to index
          %get3A_298 = tpu.vector_load %arg6[%get3A_297] {strides = array<i32>} : memref<16000xi32, #tpu.memory_space<vmem>>, vector<16xi32>,
          %get3A_299 = vector.shape_cast %get3A_298 : vector<16xi32> to vector<16xi32>
          %shift_right_logical3A_300 = arith.constant 5 : i32
          %shift_right_logical3A_301 = vector.broadcast %shift_right_logical3A_300 : i32 to vector<16xi32>
          %shift_right_logical3A_302 = arith.shrui %get3A_299, %shift_right_logical3A_301 : vector<16xi32>
          %swap3A_303 = arith.index_cast %add3A_296 : i32 to index
          %swap3A_304 = tpu.vector_load %arg7[%swap3A_303] {strides = array<i32>} : memref<16000xi32, #tpu.memory_space<vmem>>, vector<16xi32>,
          %swap3A_305 = vector.shape_cast %swap3A_304 : vector<16xi32> to vector<16xi32>
          %swap3A_306 = vector.shape_cast %shift_right_logical3A_302 : vector<16xi32> to vector<16xi32>
          tpu.vector_store %arg7[%swap3A_303], %swap3A_306 {strides = array<i32>} : memref<16000xi32, #tpu.memory_space<vmem>>, vector<16xi32>,
        }
        %scan3A_118 = arith.constant 32 : i32
        %dma_start3A_119 = arith.constant 12000 : i32
        %dma_start3A_120 = tpu.memref_slice %arg8[%dma_start3A_119] : memref<16000xi32, #tpu.memory_space<vmem>> -> memref<4000xi32, #tpu.memory_space<vmem>>
        %dma_start3A_121 = arith.constant 12000 : i32
        %dma_start3A_122 = tpu.memref_slice %arg7[%dma_start3A_121] : memref<16000xi32, #tpu.memory_space<vmem>> -> memref<4000xi32, #tpu.memory_space<vmem>>
        %dma_start3A_123 = arith.constant 0 : i32
        %dma_start3A_124 = tpu.memref_slice %arg9[%dma_start3A_123] : memref<1048576xi32, #tpu.memory_space<vmem_shared>> -> memref<1048576xi32, #tpu.memory_space<vmem_shared>>
        tpu.enqueue_indirect_dma source(%dma_start3A_124 : memref<1048576xi32, #tpu.memory_space<vmem_shared>>) target(%dma_start3A_120 : memref<4000xi32, #tpu.memory_space<vmem>>) offsets(%dma_start3A_122 : memref<4000xi32, #tpu.memory_space<vmem>>) semaphore(%arg15 : memref<!tpu.dma_semaphore, #tpu.memory_space<semaphore_mem>>)
        %dma_wait3A_125 = arith.constant 0 : i32
        %dma_wait3A_126 = tpu.memref_slice %arg8[%dma_wait3A_125] : memref<16000xi32, #tpu.memory_space<vmem>> -> memref<4000xi32, #tpu.memory_space<vmem>>
        %dma_wait3A_127 = arith.constant 0 : i32
        %dma_wait3A_128 = tpu.memref_slice %arg7[%dma_wait3A_127] : memref<16000xi32, #tpu.memory_space<vmem>> -> memref<4000xi32, #tpu.memory_space<vmem>>
        %dma_wait3A_129 = arith.constant 0 : i32
        %dma_wait3A_130 = tpu.memref_slice %arg9[%dma_wait3A_129] : memref<1048576xi32, #tpu.memory_space<vmem_shared>> -> memref<1048576xi32, #tpu.memory_space<vmem_shared>>
        tpu.wait_indirect_dma semaphore(%arg12 : memref<!tpu.dma_semaphore, #tpu.memory_space<semaphore_mem>>) src(%dma_wait3A_130 : memref<1048576xi32, #tpu.memory_space<vmem_shared>>) dst(%dma_wait3A_126 : memref<4000xi32, #tpu.memory_space<vmem>>)
        %scan3A_131 = arith.constant 0 : i32
        %scan3A_132 = arith.constant 0 : i32
        %scan3A_133 = arith.constant 31 : i32
        %scan3A_134 = arith.addi %scan3A_132, %scan3A_133 : i32
        %scan3A_135 = arith.constant 1 : i32
        scf.for %scan3A_181 = %scan3A_132 to %scan3A_134 step %scan3A_135  : i32 {
          %mul3A_182 = arith.constant 16 : i32
          %mul3A_183 = arith.muli %scan3A_181, %mul3A_182 : i32
          %mul3A_184 = arith.constant 8 : i32
          %mul3A_185 = arith.muli %mul3A_183, %mul3A_184 : i32
          %add3A_186 = arith.constant 0 : i32
          %add3A_187 = arith.addi %mul3A_185, %add3A_186 : i32
          %get3A = arith.index_cast %add3A_187 : i32 to index
          %get3A_188 = tpu.vector_load %arg8[%get3A] {strides = array<i32>} : memref<16000xi32, #tpu.memory_space<vmem>>, vector<16xi32>,
          %get3A_189 = vector.shape_cast %get3A_188 : vector<16xi32> to vector<16xi32>
          %get3A_190 = arith.index_cast %add3A_187 : i32 to index
          %get3A_191 = tpu.vector_load %arg6[%get3A_190] {strides = array<i32>} : memref<16000xi32, #tpu.memory_space<vmem>>, vector<16xi32>,
          %get3A_192 = vector.shape_cast %get3A_191 : vector<16xi32> to vector<16xi32>
          %and3A_193 = arith.constant 31 : i32
          %and3A_194 = vector.broadcast %and3A_193 : i32 to vector<16xi32>
          %and3A_195 = arith.andi %get3A_192, %and3A_194 : vector<16xi32>
          %shift_right_logical3A = arith.shrui %get3A_189, %and3A_195 : vector<16xi32>
          %and3A_196 = arith.constant 1 : i32
          %and3A_197 = vector.broadcast %and3A_196 : i32 to vector<16xi32>
          %and3A_198 = arith.andi %shift_right_logical3A, %and3A_197 : vector<16xi32>
          %swap3A = arith.index_cast %add3A_187 : i32 to index
          %swap3A_199 = tpu.vector_load %arg8[%swap3A] {strides = array<i32>} : memref<16000xi32, #tpu.memory_space<vmem>>, vector<16xi32>,
          %swap3A_200 = vector.shape_cast %swap3A_199 : vector<16xi32> to vector<16xi32>
          %swap3A_201 = vector.shape_cast %and3A_198 : vector<16xi32> to vector<16xi32>
          tpu.vector_store %arg8[%swap3A], %swap3A_201 {strides = array<i32>} : memref<16000xi32, #tpu.memory_space<vmem>>, vector<16xi32>,
          %mul3A_202 = arith.constant 16 : i32
          %mul3A_203 = arith.muli %scan3A_181, %mul3A_202 : i32
          %mul3A_204 = arith.constant 8 : i32
          %mul3A_205 = arith.muli %mul3A_203, %mul3A_204 : i32
          %add3A_206 = arith.constant 16 : i32
          %add3A_207 = arith.addi %mul3A_205, %add3A_206 : i32
          %get3A_208 = arith.index_cast %add3A_207 : i32 to index
          %get3A_209 = tpu.vector_load %arg8[%get3A_208] {strides = array<i32>} : memref<16000xi32, #tpu.memory_space<vmem>>, vector<16xi32>,
          %get3A_210 = vector.shape_cast %get3A_209 : vector<16xi32> to vector<16xi32>
          %get3A_211 = arith.index_cast %add3A_207 : i32 to index
          %get3A_212 = tpu.vector_load %arg6[%get3A_211] {strides = array<i32>} : memref<16000xi32, #tpu.memory_space<vmem>>, vector<16xi32>,
          %get3A_213 = vector.shape_cast %get3A_212 : vector<16xi32> to vector<16xi32>
          %and3A_214 = arith.constant 31 : i32
          %and3A_215 = vector.broadcast %and3A_214 : i32 to vector<16xi32>
          %and3A_216 = arith.andi %get3A_213, %and3A_215 : vector<16xi32>
          %shift_right_logical3A_217 = arith.shrui %get3A_210, %and3A_216 : vector<16xi32>
          %and3A_218 = arith.constant 1 : i32
          %and3A_219 = vector.broadcast %and3A_218 : i32 to vector<16xi32>
          %and3A_220 = arith.andi %shift_right_logical3A_217, %and3A_219 : vector<16xi32>
          %swap3A_221 = arith.index_cast %add3A_207 : i32 to index
          %swap3A_222 = tpu.vector_load %arg8[%swap3A_221] {strides = array<i32>} : memref<16000xi32, #tpu.memory_space<vmem>>, vector<16xi32>,
          %swap3A_223 = vector.shape_cast %swap3A_222 : vector<16xi32> to vector<16xi32>
          %swap3A_224 = vector.shape_cast %and3A_220 : vector<16xi32> to vector<16xi32>
          tpu.vector_store %arg8[%swap3A_221], %swap3A_224 {strides = array<i32>} : memref<16000xi32, #tpu.memory_space<vmem>>, vector<16xi32>,
          %mul3A_225 = arith.constant 16 : i32
          %mul3A_226 = arith.muli %scan3A_181, %mul3A_225 : i32
          %mul3A_227 = arith.constant 8 : i32
          %mul3A_228 = arith.muli %mul3A_226, %mul3A_227 : i32
          %add3A_229 = arith.constant 32 : i32
          %add3A_230 = arith.addi %mul3A_228, %add3A_229 : i32
          %get3A_231 = arith.index_cast %add3A_230 : i32 to index
          %get3A_232 = tpu.vector_load %arg8[%get3A_231] {strides = array<i32>} : memref<16000xi32, #tpu.memory_space<vmem>>, vector<16xi32>,
          %get3A_233 = vector.shape_cast %get3A_232 : vector<16xi32> to vector<16xi32>
          %get3A_234 = arith.index_cast %add3A_230 : i32 to index
          %get3A_235 = tpu.vector_load %arg6[%get3A_234] {strides = array<i32>} : memref<16000xi32, #tpu.memory_space<vmem>>, vector<16xi32>,
          %get3A_236 = vector.shape_cast %get3A_235 : vector<16xi32> to vector<16xi32>
          %and3A_237 = arith.constant 31 : i32
          %and3A_238 = vector.broadcast %and3A_237 : i32 to vector<16xi32>
          %and3A_239 = arith.andi %get3A_236, %and3A_238 : vector<16xi32>
          %shift_right_logical3A_240 = arith.shrui %get3A_233, %and3A_239 : vector<16xi32>
          %and3A_241 = arith.constant 1 : i32
          %and3A_242 = vector.broadcast %and3A_241 : i32 to vector<16xi32>
          %and3A_243 = arith.andi %shift_right_logical3A_240, %and3A_242 : vector<16xi32>
          %swap3A_244 = arith.index_cast %add3A_230 : i32 to index
          %swap3A_245 = tpu.vector_load %arg8[%swap3A_244] {strides = array<i32>} : memref<16000xi32, #tpu.memory_space<vmem>>, vector<16xi32>,
          %swap3A_246 = vector.shape_cast %swap3A_245 : vector<16xi32> to vector<16xi32>
          %swap3A_247 = vector.shape_cast %and3A_243 : vector<16xi32> to vector<16xi32>
          tpu.vector_store %arg8[%swap3A_244], %swap3A_247 {strides = array<i32>} : memref<16000xi32, #tpu.memory_space<vmem>>, vector<16xi32>,
          %mul3A_248 = arith.constant 16 : i32
          %mul3A_249 = arith.muli %scan3A_181, %mul3A_248 : i32
          %mul3A_250 = arith.constant 8 : i32
          %mul3A_251 = arith.muli %mul3A_249, %mul3A_250 : i32
          %add3A_252 = arith.constant 48 : i32
          %add3A_253 = arith.addi %mul3A_251, %add3A_252 : i32
          %get3A_254 = arith.index_cast %add3A_253 : i32 to index
          %get3A_255 = tpu.vector_load %arg8[%get3A_254] {strides = array<i32>} : memref<16000xi32, #tpu.memory_space<vmem>>, vector<16xi32>,
          %get3A_256 = vector.shape_cast %get3A_255 : vector<16xi32> to vector<16xi32>
          %get3A_257 = arith.index_cast %add3A_253 : i32 to index
          %get3A_258 = tpu.vector_load %arg6[%get3A_257] {strides = array<i32>} : memref<16000xi32, #tpu.memory_space<vmem>>, vector<16xi32>,
          %get3A_259 = vector.shape_cast %get3A_258 : vector<16xi32> to vector<16xi32>
          %and3A_260 = arith.constant 31 : i32
          %and3A_261 = vector.broadcast %and3A_260 : i32 to vector<16xi32>
          %and3A_262 = arith.andi %get3A_259, %and3A_261 : vector<16xi32>
          %shift_right_logical3A_263 = arith.shrui %get3A_256, %and3A_262 : vector<16xi32>
          %and3A_264 = arith.constant 1 : i32
          %and3A_265 = vector.broadcast %and3A_264 : i32 to vector<16xi32>
          %and3A_266 = arith.andi %shift_right_logical3A_263, %and3A_265 : vector<16xi32>
          %swap3A_267 = arith.index_cast %add3A_253 : i32 to index
          %swap3A_268 = tpu.vector_load %arg8[%swap3A_267] {strides = array<i32>} : memref<16000xi32, #tpu.memory_space<vmem>>, vector<16xi32>,
          %swap3A_269 = vector.shape_cast %swap3A_268 : vector<16xi32> to vector<16xi32>
          %swap3A_270 = vector.shape_cast %and3A_266 : vector<16xi32> to vector<16xi32>
          tpu.vector_store %arg8[%swap3A_267], %swap3A_270 {strides = array<i32>} : memref<16000xi32, #tpu.memory_space<vmem>>, vector<16xi32>,
          %mul3A_271 = arith.constant 16 : i32
          %mul3A_272 = arith.muli %scan3A_181, %mul3A_271 : i32
          %mul3A_273 = arith.constant 8 : i32
          %mul3A_274 = arith.muli %mul3A_272, %mul3A_273 : i32
          %add3A_275 = arith.constant 64 : i32
          %add3A_276 = arith.addi %mul3A_274, %add3A_275 : i32
          %get3A_277 = arith.index_cast %add3A_276 : i32 to index
          %get3A_278 = tpu.vector_load %arg8[%get3A_277] {strides = array<i32>} : memref<16000xi32, #tpu.memory_space<vmem>>, vector<16xi32>,
          %get3A_279 = vector.shape_cast %get3A_278 : vector<16xi32> to vector<16xi32>
          %get3A_280 = arith.index_cast %add3A_276 : i32 to index
          %get3A_281 = tpu.vector_load %arg6[%get3A_280] {strides = array<i32>} : memref<16000xi32, #tpu.memory_space<vmem>>, vector<16xi32>,
          %get3A_282 = vector.shape_cast %get3A_281 : vector<16xi32> to vector<16xi32>
          %and3A_283 = arith.constant 31 : i32
          %and3A_284 = vector.broadcast %and3A_283 : i32 to vector<16xi32>
          %and3A_285 = arith.andi %get3A_282, %and3A_284 : vector<16xi32>
          %shift_right_logical3A_286 = arith.shrui %get3A_279, %and3A_285 : vector<16xi32>
          %and3A_287 = arith.constant 1 : i32
          %and3A_288 = vector.broadcast %and3A_287 : i32 to vector<16xi32>
          %and3A_289 = arith.andi %shift_right_logical3A_286, %and3A_288 : vector<16xi32>
          %swap3A_290 = arith.index_cast %add3A_276 : i32 to index
          %swap3A_291 = tpu.vector_load %arg8[%swap3A_290] {strides = array<i32>} : memref<16000xi32, #tpu.memory_space<vmem>>, vector<16xi32>,
          %swap3A_292 = vector.shape_cast %swap3A_291 : vector<16xi32> to vector<16xi32>
          %swap3A_293 = vector.shape_cast %and3A_289 : vector<16xi32> to vector<16xi32>
          tpu.vector_store %arg8[%swap3A_290], %swap3A_293 {strides = array<i32>} : memref<16000xi32, #tpu.memory_space<vmem>>, vector<16xi32>,
          %mul3A_294 = arith.constant 16 : i32
          %mul3A_295 = arith.muli %scan3A_181, %mul3A_294 : i32
          %mul3A_296 = arith.constant 8 : i32
          %mul3A_297 = arith.muli %mul3A_295, %mul3A_296 : i32
          %add3A_298 = arith.constant 80 : i32
          %add3A_299 = arith.addi %mul3A_297, %add3A_298 : i32
          %get3A_300 = arith.index_cast %add3A_299 : i32 to index
          %get3A_301 = tpu.vector_load %arg8[%get3A_300] {strides = array<i32>} : memref<16000xi32, #tpu.memory_space<vmem>>, vector<16xi32>,
          %get3A_302 = vector.shape_cast %get3A_301 : vector<16xi32> to vector<16xi32>
          %get3A_303 = arith.index_cast %add3A_299 : i32 to index
          %get3A_304 = tpu.vector_load %arg6[%get3A_303] {strides = array<i32>} : memref<16000xi32, #tpu.memory_space<vmem>>, vector<16xi32>,
          %get3A_305 = vector.shape_cast %get3A_304 : vector<16xi32> to vector<16xi32>
          %and3A_306 = arith.constant 31 : i32
          %and3A_307 = vector.broadcast %and3A_306 : i32 to vector<16xi32>
          %and3A_308 = arith.andi %get3A_305, %and3A_307 : vector<16xi32>
          %shift_right_logical3A_309 = arith.shrui %get3A_302, %and3A_308 : vector<16xi32>
          %and3A_310 = arith.constant 1 : i32
          %and3A_311 = vector.broadcast %and3A_310 : i32 to vector<16xi32>
          %and3A_312 = arith.andi %shift_right_logical3A_309, %and3A_311 : vector<16xi32>
          %swap3A_313 = arith.index_cast %add3A_299 : i32 to index
          %swap3A_314 = tpu.vector_load %arg8[%swap3A_313] {strides = array<i32>} : memref<16000xi32, #tpu.memory_space<vmem>>, vector<16xi32>,
          %swap3A_315 = vector.shape_cast %swap3A_314 : vector<16xi32> to vector<16xi32>
          %swap3A_316 = vector.shape_cast %and3A_312 : vector<16xi32> to vector<16xi32>
          tpu.vector_store %arg8[%swap3A_313], %swap3A_316 {strides = array<i32>} : memref<16000xi32, #tpu.memory_space<vmem>>, vector<16xi32>,
          %mul3A_317 = arith.constant 16 : i32
          %mul3A_318 = arith.muli %scan3A_181, %mul3A_317 : i32
          %mul3A_319 = arith.constant 8 : i32
          %mul3A_320 = arith.muli %mul3A_318, %mul3A_319 : i32
          %add3A_321 = arith.constant 96 : i32
          %add3A_322 = arith.addi %mul3A_320, %add3A_321 : i32
          %get3A_323 = arith.index_cast %add3A_322 : i32 to index
          %get3A_324 = tpu.vector_load %arg8[%get3A_323] {strides = array<i32>} : memref<16000xi32, #tpu.memory_space<vmem>>, vector<16xi32>,
          %get3A_325 = vector.shape_cast %get3A_324 : vector<16xi32> to vector<16xi32>
          %get3A_326 = arith.index_cast %add3A_322 : i32 to index
          %get3A_327 = tpu.vector_load %arg6[%get3A_326] {strides = array<i32>} : memref<16000xi32, #tpu.memory_space<vmem>>, vector<16xi32>,
          %get3A_328 = vector.shape_cast %get3A_327 : vector<16xi32> to vector<16xi32>
          %and3A_329 = arith.constant 31 : i32
          %and3A_330 = vector.broadcast %and3A_329 : i32 to vector<16xi32>
          %and3A_331 = arith.andi %get3A_328, %and3A_330 : vector<16xi32>
          %shift_right_logical3A_332 = arith.shrui %get3A_325, %and3A_331 : vector<16xi32>
          %and3A_333 = arith.constant 1 : i32
          %and3A_334 = vector.broadcast %and3A_333 : i32 to vector<16xi32>
          %and3A_335 = arith.andi %shift_right_logical3A_332, %and3A_334 : vector<16xi32>
          %swap3A_336 = arith.index_cast %add3A_322 : i32 to index
          %swap3A_337 = tpu.vector_load %arg8[%swap3A_336] {strides = array<i32>} : memref<16000xi32, #tpu.memory_space<vmem>>, vector<16xi32>,
          %swap3A_338 = vector.shape_cast %swap3A_337 : vector<16xi32> to vector<16xi32>
          %swap3A_339 = vector.shape_cast %and3A_335 : vector<16xi32> to vector<16xi32>
          tpu.vector_store %arg8[%swap3A_336], %swap3A_339 {strides = array<i32>} : memref<16000xi32, #tpu.memory_space<vmem>>, vector<16xi32>,
          %mul3A_340 = arith.constant 16 : i32
          %mul3A_341 = arith.muli %scan3A_181, %mul3A_340 : i32
          %mul3A_342 = arith.constant 8 : i32
          %mul3A_343 = arith.muli %mul3A_341, %mul3A_342 : i32
          %add3A_344 = arith.constant 112 : i32
          %add3A_345 = arith.addi %mul3A_343, %add3A_344 : i32
          %get3A_346 = arith.index_cast %add3A_345 : i32 to index
          %get3A_347 = tpu.vector_load %arg8[%get3A_346] {strides = array<i32>} : memref<16000xi32, #tpu.memory_space<vmem>>, vector<16xi32>,
          %get3A_348 = vector.shape_cast %get3A_347 : vector<16xi32> to vector<16xi32>
          %get3A_349 = arith.index_cast %add3A_345 : i32 to index
          %get3A_350 = tpu.vector_load %arg6[%get3A_349] {strides = array<i32>} : memref<16000xi32, #tpu.memory_space<vmem>>, vector<16xi32>,
          %get3A_351 = vector.shape_cast %get3A_350 : vector<16xi32> to vector<16xi32>
          %and3A_352 = arith.constant 31 : i32
          %and3A_353 = vector.broadcast %and3A_352 : i32 to vector<16xi32>
          %and3A_354 = arith.andi %get3A_351, %and3A_353 : vector<16xi32>
          %shift_right_logical3A_355 = arith.shrui %get3A_348, %and3A_354 : vector<16xi32>
          %and3A_356 = arith.constant 1 : i32
          %and3A_357 = vector.broadcast %and3A_356 : i32 to vector<16xi32>
          %and3A_358 = arith.andi %shift_right_logical3A_355, %and3A_357 : vector<16xi32>
          %swap3A_359 = arith.index_cast %add3A_345 : i32 to index
          %swap3A_360 = tpu.vector_load %arg8[%swap3A_359] {strides = array<i32>} : memref<16000xi32, #tpu.memory_space<vmem>>, vector<16xi32>,
          %swap3A_361 = vector.shape_cast %swap3A_360 : vector<16xi32> to vector<16xi32>
          %swap3A_362 = vector.shape_cast %and3A_358 : vector<16xi32> to vector<16xi32>
          tpu.vector_store %arg8[%swap3A_359], %swap3A_362 {strides = array<i32>} : memref<16000xi32, #tpu.memory_space<vmem>>, vector<16xi32>,
        }
        %scan3A_136 = arith.constant 31 : i32
        %dma_wait3A_137 = arith.constant 4000 : i32
        %dma_wait3A_138 = tpu.memref_slice %arg8[%dma_wait3A_137] : memref<16000xi32, #tpu.memory_space<vmem>> -> memref<4000xi32, #tpu.memory_space<vmem>>
        %dma_wait3A_139 = arith.constant 4000 : i32
        %dma_wait3A_140 = tpu.memref_slice %arg7[%dma_wait3A_139] : memref<16000xi32, #tpu.memory_space<vmem>> -> memref<4000xi32, #tpu.memory_space<vmem>>
        %dma_wait3A_141 = arith.constant 0 : i32
        %dma_wait3A_142 = tpu.memref_slice %arg9[%dma_wait3A_141] : memref<1048576xi32, #tpu.memory_space<vmem_shared>> -> memref<1048576xi32, #tpu.memory_space<vmem_shared>>
        tpu.wait_indirect_dma semaphore(%arg13 : memref<!tpu.dma_semaphore, #tpu.memory_space<semaphore_mem>>) src(%dma_wait3A_142 : memref<1048576xi32, #tpu.memory_space<vmem_shared>>) dst(%dma_wait3A_138 : memref<4000xi32, #tpu.memory_space<vmem>>)
        %scan3A_143 = arith.constant 0 : i32
        %scan3A_144 = arith.constant 31 : i32
        %scan3A_145 = arith.constant 31 : i32
        %scan3A_146 = arith.addi %scan3A_144, %scan3A_145 : i32
        %scan3A_147 = arith.constant 1 : i32
        scf.for %scan3A_181 = %scan3A_144 to %scan3A_146 step %scan3A_147  : i32 {
          %mul3A_182 = arith.constant 16 : i32
          %mul3A_183 = arith.muli %scan3A_181, %mul3A_182 : i32
          %mul3A_184 = arith.constant 8 : i32
          %mul3A_185 = arith.muli %mul3A_183, %mul3A_184 : i32
          %add3A_186 = arith.constant 0 : i32
          %add3A_187 = arith.addi %mul3A_185, %add3A_186 : i32
          %get3A = arith.index_cast %add3A_187 : i32 to index
          %get3A_188 = tpu.vector_load %arg8[%get3A] {strides = array<i32>} : memref<16000xi32, #tpu.memory_space<vmem>>, vector<16xi32>,
          %get3A_189 = vector.shape_cast %get3A_188 : vector<16xi32> to vector<16xi32>
          %get3A_190 = arith.index_cast %add3A_187 : i32 to index
          %get3A_191 = tpu.vector_load %arg6[%get3A_190] {strides = array<i32>} : memref<16000xi32, #tpu.memory_space<vmem>>, vector<16xi32>,
          %get3A_192 = vector.shape_cast %get3A_191 : vector<16xi32> to vector<16xi32>
          %and3A_193 = arith.constant 31 : i32
          %and3A_194 = vector.broadcast %and3A_193 : i32 to vector<16xi32>
          %and3A_195 = arith.andi %get3A_192, %and3A_194 : vector<16xi32>
          %shift_right_logical3A = arith.shrui %get3A_189, %and3A_195 : vector<16xi32>
          %and3A_196 = arith.constant 1 : i32
          %and3A_197 = vector.broadcast %and3A_196 : i32 to vector<16xi32>
          %and3A_198 = arith.andi %shift_right_logical3A, %and3A_197 : vector<16xi32>
          %swap3A = arith.index_cast %add3A_187 : i32 to index
          %swap3A_199 = tpu.vector_load %arg8[%swap3A] {strides = array<i32>} : memref<16000xi32, #tpu.memory_space<vmem>>, vector<16xi32>,
          %swap3A_200 = vector.shape_cast %swap3A_199 : vector<16xi32> to vector<16xi32>
          %swap3A_201 = vector.shape_cast %and3A_198 : vector<16xi32> to vector<16xi32>
          tpu.vector_store %arg8[%swap3A], %swap3A_201 {strides = array<i32>} : memref<16000xi32, #tpu.memory_space<vmem>>, vector<16xi32>,
          %mul3A_202 = arith.constant 16 : i32
          %mul3A_203 = arith.muli %scan3A_181, %mul3A_202 : i32
          %mul3A_204 = arith.constant 8 : i32
          %mul3A_205 = arith.muli %mul3A_203, %mul3A_204 : i32
          %add3A_206 = arith.constant 16 : i32
          %add3A_207 = arith.addi %mul3A_205, %add3A_206 : i32
          %get3A_208 = arith.index_cast %add3A_207 : i32 to index
          %get3A_209 = tpu.vector_load %arg8[%get3A_208] {strides = array<i32>} : memref<16000xi32, #tpu.memory_space<vmem>>, vector<16xi32>,
          %get3A_210 = vector.shape_cast %get3A_209 : vector<16xi32> to vector<16xi32>
          %get3A_211 = arith.index_cast %add3A_207 : i32 to index
          %get3A_212 = tpu.vector_load %arg6[%get3A_211] {strides = array<i32>} : memref<16000xi32, #tpu.memory_space<vmem>>, vector<16xi32>,
          %get3A_213 = vector.shape_cast %get3A_212 : vector<16xi32> to vector<16xi32>
          %and3A_214 = arith.constant 31 : i32
          %and3A_215 = vector.broadcast %and3A_214 : i32 to vector<16xi32>
          %and3A_216 = arith.andi %get3A_213, %and3A_215 : vector<16xi32>
          %shift_right_logical3A_217 = arith.shrui %get3A_210, %and3A_216 : vector<16xi32>
          %and3A_218 = arith.constant 1 : i32
          %and3A_219 = vector.broadcast %and3A_218 : i32 to vector<16xi32>
          %and3A_220 = arith.andi %shift_right_logical3A_217, %and3A_219 : vector<16xi32>
          %swap3A_221 = arith.index_cast %add3A_207 : i32 to index
          %swap3A_222 = tpu.vector_load %arg8[%swap3A_221] {strides = array<i32>} : memref<16000xi32, #tpu.memory_space<vmem>>, vector<16xi32>,
          %swap3A_223 = vector.shape_cast %swap3A_222 : vector<16xi32> to vector<16xi32>
          %swap3A_224 = vector.shape_cast %and3A_220 : vector<16xi32> to vector<16xi32>
          tpu.vector_store %arg8[%swap3A_221], %swap3A_224 {strides = array<i32>} : memref<16000xi32, #tpu.memory_space<vmem>>, vector<16xi32>,
          %mul3A_225 = arith.constant 16 : i32
          %mul3A_226 = arith.muli %scan3A_181, %mul3A_225 : i32
          %mul3A_227 = arith.constant 8 : i32
          %mul3A_228 = arith.muli %mul3A_226, %mul3A_227 : i32
          %add3A_229 = arith.constant 32 : i32
          %add3A_230 = arith.addi %mul3A_228, %add3A_229 : i32
          %get3A_231 = arith.index_cast %add3A_230 : i32 to index
          %get3A_232 = tpu.vector_load %arg8[%get3A_231] {strides = array<i32>} : memref<16000xi32, #tpu.memory_space<vmem>>, vector<16xi32>,
          %get3A_233 = vector.shape_cast %get3A_232 : vector<16xi32> to vector<16xi32>
          %get3A_234 = arith.index_cast %add3A_230 : i32 to index
          %get3A_235 = tpu.vector_load %arg6[%get3A_234] {strides = array<i32>} : memref<16000xi32, #tpu.memory_space<vmem>>, vector<16xi32>,
          %get3A_236 = vector.shape_cast %get3A_235 : vector<16xi32> to vector<16xi32>
          %and3A_237 = arith.constant 31 : i32
          %and3A_238 = vector.broadcast %and3A_237 : i32 to vector<16xi32>
          %and3A_239 = arith.andi %get3A_236, %and3A_238 : vector<16xi32>
          %shift_right_logical3A_240 = arith.shrui %get3A_233, %and3A_239 : vector<16xi32>
          %and3A_241 = arith.constant 1 : i32
          %and3A_242 = vector.broadcast %and3A_241 : i32 to vector<16xi32>
          %and3A_243 = arith.andi %shift_right_logical3A_240, %and3A_242 : vector<16xi32>
          %swap3A_244 = arith.index_cast %add3A_230 : i32 to index
          %swap3A_245 = tpu.vector_load %arg8[%swap3A_244] {strides = array<i32>} : memref<16000xi32, #tpu.memory_space<vmem>>, vector<16xi32>,
          %swap3A_246 = vector.shape_cast %swap3A_245 : vector<16xi32> to vector<16xi32>
          %swap3A_247 = vector.shape_cast %and3A_243 : vector<16xi32> to vector<16xi32>
          tpu.vector_store %arg8[%swap3A_244], %swap3A_247 {strides = array<i32>} : memref<16000xi32, #tpu.memory_space<vmem>>, vector<16xi32>,
          %mul3A_248 = arith.constant 16 : i32
          %mul3A_249 = arith.muli %scan3A_181, %mul3A_248 : i32
          %mul3A_250 = arith.constant 8 : i32
          %mul3A_251 = arith.muli %mul3A_249, %mul3A_250 : i32
          %add3A_252 = arith.constant 48 : i32
          %add3A_253 = arith.addi %mul3A_251, %add3A_252 : i32
          %get3A_254 = arith.index_cast %add3A_253 : i32 to index
          %get3A_255 = tpu.vector_load %arg8[%get3A_254] {strides = array<i32>} : memref<16000xi32, #tpu.memory_space<vmem>>, vector<16xi32>,
          %get3A_256 = vector.shape_cast %get3A_255 : vector<16xi32> to vector<16xi32>
          %get3A_257 = arith.index_cast %add3A_253 : i32 to index
          %get3A_258 = tpu.vector_load %arg6[%get3A_257] {strides = array<i32>} : memref<16000xi32, #tpu.memory_space<vmem>>, vector<16xi32>,
          %get3A_259 = vector.shape_cast %get3A_258 : vector<16xi32> to vector<16xi32>
          %and3A_260 = arith.constant 31 : i32
          %and3A_261 = vector.broadcast %and3A_260 : i32 to vector<16xi32>
          %and3A_262 = arith.andi %get3A_259, %and3A_261 : vector<16xi32>
          %shift_right_logical3A_263 = arith.shrui %get3A_256, %and3A_262 : vector<16xi32>
          %and3A_264 = arith.constant 1 : i32
          %and3A_265 = vector.broadcast %and3A_264 : i32 to vector<16xi32>
          %and3A_266 = arith.andi %shift_right_logical3A_263, %and3A_265 : vector<16xi32>
          %swap3A_267 = arith.index_cast %add3A_253 : i32 to index
          %swap3A_268 = tpu.vector_load %arg8[%swap3A_267] {strides = array<i32>} : memref<16000xi32, #tpu.memory_space<vmem>>, vector<16xi32>,
          %swap3A_269 = vector.shape_cast %swap3A_268 : vector<16xi32> to vector<16xi32>
          %swap3A_270 = vector.shape_cast %and3A_266 : vector<16xi32> to vector<16xi32>
          tpu.vector_store %arg8[%swap3A_267], %swap3A_270 {strides = array<i32>} : memref<16000xi32, #tpu.memory_space<vmem>>, vector<16xi32>,
          %mul3A_271 = arith.constant 16 : i32
          %mul3A_272 = arith.muli %scan3A_181, %mul3A_271 : i32
          %mul3A_273 = arith.constant 8 : i32
          %mul3A_274 = arith.muli %mul3A_272, %mul3A_273 : i32
          %add3A_275 = arith.constant 64 : i32
          %add3A_276 = arith.addi %mul3A_274, %add3A_275 : i32
          %get3A_277 = arith.index_cast %add3A_276 : i32 to index
          %get3A_278 = tpu.vector_load %arg8[%get3A_277] {strides = array<i32>} : memref<16000xi32, #tpu.memory_space<vmem>>, vector<16xi32>,
          %get3A_279 = vector.shape_cast %get3A_278 : vector<16xi32> to vector<16xi32>
          %get3A_280 = arith.index_cast %add3A_276 : i32 to index
          %get3A_281 = tpu.vector_load %arg6[%get3A_280] {strides = array<i32>} : memref<16000xi32, #tpu.memory_space<vmem>>, vector<16xi32>,
          %get3A_282 = vector.shape_cast %get3A_281 : vector<16xi32> to vector<16xi32>
          %and3A_283 = arith.constant 31 : i32
          %and3A_284 = vector.broadcast %and3A_283 : i32 to vector<16xi32>
          %and3A_285 = arith.andi %get3A_282, %and3A_284 : vector<16xi32>
          %shift_right_logical3A_286 = arith.shrui %get3A_279, %and3A_285 : vector<16xi32>
          %and3A_287 = arith.constant 1 : i32
          %and3A_288 = vector.broadcast %and3A_287 : i32 to vector<16xi32>
          %and3A_289 = arith.andi %shift_right_logical3A_286, %and3A_288 : vector<16xi32>
          %swap3A_290 = arith.index_cast %add3A_276 : i32 to index
          %swap3A_291 = tpu.vector_load %arg8[%swap3A_290] {strides = array<i32>} : memref<16000xi32, #tpu.memory_space<vmem>>, vector<16xi32>,
          %swap3A_292 = vector.shape_cast %swap3A_291 : vector<16xi32> to vector<16xi32>
          %swap3A_293 = vector.shape_cast %and3A_289 : vector<16xi32> to vector<16xi32>
          tpu.vector_store %arg8[%swap3A_290], %swap3A_293 {strides = array<i32>} : memref<16000xi32, #tpu.memory_space<vmem>>, vector<16xi32>,
          %mul3A_294 = arith.constant 16 : i32
          %mul3A_295 = arith.muli %scan3A_181, %mul3A_294 : i32
          %mul3A_296 = arith.constant 8 : i32
          %mul3A_297 = arith.muli %mul3A_295, %mul3A_296 : i32
          %add3A_298 = arith.constant 80 : i32
          %add3A_299 = arith.addi %mul3A_297, %add3A_298 : i32
          %get3A_300 = arith.index_cast %add3A_299 : i32 to index
          %get3A_301 = tpu.vector_load %arg8[%get3A_300] {strides = array<i32>} : memref<16000xi32, #tpu.memory_space<vmem>>, vector<16xi32>,
          %get3A_302 = vector.shape_cast %get3A_301 : vector<16xi32> to vector<16xi32>
          %get3A_303 = arith.index_cast %add3A_299 : i32 to index
          %get3A_304 = tpu.vector_load %arg6[%get3A_303] {strides = array<i32>} : memref<16000xi32, #tpu.memory_space<vmem>>, vector<16xi32>,
          %get3A_305 = vector.shape_cast %get3A_304 : vector<16xi32> to vector<16xi32>
          %and3A_306 = arith.constant 31 : i32
          %and3A_307 = vector.broadcast %and3A_306 : i32 to vector<16xi32>
          %and3A_308 = arith.andi %get3A_305, %and3A_307 : vector<16xi32>
          %shift_right_logical3A_309 = arith.shrui %get3A_302, %and3A_308 : vector<16xi32>
          %and3A_310 = arith.constant 1 : i32
          %and3A_311 = vector.broadcast %and3A_310 : i32 to vector<16xi32>
          %and3A_312 = arith.andi %shift_right_logical3A_309, %and3A_311 : vector<16xi32>
          %swap3A_313 = arith.index_cast %add3A_299 : i32 to index
          %swap3A_314 = tpu.vector_load %arg8[%swap3A_313] {strides = array<i32>} : memref<16000xi32, #tpu.memory_space<vmem>>, vector<16xi32>,
          %swap3A_315 = vector.shape_cast %swap3A_314 : vector<16xi32> to vector<16xi32>
          %swap3A_316 = vector.shape_cast %and3A_312 : vector<16xi32> to vector<16xi32>
          tpu.vector_store %arg8[%swap3A_313], %swap3A_316 {strides = array<i32>} : memref<16000xi32, #tpu.memory_space<vmem>>, vector<16xi32>,
          %mul3A_317 = arith.constant 16 : i32
          %mul3A_318 = arith.muli %scan3A_181, %mul3A_317 : i32
          %mul3A_319 = arith.constant 8 : i32
          %mul3A_320 = arith.muli %mul3A_318, %mul3A_319 : i32
          %add3A_321 = arith.constant 96 : i32
          %add3A_322 = arith.addi %mul3A_320, %add3A_321 : i32
          %get3A_323 = arith.index_cast %add3A_322 : i32 to index
          %get3A_324 = tpu.vector_load %arg8[%get3A_323] {strides = array<i32>} : memref<16000xi32, #tpu.memory_space<vmem>>, vector<16xi32>,
          %get3A_325 = vector.shape_cast %get3A_324 : vector<16xi32> to vector<16xi32>
          %get3A_326 = arith.index_cast %add3A_322 : i32 to index
          %get3A_327 = tpu.vector_load %arg6[%get3A_326] {strides = array<i32>} : memref<16000xi32, #tpu.memory_space<vmem>>, vector<16xi32>,
          %get3A_328 = vector.shape_cast %get3A_327 : vector<16xi32> to vector<16xi32>
          %and3A_329 = arith.constant 31 : i32
          %and3A_330 = vector.broadcast %and3A_329 : i32 to vector<16xi32>
          %and3A_331 = arith.andi %get3A_328, %and3A_330 : vector<16xi32>
          %shift_right_logical3A_332 = arith.shrui %get3A_325, %and3A_331 : vector<16xi32>
          %and3A_333 = arith.constant 1 : i32
          %and3A_334 = vector.broadcast %and3A_333 : i32 to vector<16xi32>
          %and3A_335 = arith.andi %shift_right_logical3A_332, %and3A_334 : vector<16xi32>
          %swap3A_336 = arith.index_cast %add3A_322 : i32 to index
          %swap3A_337 = tpu.vector_load %arg8[%swap3A_336] {strides = array<i32>} : memref<16000xi32, #tpu.memory_space<vmem>>, vector<16xi32>,
          %swap3A_338 = vector.shape_cast %swap3A_337 : vector<16xi32> to vector<16xi32>
          %swap3A_339 = vector.shape_cast %and3A_335 : vector<16xi32> to vector<16xi32>
          tpu.vector_store %arg8[%swap3A_336], %swap3A_339 {strides = array<i32>} : memref<16000xi32, #tpu.memory_space<vmem>>, vector<16xi32>,
          %mul3A_340 = arith.constant 16 : i32
          %mul3A_341 = arith.muli %scan3A_181, %mul3A_340 : i32
          %mul3A_342 = arith.constant 8 : i32
          %mul3A_343 = arith.muli %mul3A_341, %mul3A_342 : i32
          %add3A_344 = arith.constant 112 : i32
          %add3A_345 = arith.addi %mul3A_343, %add3A_344 : i32
          %get3A_346 = arith.index_cast %add3A_345 : i32 to index
          %get3A_347 = tpu.vector_load %arg8[%get3A_346] {strides = array<i32>} : memref<16000xi32, #tpu.memory_space<vmem>>, vector<16xi32>,
          %get3A_348 = vector.shape_cast %get3A_347 : vector<16xi32> to vector<16xi32>
          %get3A_349 = arith.index_cast %add3A_345 : i32 to index
          %get3A_350 = tpu.vector_load %arg6[%get3A_349] {strides = array<i32>} : memref<16000xi32, #tpu.memory_space<vmem>>, vector<16xi32>,
          %get3A_351 = vector.shape_cast %get3A_350 : vector<16xi32> to vector<16xi32>
          %and3A_352 = arith.constant 31 : i32
          %and3A_353 = vector.broadcast %and3A_352 : i32 to vector<16xi32>
          %and3A_354 = arith.andi %get3A_351, %and3A_353 : vector<16xi32>
          %shift_right_logical3A_355 = arith.shrui %get3A_348, %and3A_354 : vector<16xi32>
          %and3A_356 = arith.constant 1 : i32
          %and3A_357 = vector.broadcast %and3A_356 : i32 to vector<16xi32>
          %and3A_358 = arith.andi %shift_right_logical3A_355, %and3A_357 : vector<16xi32>
          %swap3A_359 = arith.index_cast %add3A_345 : i32 to index
          %swap3A_360 = tpu.vector_load %arg8[%swap3A_359] {strides = array<i32>} : memref<16000xi32, #tpu.memory_space<vmem>>, vector<16xi32>,
          %swap3A_361 = vector.shape_cast %swap3A_360 : vector<16xi32> to vector<16xi32>
          %swap3A_362 = vector.shape_cast %and3A_358 : vector<16xi32> to vector<16xi32>
          tpu.vector_store %arg8[%swap3A_359], %swap3A_362 {strides = array<i32>} : memref<16000xi32, #tpu.memory_space<vmem>>, vector<16xi32>,
        }
        %scan3A_148 = arith.constant 31 : i32
        %dma_wait3A_149 = arith.constant 8000 : i32
        %dma_wait3A_150 = tpu.memref_slice %arg8[%dma_wait3A_149] : memref<16000xi32, #tpu.memory_space<vmem>> -> memref<4000xi32, #tpu.memory_space<vmem>>
        %dma_wait3A_151 = arith.constant 8000 : i32
        %dma_wait3A_152 = tpu.memref_slice %arg7[%dma_wait3A_151] : memref<16000xi32, #tpu.memory_space<vmem>> -> memref<4000xi32, #tpu.memory_space<vmem>>
        %dma_wait3A_153 = arith.constant 0 : i32
        %dma_wait3A_154 = tpu.memref_slice %arg9[%dma_wait3A_153] : memref<1048576xi32, #tpu.memory_space<vmem_shared>> -> memref<1048576xi32, #tpu.memory_space<vmem_shared>>
        tpu.wait_indirect_dma semaphore(%arg14 : memref<!tpu.dma_semaphore, #tpu.memory_space<semaphore_mem>>) src(%dma_wait3A_154 : memref<1048576xi32, #tpu.memory_space<vmem_shared>>) dst(%dma_wait3A_150 : memref<4000xi32, #tpu.memory_space<vmem>>)
        %scan3A_155 = arith.constant 0 : i32
        %scan3A_156 = arith.constant 62 : i32
        %scan3A_157 = arith.constant 31 : i32
        %scan3A_158 = arith.addi %scan3A_156, %scan3A_157 : i32
        %scan3A_159 = arith.constant 1 : i32
        scf.for %scan3A_181 = %scan3A_156 to %scan3A_158 step %scan3A_159  : i32 {
          %mul3A_182 = arith.constant 16 : i32
          %mul3A_183 = arith.muli %scan3A_181, %mul3A_182 : i32
          %mul3A_184 = arith.constant 8 : i32
          %mul3A_185 = arith.muli %mul3A_183, %mul3A_184 : i32
          %add3A_186 = arith.constant 0 : i32
          %add3A_187 = arith.addi %mul3A_185, %add3A_186 : i32
          %get3A = arith.index_cast %add3A_187 : i32 to index
          %get3A_188 = tpu.vector_load %arg8[%get3A] {strides = array<i32>} : memref<16000xi32, #tpu.memory_space<vmem>>, vector<16xi32>,
          %get3A_189 = vector.shape_cast %get3A_188 : vector<16xi32> to vector<16xi32>
          %get3A_190 = arith.index_cast %add3A_187 : i32 to index
          %get3A_191 = tpu.vector_load %arg6[%get3A_190] {strides = array<i32>} : memref<16000xi32, #tpu.memory_space<vmem>>, vector<16xi32>,
          %get3A_192 = vector.shape_cast %get3A_191 : vector<16xi32> to vector<16xi32>
          %and3A_193 = arith.constant 31 : i32
          %and3A_194 = vector.broadcast %and3A_193 : i32 to vector<16xi32>
          %and3A_195 = arith.andi %get3A_192, %and3A_194 : vector<16xi32>
          %shift_right_logical3A = arith.shrui %get3A_189, %and3A_195 : vector<16xi32>
          %and3A_196 = arith.constant 1 : i32
          %and3A_197 = vector.broadcast %and3A_196 : i32 to vector<16xi32>
          %and3A_198 = arith.andi %shift_right_logical3A, %and3A_197 : vector<16xi32>
          %swap3A = arith.index_cast %add3A_187 : i32 to index
          %swap3A_199 = tpu.vector_load %arg8[%swap3A] {strides = array<i32>} : memref<16000xi32, #tpu.memory_space<vmem>>, vector<16xi32>,
          %swap3A_200 = vector.shape_cast %swap3A_199 : vector<16xi32> to vector<16xi32>
          %swap3A_201 = vector.shape_cast %and3A_198 : vector<16xi32> to vector<16xi32>
          tpu.vector_store %arg8[%swap3A], %swap3A_201 {strides = array<i32>} : memref<16000xi32, #tpu.memory_space<vmem>>, vector<16xi32>,
          %mul3A_202 = arith.constant 16 : i32
          %mul3A_203 = arith.muli %scan3A_181, %mul3A_202 : i32
          %mul3A_204 = arith.constant 8 : i32
          %mul3A_205 = arith.muli %mul3A_203, %mul3A_204 : i32
          %add3A_206 = arith.constant 16 : i32
          %add3A_207 = arith.addi %mul3A_205, %add3A_206 : i32
          %get3A_208 = arith.index_cast %add3A_207 : i32 to index
          %get3A_209 = tpu.vector_load %arg8[%get3A_208] {strides = array<i32>} : memref<16000xi32, #tpu.memory_space<vmem>>, vector<16xi32>,
          %get3A_210 = vector.shape_cast %get3A_209 : vector<16xi32> to vector<16xi32>
          %get3A_211 = arith.index_cast %add3A_207 : i32 to index
          %get3A_212 = tpu.vector_load %arg6[%get3A_211] {strides = array<i32>} : memref<16000xi32, #tpu.memory_space<vmem>>, vector<16xi32>,
          %get3A_213 = vector.shape_cast %get3A_212 : vector<16xi32> to vector<16xi32>
          %and3A_214 = arith.constant 31 : i32
          %and3A_215 = vector.broadcast %and3A_214 : i32 to vector<16xi32>
          %and3A_216 = arith.andi %get3A_213, %and3A_215 : vector<16xi32>
          %shift_right_logical3A_217 = arith.shrui %get3A_210, %and3A_216 : vector<16xi32>
          %and3A_218 = arith.constant 1 : i32
          %and3A_219 = vector.broadcast %and3A_218 : i32 to vector<16xi32>
          %and3A_220 = arith.andi %shift_right_logical3A_217, %and3A_219 : vector<16xi32>
          %swap3A_221 = arith.index_cast %add3A_207 : i32 to index
          %swap3A_222 = tpu.vector_load %arg8[%swap3A_221] {strides = array<i32>} : memref<16000xi32, #tpu.memory_space<vmem>>, vector<16xi32>,
          %swap3A_223 = vector.shape_cast %swap3A_222 : vector<16xi32> to vector<16xi32>
          %swap3A_224 = vector.shape_cast %and3A_220 : vector<16xi32> to vector<16xi32>
          tpu.vector_store %arg8[%swap3A_221], %swap3A_224 {strides = array<i32>} : memref<16000xi32, #tpu.memory_space<vmem>>, vector<16xi32>,
          %mul3A_225 = arith.constant 16 : i32
          %mul3A_226 = arith.muli %scan3A_181, %mul3A_225 : i32
          %mul3A_227 = arith.constant 8 : i32
          %mul3A_228 = arith.muli %mul3A_226, %mul3A_227 : i32
          %add3A_229 = arith.constant 32 : i32
          %add3A_230 = arith.addi %mul3A_228, %add3A_229 : i32
          %get3A_231 = arith.index_cast %add3A_230 : i32 to index
          %get3A_232 = tpu.vector_load %arg8[%get3A_231] {strides = array<i32>} : memref<16000xi32, #tpu.memory_space<vmem>>, vector<16xi32>,
          %get3A_233 = vector.shape_cast %get3A_232 : vector<16xi32> to vector<16xi32>
          %get3A_234 = arith.index_cast %add3A_230 : i32 to index
          %get3A_235 = tpu.vector_load %arg6[%get3A_234] {strides = array<i32>} : memref<16000xi32, #tpu.memory_space<vmem>>, vector<16xi32>,
          %get3A_236 = vector.shape_cast %get3A_235 : vector<16xi32> to vector<16xi32>
          %and3A_237 = arith.constant 31 : i32
          %and3A_238 = vector.broadcast %and3A_237 : i32 to vector<16xi32>
          %and3A_239 = arith.andi %get3A_236, %and3A_238 : vector<16xi32>
          %shift_right_logical3A_240 = arith.shrui %get3A_233, %and3A_239 : vector<16xi32>
          %and3A_241 = arith.constant 1 : i32
          %and3A_242 = vector.broadcast %and3A_241 : i32 to vector<16xi32>
          %and3A_243 = arith.andi %shift_right_logical3A_240, %and3A_242 : vector<16xi32>
          %swap3A_244 = arith.index_cast %add3A_230 : i32 to index
          %swap3A_245 = tpu.vector_load %arg8[%swap3A_244] {strides = array<i32>} : memref<16000xi32, #tpu.memory_space<vmem>>, vector<16xi32>,
          %swap3A_246 = vector.shape_cast %swap3A_245 : vector<16xi32> to vector<16xi32>
          %swap3A_247 = vector.shape_cast %and3A_243 : vector<16xi32> to vector<16xi32>
          tpu.vector_store %arg8[%swap3A_244], %swap3A_247 {strides = array<i32>} : memref<16000xi32, #tpu.memory_space<vmem>>, vector<16xi32>,
          %mul3A_248 = arith.constant 16 : i32
          %mul3A_249 = arith.muli %scan3A_181, %mul3A_248 : i32
          %mul3A_250 = arith.constant 8 : i32
          %mul3A_251 = arith.muli %mul3A_249, %mul3A_250 : i32
          %add3A_252 = arith.constant 48 : i32
          %add3A_253 = arith.addi %mul3A_251, %add3A_252 : i32
          %get3A_254 = arith.index_cast %add3A_253 : i32 to index
          %get3A_255 = tpu.vector_load %arg8[%get3A_254] {strides = array<i32>} : memref<16000xi32, #tpu.memory_space<vmem>>, vector<16xi32>,
          %get3A_256 = vector.shape_cast %get3A_255 : vector<16xi32> to vector<16xi32>
          %get3A_257 = arith.index_cast %add3A_253 : i32 to index
          %get3A_258 = tpu.vector_load %arg6[%get3A_257] {strides = array<i32>} : memref<16000xi32, #tpu.memory_space<vmem>>, vector<16xi32>,
          %get3A_259 = vector.shape_cast %get3A_258 : vector<16xi32> to vector<16xi32>
          %and3A_260 = arith.constant 31 : i32
          %and3A_261 = vector.broadcast %and3A_260 : i32 to vector<16xi32>
          %and3A_262 = arith.andi %get3A_259, %and3A_261 : vector<16xi32>
          %shift_right_logical3A_263 = arith.shrui %get3A_256, %and3A_262 : vector<16xi32>
          %and3A_264 = arith.constant 1 : i32
          %and3A_265 = vector.broadcast %and3A_264 : i32 to vector<16xi32>
          %and3A_266 = arith.andi %shift_right_logical3A_263, %and3A_265 : vector<16xi32>
          %swap3A_267 = arith.index_cast %add3A_253 : i32 to index
          %swap3A_268 = tpu.vector_load %arg8[%swap3A_267] {strides = array<i32>} : memref<16000xi32, #tpu.memory_space<vmem>>, vector<16xi32>,
          %swap3A_269 = vector.shape_cast %swap3A_268 : vector<16xi32> to vector<16xi32>
          %swap3A_270 = vector.shape_cast %and3A_266 : vector<16xi32> to vector<16xi32>
          tpu.vector_store %arg8[%swap3A_267], %swap3A_270 {strides = array<i32>} : memref<16000xi32, #tpu.memory_space<vmem>>, vector<16xi32>,
          %mul3A_271 = arith.constant 16 : i32
          %mul3A_272 = arith.muli %scan3A_181, %mul3A_271 : i32
          %mul3A_273 = arith.constant 8 : i32
          %mul3A_274 = arith.muli %mul3A_272, %mul3A_273 : i32
          %add3A_275 = arith.constant 64 : i32
          %add3A_276 = arith.addi %mul3A_274, %add3A_275 : i32
          %get3A_277 = arith.index_cast %add3A_276 : i32 to index
          %get3A_278 = tpu.vector_load %arg8[%get3A_277] {strides = array<i32>} : memref<16000xi32, #tpu.memory_space<vmem>>, vector<16xi32>,
          %get3A_279 = vector.shape_cast %get3A_278 : vector<16xi32> to vector<16xi32>
          %get3A_280 = arith.index_cast %add3A_276 : i32 to index
          %get3A_281 = tpu.vector_load %arg6[%get3A_280] {strides = array<i32>} : memref<16000xi32, #tpu.memory_space<vmem>>, vector<16xi32>,
          %get3A_282 = vector.shape_cast %get3A_281 : vector<16xi32> to vector<16xi32>
          %and3A_283 = arith.constant 31 : i32
          %and3A_284 = vector.broadcast %and3A_283 : i32 to vector<16xi32>
          %and3A_285 = arith.andi %get3A_282, %and3A_284 : vector<16xi32>
          %shift_right_logical3A_286 = arith.shrui %get3A_279, %and3A_285 : vector<16xi32>
          %and3A_287 = arith.constant 1 : i32
          %and3A_288 = vector.broadcast %and3A_287 : i32 to vector<16xi32>
          %and3A_289 = arith.andi %shift_right_logical3A_286, %and3A_288 : vector<16xi32>
          %swap3A_290 = arith.index_cast %add3A_276 : i32 to index
          %swap3A_291 = tpu.vector_load %arg8[%swap3A_290] {strides = array<i32>} : memref<16000xi32, #tpu.memory_space<vmem>>, vector<16xi32>,
          %swap3A_292 = vector.shape_cast %swap3A_291 : vector<16xi32> to vector<16xi32>
          %swap3A_293 = vector.shape_cast %and3A_289 : vector<16xi32> to vector<16xi32>
          tpu.vector_store %arg8[%swap3A_290], %swap3A_293 {strides = array<i32>} : memref<16000xi32, #tpu.memory_space<vmem>>, vector<16xi32>,
          %mul3A_294 = arith.constant 16 : i32
          %mul3A_295 = arith.muli %scan3A_181, %mul3A_294 : i32
          %mul3A_296 = arith.constant 8 : i32
          %mul3A_297 = arith.muli %mul3A_295, %mul3A_296 : i32
          %add3A_298 = arith.constant 80 : i32
          %add3A_299 = arith.addi %mul3A_297, %add3A_298 : i32
          %get3A_300 = arith.index_cast %add3A_299 : i32 to index
          %get3A_301 = tpu.vector_load %arg8[%get3A_300] {strides = array<i32>} : memref<16000xi32, #tpu.memory_space<vmem>>, vector<16xi32>,
          %get3A_302 = vector.shape_cast %get3A_301 : vector<16xi32> to vector<16xi32>
          %get3A_303 = arith.index_cast %add3A_299 : i32 to index
          %get3A_304 = tpu.vector_load %arg6[%get3A_303] {strides = array<i32>} : memref<16000xi32, #tpu.memory_space<vmem>>, vector<16xi32>,
          %get3A_305 = vector.shape_cast %get3A_304 : vector<16xi32> to vector<16xi32>
          %and3A_306 = arith.constant 31 : i32
          %and3A_307 = vector.broadcast %and3A_306 : i32 to vector<16xi32>
          %and3A_308 = arith.andi %get3A_305, %and3A_307 : vector<16xi32>
          %shift_right_logical3A_309 = arith.shrui %get3A_302, %and3A_308 : vector<16xi32>
          %and3A_310 = arith.constant 1 : i32
          %and3A_311 = vector.broadcast %and3A_310 : i32 to vector<16xi32>
          %and3A_312 = arith.andi %shift_right_logical3A_309, %and3A_311 : vector<16xi32>
          %swap3A_313 = arith.index_cast %add3A_299 : i32 to index
          %swap3A_314 = tpu.vector_load %arg8[%swap3A_313] {strides = array<i32>} : memref<16000xi32, #tpu.memory_space<vmem>>, vector<16xi32>,
          %swap3A_315 = vector.shape_cast %swap3A_314 : vector<16xi32> to vector<16xi32>
          %swap3A_316 = vector.shape_cast %and3A_312 : vector<16xi32> to vector<16xi32>
          tpu.vector_store %arg8[%swap3A_313], %swap3A_316 {strides = array<i32>} : memref<16000xi32, #tpu.memory_space<vmem>>, vector<16xi32>,
          %mul3A_317 = arith.constant 16 : i32
          %mul3A_318 = arith.muli %scan3A_181, %mul3A_317 : i32
          %mul3A_319 = arith.constant 8 : i32
          %mul3A_320 = arith.muli %mul3A_318, %mul3A_319 : i32
          %add3A_321 = arith.constant 96 : i32
          %add3A_322 = arith.addi %mul3A_320, %add3A_321 : i32
          %get3A_323 = arith.index_cast %add3A_322 : i32 to index
          %get3A_324 = tpu.vector_load %arg8[%get3A_323] {strides = array<i32>} : memref<16000xi32, #tpu.memory_space<vmem>>, vector<16xi32>,
          %get3A_325 = vector.shape_cast %get3A_324 : vector<16xi32> to vector<16xi32>
          %get3A_326 = arith.index_cast %add3A_322 : i32 to index
          %get3A_327 = tpu.vector_load %arg6[%get3A_326] {strides = array<i32>} : memref<16000xi32, #tpu.memory_space<vmem>>, vector<16xi32>,
          %get3A_328 = vector.shape_cast %get3A_327 : vector<16xi32> to vector<16xi32>
          %and3A_329 = arith.constant 31 : i32
          %and3A_330 = vector.broadcast %and3A_329 : i32 to vector<16xi32>
          %and3A_331 = arith.andi %get3A_328, %and3A_330 : vector<16xi32>
          %shift_right_logical3A_332 = arith.shrui %get3A_325, %and3A_331 : vector<16xi32>
          %and3A_333 = arith.constant 1 : i32
          %and3A_334 = vector.broadcast %and3A_333 : i32 to vector<16xi32>
          %and3A_335 = arith.andi %shift_right_logical3A_332, %and3A_334 : vector<16xi32>
          %swap3A_336 = arith.index_cast %add3A_322 : i32 to index
          %swap3A_337 = tpu.vector_load %arg8[%swap3A_336] {strides = array<i32>} : memref<16000xi32, #tpu.memory_space<vmem>>, vector<16xi32>,
          %swap3A_338 = vector.shape_cast %swap3A_337 : vector<16xi32> to vector<16xi32>
          %swap3A_339 = vector.shape_cast %and3A_335 : vector<16xi32> to vector<16xi32>
          tpu.vector_store %arg8[%swap3A_336], %swap3A_339 {strides = array<i32>} : memref<16000xi32, #tpu.memory_space<vmem>>, vector<16xi32>,
          %mul3A_340 = arith.constant 16 : i32
          %mul3A_341 = arith.muli %scan3A_181, %mul3A_340 : i32
          %mul3A_342 = arith.constant 8 : i32
          %mul3A_343 = arith.muli %mul3A_341, %mul3A_342 : i32
          %add3A_344 = arith.constant 112 : i32
          %add3A_345 = arith.addi %mul3A_343, %add3A_344 : i32
          %get3A_346 = arith.index_cast %add3A_345 : i32 to index
          %get3A_347 = tpu.vector_load %arg8[%get3A_346] {strides = array<i32>} : memref<16000xi32, #tpu.memory_space<vmem>>, vector<16xi32>,
          %get3A_348 = vector.shape_cast %get3A_347 : vector<16xi32> to vector<16xi32>
          %get3A_349 = arith.index_cast %add3A_345 : i32 to index
          %get3A_350 = tpu.vector_load %arg6[%get3A_349] {strides = array<i32>} : memref<16000xi32, #tpu.memory_space<vmem>>, vector<16xi32>,
          %get3A_351 = vector.shape_cast %get3A_350 : vector<16xi32> to vector<16xi32>
          %and3A_352 = arith.constant 31 : i32
          %and3A_353 = vector.broadcast %and3A_352 : i32 to vector<16xi32>
          %and3A_354 = arith.andi %get3A_351, %and3A_353 : vector<16xi32>
          %shift_right_logical3A_355 = arith.shrui %get3A_348, %and3A_354 : vector<16xi32>
          %and3A_356 = arith.constant 1 : i32
          %and3A_357 = vector.broadcast %and3A_356 : i32 to vector<16xi32>
          %and3A_358 = arith.andi %shift_right_logical3A_355, %and3A_357 : vector<16xi32>
          %swap3A_359 = arith.index_cast %add3A_345 : i32 to index
          %swap3A_360 = tpu.vector_load %arg8[%swap3A_359] {strides = array<i32>} : memref<16000xi32, #tpu.memory_space<vmem>>, vector<16xi32>,
          %swap3A_361 = vector.shape_cast %swap3A_360 : vector<16xi32> to vector<16xi32>
          %swap3A_362 = vector.shape_cast %and3A_358 : vector<16xi32> to vector<16xi32>
          tpu.vector_store %arg8[%swap3A_359], %swap3A_362 {strides = array<i32>} : memref<16000xi32, #tpu.memory_space<vmem>>, vector<16xi32>,
        }
        %scan3A_160 = arith.constant 31 : i32
        %dma_wait3A_161 = arith.constant 12000 : i32
        %dma_wait3A_162 = tpu.memref_slice %arg8[%dma_wait3A_161] : memref<16000xi32, #tpu.memory_space<vmem>> -> memref<4000xi32, #tpu.memory_space<vmem>>
        %dma_wait3A_163 = arith.constant 12000 : i32
        %dma_wait3A_164 = tpu.memref_slice %arg7[%dma_wait3A_163] : memref<16000xi32, #tpu.memory_space<vmem>> -> memref<4000xi32, #tpu.memory_space<vmem>>
        %dma_wait3A_165 = arith.constant 0 : i32
        %dma_wait3A_166 = tpu.memref_slice %arg9[%dma_wait3A_165] : memref<1048576xi32, #tpu.memory_space<vmem_shared>> -> memref<1048576xi32, #tpu.memory_space<vmem_shared>>
        tpu.wait_indirect_dma semaphore(%arg15 : memref<!tpu.dma_semaphore, #tpu.memory_space<semaphore_mem>>) src(%dma_wait3A_166 : memref<1048576xi32, #tpu.memory_space<vmem_shared>>) dst(%dma_wait3A_162 : memref<4000xi32, #tpu.memory_space<vmem>>)
        %scan3A_167 = arith.constant 0 : i32
        %scan3A_168 = arith.constant 93 : i32
        %scan3A_169 = arith.constant 32 : i32
        %scan3A_170 = arith.addi %scan3A_168, %scan3A_169 : i32
        %scan3A_171 = arith.constant 1 : i32
        scf.for %scan3A_181 = %scan3A_168 to %scan3A_170 step %scan3A_171  : i32 {
          %mul3A_182 = arith.constant 16 : i32
          %mul3A_183 = arith.muli %scan3A_181, %mul3A_182 : i32
          %mul3A_184 = arith.constant 8 : i32
          %mul3A_185 = arith.muli %mul3A_183, %mul3A_184 : i32
          %add3A_186 = arith.constant 0 : i32
          %add3A_187 = arith.addi %mul3A_185, %add3A_186 : i32
          %get3A = arith.index_cast %add3A_187 : i32 to index
          %get3A_188 = tpu.vector_load %arg8[%get3A] {strides = array<i32>} : memref<16000xi32, #tpu.memory_space<vmem>>, vector<16xi32>,
          %get3A_189 = vector.shape_cast %get3A_188 : vector<16xi32> to vector<16xi32>
          %get3A_190 = arith.index_cast %add3A_187 : i32 to index
          %get3A_191 = tpu.vector_load %arg6[%get3A_190] {strides = array<i32>} : memref<16000xi32, #tpu.memory_space<vmem>>, vector<16xi32>,
          %get3A_192 = vector.shape_cast %get3A_191 : vector<16xi32> to vector<16xi32>
          %and3A_193 = arith.constant 31 : i32
          %and3A_194 = vector.broadcast %and3A_193 : i32 to vector<16xi32>
          %and3A_195 = arith.andi %get3A_192, %and3A_194 : vector<16xi32>
          %shift_right_logical3A = arith.shrui %get3A_189, %and3A_195 : vector<16xi32>
          %and3A_196 = arith.constant 1 : i32
          %and3A_197 = vector.broadcast %and3A_196 : i32 to vector<16xi32>
          %and3A_198 = arith.andi %shift_right_logical3A, %and3A_197 : vector<16xi32>
          %swap3A = arith.index_cast %add3A_187 : i32 to index
          %swap3A_199 = tpu.vector_load %arg8[%swap3A] {strides = array<i32>} : memref<16000xi32, #tpu.memory_space<vmem>>, vector<16xi32>,
          %swap3A_200 = vector.shape_cast %swap3A_199 : vector<16xi32> to vector<16xi32>
          %swap3A_201 = vector.shape_cast %and3A_198 : vector<16xi32> to vector<16xi32>
          tpu.vector_store %arg8[%swap3A], %swap3A_201 {strides = array<i32>} : memref<16000xi32, #tpu.memory_space<vmem>>, vector<16xi32>,
          %mul3A_202 = arith.constant 16 : i32
          %mul3A_203 = arith.muli %scan3A_181, %mul3A_202 : i32
          %mul3A_204 = arith.constant 8 : i32
          %mul3A_205 = arith.muli %mul3A_203, %mul3A_204 : i32
          %add3A_206 = arith.constant 16 : i32
          %add3A_207 = arith.addi %mul3A_205, %add3A_206 : i32
          %get3A_208 = arith.index_cast %add3A_207 : i32 to index
          %get3A_209 = tpu.vector_load %arg8[%get3A_208] {strides = array<i32>} : memref<16000xi32, #tpu.memory_space<vmem>>, vector<16xi32>,
          %get3A_210 = vector.shape_cast %get3A_209 : vector<16xi32> to vector<16xi32>
          %get3A_211 = arith.index_cast %add3A_207 : i32 to index
          %get3A_212 = tpu.vector_load %arg6[%get3A_211] {strides = array<i32>} : memref<16000xi32, #tpu.memory_space<vmem>>, vector<16xi32>,
          %get3A_213 = vector.shape_cast %get3A_212 : vector<16xi32> to vector<16xi32>
          %and3A_214 = arith.constant 31 : i32
          %and3A_215 = vector.broadcast %and3A_214 : i32 to vector<16xi32>
          %and3A_216 = arith.andi %get3A_213, %and3A_215 : vector<16xi32>
          %shift_right_logical3A_217 = arith.shrui %get3A_210, %and3A_216 : vector<16xi32>
          %and3A_218 = arith.constant 1 : i32
          %and3A_219 = vector.broadcast %and3A_218 : i32 to vector<16xi32>
          %and3A_220 = arith.andi %shift_right_logical3A_217, %and3A_219 : vector<16xi32>
          %swap3A_221 = arith.index_cast %add3A_207 : i32 to index
          %swap3A_222 = tpu.vector_load %arg8[%swap3A_221] {strides = array<i32>} : memref<16000xi32, #tpu.memory_space<vmem>>, vector<16xi32>,
          %swap3A_223 = vector.shape_cast %swap3A_222 : vector<16xi32> to vector<16xi32>
          %swap3A_224 = vector.shape_cast %and3A_220 : vector<16xi32> to vector<16xi32>
          tpu.vector_store %arg8[%swap3A_221], %swap3A_224 {strides = array<i32>} : memref<16000xi32, #tpu.memory_space<vmem>>, vector<16xi32>,
          %mul3A_225 = arith.constant 16 : i32
          %mul3A_226 = arith.muli %scan3A_181, %mul3A_225 : i32
          %mul3A_227 = arith.constant 8 : i32
          %mul3A_228 = arith.muli %mul3A_226, %mul3A_227 : i32
          %add3A_229 = arith.constant 32 : i32
          %add3A_230 = arith.addi %mul3A_228, %add3A_229 : i32
          %get3A_231 = arith.index_cast %add3A_230 : i32 to index
          %get3A_232 = tpu.vector_load %arg8[%get3A_231] {strides = array<i32>} : memref<16000xi32, #tpu.memory_space<vmem>>, vector<16xi32>,
          %get3A_233 = vector.shape_cast %get3A_232 : vector<16xi32> to vector<16xi32>
          %get3A_234 = arith.index_cast %add3A_230 : i32 to index
          %get3A_235 = tpu.vector_load %arg6[%get3A_234] {strides = array<i32>} : memref<16000xi32, #tpu.memory_space<vmem>>, vector<16xi32>,
          %get3A_236 = vector.shape_cast %get3A_235 : vector<16xi32> to vector<16xi32>
          %and3A_237 = arith.constant 31 : i32
          %and3A_238 = vector.broadcast %and3A_237 : i32 to vector<16xi32>
          %and3A_239 = arith.andi %get3A_236, %and3A_238 : vector<16xi32>
          %shift_right_logical3A_240 = arith.shrui %get3A_233, %and3A_239 : vector<16xi32>
          %and3A_241 = arith.constant 1 : i32
          %and3A_242 = vector.broadcast %and3A_241 : i32 to vector<16xi32>
          %and3A_243 = arith.andi %shift_right_logical3A_240, %and3A_242 : vector<16xi32>
          %swap3A_244 = arith.index_cast %add3A_230 : i32 to index
          %swap3A_245 = tpu.vector_load %arg8[%swap3A_244] {strides = array<i32>} : memref<16000xi32, #tpu.memory_space<vmem>>, vector<16xi32>,
          %swap3A_246 = vector.shape_cast %swap3A_245 : vector<16xi32> to vector<16xi32>
          %swap3A_247 = vector.shape_cast %and3A_243 : vector<16xi32> to vector<16xi32>
          tpu.vector_store %arg8[%swap3A_244], %swap3A_247 {strides = array<i32>} : memref<16000xi32, #tpu.memory_space<vmem>>, vector<16xi32>,
          %mul3A_248 = arith.constant 16 : i32
          %mul3A_249 = arith.muli %scan3A_181, %mul3A_248 : i32
          %mul3A_250 = arith.constant 8 : i32
          %mul3A_251 = arith.muli %mul3A_249, %mul3A_250 : i32
          %add3A_252 = arith.constant 48 : i32
          %add3A_253 = arith.addi %mul3A_251, %add3A_252 : i32
          %get3A_254 = arith.index_cast %add3A_253 : i32 to index
          %get3A_255 = tpu.vector_load %arg8[%get3A_254] {strides = array<i32>} : memref<16000xi32, #tpu.memory_space<vmem>>, vector<16xi32>,
          %get3A_256 = vector.shape_cast %get3A_255 : vector<16xi32> to vector<16xi32>
          %get3A_257 = arith.index_cast %add3A_253 : i32 to index
          %get3A_258 = tpu.vector_load %arg6[%get3A_257] {strides = array<i32>} : memref<16000xi32, #tpu.memory_space<vmem>>, vector<16xi32>,
          %get3A_259 = vector.shape_cast %get3A_258 : vector<16xi32> to vector<16xi32>
          %and3A_260 = arith.constant 31 : i32
          %and3A_261 = vector.broadcast %and3A_260 : i32 to vector<16xi32>
          %and3A_262 = arith.andi %get3A_259, %and3A_261 : vector<16xi32>
          %shift_right_logical3A_263 = arith.shrui %get3A_256, %and3A_262 : vector<16xi32>
          %and3A_264 = arith.constant 1 : i32
          %and3A_265 = vector.broadcast %and3A_264 : i32 to vector<16xi32>
          %and3A_266 = arith.andi %shift_right_logical3A_263, %and3A_265 : vector<16xi32>
          %swap3A_267 = arith.index_cast %add3A_253 : i32 to index
          %swap3A_268 = tpu.vector_load %arg8[%swap3A_267] {strides = array<i32>} : memref<16000xi32, #tpu.memory_space<vmem>>, vector<16xi32>,
          %swap3A_269 = vector.shape_cast %swap3A_268 : vector<16xi32> to vector<16xi32>
          %swap3A_270 = vector.shape_cast %and3A_266 : vector<16xi32> to vector<16xi32>
          tpu.vector_store %arg8[%swap3A_267], %swap3A_270 {strides = array<i32>} : memref<16000xi32, #tpu.memory_space<vmem>>, vector<16xi32>,
          %mul3A_271 = arith.constant 16 : i32
          %mul3A_272 = arith.muli %scan3A_181, %mul3A_271 : i32
          %mul3A_273 = arith.constant 8 : i32
          %mul3A_274 = arith.muli %mul3A_272, %mul3A_273 : i32
          %add3A_275 = arith.constant 64 : i32
          %add3A_276 = arith.addi %mul3A_274, %add3A_275 : i32
          %get3A_277 = arith.index_cast %add3A_276 : i32 to index
          %get3A_278 = tpu.vector_load %arg8[%get3A_277] {strides = array<i32>} : memref<16000xi32, #tpu.memory_space<vmem>>, vector<16xi32>,
          %get3A_279 = vector.shape_cast %get3A_278 : vector<16xi32> to vector<16xi32>
          %get3A_280 = arith.index_cast %add3A_276 : i32 to index
          %get3A_281 = tpu.vector_load %arg6[%get3A_280] {strides = array<i32>} : memref<16000xi32, #tpu.memory_space<vmem>>, vector<16xi32>,
          %get3A_282 = vector.shape_cast %get3A_281 : vector<16xi32> to vector<16xi32>
          %and3A_283 = arith.constant 31 : i32
          %and3A_284 = vector.broadcast %and3A_283 : i32 to vector<16xi32>
          %and3A_285 = arith.andi %get3A_282, %and3A_284 : vector<16xi32>
          %shift_right_logical3A_286 = arith.shrui %get3A_279, %and3A_285 : vector<16xi32>
          %and3A_287 = arith.constant 1 : i32
          %and3A_288 = vector.broadcast %and3A_287 : i32 to vector<16xi32>
          %and3A_289 = arith.andi %shift_right_logical3A_286, %and3A_288 : vector<16xi32>
          %swap3A_290 = arith.index_cast %add3A_276 : i32 to index
          %swap3A_291 = tpu.vector_load %arg8[%swap3A_290] {strides = array<i32>} : memref<16000xi32, #tpu.memory_space<vmem>>, vector<16xi32>,
          %swap3A_292 = vector.shape_cast %swap3A_291 : vector<16xi32> to vector<16xi32>
          %swap3A_293 = vector.shape_cast %and3A_289 : vector<16xi32> to vector<16xi32>
          tpu.vector_store %arg8[%swap3A_290], %swap3A_293 {strides = array<i32>} : memref<16000xi32, #tpu.memory_space<vmem>>, vector<16xi32>,
          %mul3A_294 = arith.constant 16 : i32
          %mul3A_295 = arith.muli %scan3A_181, %mul3A_294 : i32
          %mul3A_296 = arith.constant 8 : i32
          %mul3A_297 = arith.muli %mul3A_295, %mul3A_296 : i32
          %add3A_298 = arith.constant 80 : i32
          %add3A_299 = arith.addi %mul3A_297, %add3A_298 : i32
          %get3A_300 = arith.index_cast %add3A_299 : i32 to index
          %get3A_301 = tpu.vector_load %arg8[%get3A_300] {strides = array<i32>} : memref<16000xi32, #tpu.memory_space<vmem>>, vector<16xi32>,
          %get3A_302 = vector.shape_cast %get3A_301 : vector<16xi32> to vector<16xi32>
          %get3A_303 = arith.index_cast %add3A_299 : i32 to index
          %get3A_304 = tpu.vector_load %arg6[%get3A_303] {strides = array<i32>} : memref<16000xi32, #tpu.memory_space<vmem>>, vector<16xi32>,
          %get3A_305 = vector.shape_cast %get3A_304 : vector<16xi32> to vector<16xi32>
          %and3A_306 = arith.constant 31 : i32
          %and3A_307 = vector.broadcast %and3A_306 : i32 to vector<16xi32>
          %and3A_308 = arith.andi %get3A_305, %and3A_307 : vector<16xi32>
          %shift_right_logical3A_309 = arith.shrui %get3A_302, %and3A_308 : vector<16xi32>
          %and3A_310 = arith.constant 1 : i32
          %and3A_311 = vector.broadcast %and3A_310 : i32 to vector<16xi32>
          %and3A_312 = arith.andi %shift_right_logical3A_309, %and3A_311 : vector<16xi32>
          %swap3A_313 = arith.index_cast %add3A_299 : i32 to index
          %swap3A_314 = tpu.vector_load %arg8[%swap3A_313] {strides = array<i32>} : memref<16000xi32, #tpu.memory_space<vmem>>, vector<16xi32>,
          %swap3A_315 = vector.shape_cast %swap3A_314 : vector<16xi32> to vector<16xi32>
          %swap3A_316 = vector.shape_cast %and3A_312 : vector<16xi32> to vector<16xi32>
          tpu.vector_store %arg8[%swap3A_313], %swap3A_316 {strides = array<i32>} : memref<16000xi32, #tpu.memory_space<vmem>>, vector<16xi32>,
          %mul3A_317 = arith.constant 16 : i32
          %mul3A_318 = arith.muli %scan3A_181, %mul3A_317 : i32
          %mul3A_319 = arith.constant 8 : i32
          %mul3A_320 = arith.muli %mul3A_318, %mul3A_319 : i32
          %add3A_321 = arith.constant 96 : i32
          %add3A_322 = arith.addi %mul3A_320, %add3A_321 : i32
          %get3A_323 = arith.index_cast %add3A_322 : i32 to index
          %get3A_324 = tpu.vector_load %arg8[%get3A_323] {strides = array<i32>} : memref<16000xi32, #tpu.memory_space<vmem>>, vector<16xi32>,
          %get3A_325 = vector.shape_cast %get3A_324 : vector<16xi32> to vector<16xi32>
          %get3A_326 = arith.index_cast %add3A_322 : i32 to index
          %get3A_327 = tpu.vector_load %arg6[%get3A_326] {strides = array<i32>} : memref<16000xi32, #tpu.memory_space<vmem>>, vector<16xi32>,
          %get3A_328 = vector.shape_cast %get3A_327 : vector<16xi32> to vector<16xi32>
          %and3A_329 = arith.constant 31 : i32
          %and3A_330 = vector.broadcast %and3A_329 : i32 to vector<16xi32>
          %and3A_331 = arith.andi %get3A_328, %and3A_330 : vector<16xi32>
          %shift_right_logical3A_332 = arith.shrui %get3A_325, %and3A_331 : vector<16xi32>
          %and3A_333 = arith.constant 1 : i32
          %and3A_334 = vector.broadcast %and3A_333 : i32 to vector<16xi32>
          %and3A_335 = arith.andi %shift_right_logical3A_332, %and3A_334 : vector<16xi32>
          %swap3A_336 = arith.index_cast %add3A_322 : i32 to index
          %swap3A_337 = tpu.vector_load %arg8[%swap3A_336] {strides = array<i32>} : memref<16000xi32, #tpu.memory_space<vmem>>, vector<16xi32>,
          %swap3A_338 = vector.shape_cast %swap3A_337 : vector<16xi32> to vector<16xi32>
          %swap3A_339 = vector.shape_cast %and3A_335 : vector<16xi32> to vector<16xi32>
          tpu.vector_store %arg8[%swap3A_336], %swap3A_339 {strides = array<i32>} : memref<16000xi32, #tpu.memory_space<vmem>>, vector<16xi32>,
          %mul3A_340 = arith.constant 16 : i32
          %mul3A_341 = arith.muli %scan3A_181, %mul3A_340 : i32
          %mul3A_342 = arith.constant 8 : i32
          %mul3A_343 = arith.muli %mul3A_341, %mul3A_342 : i32
          %add3A_344 = arith.constant 112 : i32
          %add3A_345 = arith.addi %mul3A_343, %add3A_344 : i32
          %get3A_346 = arith.index_cast %add3A_345 : i32 to index
          %get3A_347 = tpu.vector_load %arg8[%get3A_346] {strides = array<i32>} : memref<16000xi32, #tpu.memory_space<vmem>>, vector<16xi32>,
          %get3A_348 = vector.shape_cast %get3A_347 : vector<16xi32> to vector<16xi32>
          %get3A_349 = arith.index_cast %add3A_345 : i32 to index
          %get3A_350 = tpu.vector_load %arg6[%get3A_349] {strides = array<i32>} : memref<16000xi32, #tpu.memory_space<vmem>>, vector<16xi32>,
          %get3A_351 = vector.shape_cast %get3A_350 : vector<16xi32> to vector<16xi32>
          %and3A_352 = arith.constant 31 : i32
          %and3A_353 = vector.broadcast %and3A_352 : i32 to vector<16xi32>
          %and3A_354 = arith.andi %get3A_351, %and3A_353 : vector<16xi32>
          %shift_right_logical3A_355 = arith.shrui %get3A_348, %and3A_354 : vector<16xi32>
          %and3A_356 = arith.constant 1 : i32
          %and3A_357 = vector.broadcast %and3A_356 : i32 to vector<16xi32>
          %and3A_358 = arith.andi %shift_right_logical3A_355, %and3A_357 : vector<16xi32>
          %swap3A_359 = arith.index_cast %add3A_345 : i32 to index
          %swap3A_360 = tpu.vector_load %arg8[%swap3A_359] {strides = array<i32>} : memref<16000xi32, #tpu.memory_space<vmem>>, vector<16xi32>,
          %swap3A_361 = vector.shape_cast %swap3A_360 : vector<16xi32> to vector<16xi32>
          %swap3A_362 = vector.shape_cast %and3A_358 : vector<16xi32> to vector<16xi32>
          tpu.vector_store %arg8[%swap3A_359], %swap3A_362 {strides = array<i32>} : memref<16000xi32, #tpu.memory_space<vmem>>, vector<16xi32>,
        }
        %scan3A_172 = arith.constant 32 : i32
        %dma_start3A_173 = tpu.memref_slice %arg4[%mul3A_58] : memref<2000000xi32, #tpu.memory_space<hbm>> -> memref<16000xi32, #tpu.memory_space<hbm>>
        %dma_start3A_174 = tpu.memref_slice %arg4[%mul3A_58] : memref<2000000xi32, #tpu.memory_space<hbm>> -> memref<16000xi32, #tpu.memory_space<hbm>>
        tpu.enqueue_dma source(%arg8 : memref<16000xi32, #tpu.memory_space<vmem>>) target(%dma_start3A_174 : memref<16000xi32, #tpu.memory_space<hbm>>) target_semaphore(%arg16 : memref<!tpu.dma_semaphore, #tpu.memory_space<semaphore_mem>>)
        %add3A_175 = arith.constant 1 : i32
        %add3A_176 = arith.addi %add3A_49, %add3A_175 : i32
        %lt3A_177 = arith.cmpi slt, %add3A_176, %select_n3A : i32
        %convert_element_type3A_178 = arith.extui %lt3A_177 : i1 to i32
        %cond3A_179 = arith.constant 0 : i32
        %cond3A_180 = arith.cmpi ne, %convert_element_type3A_178, %cond3A_179 : i32
        scf.if %cond3A_180 {
          %dma_wait3A_181 = tpu.memref_slice %arg2[%mul3A_65] : memref<2000000xi32, #tpu.memory_space<hbm>> -> memref<16000xi32, #tpu.memory_space<hbm>>
          %dma_wait3A_182 = tpu.memref_slice %arg2[%mul3A_65] : memref<2000000xi32, #tpu.memory_space<hbm>> -> memref<16000xi32, #tpu.memory_space<hbm>>
          tpu.wait_dma2 semaphore(%arg10 : memref<!tpu.dma_semaphore, #tpu.memory_space<semaphore_mem>>) src(%dma_wait3A_182 : memref<16000xi32, #tpu.memory_space<hbm>>) dst(%arg5 : memref<16000xi32, #tpu.memory_space<vmem>>)
        } else {
        }
      } else {
      }
    }
    %scan3A_33 = arith.constant 3 : i32
    %gt3A = arith.constant 0 : i32
    %gt3A_34 = arith.cmpi sgt, %select_n3A, %gt3A : i32
    %convert_element_type3A_35 = arith.extui %gt3A_34 : i1 to i32
    %cond3A_36 = arith.constant 0 : i32
    %cond3A_37 = arith.cmpi ne, %convert_element_type3A_35, %cond3A_36 : i32
    scf.if %cond3A_37 {
      %sub3A_38 = arith.constant 1 : i32
      %sub3A_39 = arith.subi %select_n3A, %sub3A_38 : i32
      %mul3A_40 = arith.constant 32 : i32
      %mul3A_41 = arith.muli %sub3A_39, %mul3A_40 : i32
      %add3A_42 = arith.addi %add3A, %mul3A_41 : i32
      %mul3A_43 = arith.constant 16000 : i32
      %mul3A_44 = arith.muli %add3A_42, %mul3A_43 : i32
      %dma_wait3A_45 = tpu.memref_slice %arg4[%mul3A_44] : memref<2000000xi32, #tpu.memory_space<hbm>> -> memref<16000xi32, #tpu.memory_space<hbm>>
      %dma_wait3A_46 = tpu.memref_slice %arg4[%mul3A_44] : memref<2000000xi32, #tpu.memory_space<hbm>> -> memref<16000xi32, #tpu.memory_space<hbm>>
      tpu.wait_dma2 semaphore(%arg16 : memref<!tpu.dma_semaphore, #tpu.memory_space<semaphore_mem>>) src(%arg8 : memref<16000xi32, #tpu.memory_space<vmem>>) dst(%dma_wait3A_46 : memref<16000xi32, #tpu.memory_space<hbm>>)
    } else {
    }
    return
  }
}

</mosaic_0001>

<sc_bundles>
// kernel: _run.4.cloned.1.call-start
scs
__scs_entry_jumppad:
0x0: {  	(pc) =	sbr.rel $0x88, $3  }
0x1: {  	(tag) =	ssettag $0x0;
	lr =	simm.s32 $0x1  }
0x2: {  	[smem:$0x3F9E] =	sst lr;
	_ =	strace $0xD0000000  }
0x3: {  	_ = 	snop  }
0x4: {  	_ = 	snop  }
0x5: {  	_ = 	snop  }
0x6: {  	_ = 	snop  }
0x7: {  	_ = 	snop  }
__scs_overlays_trampoline_lowered:
0x8: {  	[smem:$0x3FAD] =	sst s0  }
0x9: {  	[smem:$0x3FAE] =	sst s1  }
0xa: {  	[smem:$0x3FAF] =	sst s2  }
0xb: {  	[smem:$0x3FB0] =	sst s3  }
0xc: {  	[smem:$0x3FB1] =	sst s4  }
0xd: {  	[smem:$0x3FB2] =	sst s5  }
0xe: {  	[smem:$0x3FB3] =	sst s6  }
0xf: {  	[smem:$0x3FB4] =	sst s7  }
0x10: {  	[smem:$0x3FB5] =	sst s8  }
0x11: {  	[smem:$0x3FB6] =	sst s9;
	s0 =	simm.s32 @!p0 $0x0  }
0x12: {  	s1 =	sld [smem:$0x3F9C];
	s0 =	simm.s32 @p0 $0x1  }
0x13: {  	[smem:$0x3FB7] =	sst s0;
	s0 =	simm.s32 @!p1 $0x0  }
0x14: {  	s2 =	sld [smem:$0x3F9B];
	s0 =	simm.s32 @p1 $0x1  }
0x15: {  	[smem:$0x3FB8] =	sst s0;
	s0 =	simm.s32 @!p2 $0x0  }
0x16: {  	s3 =	sld [smem:$0x3FDB];
	s0 =	simm.s32 @p2 $0x1  }
0x17: {  	s4 =	simm.s32 $0x1BF5;
	[smem:$0x3FBA] =	sst s0  }
0x18: {  	s0 =	sld [smem:$0x3F9D];
	_ =	swait.ge [sflag:s4], $0x0  }
0x19: {  	s7 =	sld [smem:$0x3F9E]  }
0x1a: {  	s8 =	sadd.s32 $0xFFFFE003, lr  }
0x1b: {  	s9 =	sadd.s32 $0xFFFFFEF7, lr;
	s5 =	simm.s32 $0xFFFFFFFF;
	p2 =	slt.u32 s8, $0xFFFFF086  }
0x1c: {  	p1 =	slt.u32 s9, $0xF7A;
	s5 =	simm.s32 @!p2 $0x0  }
0x1d: {  	s5 =	simm.s32 @p1 $0x1;
	p0 =	seq.s32 s7, s2  }
0x1e: {  	s7 =	smul.u32 @!p0 $0xF7A, s2;
	p2 =	seq.s32 @!p0 s5, $0x0  }
0x1f: {  	s9 =	smul.u32 $0xF7A, s1;
	s8 =	simm.s32 @!p0 $0x1BF5;
	p2 =	por !p2, p0  }
0x20: {  	[sflag:s8] =	ssyncset.s32 @!p0 $0xFFFFF086;
	s6 =	sadd.s32 @!p0 s3, s7;
	s7 =	simm.s32 @!p0 $0x108  }
0x21: {  	s3 =	sadd.s32 s3, s9;
	s6 =	sadd.s32 @!p0 $0x88, s6;
	s7 =	simm.s32 @p2 $0x1082  }
0x22: {  	[simem:s7], [sflag:s8] =	dma.local @!p0 [hbm:s6], $0xF7A  }
0x23: {  	s9 =	sor.u32 $0xD0000000, s2;
	s6 =	simm.s32 $0x108;
	_ =	swait.ge @!p0 [sflag:s8], $0x0  }
0x24: {  	s3 =	sadd.s32 $0x88, s3;
	s6 =	simm.s32 @!p1 $0x1082;
	[sflag:s4] =	ssyncset.s32 $0xFFFFF086  }
0x25: {  	[simem:s6], [sflag:s4] =	dma.local [hbm:s3], $0xF7A  }
0x26: {  	[smem:$0x3F9E] =	sst s1;
	(tag) =	ssettag s2;
	_ =	strace s9  }
0x27: {  	s1 =	sld [smem:$0x3FAE]  }
0x28: {  	s2 =	sld [smem:$0x3FAF]  }
0x29: {  	s4 =	sld [smem:$0x3FB1]  }
0x2a: {  	p0 =	seq.s32 s5, $0x0;
	s5 =	sld [smem:$0x3FB2]  }
0x2b: {  	s6 =	sld [smem:$0x3FB3]  }
0x2c: {  	s7 =	sld [smem:$0x3FB4]  }
0x2d: {  	s3 =	simm.s32 $0x108;
	s8 =	sld [smem:$0x3FB5]  }
0x2e: {  	s3 =	simm.s32 @!p0 $0x1082;
	s9 =	sld [smem:$0x3FB6]  }
0x2f: {  	lr =	sadd.s32 s0, s3;
	s0 =	sld [smem:$0x3FAD]  }
0x30: {  	s3 =	sld [smem:$0x3FB0]  }
0x31: {  	[smem:$0x3FB9] =	sst s10  }
0x32: {  	s10 =	sld [smem:$0x3FB7];
	_ =	sdelay $0x3  }
0x33: {  	p0 =	seq.s32 s10, $0x1;
	s10 =	sld [smem:$0x3FB9];
	_ =	sdelay $0x3  }
0x34: {  	[smem:$0x3FB9] =	sst s10  }
0x35: {  	s10 =	sld [smem:$0x3FB8];
	_ =	sdelay $0x3  }
0x36: {  	p1 =	seq.s32 s10, $0x1;
	s10 =	sld [smem:$0x3FB9];
	_ =	sdelay $0x3  }
0x37: {  	[smem:$0x3FB9] =	sst s10  }
0x38: {  	s10 =	sld [smem:$0x3FBA]  }
0x39: {  	_ = 	snop;
	(pc) =	sbr.ind lr, $3  }
0x3a: {  	_ = 	snop  }
0x3b: {  	_ = 	snop  }
0x3c: {  	p2 =	seq.s32 s10, $0x1;
	s10 =	sld [smem:$0x3FB9]  }
0x3d: {  	_ =	shalt  }
0x3e: {  	_ =	shalt  }
0x3f: {  	_ =	shalt  }
0x40: {  	_ =	shalt  }
0x41: {  	_ =	shalt  }
0x42: {  	_ =	shalt  }
0x43: {  	_ =	shalt  }
0x44: {  	_ =	shalt  }
0x45: {  	_ =	shalt  }
0x46: {  	_ =	shalt  }
0x47: {  	_ =	shalt  }
0x48: {  	_ =	shalt  }
0x49: {  	_ =	shalt  }
0x4a: {  	_ =	shalt  }
0x4b: {  	_ =	shalt  }
0x4c: {  	_ =	shalt  }
0x4d: {  	_ =	shalt  }
0x4e: {  	_ =	shalt  }
0x4f: {  	_ =	shalt  }
0x50: {  	_ =	shalt  }
0x51: {  	_ =	shalt  }
0x52: {  	_ =	shalt  }
0x53: {  	_ =	shalt  }
0x54: {  	_ =	shalt  }
0x55: {  	_ =	shalt  }
0x56: {  	_ =	shalt  }
0x57: {  	_ =	shalt  }
0x58: {  	_ =	shalt  }
0x59: {  	_ =	shalt  }
0x5a: {  	_ =	shalt  }
0x5b: {  	_ =	shalt  }
0x5c: {  	_ =	shalt  }
0x5d: {  	_ =	shalt  }
0x5e: {  	_ =	shalt  }
0x5f: {  	_ =	shalt  }
0x60: {  	_ =	shalt  }
0x61: {  	_ =	shalt  }
0x62: {  	_ =	shalt  }
0x63: {  	_ =	shalt  }
0x64: {  	_ =	shalt  }
0x65: {  	_ =	shalt  }
0x66: {  	_ =	shalt  }
0x67: {  	_ =	shalt  }
0x68: {  	_ =	shalt  }
0x69: {  	_ =	shalt  }
0x6a: {  	_ =	shalt  }
0x6b: {  	_ =	shalt  }
0x6c: {  	_ =	shalt  }
0x6d: {  	_ =	shalt  }
0x6e: {  	_ =	shalt  }
0x6f: {  	_ =	shalt  }
0x70: {  	_ =	shalt  }
0x71: {  	_ =	shalt  }
0x72: {  	_ =	shalt  }
0x73: {  	_ =	shalt  }
0x74: {  	_ =	shalt  }
0x75: {  	_ =	shalt  }
0x76: {  	_ =	shalt  }
0x77: {  	_ =	shalt  }
0x78: {  	_ =	shalt  }
0x79: {  	_ =	shalt  }
0x7a: {  	_ =	shalt  }
0x7b: {  	_ =	shalt  }
0x7c: {  	_ =	shalt  }
0x7d: {  	_ =	shalt  }
0x7e: {  	_ =	shalt  }
0x7f: {  	_ =	shalt  }
0x80: {  	_ =	shalt  }
0x81: {  	_ =	shalt  }
0x82: {  	_ =	shalt  }
0x83: {  	_ =	shalt  }
0x84: {  	_ =	shalt  }
0x85: {  	_ =	shalt  }
0x86: {  	_ =	shalt  }
0x87: {  	_ =	shalt  }
.Lfunc_end0:
.L_simem_size_0:
called_computation_lowered:
.L_overlay_start_0:
0x88: {  	s2 =	sld [smem:$0x3FD9]  }
0x89: {  	s3 =	sld [smem:$0x3FFE];
	_ =	sdelay $0x1  }
0x8a: {  	s1 =	srdreg.scid  }
0x8b: {  	s0 =	sand.u32 $0x1, s1  }
0x8c: {  	s17 =	sshll.u32 s0, $0xA;
	s2 =	sadd.s32 s3, s2  }
0x8d: {  	s2 =	sadd.s32 s2, s17  }
0x8e: {  	[smem:$0x3FC5] =	sst s2  }
0x8f: {  	_ = 	snop  }
0x90: {  	s2 =	sld [smem:$0x3FC9]  }
0x91: {  	s18 =	sld [smem:$0x3FC8];
	(tm) =	ssettm $0x1  }
0x92: {  	s4 =	sld [smem:$0x3FFB];
	_ =	sdelay $0x3  }
0x93: {  	_ =	strace s4  }
0x94: {  	s4 =	sld [smem:$0x3FFC];
	_ =	sdelay $0x3  }
0x95: {  	_ =	strace s4  }
0x96: {  	s4 =	sld [smem:$0x3FFD];
	_ =	sdelay $0x3  }
0x97: {  	_ =	strace s4  }
0x98: {  	_ =	strace $0x8FFFFFFF  }
0x99: {  	s19 =	sld [smem:$0x3FDB];
	_ =	sdelay $0x1  }
0x9a: {  	s5 =	simm.s32 $_scs_section_size  }
0x9b: {  	s6 =	simm.s32 $_size__tile_overlayer_lowered;
	s7 =	simm.s32 $_tile_overlayer_lowered  }
0x9c: {  	s22 =	simm.s32 $0x1BFF;
	s21 =	sshll.u32 s7, $0x1;
	s4 =	sadd.s32 s5, s19  }
0x9d: {  	s8 =	simm.s32 $0x0;
	s20 =	sshll.u32 s6, $0x1;
	s6 =	sadd.s32 s21, s4  }
0x9e: {  	[timem:s8], [sflag:s22] =	dma.local [hbm:s6], s20  }
0x9f: {  	_ =	swait.ge [sflag:s22], s20  }
0xa0: {  	s5 =	ssub.s32 $0x0, s20;
	[sflag:s22] =	ssyncset.done $0x0  }
0xa1: {  	[sflag:s22] =	ssyncadd.s32 s5;
	_ =	sdelay $0x1  }
0xa2: {  	s23 =	simm.s32 $0x1B8B  }
0xa3: {  	_ =	swait.ge [sflag:s23], $0x1  }
0xa4: {  	[sflag:s23] =	ssyncset.done $0x0  }
0xa5: {  	s25 =	simm.s32 $0x1B8E;
	s24 =	sld [smem:$0x3FFE];
	[sflag:s23] =	ssyncadd.s32 $0xFFFFFFFF  }
0xa6: {  	s26 =	simm.s32 $execute0_lowered;
	[smem:$0x3FD2] =	sst s25  }
0xa7: {  	s6 =	sshll.u32 s26, $0x1;
	_ =	strace $0x80000046;
	[dreg:$0x1] =	wrdreg $0xFFFFFFFF  }
0xa8: {  	s28 =	simm.s32 $_size_execute0_lowered;
	s4 =	sadd.s32 s4, s6;
	[dreg:$0x0] =	wrdreg $0x0  }
0xa9: {  	s6 =	sshll.u32 s28, $0x1;
	[dreg:$0x2] =	wrdreg s4  }
0xaa: {  	[dreg:$0x3] =	wrdreg s6  }
0xab: {  	[dreg:$0x4] =	wrdreg $0xC0  }
0xac: {  	_ =	task [dreg:s8], $0x5FFFF  }
0xad: {  	[dreg:$0x1] =	wrdreg $0xFFFFFFFF  }
0xae: {  	[dreg:$0x0] =	wrdreg $0x60  }
0xaf: {  	[dreg:$0x2] =	wrdreg s2  }
0xb0: {  	[dreg:$0x3] =	wrdreg s18  }
0xb1: {  	[dreg:$0x4] =	wrdreg s24  }
0xb2: {  	[dreg:$0x5] =	wrdreg $0x9  }
0xb3: {  	_ =	task.clear_ibuf [dreg:s8], $0x6FFFF;
	_ =	strace $0x90000046  }
0xb4: {  	s29 =	simm.s32 $0x9;
	_ =	strace $0x80000048  }
0xb5: {  	_ =	swait.ge [sflag:s29], $0x1  }
0xb6: {  	[sflag:s29] =	ssyncadd.s32 $0xFFFFFFFF  }
0xb7: {  	_ =	strace $0x90000048  }
0xb8: {  	_ =	sfence  }
0xb9: {  	s30 =	sld [smem:$0x0];
	_ =	sdelay $0x2  }
0xba: {  	s31 =	sshll.u32 s1, $0xD;
	s1 =	sshrl.u32 s1, $0x2  }
0xbb: {  	s3 =	sand.u32 $0x4000, s31;
	s1 =	sadd.s32 s1, s30  }
0xbc: {  	s0 =	sor.u32 s3, s0;
	s1 =	sshll.u32 s1, $0x11  }
0xbd: {  	s0 =	sor.u32 s1, s0  }
0xbe: {  	s0 =	sadd.s32 $0x8F2B, s0  }
0xbf: {  	[sflag:s0] =	ssyncadd.remote.s32 $0x1  }
0xc0: {  	_ =	sfence.sel $0xFFFF  }
0xc1: {  	[dreg:$0x0] =	wrdreg $0xFFFFFFFF;
	(pc) =	sbr.abs _section_cstart, $3  }
0xc2: {  	[dreg:$0x1] =	wrdreg $0xFFFFFFFF  }
0xc3: {  	_ =	task.clear_ibuf [dreg:s8], $0x2FFFF;
	_ =	strace $0x9FFFFFFF  }
0xc4: {  	(tm) =	ssettm $0x7FFFFFFF  }
0xc5: {  	_ =	shalt  }
tec
execute0_lowered:
.L_overlay_start_1:
0x0: {  	(tag) =	ssettag $0x1  }
0x1: {  	s1 =	rddreg [dreg:$0x0]  }
0x2: {  	s2 =	rddreg [dreg:$0x1]  }
0x3: {  	s6 =	rddreg [dreg:$0x2]  }
0x4: {  	s0 =	rddreg [dreg:$0x3];
	s3 =	srdreg.scid  }
0x5: {  	s4 =	simm.s32 $0x0;
	s11 =	simm.s32 $0x80;
	s12 =	simm.s32 $0x200  }
0x6: {  	s13 =	simm.s32 $0x3E80;
	s14 =	simm.s32 $0x7D00;
	s15 =	simm.s32 $0xBB80  }
0x7: {  	s16 =	simm.s32 $0x1;
	s17 =	simm.s32 $0x2;
	s18 =	simm.s32 $0x0  }
0x8: {  	s5 =	sand.u32 $0x1, s3;
	s3 =	stileid.u32;
	[smem:$0x7FF] =	sst s4  }
0x9: {  	s6 =	sadd.s32 $0x800, s6;
	s7 =	ssub.s32 $0x2, s5;
	s8 =	sshll.u32 s3, $0x1  }
0xa: {  	_ =	strace $0x80000047;
	s9 =	sshrl.u32 s7, $0x1;
	s5 =	sor.u32 s5, s8  }
0xb: {  	s8 =	sadd.s32 $0x10, s1;
	s10 =	ssub.s32 s7, s9;
	s31 =	ssub.s32 $0x9C, s5  }
0xc: {  	s9 =	sadd.s32 $0x20, s1;
	s7 =	sshrl.u32 s31, $0x5;
	s10 =	smax.u32 s10, $0x1  }
.LBB2_1:
0xd: {  	s19 =	simm.s32 $0x0  }
.LBB2_2:
0xe: {  	s20 =	sshll.u32 s19, $0x5  }
0xf: {  	s20 =	sor.u32 s5, s20  }
0x10: {  	s21 =	smul.u32 $0xFA00, s20;
	_ =	sdelay $0x1  }
0x11: {  	s21 =	sshrl.u32 s21, $0x3  }
0x12: {  	s23 =	simm.s32 $0x0;
	s22 =	sadd.s32 s1, s21  }
0x13: {  	[tilespmem:s23], [sflag:$0x1] =	stream.strided.gather [hbm4b:s22+s11], $0x3E80, s12, s11, $0x38;
	[tilespmem:$0xFA00] =	vst v63  }
0x14: {  	s20 =	smul.u32 $0x3E80, s20;
	s30 =	sadd.s32 s21, s8  }
0x15: {  	[tilespmem:s13], [sflag:$0x1] =	stream.strided.gather [hbm4b:s30+s11], $0x3E80, s12, s11, $0x38;
	[tilespmem:$0xFA00] =	vst v63  }
0x16: {  	s20 =	sshrl.u32 s20, $0x3;
	s21 =	sadd.s32 s21, s9  }
0x17: {  	[tilespmem:s14], [sflag:$0x1] =	stream.strided.gather [hbm4b:s21+s11], $0x3E80, s12, s11, $0x38;
	[tilespmem:$0xFA00] =	vst v63  }
0x18: {  	s31 =	sadd.s32 s2, s20  }
0x19: {  	[tilespmem:s15], [sflag:$0x1] =	stream.linear.gather [hbm4b:s31+s23], $0x3E80, $0x38;
	[tilespmem:$0xFA00] =	vst v63  }
0x1a: {  	_ =	swait.ge [sflag:s16], $0x3E80  }
0x1b: {  	[sflag:s16] =	ssyncset.done $0x0  }
0x1c: {  	[sflag:s16] =	ssyncadd.s32 $0xFFFFC180  }
0x1d: {  	_ =	swait.ge [sflag:s16], $0x3E80  }
0x1e: {  	[sflag:s16] =	ssyncset.done $0x0  }
0x1f: {  	[sflag:s16] =	ssyncadd.s32 $0xFFFFC180  }
0x20: {  	_ =	swait.ge [sflag:s16], $0x3E80  }
0x21: {  	[sflag:s16] =	ssyncset.done $0x0  }
0x22: {  	[sflag:s16] =	ssyncadd.s32 $0xFFFFC180  }
0x23: {  	_ =	swait.ge [sflag:s16], $0x3E80  }
0x24: {  	[sflag:s16] =	ssyncset.done $0x0  }
0x25: {  	s23 =	simm.s32 $0x0;
	[sflag:s16] =	ssyncadd.s32 $0xFFFFC180  }
0x26: {  	v0 =	vld [tilespmem:s23+$0x3E80]  }
0x27: {  	v1 =	vld [tilespmem:s23+$0x7D00]  }
0x28: {  	v2 =	vld [tilespmem:s23+$0x0];
	_ =	sdelay $0x1  }
0x29: {  	s22 =	simm.s32 $0x10  }
0x2a: {  	v3 =	vld [tilespmem:s22+$0x3E80]  }
0x2b: {  	v0 =	vmul.f32 $5.000000000e-01, v0  }
0x2c: {  	v4 =	vld [tilespmem:s22+$0x0];
	v1 =	vmul.f32 $5.000000000e-01, v1;
	v2 =	vmul.f32 $5.000000000e-01, v2  }
0x2d: {  	v0 =	vadd.f32 $5.000000000e-01, v0  }
0x2e: {  	v1 =	vadd.f32 $5.000000000e-01, v1;
	v2 =	vadd.f32 $5.000000000e-01, v2  }
0x2f: {  	v5 =	vld [tilespmem:s22+$0x7D00];
	v3 =	vmul.f32 $5.000000000e-01, v3;
	v0 =	vmul.f32 $1.280000000e+02, v0  }
0x30: {  	v1 =	vmul.f32 $1.280000000e+02, v1;
	v2 =	vmul.f32 $1.280000000e+02, v2  }
0x31: {  	v4 =	vmul.f32 $5.000000000e-01, v4;
	v0 =	vtrunc.f32 v0  }
0x32: {  	v1 =	vtrunc.f32 v1;
	v2 =	vtrunc.f32 v2  }
0x33: {  	s21 =	simm.s32 $0x20;
	v0 =	vcvt.f32.s32 v0;
	v1 =	vcvt.f32.s32 v1  }
0x34: {  	v5 =	vmul.f32 $5.000000000e-01, v5;
	v6 =	vadd.f32 $5.000000000e-01, v4;
	v4 =	vld [tilespmem:s21+$0x3E80];
	v2 =	vcvt.f32.s32 v2  }
0x35: {  	v3 =	vadd.f32 $5.000000000e-01, v3;
	vm0 =	vgt.s32 v0, $0x0;
	vm14 =	vgt.s32 v1, $0x0  }
0x36: {  	vm15 =	vgt.s32 v2, $0x0;
	v0 =	vnsel vm0, $0x0, v0;
	v1 =	vnsel vm14, $0x0, v1  }
0x37: {  	v7 =	vmin.u32 v0, $0x7F;
	v0 =	vmul.f32 $1.280000000e+02, v3;
	v3 =	vadd.f32 $5.000000000e-01, v5;
	v5 =	vld [tilespmem:s23+$0xBB80]  }
0x38: {  	v8 =	vld [tilespmem:s21+$0x0];
	v2 =	vnsel vm15, $0x0, v2;
	v1 =	vmin.u32 v1, $0x7F  }
0x39: {  	v9 =	vld [tilespmem:s21+$0x7D00];
	v11 =	vshll.u32 v1, $0x5;
	v1 =	vmul.f32 $5.000000000e-01, v4;
	v0 =	vtrunc.f32 v0  }
0x3a: {  	v2 =	vmin.u32 v2, $0x7F;
	v10 =	vshrl.u32 v7, $0x5;
	v0 =	vcvt.f32.s32 v0  }
0x3b: {  	v2 =	vshll.u32 v2, $0x2;
	v7 =	vand.u32 $0x1F, v7;
	v1 =	vadd.f32 $5.000000000e-01, v1  }
0x3c: {  	v3 =	vmul.f32 $1.280000000e+02, v3;
	vm1 =	vgt.s32 v0, $0x0;
	v4 =	vshll.u32 v5, $0x9  }
0x3d: {  	v5 =	vmul.f32 $5.000000000e-01, v8;
	v1 =	vmul.f32 $1.280000000e+02, v1;
	v8 =	vor.u32 v4, v2  }
0x3e: {  	v0 =	vnsel vm1, $0x0, v0;
	v2 =	vmul.f32 $5.000000000e-01, v9;
	v8 =	vor.u32 v10, v8  }
0x3f: {  	v4 =	vtrunc.f32 v3;
	v3 =	vadd.f32 $5.000000000e-01, v5;
	v8 =	vshll.u32 v8, $0xC  }
0x40: {  	s24 =	simm.s32 $0xC0;
	v0 =	vmin.u32 v0, $0x7F;
	v5 =	vmul.f32 $1.280000000e+02, v6;
	v6 =	vor.u32 v11, v8  }
.LBB2_3:
0x41: {  	s25 =	sshra.s32 s24, $0x2;
	p0 =	sne.s32 s24, $0xF9C0;
	s24 =	sadd.s32 $0x40, s24;
	v2 =	vadd.f32 $5.000000000e-01, v2;
	v4 =	vcvt.f32.s32 v4;
	v6 =	vor.u32 v7, v6;
	v7 =	vmovc v3  }
0x42: {  	v3 =	vld [tilespmem:s25+$0x3E80];
	v5 =	vtrunc.f32 v5;
	[tilespmem:s23+$0xBB80] =	vst v6;
	s23 =	smov.u32 s22;
	s22 =	smov.u32 s21;
	s21 =	smov.u32 s25  }
0x43: {  	v1 =	vtrunc.f32 v1;
	v6 =	vld [tilespmem:s23+$0xBB80];
	v5 =	vcvt.f32.s32 v5;
	vm0 =	vgt.s32 v4, $0x0  }
0x44: {  	v1 =	vcvt.f32.s32 v1;
	v9 =	vmul.f32 $1.280000000e+02, v2;
	v8 =	vld [tilespmem:s21+$0x0];
	v2 =	vnsel vm0, $0x0, v4  }
0x45: {  	v10 =	vshrl.u32 v0, $0x5;
	v4 =	vld [tilespmem:s21+$0x7D00];
	vm0 =	vgt.s32 v5, $0x0;
	v2 =	vmin.u32 v2, $0x7F  }
0x46: {  	vm1 =	vgt.s32 v1, $0x0;
	v5 =	vnsel vm0, $0x0, v5;
	v11 =	vshll.u32 v2, $0x5  }
0x47: {  	v1 =	vnsel vm1, $0x0, v1;
	v2 =	vmul.f32 $5.000000000e-01, v3;
	v3 =	vmin.u32 v5, $0x7F  }
.Ltmp0:
0x48: {  	v12 =	vmin.u32 v1, $0x7F;
	v1 =	vshll.u32 v6, $0x9;
	v3 =	vshll.u32 v3, $0x2;
	(pc) =	sbr.rel @p0 .LBB2_3-.Ltmp0, $4  }
0x49: {  	v5 =	vmul.f32 $5.000000000e-01, v8;
	v6 =	vadd.f32 $5.000000000e-01, v2;
	v1 =	vor.u32 v1, v3  }
0x4a: {  	v2 =	vmul.f32 $5.000000000e-01, v4;
	v4 =	vtrunc.f32 v9;
	v8 =	vor.u32 v10, v1  }
0x4b: {  	v3 =	vadd.f32 $5.000000000e-01, v5;
	v1 =	vmul.f32 $1.280000000e+02, v6;
	v6 =	vshll.u32 v8, $0xC  }
0x4c: {  	v5 =	vmul.f32 $1.280000000e+02, v7;
	v7 =	vand.u32 $0x1F, v0;
	v0 =	vmovc v12;
	v6 =	vor.u32 v11, v6  }
0x4d: {  	v6 =	vor.u32 v7, v6  }
0x4e: {  	v5 =	vtrunc.f32 v5;
	[tilespmem:s23+$0xBB80] =	vst v6  }
0x4f: {  	v6 =	vld [tilespmem:s22+$0xBB80];
	v5 =	vcvt.f32.s32 v5;
	_ =	sdelay $0x1  }
0x50: {  	vm0 =	vgt.s32 v5, $0x0  }
0x51: {  	v4 =	vcvt.f32.s32 v4;
	v5 =	vnsel vm0, $0x0, v5  }
0x52: {  	v5 =	vmin.u32 v5, $0x7F  }
0x53: {  	vm13 =	vgt.s32 v4, $0x0;
	v6 =	vshll.u32 v6, $0x9;
	v5 =	vshll.u32 v5, $0x2  }
0x54: {  	v59 =	vshrl.u32 v0, $0x5;
	v4 =	vnsel vm13, $0x0, v4;
	v5 =	vor.u32 v6, v5  }
0x55: {  	v4 =	vmin.u32 v4, $0x7F;
	v5 =	vor.u32 v59, v5  }
0x56: {  	v4 =	vshll.u32 v4, $0x5;
	v5 =	vshll.u32 v5, $0xC  }
0x57: {  	v3 =	vmul.f32 $1.280000000e+02, v3;
	v60 =	vand.u32 $0x1F, v0;
	v4 =	vor.u32 v4, v5  }
0x58: {  	v2 =	vadd.f32 $5.000000000e-01, v2;
	v1 =	vtrunc.f32 v1;
	v0 =	vor.u32 v60, v4  }
0x59: {  	v1 =	vcvt.f32.s32 v1;
	v3 =	vtrunc.f32 v3;
	[tilespmem:s22+$0xBB80] =	vst v0  }
0x5a: {  	v61 =	vmul.f32 $1.280000000e+02, v2;
	v3 =	vcvt.f32.s32 v3;
	v62 =	vld [tilespmem:s21+$0xBB80];
	_ =	sdelay $0x1  }
0x5b: {  	vm14 =	vgt.s32 v1, $0x0;
	vm1 =	vgt.s32 v3, $0x0;
	v0 =	vtrunc.f32 v61  }
0x5c: {  	v1 =	vnsel vm14, $0x0, v1;
	v3 =	vnsel vm1, $0x0, v3;
	v0 =	vcvt.f32.s32 v0  }
0x5d: {  	v1 =	vmin.u32 v1, $0x7F;
	v3 =	vmin.u32 v3, $0x7F  }
0x5e: {  	v3 =	vshll.u32 v3, $0x2;
	vm15 =	vgt.s32 v0, $0x0;
	v2 =	vshll.u32 v62, $0x9  }
0x5f: {  	v63 =	vshrl.u32 v1, $0x5;
	v0 =	vnsel vm15, $0x0, v0;
	v2 =	vor.u32 v2, v3  }
0x60: {  	v0 =	vmin.u32 v0, $0x7F;
	v2 =	vor.u32 v63, v2  }
0x61: {  	v0 =	vshll.u32 v0, $0x5;
	v2 =	vshll.u32 v2, $0xC  }
0x62: {  	s19 =	sadd.s32 $0x1, s19;
	v1 =	vand.u32 $0x1F, v1;
	v0 =	vor.u32 v0, v2  }
0x63: {  	p0 =	sne.s32 s19, s7;
	v0 =	vor.u32 v1, v0  }
.Ltmp1:
0x64: {  	s20 =	sadd.s32 s6, s20;
	[tilespmem:s21+$0xBB80] =	vst v0;
	(pc) =	sbr.rel @p0 .LBB2_2-.Ltmp1, $4  }
0x65: {  	[hbm4b:s20+s4] =	stream.linear.scatter [tilespmem:s15], [sflag:$0x2], $0x3E80, $0x38;
	[tilespmem:$0xFA00] =	vst v63  }
0x66: {  	_ =	swait.ge [sflag:s17], $0x3E80  }
0x67: {  	[sflag:s17] =	ssyncset.done $0x0  }
0x68: {  	[sflag:s17] =	ssyncadd.s32 $0xFFFFC180  }
0x69: {  	s18 =	sadd.s32 $0x1, s18  }
0x6a: {  	p0 =	sne.s32 s18, s10  }
.Ltmp2:
0x6b: {  	_ = 	snop;
	(pc) =	sbr.rel @p0 .LBB2_1-.Ltmp2, $1  }
0x6c: {  	_ =	sdelay $0x3  }
0x6d: {  	_ =	sfence.sel $0x180000  }
0x6e: {  	[bflag:$0x0] =	sbarrier.arrive $0xFFFF  }
0x6f: {  	p0 =	sne.s32 s3, $0x0;
	_ =	strace $0x90000047  }
0x70: {  	s0 =	sadd.s32 @!p0 $0x100000, s0;
	[bflag:$0x2] =	sbarrier.arrive $0xFFFF  }
0x71: {  	[sflag:s0] =	ssyncadd.tile.s32 @!p0 $0x1;
	_ =	shalt  }
.Lfunc_end2:
_tile_overlayer_lowered:
.L_overlay_start_2:
0x72: {  	(tag) =	ssettag $0x2  }
0x73: {  	s0 =	rddreg [dreg:$0x0];
	s2 =	stileid.u32  }
0x74: {  	s1 =	rddreg [dreg:$0x1];
	p0 =	sne.s32 s2, $0x0  }
0x75: {  	s3 =	rddreg [dreg:$0x2];
	[bflag:$0x3] =	sbarrier.arrive $0xFFFF;
	s2 =	simm.s32 @!p0 $0x1C02  }
0x76: {  	[timem:s3], [sflag:s2] =	dma.local @!p0 [hbm:s0], s1  }
0x77: {  	s0 =	simm.s32 @!p0 $0x2  }
0x78: {  	_ =	swait.ge @!p0 [sflag:s0], s1  }
0x79: {  	s1 =	ssub.s32 @!p0 $0x0, s1;
	[sflag:s0] =	ssyncset.done @!p0 $0x0  }
0x7a: {  	[sflag:s0] =	ssyncadd.s32 @!p0 s1  }
0x7b: {  	[bflag:$0x3] =	sbarrier.arrive $0xFFFF  }
0x7c: {  	_ =	shalt  }

// kernel: _run.7.cloned.1.call-start
scs
__scs_entry_jumppad:
0x0: {  	(pc) =	sbr.rel $0x88, $3  }
0x1: {  	(tag) =	ssettag $0x0;
	lr =	simm.s32 $0x1  }
0x2: {  	[smem:$0x3F9E] =	sst lr;
	_ =	strace $0xD0000000  }
0x3: {  	_ = 	snop  }
0x4: {  	_ = 	snop  }
0x5: {  	_ = 	snop  }
0x6: {  	_ = 	snop  }
0x7: {  	_ = 	snop  }
__scs_overlays_trampoline_lowered:
0x8: {  	[smem:$0x3FAD] =	sst s0  }
0x9: {  	[smem:$0x3FAE] =	sst s1  }
0xa: {  	[smem:$0x3FAF] =	sst s2  }
0xb: {  	[smem:$0x3FB0] =	sst s3  }
0xc: {  	[smem:$0x3FB1] =	sst s4  }
0xd: {  	[smem:$0x3FB2] =	sst s5  }
0xe: {  	[smem:$0x3FB3] =	sst s6  }
0xf: {  	[smem:$0x3FB4] =	sst s7  }
0x10: {  	[smem:$0x3FB5] =	sst s8  }
0x11: {  	[smem:$0x3FB6] =	sst s9;
	s0 =	simm.s32 @!p0 $0x0  }
0x12: {  	s1 =	sld [smem:$0x3F9C];
	s0 =	simm.s32 @p0 $0x1  }
0x13: {  	[smem:$0x3FB7] =	sst s0;
	s0 =	simm.s32 @!p1 $0x0  }
0x14: {  	s2 =	sld [smem:$0x3F9B];
	s0 =	simm.s32 @p1 $0x1  }
0x15: {  	[smem:$0x3FB8] =	sst s0;
	s0 =	simm.s32 @!p2 $0x0  }
0x16: {  	s3 =	sld [smem:$0x3FDB];
	s0 =	simm.s32 @p2 $0x1  }
0x17: {  	s4 =	simm.s32 $0x1BF5;
	[smem:$0x3FBA] =	sst s0  }
0x18: {  	s0 =	sld [smem:$0x3F9D];
	_ =	swait.ge [sflag:s4], $0x0  }
0x19: {  	s7 =	sld [smem:$0x3F9E]  }
0x1a: {  	s8 =	sadd.s32 $0xFFFFE003, lr  }
0x1b: {  	s9 =	sadd.s32 $0xFFFFFEF7, lr;
	s5 =	simm.s32 $0xFFFFFFFF;
	p2 =	slt.u32 s8, $0xFFFFF086  }
0x1c: {  	p1 =	slt.u32 s9, $0xF7A;
	s5 =	simm.s32 @!p2 $0x0  }
0x1d: {  	s5 =	simm.s32 @p1 $0x1;
	p0 =	seq.s32 s7, s2  }
0x1e: {  	s7 =	smul.u32 @!p0 $0xF7A, s2;
	p2 =	seq.s32 @!p0 s5, $0x0  }
0x1f: {  	s9 =	smul.u32 $0xF7A, s1;
	s8 =	simm.s32 @!p0 $0x1BF5;
	p2 =	por !p2, p0  }
0x20: {  	[sflag:s8] =	ssyncset.s32 @!p0 $0xFFFFF086;
	s6 =	sadd.s32 @!p0 s3, s7;
	s7 =	simm.s32 @!p0 $0x108  }
0x21: {  	s3 =	sadd.s32 s3, s9;
	s6 =	sadd.s32 @!p0 $0x88, s6;
	s7 =	simm.s32 @p2 $0x1082  }
0x22: {  	[simem:s7], [sflag:s8] =	dma.local @!p0 [hbm:s6], $0xF7A  }
0x23: {  	s9 =	sor.u32 $0xD0000000, s2;
	s6 =	simm.s32 $0x108;
	_ =	swait.ge @!p0 [sflag:s8], $0x0  }
0x24: {  	s3 =	sadd.s32 $0x88, s3;
	s6 =	simm.s32 @!p1 $0x1082;
	[sflag:s4] =	ssyncset.s32 $0xFFFFF086  }
0x25: {  	[simem:s6], [sflag:s4] =	dma.local [hbm:s3], $0xF7A  }
0x26: {  	[smem:$0x3F9E] =	sst s1;
	(tag) =	ssettag s2;
	_ =	strace s9  }
0x27: {  	s1 =	sld [smem:$0x3FAE]  }
0x28: {  	s2 =	sld [smem:$0x3FAF]  }
0x29: {  	s4 =	sld [smem:$0x3FB1]  }
0x2a: {  	p0 =	seq.s32 s5, $0x0;
	s5 =	sld [smem:$0x3FB2]  }
0x2b: {  	s6 =	sld [smem:$0x3FB3]  }
0x2c: {  	s7 =	sld [smem:$0x3FB4]  }
0x2d: {  	s3 =	simm.s32 $0x108;
	s8 =	sld [smem:$0x3FB5]  }
0x2e: {  	s3 =	simm.s32 @!p0 $0x1082;
	s9 =	sld [smem:$0x3FB6]  }
0x2f: {  	lr =	sadd.s32 s0, s3;
	s0 =	sld [smem:$0x3FAD]  }
0x30: {  	s3 =	sld [smem:$0x3FB0]  }
0x31: {  	[smem:$0x3FB9] =	sst s10  }
0x32: {  	s10 =	sld [smem:$0x3FB7];
	_ =	sdelay $0x3  }
0x33: {  	p0 =	seq.s32 s10, $0x1;
	s10 =	sld [smem:$0x3FB9];
	_ =	sdelay $0x3  }
0x34: {  	[smem:$0x3FB9] =	sst s10  }
0x35: {  	s10 =	sld [smem:$0x3FB8];
	_ =	sdelay $0x3  }
0x36: {  	p1 =	seq.s32 s10, $0x1;
	s10 =	sld [smem:$0x3FB9];
	_ =	sdelay $0x3  }
0x37: {  	[smem:$0x3FB9] =	sst s10  }
0x38: {  	s10 =	sld [smem:$0x3FBA]  }
0x39: {  	_ = 	snop;
	(pc) =	sbr.ind lr, $3  }
0x3a: {  	_ = 	snop  }
0x3b: {  	_ = 	snop  }
0x3c: {  	p2 =	seq.s32 s10, $0x1;
	s10 =	sld [smem:$0x3FB9]  }
0x3d: {  	_ =	shalt  }
0x3e: {  	_ =	shalt  }
0x3f: {  	_ =	shalt  }
0x40: {  	_ =	shalt  }
0x41: {  	_ =	shalt  }
0x42: {  	_ =	shalt  }
0x43: {  	_ =	shalt  }
0x44: {  	_ =	shalt  }
0x45: {  	_ =	shalt  }
0x46: {  	_ =	shalt  }
0x47: {  	_ =	shalt  }
0x48: {  	_ =	shalt  }
0x49: {  	_ =	shalt  }
0x4a: {  	_ =	shalt  }
0x4b: {  	_ =	shalt  }
0x4c: {  	_ =	shalt  }
0x4d: {  	_ =	shalt  }
0x4e: {  	_ =	shalt  }
0x4f: {  	_ =	shalt  }
0x50: {  	_ =	shalt  }
0x51: {  	_ =	shalt  }
0x52: {  	_ =	shalt  }
0x53: {  	_ =	shalt  }
0x54: {  	_ =	shalt  }
0x55: {  	_ =	shalt  }
0x56: {  	_ =	shalt  }
0x57: {  	_ =	shalt  }
0x58: {  	_ =	shalt  }
0x59: {  	_ =	shalt  }
0x5a: {  	_ =	shalt  }
0x5b: {  	_ =	shalt  }
0x5c: {  	_ =	shalt  }
0x5d: {  	_ =	shalt  }
0x5e: {  	_ =	shalt  }
0x5f: {  	_ =	shalt  }
0x60: {  	_ =	shalt  }
0x61: {  	_ =	shalt  }
0x62: {  	_ =	shalt  }
0x63: {  	_ =	shalt  }
0x64: {  	_ =	shalt  }
0x65: {  	_ =	shalt  }
0x66: {  	_ =	shalt  }
0x67: {  	_ =	shalt  }
0x68: {  	_ =	shalt  }
0x69: {  	_ =	shalt  }
0x6a: {  	_ =	shalt  }
0x6b: {  	_ =	shalt  }
0x6c: {  	_ =	shalt  }
0x6d: {  	_ =	shalt  }
0x6e: {  	_ =	shalt  }
0x6f: {  	_ =	shalt  }
0x70: {  	_ =	shalt  }
0x71: {  	_ =	shalt  }
0x72: {  	_ =	shalt  }
0x73: {  	_ =	shalt  }
0x74: {  	_ =	shalt  }
0x75: {  	_ =	shalt  }
0x76: {  	_ =	shalt  }
0x77: {  	_ =	shalt  }
0x78: {  	_ =	shalt  }
0x79: {  	_ =	shalt  }
0x7a: {  	_ =	shalt  }
0x7b: {  	_ =	shalt  }
0x7c: {  	_ =	shalt  }
0x7d: {  	_ =	shalt  }
0x7e: {  	_ =	shalt  }
0x7f: {  	_ =	shalt  }
0x80: {  	_ =	shalt  }
0x81: {  	_ =	shalt  }
0x82: {  	_ =	shalt  }
0x83: {  	_ =	shalt  }
0x84: {  	_ =	shalt  }
0x85: {  	_ =	shalt  }
0x86: {  	_ =	shalt  }
0x87: {  	_ =	shalt  }
.Lfunc_end0:
.L_simem_size_0:
called_computation.1_lowered:
.L_overlay_start_0:
0x88: {  	s2 =	sld [smem:$0x3FD9]  }
0x89: {  	s3 =	sld [smem:$0x3FFE];
	_ =	sdelay $0x1  }
0x8a: {  	s1 =	srdreg.scid  }
0x8b: {  	s0 =	sand.u32 $0x1, s1  }
0x8c: {  	s17 =	sshll.u32 s0, $0xA;
	s2 =	sadd.s32 s3, s2  }
0x8d: {  	s2 =	sadd.s32 s2, s17  }
0x8e: {  	[smem:$0x3FC5] =	sst s2  }
0x8f: {  	_ = 	snop  }
0x90: {  	s2 =	sld [smem:$0x3FC7]  }
0x91: {  	s18 =	sld [smem:$0x3FD0];
	(tm) =	ssettm $0x1  }
0x92: {  	s4 =	sld [smem:$0x3FFB];
	_ =	sdelay $0x3  }
0x93: {  	_ =	strace s4  }
0x94: {  	s4 =	sld [smem:$0x3FFC];
	_ =	sdelay $0x3  }
0x95: {  	_ =	strace s4  }
0x96: {  	s4 =	sld [smem:$0x3FFD];
	_ =	sdelay $0x3  }
0x97: {  	_ =	strace s4  }
0x98: {  	_ =	strace $0x8FFFFFFF  }
0x99: {  	s19 =	sld [smem:$0x3FDB];
	_ =	sdelay $0x1  }
0x9a: {  	s5 =	simm.s32 $_scs_section_size  }
0x9b: {  	s6 =	simm.s32 $_size__tile_overlayer_lowered;
	s7 =	simm.s32 $_tile_overlayer_lowered  }
0x9c: {  	s22 =	simm.s32 $0x1BFF;
	s21 =	sshll.u32 s7, $0x1;
	s4 =	sadd.s32 s5, s19  }
0x9d: {  	s8 =	simm.s32 $0x0;
	s20 =	sshll.u32 s6, $0x1;
	s6 =	sadd.s32 s21, s4  }
0x9e: {  	[timem:s8], [sflag:s22] =	dma.local [hbm:s6], s20  }
0x9f: {  	_ =	swait.ge [sflag:s22], s20  }
0xa0: {  	s5 =	ssub.s32 $0x0, s20;
	[sflag:s22] =	ssyncset.done $0x0  }
0xa1: {  	[sflag:s22] =	ssyncadd.s32 s5;
	_ =	sdelay $0x1  }
0xa2: {  	s23 =	simm.s32 $0x1B8B  }
0xa3: {  	_ =	swait.ge [sflag:s23], $0x1  }
0xa4: {  	[sflag:s23] =	ssyncset.done $0x0  }
0xa5: {  	s25 =	simm.s32 $0x1B8E;
	s24 =	sld [smem:$0x3FFE];
	[sflag:s23] =	ssyncadd.s32 $0xFFFFFFFF  }
0xa6: {  	s26 =	simm.s32 $execute0_lowered;
	[smem:$0x3FD2] =	sst s25  }
0xa7: {  	s6 =	sshll.u32 s26, $0x1;
	_ =	strace $0x80000049;
	[dreg:$0x1] =	wrdreg $0xFFFFFFFF  }
0xa8: {  	s28 =	simm.s32 $_size_execute0_lowered;
	s4 =	sadd.s32 s4, s6;
	[dreg:$0x0] =	wrdreg $0x0  }
0xa9: {  	s6 =	sshll.u32 s28, $0x1;
	[dreg:$0x2] =	wrdreg s4  }
0xaa: {  	[dreg:$0x3] =	wrdreg s6  }
0xab: {  	[dreg:$0x4] =	wrdreg $0xC0  }
0xac: {  	_ =	task [dreg:s8], $0x5FFFF  }
0xad: {  	[dreg:$0x1] =	wrdreg $0xFFFFFFFF  }
0xae: {  	[dreg:$0x0] =	wrdreg $0x60  }
0xaf: {  	[dreg:$0x2] =	wrdreg s24  }
0xb0: {  	[dreg:$0x3] =	wrdreg s2  }
0xb1: {  	[dreg:$0x4] =	wrdreg s18  }
0xb2: {  	[dreg:$0x5] =	wrdreg $0xFA000  }
0xb3: {  	[dreg:$0x6] =	wrdreg $0x9  }
0xb4: {  	_ =	task.clear_ibuf [dreg:s8], $0x7FFFF;
	_ =	strace $0x90000049  }
0xb5: {  	s29 =	simm.s32 $0x9;
	_ =	strace $0x8000004B  }
0xb6: {  	_ =	swait.ge [sflag:s29], $0x1  }
0xb7: {  	[sflag:s29] =	ssyncadd.s32 $0xFFFFFFFF  }
0xb8: {  	_ =	strace $0x9000004B  }
0xb9: {  	_ =	sfence  }
0xba: {  	s30 =	sld [smem:$0x0];
	_ =	sdelay $0x2  }
0xbb: {  	s31 =	sshll.u32 s1, $0xD;
	s1 =	sshrl.u32 s1, $0x2  }
0xbc: {  	s3 =	sand.u32 $0x4000, s31;
	s1 =	sadd.s32 s1, s30  }
0xbd: {  	s0 =	sor.u32 s3, s0;
	s1 =	sshll.u32 s1, $0x11  }
0xbe: {  	s0 =	sor.u32 s1, s0  }
0xbf: {  	s0 =	sadd.s32 $0x8F2B, s0  }
0xc0: {  	[sflag:s0] =	ssyncadd.remote.s32 $0x1  }
0xc1: {  	_ =	sfence.sel $0xFFFF  }
0xc2: {  	[dreg:$0x0] =	wrdreg $0xFFFFFFFF;
	(pc) =	sbr.abs _section_cstart, $3  }
0xc3: {  	[dreg:$0x1] =	wrdreg $0xFFFFFFFF  }
0xc4: {  	_ =	task.clear_ibuf [dreg:s8], $0x2FFFF;
	_ =	strace $0x9FFFFFFF  }
0xc5: {  	(tm) =	ssettm $0x7FFFFFFF  }
tec
execute0_lowered:
.L_overlay_start_1:
0x0: {  	(tag) =	ssettag $0x1  }
0x1: {  	s0 =	rddreg [dreg:$0x0]  }
0x2: {  	s2 =	rddreg [dreg:$0x2]  }
0x3: {  	s3 =	rddreg [dreg:$0x3];
	s1 =	srdreg.scid  }
0x4: {  	s8 =	stileid.u32;
	s4 =	simm.s32 $0x0;
	s11 =	simm.s32 $0x1  }
0x5: {  	s12 =	simm.s32 $0xFA0;
	s13 =	simm.s32 $0x7D00;
	s14 =	simm.s32 $0xBB80  }
0x6: {  	s15 =	simm.s32 $0x8CA0;
	s16 =	simm.s32 $0xCB20;
	s17 =	simm.s32 $0x9C40  }
0x7: {  	s18 =	simm.s32 $0xDAC0;
	s19 =	simm.s32 $0xABE0;
	s20 =	simm.s32 $0xEA60  }
0x8: {  	s21 =	simm.s32 $0x3;
	s22 =	simm.s32 $0x4;
	s23 =	simm.s32 $0x5  }
0x9: {  	s24 =	simm.s32 $0x6;
	s25 =	simm.s32 $0x7;
	s26 =	simm.s32 $0x0  }
0xa: {  	s1 =	sand.u32 $0x1, s1;
	s5 =	sshll.u32 s8, $0x1;
	[smem:$0x7FF] =	sst s4  }
.Ltmp0:
0xb: {  	s6 =	sadd.s32 $0x800, s0;
	s5 =	sor.u32 s1, s5;
	(pc) =	sbr.rel .LBB2_1-.Ltmp0, $4  }
0xc: {  	p0 =	sne.s32 s8, $0x0;
	s7 =	ssub.s32 $0x2, s1;
	s9 =	smul.u32 $0x7D0, s5  }
0xd: {  	_ =	strace $0x8000004A;
	s10 =	sshrl.u32 @!p0 s3, $0x3;
	s28 =	sshrl.u32 s7, $0x1  }
0xe: {  	s30 =	ssub.s32 $0x9C, s5;
	s29 =	ssub.s32 s7, s28;
	s31 =	sadd.s32 s6, s9  }
0xf: {  	s7 =	sshrl.u32 s30, $0x5;
	s9 =	smax.u32 s29, $0x1;
	[dreg:$0x5] =	wrdreg s31  }
.LBB2_39:
0x10: {  	s26 =	sadd.s32 $0x1, s26  }
0x11: {  	p1 =	sne.s32 s26, s9  }
.Ltmp1:
0x12: {  	_ = 	snop;
	(pc) =	sbr.rel @!p1 .LBB2_40-.Ltmp1, $4  }
0x13: {  	_ = 	snop  }
0x14: {  	_ =	swait.ge [sflag:s25], $0x3E80  }
0x15: {  	[sflag:s25] =	ssyncset.done $0x0  }
0x16: {  	[sflag:s25] =	ssyncadd.s32 $0xFFFFC180  }
.LBB2_1:
0x17: {  	s0 =	simm.s32 @!p0 $0x1C08;
	s1 =	rddreg [dreg:$0x1]  }
0x18: {  	[spmem:s10], [sflag:s0] =	dma.local @!p0 [hbm:s1], $0x20000  }
0x19: {  	s0 =	simm.s32 @!p0 $0x8  }
0x1a: {  	_ =	swait.ge @!p0 [sflag:s0], $0x20000  }
0x1b: {  	[sflag:s0] =	ssyncset.done @!p0 $0x0  }
0x1c: {  	s31 =	rddreg [dreg:$0x5];
	[sflag:s0] =	ssyncadd.s32 @!p0 $0xFFFE0000  }
0x1d: {  	[tilespmem:s4], [sflag:$0x1] =	stream.linear.gather [hbm4b:s31+s4], $0x3E80, $0x38;
	[tilespmem:$0x1FA00] =	vst v63  }
.Ltmp2:
0x1e: {  	_ =	swait.ge [sflag:s11], $0x3E80;
	(pc) =	sbr.rel .LBB2_2-.Ltmp2, $4  }
0x1f: {  	[sflag:s11] =	ssyncset.done $0x0  }
0x20: {  	[sflag:s11] =	ssyncadd.s32 $0xFFFFC180  }
0x21: {  	[bflag:$0x0] =	sbarrier.arrive $0xFFFF  }
0x22: {  	s28 =	simm.s32 $0x0  }
.LBB2_38:
0x23: {  	s28 =	sadd.s32 $0x1, s28  }
0x24: {  	p1 =	sne.s32 s28, $0x3  }
.Ltmp3:
0x25: {  	_ = 	snop;
	(pc) =	sbr.rel @!p1 .LBB2_39-.Ltmp3, $1  }
0x26: {  	_ =	sdelay $0x3  }
.LBB2_2:
0x27: {  	s30 =	sshll.u32 s28, $0x1  }
0x28: {  	p1 =	slt.u32 s30, s7  }
.Ltmp4:
0x29: {  	_ = 	snop;
	(pc) =	sbr.rel @!p1 .LBB2_20-.Ltmp4, $2  }
0x2a: {  	_ =	sdelay $0x2  }
0x2b: {  	s29 =	sor.u32 $0x1, s30  }
0x2c: {  	s29 =	sor.u32 $0x1, s30  }
0x2d: {  	p1 =	sge.u32 s29, s7  }
0x2e: {  	s0 =	sshll.u32 @!p1 s29, $0x5  }
0x2f: {  	s0 =	sor.u32 @!p1 s5, s0  }
0x30: {  	s0 =	smul.u32 @!p1 $0x7D0, s0;
	_ =	sdelay $0x1  }
0x31: {  	s1 =	simm.s32 @!p1 $0x0;
	s8 =	simm.s32 @!p1 $0x3E80;
	s0 =	sadd.s32 @!p1 s6, s0  }
0x32: {  	[tilespmem:s8], [sflag:$0x2] =	stream.linear.gather @!p1 [hbm4b:s0+s1], $0x3E80, $0x38;
	[tilespmem:$0x1FA00] =	vst v63  }
0x33: {  	s0 =	simm.s32 $0x0  }
0x34: {  	v1 =	vld [tilespmem:s0+$0x70]  }
0x35: {  	v4 =	vld [tilespmem:s0+$0x0]  }
0x36: {  	v5 =	vld [tilespmem:s0+$0x10]  }
0x37: {  	v3 =	vld [tilespmem:s0+$0x20]  }
0x38: {  	v2 =	vld [tilespmem:s0+$0x30]  }
0x39: {  	v0 =	vld [tilespmem:s0+$0x40];
	v6 =	vshrl.u32 v1, $0x5  }
0x3a: {  	s8 =	sshll.u32 s28, $0x6;
	v1 =	vld [tilespmem:s0+$0x50];
	v4 =	vshrl.u32 v4, $0x5;
	[tilespmem:s0+$0x7D70] =	vst v6  }
0x3b: {  	s1 =	simm.s32 $0x80;
	s31 =	sor.u32 s5, s8;
	s8 =	simm.s32 $0x400;
	v5 =	vshrl.u32 v5, $0x5;
	[tilespmem:s0+$0x7D00] =	vst v4;
	v4 =	vld [tilespmem:s0+$0x60]  }
.LBB2_4:
0x3c: {  	p2 =	sne.s32 s8, $0x3C00;
	v6 =	vld [tilespmem:s1+$0x70];
	[tilespmem:s0+$0x7D10] =	vst v5;
	v3 =	vshrl.u32 v3, $0x5  }
0x3d: {  	v5 =	vld [tilespmem:s1+$0x0];
	[tilespmem:s0+$0x7D20] =	vst v3;
	v2 =	vshrl.u32 v2, $0x5  }
0x3e: {  	v7 =	vld [tilespmem:s1+$0x10];
	[tilespmem:s0+$0x7D30] =	vst v2;
	v0 =	vshrl.u32 v0, $0x5  }
.Ltmp5:
0x3f: {  	v3 =	vld [tilespmem:s1+$0x20];
	[tilespmem:s0+$0x7D40] =	vst v0;
	v0 =	vshrl.u32 v1, $0x5;
	(pc) =	sbr.rel @p2 .LBB2_4-.Ltmp5, $4  }
0x40: {  	v2 =	vld [tilespmem:s1+$0x30];
	[tilespmem:s0+$0x7D50] =	vst v0;
	v1 =	vshrl.u32 v4, $0x5  }
0x41: {  	v0 =	vld [tilespmem:s1+$0x40];
	v4 =	vshrl.u32 v6, $0x5;
	[tilespmem:s0+$0x7D60] =	vst v1;
	s0 =	smov.u32 s1  }
0x42: {  	v5 =	vshrl.u32 v5, $0x5;
	v1 =	vld [tilespmem:s0+$0x50];
	[tilespmem:s0+$0x7D70] =	vst v4  }
0x43: {  	s1 =	sshra.s32 s8, $0x2;
	s8 =	sadd.s32 $0x200, s8;
	[tilespmem:s0+$0x7D00] =	vst v5;
	v5 =	vshrl.u32 v7, $0x5;
	v4 =	vld [tilespmem:s0+$0x60]  }
0x44: {  	v6 =	vld [tilespmem:s1+$0x70];
	[tilespmem:s0+$0x7D10] =	vst v5;
	v3 =	vshrl.u32 v3, $0x5  }
0x45: {  	v5 =	vld [tilespmem:s1+$0x0];
	[tilespmem:s0+$0x7D20] =	vst v3;
	v2 =	vshrl.u32 v2, $0x5  }
0x46: {  	v3 =	vld [tilespmem:s1+$0x10];
	[tilespmem:s0+$0x7D30] =	vst v2;
	v0 =	vshrl.u32 v0, $0x5  }
0x47: {  	v2 =	vld [tilespmem:s1+$0x20];
	[tilespmem:s0+$0x7D40] =	vst v0;
	v0 =	vshrl.u32 v1, $0x5  }
0x48: {  	v1 =	vld [tilespmem:s1+$0x30];
	[tilespmem:s0+$0x7D50] =	vst v0;
	v0 =	vshrl.u32 v4, $0x5  }
0x49: {  	v4 =	vld [tilespmem:s1+$0x40];
	[tilespmem:s0+$0x7D60] =	vst v0;
	v0 =	vshrl.u32 v6, $0x5  }
0x4a: {  	v6 =	vld [tilespmem:s1+$0x50];
	v5 =	vshrl.u32 v5, $0x5;
	[tilespmem:s1+$0x7D70] =	vst v0  }
0x4b: {  	[tilespmem:s1+$0x7D00] =	vst v5;
	v0 =	vshrl.u32 v3, $0x5;
	v3 =	vld [tilespmem:s1+$0x60]  }
0x4c: {  	[tilespmem:s1+$0x7D10] =	vst v0;
	v0 =	vshrl.u32 v2, $0x5  }
0x4d: {  	[tilespmem:s1+$0x7D20] =	vst v0;
	v0 =	vshrl.u32 v1, $0x5  }
0x4e: {  	[tilespmem:s1+$0x7D30] =	vst v0;
	v0 =	vshrl.u32 v4, $0x5  }
0x4f: {  	[tilespmem:s1+$0x7D40] =	vst v0;
	v0 =	vshrl.u32 v6, $0x5  }
0x50: {  	p2 =	seq.s32 s28, $0x0;
	[tilespmem:s1+$0x7D50] =	vst v0;
	v0 =	vshrl.u32 v3, $0x5  }
0x51: {  	s0 =	simm.s32 @!p2 $0x7;
	[tilespmem:s1+$0x7D60] =	vst v0  }
0x52: {  	_ =	swait.ge @!p2 [sflag:s0], $0x3E80  }
0x53: {  	[sflag:s0] =	ssyncset.done @!p2 $0x0  }
0x54: {  	s1 =	simm.s32 $0x0;
	[sflag:s0] =	ssyncadd.s32 @!p2 $0xFFFFC180  }
0x55: {  	[tilespmem:s14], [sflag:$0x3] =	stream.indirect.gather [spmem:s3], $0x1, s13, s12, $0xb8;
	[tilespmem:$0x1FA00] =	vst v63  }
0x56: {  	v1 =	vld [tilespmem:s1+$0xFF0]  }
0x57: {  	v4 =	vld [tilespmem:s1+$0xF80]  }
0x58: {  	v5 =	vld [tilespmem:s1+$0xF90]  }
0x59: {  	v3 =	vld [tilespmem:s1+$0xFA0]  }
0x5a: {  	v2 =	vld [tilespmem:s1+$0xFB0]  }
0x5b: {  	v0 =	vld [tilespmem:s1+$0xFC0];
	v6 =	vshrl.u32 v1, $0x5  }
0x5c: {  	v1 =	vld [tilespmem:s1+$0xFD0];
	v4 =	vshrl.u32 v4, $0x5;
	[tilespmem:s1+$0x8CF0] =	vst v6  }
0x5d: {  	s8 =	simm.s32 $0x400;
	s0 =	simm.s32 $0x80;
	v5 =	vshrl.u32 v5, $0x5;
	[tilespmem:s1+$0x8C80] =	vst v4;
	v4 =	vld [tilespmem:s1+$0xFE0]  }
.LBB2_6:
0x5e: {  	p2 =	sne.s32 s8, $0x3C00;
	v6 =	vld [tilespmem:s0+$0xFF0];
	[tilespmem:s1+$0x8C90] =	vst v5;
	v3 =	vshrl.u32 v3, $0x5  }
0x5f: {  	v5 =	vld [tilespmem:s0+$0xF80];
	[tilespmem:s1+$0x8CA0] =	vst v3;
	v2 =	vshrl.u32 v2, $0x5  }
0x60: {  	v7 =	vld [tilespmem:s0+$0xF90];
	[tilespmem:s1+$0x8CB0] =	vst v2;
	v0 =	vshrl.u32 v0, $0x5  }
.Ltmp6:
0x61: {  	v3 =	vld [tilespmem:s0+$0xFA0];
	[tilespmem:s1+$0x8CC0] =	vst v0;
	v0 =	vshrl.u32 v1, $0x5;
	(pc) =	sbr.rel @p2 .LBB2_6-.Ltmp6, $4  }
0x62: {  	v2 =	vld [tilespmem:s0+$0xFB0];
	[tilespmem:s1+$0x8CD0] =	vst v0;
	v1 =	vshrl.u32 v4, $0x5  }
0x63: {  	v0 =	vld [tilespmem:s0+$0xFC0];
	v4 =	vshrl.u32 v6, $0x5;
	[tilespmem:s1+$0x8CE0] =	vst v1;
	s1 =	smov.u32 s0  }
0x64: {  	v5 =	vshrl.u32 v5, $0x5;
	v1 =	vld [tilespmem:s1+$0xFD0];
	[tilespmem:s1+$0x8CF0] =	vst v4  }
0x65: {  	s0 =	sshra.s32 s8, $0x2;
	s8 =	sadd.s32 $0x200, s8;
	[tilespmem:s1+$0x8C80] =	vst v5;
	v5 =	vshrl.u32 v7, $0x5;
	v4 =	vld [tilespmem:s1+$0xFE0]  }
0x66: {  	v6 =	vld [tilespmem:s0+$0xFF0];
	[tilespmem:s1+$0x8C90] =	vst v5;
	v3 =	vshrl.u32 v3, $0x5  }
0x67: {  	v5 =	vld [tilespmem:s0+$0xF80];
	[tilespmem:s1+$0x8CA0] =	vst v3;
	v2 =	vshrl.u32 v2, $0x5  }
0x68: {  	v3 =	vld [tilespmem:s0+$0xF90];
	[tilespmem:s1+$0x8CB0] =	vst v2;
	v0 =	vshrl.u32 v0, $0x5  }
0x69: {  	v2 =	vld [tilespmem:s0+$0xFA0];
	[tilespmem:s1+$0x8CC0] =	vst v0;
	v0 =	vshrl.u32 v1, $0x5  }
0x6a: {  	v1 =	vld [tilespmem:s0+$0xFB0];
	[tilespmem:s1+$0x8CD0] =	vst v0;
	v0 =	vshrl.u32 v4, $0x5  }
0x6b: {  	v4 =	vld [tilespmem:s0+$0xFC0];
	[tilespmem:s1+$0x8CE0] =	vst v0;
	v0 =	vshrl.u32 v6, $0x5  }
0x6c: {  	v6 =	vld [tilespmem:s0+$0xFD0];
	v5 =	vshrl.u32 v5, $0x5;
	[tilespmem:s0+$0x8CF0] =	vst v0  }
0x6d: {  	[tilespmem:s0+$0x8C80] =	vst v5;
	v0 =	vshrl.u32 v3, $0x5;
	v3 =	vld [tilespmem:s0+$0xFE0]  }
0x6e: {  	[tilespmem:s0+$0x8C90] =	vst v0;
	v0 =	vshrl.u32 v2, $0x5  }
0x6f: {  	[tilespmem:s0+$0x8CA0] =	vst v0;
	v0 =	vshrl.u32 v1, $0x5  }
0x70: {  	[tilespmem:s0+$0x8CB0] =	vst v0;
	v0 =	vshrl.u32 v4, $0x5  }
0x71: {  	[tilespmem:s0+$0x8CC0] =	vst v0;
	v0 =	vshrl.u32 v6, $0x5  }
0x72: {  	[tilespmem:s0+$0x8CD0] =	vst v0;
	v0 =	vshrl.u32 v3, $0x5  }
0x73: {  	s1 =	simm.s32 $0x0;
	[tilespmem:s0+$0x8CE0] =	vst v0  }
0x74: {  	[tilespmem:s16], [sflag:$0x4] =	stream.indirect.gather [spmem:s3], $0x1, s15, s12, $0xb8;
	[tilespmem:$0x1FA00] =	vst v63  }
0x75: {  	v1 =	vld [tilespmem:s1+$0x1F70]  }
0x76: {  	v4 =	vld [tilespmem:s1+$0x1F00]  }
0x77: {  	v5 =	vld [tilespmem:s1+$0x1F10]  }
0x78: {  	v3 =	vld [tilespmem:s1+$0x1F20]  }
0x79: {  	v2 =	vld [tilespmem:s1+$0x1F30]  }
0x7a: {  	v0 =	vld [tilespmem:s1+$0x1F40];
	v6 =	vshrl.u32 v1, $0x5  }
0x7b: {  	v1 =	vld [tilespmem:s1+$0x1F50];
	v4 =	vshrl.u32 v4, $0x5;
	[tilespmem:s1+$0x9C70] =	vst v6  }
0x7c: {  	s8 =	simm.s32 $0x400;
	s0 =	simm.s32 $0x80;
	v5 =	vshrl.u32 v5, $0x5;
	[tilespmem:s1+$0x9C00] =	vst v4;
	v4 =	vld [tilespmem:s1+$0x1F60]  }
.LBB2_8:
0x7d: {  	p2 =	sne.s32 s8, $0x3C00;
	v6 =	vld [tilespmem:s0+$0x1F70];
	[tilespmem:s1+$0x9C10] =	vst v5;
	v3 =	vshrl.u32 v3, $0x5  }
0x7e: {  	v5 =	vld [tilespmem:s0+$0x1F00];
	[tilespmem:s1+$0x9C20] =	vst v3;
	v2 =	vshrl.u32 v2, $0x5  }
0x7f: {  	v7 =	vld [tilespmem:s0+$0x1F10];
	[tilespmem:s1+$0x9C30] =	vst v2;
	v0 =	vshrl.u32 v0, $0x5  }
.Ltmp7:
0x80: {  	v3 =	vld [tilespmem:s0+$0x1F20];
	[tilespmem:s1+$0x9C40] =	vst v0;
	v0 =	vshrl.u32 v1, $0x5;
	(pc) =	sbr.rel @p2 .LBB2_8-.Ltmp7, $4  }
0x81: {  	v2 =	vld [tilespmem:s0+$0x1F30];
	[tilespmem:s1+$0x9C50] =	vst v0;
	v1 =	vshrl.u32 v4, $0x5  }
0x82: {  	v0 =	vld [tilespmem:s0+$0x1F40];
	v4 =	vshrl.u32 v6, $0x5;
	[tilespmem:s1+$0x9C60] =	vst v1;
	s1 =	smov.u32 s0  }
0x83: {  	v5 =	vshrl.u32 v5, $0x5;
	v1 =	vld [tilespmem:s1+$0x1F50];
	[tilespmem:s1+$0x9C70] =	vst v4  }
0x84: {  	s0 =	sshra.s32 s8, $0x2;
	s8 =	sadd.s32 $0x200, s8;
	[tilespmem:s1+$0x9C00] =	vst v5;
	v5 =	vshrl.u32 v7, $0x5;
	v4 =	vld [tilespmem:s1+$0x1F60]  }
0x85: {  	v6 =	vld [tilespmem:s0+$0x1F70];
	[tilespmem:s1+$0x9C10] =	vst v5;
	v3 =	vshrl.u32 v3, $0x5  }
0x86: {  	v5 =	vld [tilespmem:s0+$0x1F00];
	[tilespmem:s1+$0x9C20] =	vst v3;
	v2 =	vshrl.u32 v2, $0x5  }
0x87: {  	v3 =	vld [tilespmem:s0+$0x1F10];
	[tilespmem:s1+$0x9C30] =	vst v2;
	v0 =	vshrl.u32 v0, $0x5  }
0x88: {  	v2 =	vld [tilespmem:s0+$0x1F20];
	[tilespmem:s1+$0x9C40] =	vst v0;
	v0 =	vshrl.u32 v1, $0x5  }
0x89: {  	v1 =	vld [tilespmem:s0+$0x1F30];
	[tilespmem:s1+$0x9C50] =	vst v0;
	v0 =	vshrl.u32 v4, $0x5  }
0x8a: {  	v4 =	vld [tilespmem:s0+$0x1F40];
	[tilespmem:s1+$0x9C60] =	vst v0;
	v0 =	vshrl.u32 v6, $0x5  }
0x8b: {  	v6 =	vld [tilespmem:s0+$0x1F50];
	v5 =	vshrl.u32 v5, $0x5;
	[tilespmem:s0+$0x9C70] =	vst v0  }
0x8c: {  	[tilespmem:s0+$0x9C00] =	vst v5;
	v0 =	vshrl.u32 v3, $0x5;
	v3 =	vld [tilespmem:s0+$0x1F60]  }
0x8d: {  	[tilespmem:s0+$0x9C10] =	vst v0;
	v0 =	vshrl.u32 v2, $0x5  }
0x8e: {  	[tilespmem:s0+$0x9C20] =	vst v0;
	v0 =	vshrl.u32 v1, $0x5  }
0x8f: {  	[tilespmem:s0+$0x9C30] =	vst v0;
	v0 =	vshrl.u32 v4, $0x5  }
0x90: {  	[tilespmem:s0+$0x9C40] =	vst v0;
	v0 =	vshrl.u32 v6, $0x5  }
0x91: {  	[tilespmem:s0+$0x9C50] =	vst v0;
	v0 =	vshrl.u32 v3, $0x5  }
0x92: {  	s1 =	simm.s32 $0x0;
	[tilespmem:s0+$0x9C60] =	vst v0  }
0x93: {  	[tilespmem:s18], [sflag:$0x5] =	stream.indirect.gather [spmem:s3], $0x1, s17, s12, $0xb8;
	[tilespmem:$0x1FA00] =	vst v63  }
0x94: {  	v1 =	vld [tilespmem:s1+$0x2EF0]  }
0x95: {  	v4 =	vld [tilespmem:s1+$0x2E80]  }
0x96: {  	v5 =	vld [tilespmem:s1+$0x2E90]  }
0x97: {  	v3 =	vld [tilespmem:s1+$0x2EA0]  }
0x98: {  	v2 =	vld [tilespmem:s1+$0x2EB0]  }
0x99: {  	v0 =	vld [tilespmem:s1+$0x2EC0];
	v6 =	vshrl.u32 v1, $0x5  }
0x9a: {  	v1 =	vld [tilespmem:s1+$0x2ED0];
	v4 =	vshrl.u32 v4, $0x5;
	[tilespmem:s1+$0xABF0] =	vst v6  }
0x9b: {  	s8 =	simm.s32 $0x400;
	s0 =	simm.s32 $0x80;
	v5 =	vshrl.u32 v5, $0x5;
	[tilespmem:s1+$0xAB80] =	vst v4;
	v4 =	vld [tilespmem:s1+$0x2EE0]  }
.LBB2_10:
0x9c: {  	p2 =	sne.s32 s8, $0x3E00;
	v6 =	vld [tilespmem:s0+$0x2EF0];
	[tilespmem:s1+$0xAB90] =	vst v5;
	v3 =	vshrl.u32 v3, $0x5  }
0x9d: {  	v5 =	vld [tilespmem:s0+$0x2E80];
	[tilespmem:s1+$0xABA0] =	vst v3;
	v2 =	vshrl.u32 v2, $0x5  }
0x9e: {  	v7 =	vld [tilespmem:s0+$0x2E90];
	[tilespmem:s1+$0xABB0] =	vst v2;
	v0 =	vshrl.u32 v0, $0x5  }
.Ltmp8:
0x9f: {  	v3 =	vld [tilespmem:s0+$0x2EA0];
	[tilespmem:s1+$0xABC0] =	vst v0;
	v0 =	vshrl.u32 v1, $0x5;
	(pc) =	sbr.rel @p2 .LBB2_10-.Ltmp8, $4  }
0xa0: {  	v2 =	vld [tilespmem:s0+$0x2EB0];
	[tilespmem:s1+$0xABD0] =	vst v0;
	v1 =	vshrl.u32 v4, $0x5  }
0xa1: {  	v0 =	vld [tilespmem:s0+$0x2EC0];
	v4 =	vshrl.u32 v6, $0x5;
	[tilespmem:s1+$0xABE0] =	vst v1;
	s1 =	smov.u32 s0  }
0xa2: {  	v5 =	vshrl.u32 v5, $0x5;
	v1 =	vld [tilespmem:s1+$0x2ED0];
	[tilespmem:s1+$0xABF0] =	vst v4  }
0xa3: {  	s0 =	sshra.s32 s8, $0x2;
	s8 =	sadd.s32 $0x200, s8;
	[tilespmem:s1+$0xAB80] =	vst v5;
	v5 =	vshrl.u32 v7, $0x5;
	v4 =	vld [tilespmem:s1+$0x2EE0]  }
0xa4: {  	v6 =	vld [tilespmem:s0+$0x2EF0];
	[tilespmem:s1+$0xAB90] =	vst v5;
	v3 =	vshrl.u32 v3, $0x5  }
0xa5: {  	v5 =	vld [tilespmem:s0+$0x2E80];
	[tilespmem:s1+$0xABA0] =	vst v3;
	v2 =	vshrl.u32 v2, $0x5  }
0xa6: {  	v3 =	vld [tilespmem:s0+$0x2E90];
	[tilespmem:s1+$0xABB0] =	vst v2;
	v0 =	vshrl.u32 v0, $0x5  }
0xa7: {  	v2 =	vld [tilespmem:s0+$0x2EA0];
	[tilespmem:s1+$0xABC0] =	vst v0;
	v0 =	vshrl.u32 v1, $0x5  }
0xa8: {  	v1 =	vld [tilespmem:s0+$0x2EB0];
	[tilespmem:s1+$0xABD0] =	vst v0;
	v0 =	vshrl.u32 v4, $0x5  }
0xa9: {  	v4 =	vld [tilespmem:s0+$0x2EC0];
	[tilespmem:s1+$0xABE0] =	vst v0;
	v0 =	vshrl.u32 v6, $0x5  }
0xaa: {  	v6 =	vld [tilespmem:s0+$0x2ED0];
	v5 =	vshrl.u32 v5, $0x5;
	[tilespmem:s0+$0xABF0] =	vst v0  }
0xab: {  	[tilespmem:s0+$0xAB80] =	vst v5;
	v0 =	vshrl.u32 v3, $0x5;
	v3 =	vld [tilespmem:s0+$0x2EE0]  }
0xac: {  	[tilespmem:s0+$0xAB90] =	vst v0;
	v0 =	vshrl.u32 v2, $0x5  }
0xad: {  	[tilespmem:s0+$0xABA0] =	vst v0;
	v0 =	vshrl.u32 v1, $0x5  }
0xae: {  	[tilespmem:s0+$0xABB0] =	vst v0;
	v0 =	vshrl.u32 v4, $0x5  }
0xaf: {  	[tilespmem:s0+$0xABC0] =	vst v0;
	v0 =	vshrl.u32 v6, $0x5  }
0xb0: {  	[tilespmem:s0+$0xABD0] =	vst v0;
	v0 =	vshrl.u32 v3, $0x5  }
0xb1: {  	[tilespmem:s0+$0xABE0] =	vst v0  }
0xb2: {  	[tilespmem:s20], [sflag:$0x6] =	stream.indirect.gather [spmem:s3], $0x1, s19, s12, $0xb8;
	[tilespmem:$0x1FA00] =	vst v63  }
0xb3: {  	_ =	swait.ge [sflag:s21], $0xFA0  }
0xb4: {  	[sflag:s21] =	ssyncset.done $0x0  }
0xb5: {  	s0 =	simm.s32 $0x0;
	[sflag:s21] =	ssyncadd.s32 $0xFFFFF060  }
0xb6: {  	v6 =	vld [tilespmem:s0+$0x0]  }
0xb7: {  	v11 =	vld [tilespmem:s0+$0x10]  }
0xb8: {  	v5 =	vld [tilespmem:s0+$0x20]  }
0xb9: {  	v4 =	vld [tilespmem:s0+$0x30]  }
0xba: {  	v3 =	vld [tilespmem:s0+$0x40]  }
0xbb: {  	v2 =	vld [tilespmem:s0+$0x50]  }
0xbc: {  	v1 =	vld [tilespmem:s0+$0x60]  }
0xbd: {  	v0 =	vld [tilespmem:s0+$0x70]  }
0xbe: {  	v12 =	vld [tilespmem:s0+$0xBB80]  }
0xbf: {  	v10 =	vld [tilespmem:s0+$0xBB90]  }
0xc0: {  	v9 =	vld [tilespmem:s0+$0xBBA0]  }
0xc1: {  	v8 =	vld [tilespmem:s0+$0xBBB0]  }
0xc2: {  	v7 =	vld [tilespmem:s0+$0xBBC0];
	v6 =	vand.u32 $0x1F, v6  }
0xc3: {  	s1 =	simm.s32 $0x200;
	v11 =	vand.u32 $0x1F, v11;
	v12 =	vshrl.u32 v12, v6;
	v6 =	vld [tilespmem:s0+$0xBBD0]  }
.LBB2_12:
0xc4: {  	p2 =	sne.s32 s1, $0x3C00;
	v12 =	vand.u32 $0x1, v12;
	v10 =	vshrl.u32 v10, v11;
	v5 =	vand.u32 $0x1F, v5;
	v11 =	vld [tilespmem:s0+$0xBBE0]  }
0xc5: {  	s8 =	sshra.s32 s1, $0x2;
	v4 =	vand.u32 $0x1F, v4;
	[tilespmem:s0+$0xBB80] =	vst v12;
	v10 =	vand.u32 $0x1, v10;
	v5 =	vshrl.u32 v9, v5;
	v9 =	vld [tilespmem:s0+$0xBBF0]  }
0xc6: {  	v3 =	vand.u32 $0x1F, v3;
	v12 =	vld [tilespmem:s8+$0x0];
	[tilespmem:s0+$0xBB90] =	vst v10;
	v5 =	vand.u32 $0x1, v5;
	v4 =	vshrl.u32 v8, v4  }
0xc7: {  	v2 =	vand.u32 $0x1F, v2;
	v13 =	vld [tilespmem:s8+$0x10];
	[tilespmem:s0+$0xBBA0] =	vst v5;
	v4 =	vand.u32 $0x1, v4;
	v3 =	vshrl.u32 v7, v3  }
0xc8: {  	v1 =	vand.u32 $0x1F, v1;
	v5 =	vld [tilespmem:s8+$0x20];
	[tilespmem:s0+$0xBBB0] =	vst v4;
	v3 =	vand.u32 $0x1, v3;
	v2 =	vshrl.u32 v6, v2  }
0xc9: {  	v0 =	vand.u32 $0x1F, v0;
	v4 =	vld [tilespmem:s8+$0x30];
	[tilespmem:s0+$0xBBC0] =	vst v3;
	v2 =	vand.u32 $0x1, v2;
	v1 =	vshrl.u32 v11, v1  }
0xca: {  	v3 =	vld [tilespmem:s8+$0x40];
	[tilespmem:s0+$0xBBD0] =	vst v2;
	v1 =	vand.u32 $0x1, v1;
	v0 =	vshrl.u32 v9, v0  }
0xcb: {  	v2 =	vld [tilespmem:s8+$0x50];
	[tilespmem:s0+$0xBBE0] =	vst v1;
	v0 =	vand.u32 $0x1, v0  }
0xcc: {  	v1 =	vld [tilespmem:s8+$0x60];
	[tilespmem:s0+$0xBBF0] =	vst v0;
	s0 =	smov.u32 s8  }
0xcd: {  	v0 =	vld [tilespmem:s0+$0x70]  }
0xce: {  	v6 =	vld [tilespmem:s0+$0xBB80]  }
.Ltmp9:
0xcf: {  	v10 =	vld [tilespmem:s0+$0xBB90];
	(pc) =	sbr.rel @p2 .LBB2_12-.Ltmp9, $4  }
0xd0: {  	v9 =	vld [tilespmem:s0+$0xBBA0]  }
0xd1: {  	v8 =	vld [tilespmem:s0+$0xBBB0]  }
0xd2: {  	v11 =	vand.u32 $0x1F, v12;
	v7 =	vld [tilespmem:s0+$0xBBC0]  }
0xd3: {  	s1 =	sadd.s32 $0x200, s1;
	v12 =	vshrl.u32 v6, v11;
	v11 =	vand.u32 $0x1F, v13;
	v6 =	vld [tilespmem:s0+$0xBBD0]  }
0xd4: {  	v12 =	vand.u32 $0x1, v12;
	v13 =	vld [tilespmem:s0+$0xBBE0];
	v10 =	vshrl.u32 v10, v11;
	v5 =	vand.u32 $0x1F, v5  }
0xd5: {  	v4 =	vand.u32 $0x1F, v4;
	[tilespmem:s0+$0xBB80] =	vst v12;
	v10 =	vand.u32 $0x1, v10;
	v5 =	vshrl.u32 v9, v5;
	v9 =	vld [tilespmem:s0+$0xBBF0]  }
0xd6: {  	v3 =	vand.u32 $0x1F, v3;
	[tilespmem:s0+$0xBB90] =	vst v10;
	v5 =	vand.u32 $0x1, v5;
	v4 =	vshrl.u32 v8, v4  }
0xd7: {  	v2 =	vand.u32 $0x1F, v2;
	[tilespmem:s0+$0xBBA0] =	vst v5;
	v4 =	vand.u32 $0x1, v4;
	v3 =	vshrl.u32 v7, v3  }
0xd8: {  	v1 =	vand.u32 $0x1F, v1;
	[tilespmem:s0+$0xBBB0] =	vst v4;
	v3 =	vand.u32 $0x1, v3;
	v2 =	vshrl.u32 v6, v2  }
0xd9: {  	v0 =	vand.u32 $0x1F, v0;
	[tilespmem:s0+$0xBBC0] =	vst v3;
	v2 =	vand.u32 $0x1, v2;
	v1 =	vshrl.u32 v13, v1  }
0xda: {  	[tilespmem:s0+$0xBBD0] =	vst v2;
	v1 =	vand.u32 $0x1, v1;
	v0 =	vshrl.u32 v9, v0  }
0xdb: {  	[tilespmem:s0+$0xBBE0] =	vst v1;
	v0 =	vand.u32 $0x1, v0  }
0xdc: {  	[tilespmem:s0+$0xBBF0] =	vst v0  }
0xdd: {  	_ =	swait.ge [sflag:s22], $0xFA0  }
0xde: {  	[sflag:s22] =	ssyncset.done $0x0  }
0xdf: {  	s0 =	simm.s32 $0x0;
	[sflag:s22] =	ssyncadd.s32 $0xFFFFF060  }
0xe0: {  	v6 =	vld [tilespmem:s0+$0xF80]  }
0xe1: {  	v11 =	vld [tilespmem:s0+$0xF90]  }
0xe2: {  	v5 =	vld [tilespmem:s0+$0xFA0]  }
0xe3: {  	v4 =	vld [tilespmem:s0+$0xFB0]  }
0xe4: {  	v3 =	vld [tilespmem:s0+$0xFC0]  }
0xe5: {  	v2 =	vld [tilespmem:s0+$0xFD0]  }
0xe6: {  	v1 =	vld [tilespmem:s0+$0xFE0]  }
0xe7: {  	v0 =	vld [tilespmem:s0+$0xFF0]  }
0xe8: {  	v12 =	vld [tilespmem:s0+$0xCB00]  }
0xe9: {  	v10 =	vld [tilespmem:s0+$0xCB10]  }
0xea: {  	v9 =	vld [tilespmem:s0+$0xCB20]  }
0xeb: {  	v8 =	vld [tilespmem:s0+$0xCB30]  }
0xec: {  	v7 =	vld [tilespmem:s0+$0xCB40];
	v6 =	vand.u32 $0x1F, v6  }
0xed: {  	s1 =	simm.s32 $0x200;
	v11 =	vand.u32 $0x1F, v11;
	v12 =	vshrl.u32 v12, v6;
	v6 =	vld [tilespmem:s0+$0xCB50]  }
.LBB2_14:
0xee: {  	p2 =	sne.s32 s1, $0x3C00;
	v12 =	vand.u32 $0x1, v12;
	v10 =	vshrl.u32 v10, v11;
	v5 =	vand.u32 $0x1F, v5;
	v11 =	vld [tilespmem:s0+$0xCB60]  }
0xef: {  	s8 =	sshra.s32 s1, $0x2;
	v4 =	vand.u32 $0x1F, v4;
	[tilespmem:s0+$0xCB00] =	vst v12;
	v10 =	vand.u32 $0x1, v10;
	v5 =	vshrl.u32 v9, v5;
	v9 =	vld [tilespmem:s0+$0xCB70]  }
0xf0: {  	v3 =	vand.u32 $0x1F, v3;
	v12 =	vld [tilespmem:s8+$0xF80];
	[tilespmem:s0+$0xCB10] =	vst v10;
	v5 =	vand.u32 $0x1, v5;
	v4 =	vshrl.u32 v8, v4  }
0xf1: {  	v2 =	vand.u32 $0x1F, v2;
	v13 =	vld [tilespmem:s8+$0xF90];
	[tilespmem:s0+$0xCB20] =	vst v5;
	v4 =	vand.u32 $0x1, v4;
	v3 =	vshrl.u32 v7, v3  }
0xf2: {  	v1 =	vand.u32 $0x1F, v1;
	v5 =	vld [tilespmem:s8+$0xFA0];
	[tilespmem:s0+$0xCB30] =	vst v4;
	v3 =	vand.u32 $0x1, v3;
	v2 =	vshrl.u32 v6, v2  }
0xf3: {  	v0 =	vand.u32 $0x1F, v0;
	v4 =	vld [tilespmem:s8+$0xFB0];
	[tilespmem:s0+$0xCB40] =	vst v3;
	v2 =	vand.u32 $0x1, v2;
	v1 =	vshrl.u32 v11, v1  }
0xf4: {  	v3 =	vld [tilespmem:s8+$0xFC0];
	[tilespmem:s0+$0xCB50] =	vst v2;
	v1 =	vand.u32 $0x1, v1;
	v0 =	vshrl.u32 v9, v0  }
0xf5: {  	v2 =	vld [tilespmem:s8+$0xFD0];
	[tilespmem:s0+$0xCB60] =	vst v1;
	v0 =	vand.u32 $0x1, v0  }
0xf6: {  	v1 =	vld [tilespmem:s8+$0xFE0];
	[tilespmem:s0+$0xCB70] =	vst v0;
	s0 =	smov.u32 s8  }
0xf7: {  	v0 =	vld [tilespmem:s0+$0xFF0]  }
0xf8: {  	v6 =	vld [tilespmem:s0+$0xCB00]  }
.Ltmp10:
0xf9: {  	v10 =	vld [tilespmem:s0+$0xCB10];
	(pc) =	sbr.rel @p2 .LBB2_14-.Ltmp10, $4  }
0xfa: {  	v9 =	vld [tilespmem:s0+$0xCB20]  }
0xfb: {  	v8 =	vld [tilespmem:s0+$0xCB30]  }
0xfc: {  	v11 =	vand.u32 $0x1F, v12;
	v7 =	vld [tilespmem:s0+$0xCB40]  }
0xfd: {  	s1 =	sadd.s32 $0x200, s1;
	v12 =	vshrl.u32 v6, v11;
	v11 =	vand.u32 $0x1F, v13;
	v6 =	vld [tilespmem:s0+$0xCB50]  }
0xfe: {  	v12 =	vand.u32 $0x1, v12;
	v13 =	vld [tilespmem:s0+$0xCB60];
	v10 =	vshrl.u32 v10, v11;
	v5 =	vand.u32 $0x1F, v5  }
0xff: {  	v4 =	vand.u32 $0x1F, v4;
	[tilespmem:s0+$0xCB00] =	vst v12;
	v10 =	vand.u32 $0x1, v10;
	v5 =	vshrl.u32 v9, v5;
	v9 =	vld [tilespmem:s0+$0xCB70]  }
0x100: {  	v3 =	vand.u32 $0x1F, v3;
	[tilespmem:s0+$0xCB10] =	vst v10;
	v5 =	vand.u32 $0x1, v5;
	v4 =	vshrl.u32 v8, v4  }
0x101: {  	v2 =	vand.u32 $0x1F, v2;
	[tilespmem:s0+$0xCB20] =	vst v5;
	v4 =	vand.u32 $0x1, v4;
	v3 =	vshrl.u32 v7, v3  }
0x102: {  	v1 =	vand.u32 $0x1F, v1;
	[tilespmem:s0+$0xCB30] =	vst v4;
	v3 =	vand.u32 $0x1, v3;
	v2 =	vshrl.u32 v6, v2  }
0x103: {  	v0 =	vand.u32 $0x1F, v0;
	[tilespmem:s0+$0xCB40] =	vst v3;
	v2 =	vand.u32 $0x1, v2;
	v1 =	vshrl.u32 v13, v1  }
0x104: {  	[tilespmem:s0+$0xCB50] =	vst v2;
	v1 =	vand.u32 $0x1, v1;
	v0 =	vshrl.u32 v9, v0  }
0x105: {  	[tilespmem:s0+$0xCB60] =	vst v1;
	v0 =	vand.u32 $0x1, v0  }
0x106: {  	[tilespmem:s0+$0xCB70] =	vst v0  }
0x107: {  	_ =	swait.ge [sflag:s23], $0xFA0  }
0x108: {  	[sflag:s23] =	ssyncset.done $0x0  }
0x109: {  	s0 =	simm.s32 $0x0;
	[sflag:s23] =	ssyncadd.s32 $0xFFFFF060  }
0x10a: {  	v6 =	vld [tilespmem:s0+$0x1F00]  }
0x10b: {  	v11 =	vld [tilespmem:s0+$0x1F10]  }
0x10c: {  	v5 =	vld [tilespmem:s0+$0x1F20]  }
0x10d: {  	v4 =	vld [tilespmem:s0+$0x1F30]  }
0x10e: {  	v3 =	vld [tilespmem:s0+$0x1F40]  }
0x10f: {  	v2 =	vld [tilespmem:s0+$0x1F50]  }
0x110: {  	v1 =	vld [tilespmem:s0+$0x1F60]  }
0x111: {  	v0 =	vld [tilespmem:s0+$0x1F70]  }
0x112: {  	v12 =	vld [tilespmem:s0+$0xDA80]  }
0x113: {  	v10 =	vld [tilespmem:s0+$0xDA90]  }
0x114: {  	v9 =	vld [tilespmem:s0+$0xDAA0]  }
0x115: {  	v8 =	vld [tilespmem:s0+$0xDAB0]  }
0x116: {  	v7 =	vld [tilespmem:s0+$0xDAC0];
	v6 =	vand.u32 $0x1F, v6  }
0x117: {  	s1 =	simm.s32 $0x200;
	v11 =	vand.u32 $0x1F, v11;
	v12 =	vshrl.u32 v12, v6;
	v6 =	vld [tilespmem:s0+$0xDAD0]  }
.LBB2_16:
0x118: {  	p2 =	sne.s32 s1, $0x3C00;
	v12 =	vand.u32 $0x1, v12;
	v10 =	vshrl.u32 v10, v11;
	v5 =	vand.u32 $0x1F, v5;
	v11 =	vld [tilespmem:s0+$0xDAE0]  }
0x119: {  	s8 =	sshra.s32 s1, $0x2;
	v4 =	vand.u32 $0x1F, v4;
	[tilespmem:s0+$0xDA80] =	vst v12;
	v10 =	vand.u32 $0x1, v10;
	v5 =	vshrl.u32 v9, v5;
	v9 =	vld [tilespmem:s0+$0xDAF0]  }
0x11a: {  	v3 =	vand.u32 $0x1F, v3;
	v12 =	vld [tilespmem:s8+$0x1F00];
	[tilespmem:s0+$0xDA90] =	vst v10;
	v5 =	vand.u32 $0x1, v5;
	v4 =	vshrl.u32 v8, v4  }
0x11b: {  	v2 =	vand.u32 $0x1F, v2;
	v13 =	vld [tilespmem:s8+$0x1F10];
	[tilespmem:s0+$0xDAA0] =	vst v5;
	v4 =	vand.u32 $0x1, v4;
	v3 =	vshrl.u32 v7, v3  }
0x11c: {  	v1 =	vand.u32 $0x1F, v1;
	v5 =	vld [tilespmem:s8+$0x1F20];
	[tilespmem:s0+$0xDAB0] =	vst v4;
	v3 =	vand.u32 $0x1, v3;
	v2 =	vshrl.u32 v6, v2  }
0x11d: {  	v0 =	vand.u32 $0x1F, v0;
	v4 =	vld [tilespmem:s8+$0x1F30];
	[tilespmem:s0+$0xDAC0] =	vst v3;
	v2 =	vand.u32 $0x1, v2;
	v1 =	vshrl.u32 v11, v1  }
0x11e: {  	v3 =	vld [tilespmem:s8+$0x1F40];
	[tilespmem:s0+$0xDAD0] =	vst v2;
	v1 =	vand.u32 $0x1, v1;
	v0 =	vshrl.u32 v9, v0  }
0x11f: {  	v2 =	vld [tilespmem:s8+$0x1F50];
	[tilespmem:s0+$0xDAE0] =	vst v1;
	v0 =	vand.u32 $0x1, v0  }
0x120: {  	v1 =	vld [tilespmem:s8+$0x1F60];
	[tilespmem:s0+$0xDAF0] =	vst v0;
	s0 =	smov.u32 s8  }
0x121: {  	v0 =	vld [tilespmem:s0+$0x1F70]  }
0x122: {  	v6 =	vld [tilespmem:s0+$0xDA80]  }
.Ltmp11:
0x123: {  	v10 =	vld [tilespmem:s0+$0xDA90];
	(pc) =	sbr.rel @p2 .LBB2_16-.Ltmp11, $4  }
0x124: {  	v9 =	vld [tilespmem:s0+$0xDAA0]  }
0x125: {  	v8 =	vld [tilespmem:s0+$0xDAB0]  }
0x126: {  	v11 =	vand.u32 $0x1F, v12;
	v7 =	vld [tilespmem:s0+$0xDAC0]  }
0x127: {  	s1 =	sadd.s32 $0x200, s1;
	v12 =	vshrl.u32 v6, v11;
	v11 =	vand.u32 $0x1F, v13;
	v6 =	vld [tilespmem:s0+$0xDAD0]  }
0x128: {  	v12 =	vand.u32 $0x1, v12;
	v13 =	vld [tilespmem:s0+$0xDAE0];
	v10 =	vshrl.u32 v10, v11;
	v5 =	vand.u32 $0x1F, v5  }
0x129: {  	v4 =	vand.u32 $0x1F, v4;
	[tilespmem:s0+$0xDA80] =	vst v12;
	v10 =	vand.u32 $0x1, v10;
	v5 =	vshrl.u32 v9, v5;
	v9 =	vld [tilespmem:s0+$0xDAF0]  }
0x12a: {  	v3 =	vand.u32 $0x1F, v3;
	[tilespmem:s0+$0xDA90] =	vst v10;
	v5 =	vand.u32 $0x1, v5;
	v4 =	vshrl.u32 v8, v4  }
0x12b: {  	v2 =	vand.u32 $0x1F, v2;
	[tilespmem:s0+$0xDAA0] =	vst v5;
	v4 =	vand.u32 $0x1, v4;
	v3 =	vshrl.u32 v7, v3  }
0x12c: {  	v1 =	vand.u32 $0x1F, v1;
	[tilespmem:s0+$0xDAB0] =	vst v4;
	v3 =	vand.u32 $0x1, v3;
	v2 =	vshrl.u32 v6, v2  }
0x12d: {  	v0 =	vand.u32 $0x1F, v0;
	[tilespmem:s0+$0xDAC0] =	vst v3;
	v2 =	vand.u32 $0x1, v2;
	v1 =	vshrl.u32 v13, v1  }
0x12e: {  	[tilespmem:s0+$0xDAD0] =	vst v2;
	v1 =	vand.u32 $0x1, v1;
	v0 =	vshrl.u32 v9, v0  }
0x12f: {  	[tilespmem:s0+$0xDAE0] =	vst v1;
	v0 =	vand.u32 $0x1, v0  }
0x130: {  	[tilespmem:s0+$0xDAF0] =	vst v0  }
0x131: {  	_ =	swait.ge [sflag:s24], $0xFA0  }
0x132: {  	[sflag:s24] =	ssyncset.done $0x0  }
0x133: {  	s0 =	simm.s32 $0x0;
	[sflag:s24] =	ssyncadd.s32 $0xFFFFF060  }
0x134: {  	v6 =	vld [tilespmem:s0+$0x2E80]  }
0x135: {  	v11 =	vld [tilespmem:s0+$0x2E90]  }
0x136: {  	v5 =	vld [tilespmem:s0+$0x2EA0]  }
0x137: {  	v4 =	vld [tilespmem:s0+$0x2EB0]  }
0x138: {  	v3 =	vld [tilespmem:s0+$0x2EC0]  }
0x139: {  	v2 =	vld [tilespmem:s0+$0x2ED0]  }
0x13a: {  	v1 =	vld [tilespmem:s0+$0x2EE0]  }
0x13b: {  	v0 =	vld [tilespmem:s0+$0x2EF0]  }
0x13c: {  	v12 =	vld [tilespmem:s0+$0xEA00]  }
0x13d: {  	v10 =	vld [tilespmem:s0+$0xEA10]  }
0x13e: {  	v9 =	vld [tilespmem:s0+$0xEA20]  }
0x13f: {  	v8 =	vld [tilespmem:s0+$0xEA30]  }
0x140: {  	v7 =	vld [tilespmem:s0+$0xEA40];
	v6 =	vand.u32 $0x1F, v6  }
0x141: {  	s1 =	simm.s32 $0x200;
	v11 =	vand.u32 $0x1F, v11;
	v12 =	vshrl.u32 v12, v6;
	v6 =	vld [tilespmem:s0+$0xEA50]  }
.LBB2_18:
0x142: {  	p2 =	sne.s32 s1, $0x3E00;
	v12 =	vand.u32 $0x1, v12;
	v10 =	vshrl.u32 v10, v11;
	v5 =	vand.u32 $0x1F, v5;
	v11 =	vld [tilespmem:s0+$0xEA60]  }
0x143: {  	s8 =	sshra.s32 s1, $0x2;
	v4 =	vand.u32 $0x1F, v4;
	[tilespmem:s0+$0xEA00] =	vst v12;
	v10 =	vand.u32 $0x1, v10;
	v5 =	vshrl.u32 v9, v5;
	v9 =	vld [tilespmem:s0+$0xEA70]  }
0x144: {  	v3 =	vand.u32 $0x1F, v3;
	v12 =	vld [tilespmem:s8+$0x2E80];
	[tilespmem:s0+$0xEA10] =	vst v10;
	v5 =	vand.u32 $0x1, v5;
	v4 =	vshrl.u32 v8, v4  }
0x145: {  	v2 =	vand.u32 $0x1F, v2;
	v13 =	vld [tilespmem:s8+$0x2E90];
	[tilespmem:s0+$0xEA20] =	vst v5;
	v4 =	vand.u32 $0x1, v4;
	v3 =	vshrl.u32 v7, v3  }
0x146: {  	v1 =	vand.u32 $0x1F, v1;
	v5 =	vld [tilespmem:s8+$0x2EA0];
	[tilespmem:s0+$0xEA30] =	vst v4;
	v3 =	vand.u32 $0x1, v3;
	v2 =	vshrl.u32 v6, v2  }
0x147: {  	v0 =	vand.u32 $0x1F, v0;
	v4 =	vld [tilespmem:s8+$0x2EB0];
	[tilespmem:s0+$0xEA40] =	vst v3;
	v2 =	vand.u32 $0x1, v2;
	v1 =	vshrl.u32 v11, v1  }
0x148: {  	v3 =	vld [tilespmem:s8+$0x2EC0];
	[tilespmem:s0+$0xEA50] =	vst v2;
	v1 =	vand.u32 $0x1, v1;
	v0 =	vshrl.u32 v9, v0  }
0x149: {  	v2 =	vld [tilespmem:s8+$0x2ED0];
	[tilespmem:s0+$0xEA60] =	vst v1;
	v0 =	vand.u32 $0x1, v0  }
0x14a: {  	v1 =	vld [tilespmem:s8+$0x2EE0];
	[tilespmem:s0+$0xEA70] =	vst v0;
	s0 =	smov.u32 s8  }
0x14b: {  	v0 =	vld [tilespmem:s0+$0x2EF0]  }
0x14c: {  	v6 =	vld [tilespmem:s0+$0xEA00]  }
.Ltmp12:
0x14d: {  	v10 =	vld [tilespmem:s0+$0xEA10];
	(pc) =	sbr.rel @p2 .LBB2_18-.Ltmp12, $4  }
0x14e: {  	v9 =	vld [tilespmem:s0+$0xEA20]  }
0x14f: {  	v8 =	vld [tilespmem:s0+$0xEA30]  }
0x150: {  	v11 =	vand.u32 $0x1F, v12;
	v7 =	vld [tilespmem:s0+$0xEA40]  }
0x151: {  	s1 =	sadd.s32 $0x200, s1;
	v12 =	vshrl.u32 v6, v11;
	v11 =	vand.u32 $0x1F, v13;
	v6 =	vld [tilespmem:s0+$0xEA50]  }
0x152: {  	v12 =	vand.u32 $0x1, v12;
	v13 =	vld [tilespmem:s0+$0xEA60];
	v10 =	vshrl.u32 v10, v11;
	v5 =	vand.u32 $0x1F, v5  }
0x153: {  	v4 =	vand.u32 $0x1F, v4;
	v63 =	vld [tilespmem:s0+$0xEA70];
	[tilespmem:s0+$0xEA00] =	vst v12;
	v10 =	vand.u32 $0x1, v10;
	v5 =	vshrl.u32 v9, v5  }
0x154: {  	v3 =	vand.u32 $0x1F, v3;
	[tilespmem:s0+$0xEA10] =	vst v10;
	v5 =	vand.u32 $0x1, v5;
	v4 =	vshrl.u32 v8, v4  }
0x155: {  	v2 =	vand.u32 $0x1F, v2;
	[tilespmem:s0+$0xEA20] =	vst v5;
	v4 =	vand.u32 $0x1, v4;
	v3 =	vshrl.u32 v7, v3  }
0x156: {  	v1 =	vand.u32 $0x1F, v1;
	[tilespmem:s0+$0xEA30] =	vst v4;
	v3 =	vand.u32 $0x1, v3;
	v2 =	vshrl.u32 v6, v2  }
0x157: {  	v0 =	vand.u32 $0x1F, v0;
	[tilespmem:s0+$0xEA40] =	vst v3;
	v2 =	vand.u32 $0x1, v2;
	v1 =	vshrl.u32 v13, v1  }
0x158: {  	s1 =	smul.u32 $0x7D0, s31;
	v0 =	vshrl.u32 v63, v0;
	[tilespmem:s0+$0xEA50] =	vst v2;
	v1 =	vand.u32 $0x1, v1  }
0x159: {  	v0 =	vand.u32 $0x1, v0;
	[tilespmem:s0+$0xEA60] =	vst v1  }
0x15a: {  	s31 =	sadd.s32 s2, s1;
	[tilespmem:s0+$0xEA70] =	vst v0;
	s0 =	simm.s32 @!p1 $0x2  }
0x15b: {  	[hbm4b:s31+s4] =	stream.linear.scatter [tilespmem:s14], [sflag:$0x7], $0x3E80, $0x38;
	[tilespmem:$0x1FA00] =	vst v63  }
0x15c: {  	_ =	swait.ge @!p1 [sflag:s0], $0x3E80  }
0x15d: {  	[sflag:s0] =	ssyncset.done @!p1 $0x0  }
0x15e: {  	s29 =	simm.s32 @p1 $0x3;
	[sflag:s0] =	ssyncadd.s32 @!p1 $0xFFFFC180  }
.LBB2_20:
0x15f: {  	p1 =	sge.u32 s29, s7  }
.Ltmp13:
0x160: {  	_ = 	snop;
	(pc) =	sbr.rel @p1 .LBB2_38-.Ltmp13, $1  }
0x161: {  	_ =	sdelay $0x3  }
0x162: {  	s0 =	sadd.s32 $0x2, s30  }
0x163: {  	p1 =	sge.u32 s0, s7  }
0x164: {  	s0 =	sshll.u32 @!p1 s0, $0x5  }
0x165: {  	s0 =	sor.u32 @!p1 s5, s0  }
0x166: {  	s0 =	smul.u32 @!p1 $0x7D0, s0;
	_ =	sdelay $0x1  }
0x167: {  	s1 =	simm.s32 @!p1 $0x0;
	s0 =	sadd.s32 @!p1 s6, s0  }
0x168: {  	[tilespmem:s1], [sflag:$0x1] =	stream.linear.gather @!p1 [hbm4b:s0+s1], $0x3E80, $0x38;
	[tilespmem:$0x1FA00] =	vst v63  }
0x169: {  	s0 =	simm.s32 $0x0  }
0x16a: {  	v1 =	vld [tilespmem:s0+$0x3EF0]  }
0x16b: {  	v4 =	vld [tilespmem:s0+$0x3E80]  }
0x16c: {  	v5 =	vld [tilespmem:s0+$0x3E90]  }
0x16d: {  	v3 =	vld [tilespmem:s0+$0x3EA0]  }
0x16e: {  	v2 =	vld [tilespmem:s0+$0x3EB0]  }
0x16f: {  	v0 =	vld [tilespmem:s0+$0x3EC0];
	v6 =	vshrl.u32 v1, $0x5  }
0x170: {  	s31 =	sshll.u32 s29, $0x5;
	v1 =	vld [tilespmem:s0+$0x3ED0];
	v4 =	vshrl.u32 v4, $0x5;
	[tilespmem:s0+$0x7D70] =	vst v6  }
0x171: {  	s8 =	simm.s32 $0x400;
	s29 =	sor.u32 s5, s31;
	s1 =	simm.s32 $0x80;
	v5 =	vshrl.u32 v5, $0x5;
	[tilespmem:s0+$0x7D00] =	vst v4;
	v4 =	vld [tilespmem:s0+$0x3EE0]  }
.LBB2_22:
0x172: {  	p2 =	sne.s32 s8, $0x3C00;
	v6 =	vld [tilespmem:s1+$0x3EF0];
	[tilespmem:s0+$0x7D10] =	vst v5;
	v3 =	vshrl.u32 v3, $0x5  }
0x173: {  	v5 =	vld [tilespmem:s1+$0x3E80];
	[tilespmem:s0+$0x7D20] =	vst v3;
	v2 =	vshrl.u32 v2, $0x5  }
0x174: {  	v7 =	vld [tilespmem:s1+$0x3E90];
	[tilespmem:s0+$0x7D30] =	vst v2;
	v0 =	vshrl.u32 v0, $0x5  }
.Ltmp14:
0x175: {  	v3 =	vld [tilespmem:s1+$0x3EA0];
	[tilespmem:s0+$0x7D40] =	vst v0;
	v0 =	vshrl.u32 v1, $0x5;
	(pc) =	sbr.rel @p2 .LBB2_22-.Ltmp14, $4  }
0x176: {  	v2 =	vld [tilespmem:s1+$0x3EB0];
	[tilespmem:s0+$0x7D50] =	vst v0;
	v1 =	vshrl.u32 v4, $0x5  }
0x177: {  	v0 =	vld [tilespmem:s1+$0x3EC0];
	v4 =	vshrl.u32 v6, $0x5;
	[tilespmem:s0+$0x7D60] =	vst v1;
	s0 =	smov.u32 s1  }
0x178: {  	v5 =	vshrl.u32 v5, $0x5;
	v1 =	vld [tilespmem:s0+$0x3ED0];
	[tilespmem:s0+$0x7D70] =	vst v4  }
0x179: {  	s1 =	sshra.s32 s8, $0x2;
	s8 =	sadd.s32 $0x200, s8;
	[tilespmem:s0+$0x7D00] =	vst v5;
	v5 =	vshrl.u32 v7, $0x5;
	v4 =	vld [tilespmem:s0+$0x3EE0]  }
0x17a: {  	v6 =	vld [tilespmem:s1+$0x3EF0];
	[tilespmem:s0+$0x7D10] =	vst v5;
	v3 =	vshrl.u32 v3, $0x5  }
0x17b: {  	v5 =	vld [tilespmem:s1+$0x3E80];
	[tilespmem:s0+$0x7D20] =	vst v3;
	v2 =	vshrl.u32 v2, $0x5  }
0x17c: {  	v3 =	vld [tilespmem:s1+$0x3E90];
	[tilespmem:s0+$0x7D30] =	vst v2;
	v0 =	vshrl.u32 v0, $0x5  }
0x17d: {  	v2 =	vld [tilespmem:s1+$0x3EA0];
	[tilespmem:s0+$0x7D40] =	vst v0;
	v0 =	vshrl.u32 v1, $0x5  }
0x17e: {  	v1 =	vld [tilespmem:s1+$0x3EB0];
	[tilespmem:s0+$0x7D50] =	vst v0;
	v0 =	vshrl.u32 v4, $0x5  }
0x17f: {  	v4 =	vld [tilespmem:s1+$0x3EC0];
	[tilespmem:s0+$0x7D60] =	vst v0;
	v0 =	vshrl.u32 v6, $0x5  }
0x180: {  	v6 =	vld [tilespmem:s1+$0x3ED0];
	v5 =	vshrl.u32 v5, $0x5;
	[tilespmem:s1+$0x7D70] =	vst v0  }
0x181: {  	[tilespmem:s1+$0x7D00] =	vst v5;
	v0 =	vshrl.u32 v3, $0x5;
	v3 =	vld [tilespmem:s1+$0x3EE0]  }
0x182: {  	[tilespmem:s1+$0x7D10] =	vst v0;
	v0 =	vshrl.u32 v2, $0x5  }
0x183: {  	[tilespmem:s1+$0x7D20] =	vst v0;
	v0 =	vshrl.u32 v1, $0x5  }
0x184: {  	[tilespmem:s1+$0x7D30] =	vst v0;
	v0 =	vshrl.u32 v4, $0x5  }
0x185: {  	[tilespmem:s1+$0x7D40] =	vst v0;
	v0 =	vshrl.u32 v6, $0x5  }
0x186: {  	[tilespmem:s1+$0x7D50] =	vst v0;
	v0 =	vshrl.u32 v3, $0x5  }
0x187: {  	[tilespmem:s1+$0x7D60] =	vst v0  }
0x188: {  	_ =	swait.ge [sflag:s25], $0x3E80  }
0x189: {  	[sflag:s25] =	ssyncset.done $0x0  }
0x18a: {  	s1 =	simm.s32 $0x0;
	[sflag:s25] =	ssyncadd.s32 $0xFFFFC180  }
0x18b: {  	[tilespmem:s14], [sflag:$0x3] =	stream.indirect.gather [spmem:s3], $0x1, s13, s12, $0xb8;
	[tilespmem:$0x1FA00] =	vst v63  }
0x18c: {  	v1 =	vld [tilespmem:s1+$0x4E70]  }
0x18d: {  	v4 =	vld [tilespmem:s1+$0x4E00]  }
0x18e: {  	v5 =	vld [tilespmem:s1+$0x4E10]  }
0x18f: {  	v3 =	vld [tilespmem:s1+$0x4E20]  }
0x190: {  	v2 =	vld [tilespmem:s1+$0x4E30]  }
0x191: {  	v0 =	vld [tilespmem:s1+$0x4E40];
	v6 =	vshrl.u32 v1, $0x5  }
0x192: {  	v1 =	vld [tilespmem:s1+$0x4E50];
	v4 =	vshrl.u32 v4, $0x5;
	[tilespmem:s1+$0x8CF0] =	vst v6  }
0x193: {  	s8 =	simm.s32 $0x400;
	s0 =	simm.s32 $0x80;
	v5 =	vshrl.u32 v5, $0x5;
	[tilespmem:s1+$0x8C80] =	vst v4;
	v4 =	vld [tilespmem:s1+$0x4E60]  }
.LBB2_24:
0x194: {  	p2 =	sne.s32 s8, $0x3C00;
	v6 =	vld [tilespmem:s0+$0x4E70];
	[tilespmem:s1+$0x8C90] =	vst v5;
	v3 =	vshrl.u32 v3, $0x5  }
0x195: {  	v5 =	vld [tilespmem:s0+$0x4E00];
	[tilespmem:s1+$0x8CA0] =	vst v3;
	v2 =	vshrl.u32 v2, $0x5  }
0x196: {  	v7 =	vld [tilespmem:s0+$0x4E10];
	[tilespmem:s1+$0x8CB0] =	vst v2;
	v0 =	vshrl.u32 v0, $0x5  }
.Ltmp15:
0x197: {  	v3 =	vld [tilespmem:s0+$0x4E20];
	[tilespmem:s1+$0x8CC0] =	vst v0;
	v0 =	vshrl.u32 v1, $0x5;
	(pc) =	sbr.rel @p2 .LBB2_24-.Ltmp15, $4  }
0x198: {  	v2 =	vld [tilespmem:s0+$0x4E30];
	[tilespmem:s1+$0x8CD0] =	vst v0;
	v1 =	vshrl.u32 v4, $0x5  }
0x199: {  	v0 =	vld [tilespmem:s0+$0x4E40];
	v4 =	vshrl.u32 v6, $0x5;
	[tilespmem:s1+$0x8CE0] =	vst v1;
	s1 =	smov.u32 s0  }
0x19a: {  	v5 =	vshrl.u32 v5, $0x5;
	v1 =	vld [tilespmem:s1+$0x4E50];
	[tilespmem:s1+$0x8CF0] =	vst v4  }
0x19b: {  	s0 =	sshra.s32 s8, $0x2;
	s8 =	sadd.s32 $0x200, s8;
	[tilespmem:s1+$0x8C80] =	vst v5;
	v5 =	vshrl.u32 v7, $0x5;
	v4 =	vld [tilespmem:s1+$0x4E60]  }
0x19c: {  	v6 =	vld [tilespmem:s0+$0x4E70];
	[tilespmem:s1+$0x8C90] =	vst v5;
	v3 =	vshrl.u32 v3, $0x5  }
0x19d: {  	v5 =	vld [tilespmem:s0+$0x4E00];
	[tilespmem:s1+$0x8CA0] =	vst v3;
	v2 =	vshrl.u32 v2, $0x5  }
0x19e: {  	v3 =	vld [tilespmem:s0+$0x4E10];
	[tilespmem:s1+$0x8CB0] =	vst v2;
	v0 =	vshrl.u32 v0, $0x5  }
0x19f: {  	v2 =	vld [tilespmem:s0+$0x4E20];
	[tilespmem:s1+$0x8CC0] =	vst v0;
	v0 =	vshrl.u32 v1, $0x5  }
0x1a0: {  	v1 =	vld [tilespmem:s0+$0x4E30];
	[tilespmem:s1+$0x8CD0] =	vst v0;
	v0 =	vshrl.u32 v4, $0x5  }
0x1a1: {  	v4 =	vld [tilespmem:s0+$0x4E40];
	[tilespmem:s1+$0x8CE0] =	vst v0;
	v0 =	vshrl.u32 v6, $0x5  }
0x1a2: {  	v6 =	vld [tilespmem:s0+$0x4E50];
	v5 =	vshrl.u32 v5, $0x5;
	[tilespmem:s0+$0x8CF0] =	vst v0  }
0x1a3: {  	[tilespmem:s0+$0x8C80] =	vst v5;
	v0 =	vshrl.u32 v3, $0x5;
	v3 =	vld [tilespmem:s0+$0x4E60]  }
0x1a4: {  	[tilespmem:s0+$0x8C90] =	vst v0;
	v0 =	vshrl.u32 v2, $0x5  }
0x1a5: {  	[tilespmem:s0+$0x8CA0] =	vst v0;
	v0 =	vshrl.u32 v1, $0x5  }
0x1a6: {  	[tilespmem:s0+$0x8CB0] =	vst v0;
	v0 =	vshrl.u32 v4, $0x5  }
0x1a7: {  	[tilespmem:s0+$0x8CC0] =	vst v0;
	v0 =	vshrl.u32 v6, $0x5  }
0x1a8: {  	[tilespmem:s0+$0x8CD0] =	vst v0;
	v0 =	vshrl.u32 v3, $0x5  }
0x1a9: {  	s1 =	simm.s32 $0x0;
	[tilespmem:s0+$0x8CE0] =	vst v0  }
0x1aa: {  	[tilespmem:s16], [sflag:$0x4] =	stream.indirect.gather [spmem:s3], $0x1, s15, s12, $0xb8;
	[tilespmem:$0x1FA00] =	vst v63  }
0x1ab: {  	v1 =	vld [tilespmem:s1+$0x5DF0]  }
0x1ac: {  	v4 =	vld [tilespmem:s1+$0x5D80]  }
0x1ad: {  	v5 =	vld [tilespmem:s1+$0x5D90]  }
0x1ae: {  	v3 =	vld [tilespmem:s1+$0x5DA0]  }
0x1af: {  	v2 =	vld [tilespmem:s1+$0x5DB0]  }
0x1b0: {  	v0 =	vld [tilespmem:s1+$0x5DC0];
	v6 =	vshrl.u32 v1, $0x5  }
0x1b1: {  	v1 =	vld [tilespmem:s1+$0x5DD0];
	v4 =	vshrl.u32 v4, $0x5;
	[tilespmem:s1+$0x9C70] =	vst v6  }
0x1b2: {  	s8 =	simm.s32 $0x400;
	s0 =	simm.s32 $0x80;
	v5 =	vshrl.u32 v5, $0x5;
	[tilespmem:s1+$0x9C00] =	vst v4;
	v4 =	vld [tilespmem:s1+$0x5DE0]  }
.LBB2_26:
0x1b3: {  	p2 =	sne.s32 s8, $0x3C00;
	v6 =	vld [tilespmem:s0+$0x5DF0];
	[tilespmem:s1+$0x9C10] =	vst v5;
	v3 =	vshrl.u32 v3, $0x5  }
0x1b4: {  	v5 =	vld [tilespmem:s0+$0x5D80];
	[tilespmem:s1+$0x9C20] =	vst v3;
	v2 =	vshrl.u32 v2, $0x5  }
0x1b5: {  	v7 =	vld [tilespmem:s0+$0x5D90];
	[tilespmem:s1+$0x9C30] =	vst v2;
	v0 =	vshrl.u32 v0, $0x5  }
.Ltmp16:
0x1b6: {  	v3 =	vld [tilespmem:s0+$0x5DA0];
	[tilespmem:s1+$0x9C40] =	vst v0;
	v0 =	vshrl.u32 v1, $0x5;
	(pc) =	sbr.rel @p2 .LBB2_26-.Ltmp16, $4  }
0x1b7: {  	v2 =	vld [tilespmem:s0+$0x5DB0];
	[tilespmem:s1+$0x9C50] =	vst v0;
	v1 =	vshrl.u32 v4, $0x5  }
0x1b8: {  	v0 =	vld [tilespmem:s0+$0x5DC0];
	v4 =	vshrl.u32 v6, $0x5;
	[tilespmem:s1+$0x9C60] =	vst v1;
	s1 =	smov.u32 s0  }
0x1b9: {  	v5 =	vshrl.u32 v5, $0x5;
	v1 =	vld [tilespmem:s1+$0x5DD0];
	[tilespmem:s1+$0x9C70] =	vst v4  }
0x1ba: {  	s0 =	sshra.s32 s8, $0x2;
	s8 =	sadd.s32 $0x200, s8;
	[tilespmem:s1+$0x9C00] =	vst v5;
	v5 =	vshrl.u32 v7, $0x5;
	v4 =	vld [tilespmem:s1+$0x5DE0]  }
0x1bb: {  	v6 =	vld [tilespmem:s0+$0x5DF0];
	[tilespmem:s1+$0x9C10] =	vst v5;
	v3 =	vshrl.u32 v3, $0x5  }
0x1bc: {  	v5 =	vld [tilespmem:s0+$0x5D80];
	[tilespmem:s1+$0x9C20] =	vst v3;
	v2 =	vshrl.u32 v2, $0x5  }
0x1bd: {  	v3 =	vld [tilespmem:s0+$0x5D90];
	[tilespmem:s1+$0x9C30] =	vst v2;
	v0 =	vshrl.u32 v0, $0x5  }
0x1be: {  	v2 =	vld [tilespmem:s0+$0x5DA0];
	[tilespmem:s1+$0x9C40] =	vst v0;
	v0 =	vshrl.u32 v1, $0x5  }
0x1bf: {  	v1 =	vld [tilespmem:s0+$0x5DB0];
	[tilespmem:s1+$0x9C50] =	vst v0;
	v0 =	vshrl.u32 v4, $0x5  }
0x1c0: {  	v4 =	vld [tilespmem:s0+$0x5DC0];
	[tilespmem:s1+$0x9C60] =	vst v0;
	v0 =	vshrl.u32 v6, $0x5  }
0x1c1: {  	v6 =	vld [tilespmem:s0+$0x5DD0];
	v5 =	vshrl.u32 v5, $0x5;
	[tilespmem:s0+$0x9C70] =	vst v0  }
0x1c2: {  	[tilespmem:s0+$0x9C00] =	vst v5;
	v0 =	vshrl.u32 v3, $0x5;
	v3 =	vld [tilespmem:s0+$0x5DE0]  }
0x1c3: {  	[tilespmem:s0+$0x9C10] =	vst v0;
	v0 =	vshrl.u32 v2, $0x5  }
0x1c4: {  	[tilespmem:s0+$0x9C20] =	vst v0;
	v0 =	vshrl.u32 v1, $0x5  }
0x1c5: {  	[tilespmem:s0+$0x9C30] =	vst v0;
	v0 =	vshrl.u32 v4, $0x5  }
0x1c6: {  	[tilespmem:s0+$0x9C40] =	vst v0;
	v0 =	vshrl.u32 v6, $0x5  }
0x1c7: {  	[tilespmem:s0+$0x9C50] =	vst v0;
	v0 =	vshrl.u32 v3, $0x5  }
0x1c8: {  	s1 =	simm.s32 $0x0;
	[tilespmem:s0+$0x9C60] =	vst v0  }
0x1c9: {  	[tilespmem:s18], [sflag:$0x5] =	stream.indirect.gather [spmem:s3], $0x1, s17, s12, $0xb8;
	[tilespmem:$0x1FA00] =	vst v63  }
0x1ca: {  	v1 =	vld [tilespmem:s1+$0x6D70]  }
0x1cb: {  	v4 =	vld [tilespmem:s1+$0x6D00]  }
0x1cc: {  	v5 =	vld [tilespmem:s1+$0x6D10]  }
0x1cd: {  	v3 =	vld [tilespmem:s1+$0x6D20]  }
0x1ce: {  	v2 =	vld [tilespmem:s1+$0x6D30]  }
0x1cf: {  	v0 =	vld [tilespmem:s1+$0x6D40];
	v6 =	vshrl.u32 v1, $0x5  }
0x1d0: {  	v1 =	vld [tilespmem:s1+$0x6D50];
	v4 =	vshrl.u32 v4, $0x5;
	[tilespmem:s1+$0xABF0] =	vst v6  }
0x1d1: {  	s8 =	simm.s32 $0x400;
	s0 =	simm.s32 $0x80;
	v5 =	vshrl.u32 v5, $0x5;
	[tilespmem:s1+$0xAB80] =	vst v4;
	v4 =	vld [tilespmem:s1+$0x6D60]  }
.LBB2_28:
0x1d2: {  	p2 =	sne.s32 s8, $0x3E00;
	v6 =	vld [tilespmem:s0+$0x6D70];
	[tilespmem:s1+$0xAB90] =	vst v5;
	v3 =	vshrl.u32 v3, $0x5  }
0x1d3: {  	v5 =	vld [tilespmem:s0+$0x6D00];
	[tilespmem:s1+$0xABA0] =	vst v3;
	v2 =	vshrl.u32 v2, $0x5  }
0x1d4: {  	v7 =	vld [tilespmem:s0+$0x6D10];
	[tilespmem:s1+$0xABB0] =	vst v2;
	v0 =	vshrl.u32 v0, $0x5  }
.Ltmp17:
0x1d5: {  	v3 =	vld [tilespmem:s0+$0x6D20];
	[tilespmem:s1+$0xABC0] =	vst v0;
	v0 =	vshrl.u32 v1, $0x5;
	(pc) =	sbr.rel @p2 .LBB2_28-.Ltmp17, $4  }
0x1d6: {  	v2 =	vld [tilespmem:s0+$0x6D30];
	[tilespmem:s1+$0xABD0] =	vst v0;
	v1 =	vshrl.u32 v4, $0x5  }
0x1d7: {  	v0 =	vld [tilespmem:s0+$0x6D40];
	v4 =	vshrl.u32 v6, $0x5;
	[tilespmem:s1+$0xABE0] =	vst v1;
	s1 =	smov.u32 s0  }
0x1d8: {  	v5 =	vshrl.u32 v5, $0x5;
	v1 =	vld [tilespmem:s1+$0x6D50];
	[tilespmem:s1+$0xABF0] =	vst v4  }
0x1d9: {  	s0 =	sshra.s32 s8, $0x2;
	s8 =	sadd.s32 $0x200, s8;
	[tilespmem:s1+$0xAB80] =	vst v5;
	v5 =	vshrl.u32 v7, $0x5;
	v4 =	vld [tilespmem:s1+$0x6D60]  }
0x1da: {  	v6 =	vld [tilespmem:s0+$0x6D70];
	[tilespmem:s1+$0xAB90] =	vst v5;
	v3 =	vshrl.u32 v3, $0x5  }
0x1db: {  	v5 =	vld [tilespmem:s0+$0x6D00];
	[tilespmem:s1+$0xABA0] =	vst v3;
	v2 =	vshrl.u32 v2, $0x5  }
0x1dc: {  	v3 =	vld [tilespmem:s0+$0x6D10];
	[tilespmem:s1+$0xABB0] =	vst v2;
	v0 =	vshrl.u32 v0, $0x5  }
0x1dd: {  	v2 =	vld [tilespmem:s0+$0x6D20];
	[tilespmem:s1+$0xABC0] =	vst v0;
	v0 =	vshrl.u32 v1, $0x5  }
0x1de: {  	v1 =	vld [tilespmem:s0+$0x6D30];
	[tilespmem:s1+$0xABD0] =	vst v0;
	v0 =	vshrl.u32 v4, $0x5  }
0x1df: {  	v4 =	vld [tilespmem:s0+$0x6D40];
	[tilespmem:s1+$0xABE0] =	vst v0;
	v0 =	vshrl.u32 v6, $0x5  }
0x1e0: {  	v6 =	vld [tilespmem:s0+$0x6D50];
	v5 =	vshrl.u32 v5, $0x5;
	[tilespmem:s0+$0xABF0] =	vst v0  }
0x1e1: {  	[tilespmem:s0+$0xAB80] =	vst v5;
	v0 =	vshrl.u32 v3, $0x5;
	v3 =	vld [tilespmem:s0+$0x6D60]  }
0x1e2: {  	[tilespmem:s0+$0xAB90] =	vst v0;
	v0 =	vshrl.u32 v2, $0x5  }
0x1e3: {  	[tilespmem:s0+$0xABA0] =	vst v0;
	v0 =	vshrl.u32 v1, $0x5  }
0x1e4: {  	[tilespmem:s0+$0xABB0] =	vst v0;
	v0 =	vshrl.u32 v4, $0x5  }
0x1e5: {  	[tilespmem:s0+$0xABC0] =	vst v0;
	v0 =	vshrl.u32 v6, $0x5  }
0x1e6: {  	[tilespmem:s0+$0xABD0] =	vst v0;
	v0 =	vshrl.u32 v3, $0x5  }
0x1e7: {  	[tilespmem:s0+$0xABE0] =	vst v0  }
0x1e8: {  	[tilespmem:s20], [sflag:$0x6] =	stream.indirect.gather [spmem:s3], $0x1, s19, s12, $0xb8;
	[tilespmem:$0x1FA00] =	vst v63  }
0x1e9: {  	_ =	swait.ge [sflag:s21], $0xFA0  }
0x1ea: {  	[sflag:s21] =	ssyncset.done $0x0  }
0x1eb: {  	s0 =	simm.s32 $0x0;
	[sflag:s21] =	ssyncadd.s32 $0xFFFFF060  }
0x1ec: {  	v6 =	vld [tilespmem:s0+$0x3E80]  }
0x1ed: {  	v11 =	vld [tilespmem:s0+$0x3E90]  }
0x1ee: {  	v5 =	vld [tilespmem:s0+$0x3EA0]  }
0x1ef: {  	v4 =	vld [tilespmem:s0+$0x3EB0]  }
0x1f0: {  	v3 =	vld [tilespmem:s0+$0x3EC0]  }
0x1f1: {  	v2 =	vld [tilespmem:s0+$0x3ED0]  }
0x1f2: {  	v1 =	vld [tilespmem:s0+$0x3EE0]  }
0x1f3: {  	v0 =	vld [tilespmem:s0+$0x3EF0]  }
0x1f4: {  	v12 =	vld [tilespmem:s0+$0xBB80]  }
0x1f5: {  	v10 =	vld [tilespmem:s0+$0xBB90]  }
0x1f6: {  	v9 =	vld [tilespmem:s0+$0xBBA0]  }
0x1f7: {  	v8 =	vld [tilespmem:s0+$0xBBB0]  }
0x1f8: {  	v7 =	vld [tilespmem:s0+$0xBBC0];
	v6 =	vand.u32 $0x1F, v6  }
0x1f9: {  	s1 =	simm.s32 $0x200;
	v11 =	vand.u32 $0x1F, v11;
	v12 =	vshrl.u32 v12, v6;
	v6 =	vld [tilespmem:s0+$0xBBD0]  }
.LBB2_30:
0x1fa: {  	p2 =	sne.s32 s1, $0x3C00;
	v12 =	vand.u32 $0x1, v12;
	v10 =	vshrl.u32 v10, v11;
	v5 =	vand.u32 $0x1F, v5;
	v11 =	vld [tilespmem:s0+$0xBBE0]  }
0x1fb: {  	s8 =	sshra.s32 s1, $0x2;
	v4 =	vand.u32 $0x1F, v4;
	[tilespmem:s0+$0xBB80] =	vst v12;
	v10 =	vand.u32 $0x1, v10;
	v5 =	vshrl.u32 v9, v5;
	v9 =	vld [tilespmem:s0+$0xBBF0]  }
0x1fc: {  	v3 =	vand.u32 $0x1F, v3;
	v12 =	vld [tilespmem:s8+$0x3E80];
	[tilespmem:s0+$0xBB90] =	vst v10;
	v5 =	vand.u32 $0x1, v5;
	v4 =	vshrl.u32 v8, v4  }
0x1fd: {  	v2 =	vand.u32 $0x1F, v2;
	v13 =	vld [tilespmem:s8+$0x3E90];
	[tilespmem:s0+$0xBBA0] =	vst v5;
	v4 =	vand.u32 $0x1, v4;
	v3 =	vshrl.u32 v7, v3  }
0x1fe: {  	v1 =	vand.u32 $0x1F, v1;
	v5 =	vld [tilespmem:s8+$0x3EA0];
	[tilespmem:s0+$0xBBB0] =	vst v4;
	v3 =	vand.u32 $0x1, v3;
	v2 =	vshrl.u32 v6, v2  }
0x1ff: {  	v0 =	vand.u32 $0x1F, v0;
	v4 =	vld [tilespmem:s8+$0x3EB0];
	[tilespmem:s0+$0xBBC0] =	vst v3;
	v2 =	vand.u32 $0x1, v2;
	v1 =	vshrl.u32 v11, v1  }
0x200: {  	v3 =	vld [tilespmem:s8+$0x3EC0];
	[tilespmem:s0+$0xBBD0] =	vst v2;
	v1 =	vand.u32 $0x1, v1;
	v0 =	vshrl.u32 v9, v0  }
0x201: {  	v2 =	vld [tilespmem:s8+$0x3ED0];
	[tilespmem:s0+$0xBBE0] =	vst v1;
	v0 =	vand.u32 $0x1, v0  }
0x202: {  	v1 =	vld [tilespmem:s8+$0x3EE0];
	[tilespmem:s0+$0xBBF0] =	vst v0;
	s0 =	smov.u32 s8  }
0x203: {  	v0 =	vld [tilespmem:s0+$0x3EF0]  }
0x204: {  	v6 =	vld [tilespmem:s0+$0xBB80]  }
.Ltmp18:
0x205: {  	v10 =	vld [tilespmem:s0+$0xBB90];
	(pc) =	sbr.rel @p2 .LBB2_30-.Ltmp18, $4  }
0x206: {  	v9 =	vld [tilespmem:s0+$0xBBA0]  }
0x207: {  	v8 =	vld [tilespmem:s0+$0xBBB0]  }
0x208: {  	v11 =	vand.u32 $0x1F, v12;
	v7 =	vld [tilespmem:s0+$0xBBC0]  }
0x209: {  	s1 =	sadd.s32 $0x200, s1;
	v12 =	vshrl.u32 v6, v11;
	v11 =	vand.u32 $0x1F, v13;
	v6 =	vld [tilespmem:s0+$0xBBD0]  }
0x20a: {  	v12 =	vand.u32 $0x1, v12;
	v13 =	vld [tilespmem:s0+$0xBBE0];
	v10 =	vshrl.u32 v10, v11;
	v5 =	vand.u32 $0x1F, v5  }
0x20b: {  	v4 =	vand.u32 $0x1F, v4;
	[tilespmem:s0+$0xBB80] =	vst v12;
	v10 =	vand.u32 $0x1, v10;
	v5 =	vshrl.u32 v9, v5;
	v9 =	vld [tilespmem:s0+$0xBBF0]  }
0x20c: {  	v3 =	vand.u32 $0x1F, v3;
	[tilespmem:s0+$0xBB90] =	vst v10;
	v5 =	vand.u32 $0x1, v5;
	v4 =	vshrl.u32 v8, v4  }
0x20d: {  	v2 =	vand.u32 $0x1F, v2;
	[tilespmem:s0+$0xBBA0] =	vst v5;
	v4 =	vand.u32 $0x1, v4;
	v3 =	vshrl.u32 v7, v3  }
0x20e: {  	v1 =	vand.u32 $0x1F, v1;
	[tilespmem:s0+$0xBBB0] =	vst v4;
	v3 =	vand.u32 $0x1, v3;
	v2 =	vshrl.u32 v6, v2  }
0x20f: {  	v0 =	vand.u32 $0x1F, v0;
	[tilespmem:s0+$0xBBC0] =	vst v3;
	v2 =	vand.u32 $0x1, v2;
	v1 =	vshrl.u32 v13, v1  }
0x210: {  	[tilespmem:s0+$0xBBD0] =	vst v2;
	v1 =	vand.u32 $0x1, v1;
	v0 =	vshrl.u32 v9, v0  }
0x211: {  	[tilespmem:s0+$0xBBE0] =	vst v1;
	v0 =	vand.u32 $0x1, v0  }
0x212: {  	[tilespmem:s0+$0xBBF0] =	vst v0  }
0x213: {  	_ =	swait.ge [sflag:s22], $0xFA0  }
0x214: {  	[sflag:s22] =	ssyncset.done $0x0  }
0x215: {  	s0 =	simm.s32 $0x0;
	[sflag:s22] =	ssyncadd.s32 $0xFFFFF060  }
0x216: {  	v6 =	vld [tilespmem:s0+$0x4E00]  }
0x217: {  	v11 =	vld [tilespmem:s0+$0x4E10]  }
0x218: {  	v5 =	vld [tilespmem:s0+$0x4E20]  }
0x219: {  	v4 =	vld [tilespmem:s0+$0x4E30]  }
0x21a: {  	v3 =	vld [tilespmem:s0+$0x4E40]  }
0x21b: {  	v2 =	vld [tilespmem:s0+$0x4E50]  }
0x21c: {  	v1 =	vld [tilespmem:s0+$0x4E60]  }
0x21d: {  	v0 =	vld [tilespmem:s0+$0x4E70]  }
0x21e: {  	v12 =	vld [tilespmem:s0+$0xCB00]  }
0x21f: {  	v10 =	vld [tilespmem:s0+$0xCB10]  }
0x220: {  	v9 =	vld [tilespmem:s0+$0xCB20]  }
0x221: {  	v8 =	vld [tilespmem:s0+$0xCB30]  }
0x222: {  	v7 =	vld [tilespmem:s0+$0xCB40];
	v6 =	vand.u32 $0x1F, v6  }
0x223: {  	s1 =	simm.s32 $0x200;
	v11 =	vand.u32 $0x1F, v11;
	v12 =	vshrl.u32 v12, v6;
	v6 =	vld [tilespmem:s0+$0xCB50]  }
.LBB2_32:
0x224: {  	p2 =	sne.s32 s1, $0x3C00;
	v12 =	vand.u32 $0x1, v12;
	v10 =	vshrl.u32 v10, v11;
	v5 =	vand.u32 $0x1F, v5;
	v11 =	vld [tilespmem:s0+$0xCB60]  }
0x225: {  	s8 =	sshra.s32 s1, $0x2;
	v4 =	vand.u32 $0x1F, v4;
	[tilespmem:s0+$0xCB00] =	vst v12;
	v10 =	vand.u32 $0x1, v10;
	v5 =	vshrl.u32 v9, v5;
	v9 =	vld [tilespmem:s0+$0xCB70]  }
0x226: {  	v3 =	vand.u32 $0x1F, v3;
	v12 =	vld [tilespmem:s8+$0x4E00];
	[tilespmem:s0+$0xCB10] =	vst v10;
	v5 =	vand.u32 $0x1, v5;
	v4 =	vshrl.u32 v8, v4  }
0x227: {  	v2 =	vand.u32 $0x1F, v2;
	v13 =	vld [tilespmem:s8+$0x4E10];
	[tilespmem:s0+$0xCB20] =	vst v5;
	v4 =	vand.u32 $0x1, v4;
	v3 =	vshrl.u32 v7, v3  }
0x228: {  	v1 =	vand.u32 $0x1F, v1;
	v5 =	vld [tilespmem:s8+$0x4E20];
	[tilespmem:s0+$0xCB30] =	vst v4;
	v3 =	vand.u32 $0x1, v3;
	v2 =	vshrl.u32 v6, v2  }
0x229: {  	v0 =	vand.u32 $0x1F, v0;
	v4 =	vld [tilespmem:s8+$0x4E30];
	[tilespmem:s0+$0xCB40] =	vst v3;
	v2 =	vand.u32 $0x1, v2;
	v1 =	vshrl.u32 v11, v1  }
0x22a: {  	v3 =	vld [tilespmem:s8+$0x4E40];
	[tilespmem:s0+$0xCB50] =	vst v2;
	v1 =	vand.u32 $0x1, v1;
	v0 =	vshrl.u32 v9, v0  }
0x22b: {  	v2 =	vld [tilespmem:s8+$0x4E50];
	[tilespmem:s0+$0xCB60] =	vst v1;
	v0 =	vand.u32 $0x1, v0  }
0x22c: {  	v1 =	vld [tilespmem:s8+$0x4E60];
	[tilespmem:s0+$0xCB70] =	vst v0;
	s0 =	smov.u32 s8  }
0x22d: {  	v0 =	vld [tilespmem:s0+$0x4E70]  }
0x22e: {  	v6 =	vld [tilespmem:s0+$0xCB00]  }
.Ltmp19:
0x22f: {  	v10 =	vld [tilespmem:s0+$0xCB10];
	(pc) =	sbr.rel @p2 .LBB2_32-.Ltmp19, $4  }
0x230: {  	v9 =	vld [tilespmem:s0+$0xCB20]  }
0x231: {  	v8 =	vld [tilespmem:s0+$0xCB30]  }
0x232: {  	v11 =	vand.u32 $0x1F, v12;
	v7 =	vld [tilespmem:s0+$0xCB40]  }
0x233: {  	s1 =	sadd.s32 $0x200, s1;
	v12 =	vshrl.u32 v6, v11;
	v11 =	vand.u32 $0x1F, v13;
	v6 =	vld [tilespmem:s0+$0xCB50]  }
0x234: {  	v12 =	vand.u32 $0x1, v12;
	v13 =	vld [tilespmem:s0+$0xCB60];
	v10 =	vshrl.u32 v10, v11;
	v5 =	vand.u32 $0x1F, v5  }
0x235: {  	v4 =	vand.u32 $0x1F, v4;
	[tilespmem:s0+$0xCB00] =	vst v12;
	v10 =	vand.u32 $0x1, v10;
	v5 =	vshrl.u32 v9, v5;
	v9 =	vld [tilespmem:s0+$0xCB70]  }
0x236: {  	v3 =	vand.u32 $0x1F, v3;
	[tilespmem:s0+$0xCB10] =	vst v10;
	v5 =	vand.u32 $0x1, v5;
	v4 =	vshrl.u32 v8, v4  }
0x237: {  	v2 =	vand.u32 $0x1F, v2;
	[tilespmem:s0+$0xCB20] =	vst v5;
	v4 =	vand.u32 $0x1, v4;
	v3 =	vshrl.u32 v7, v3  }
0x238: {  	v1 =	vand.u32 $0x1F, v1;
	[tilespmem:s0+$0xCB30] =	vst v4;
	v3 =	vand.u32 $0x1, v3;
	v2 =	vshrl.u32 v6, v2  }
0x239: {  	v0 =	vand.u32 $0x1F, v0;
	[tilespmem:s0+$0xCB40] =	vst v3;
	v2 =	vand.u32 $0x1, v2;
	v1 =	vshrl.u32 v13, v1  }
0x23a: {  	[tilespmem:s0+$0xCB50] =	vst v2;
	v1 =	vand.u32 $0x1, v1;
	v0 =	vshrl.u32 v9, v0  }
0x23b: {  	[tilespmem:s0+$0xCB60] =	vst v1;
	v0 =	vand.u32 $0x1, v0  }
0x23c: {  	[tilespmem:s0+$0xCB70] =	vst v0  }
0x23d: {  	_ =	swait.ge [sflag:s23], $0xFA0  }
0x23e: {  	[sflag:s23] =	ssyncset.done $0x0  }
0x23f: {  	s0 =	simm.s32 $0x0;
	[sflag:s23] =	ssyncadd.s32 $0xFFFFF060  }
0x240: {  	v6 =	vld [tilespmem:s0+$0x5D80]  }
0x241: {  	v11 =	vld [tilespmem:s0+$0x5D90]  }
0x242: {  	v5 =	vld [tilespmem:s0+$0x5DA0]  }
0x243: {  	v4 =	vld [tilespmem:s0+$0x5DB0]  }
0x244: {  	v3 =	vld [tilespmem:s0+$0x5DC0]  }
0x245: {  	v2 =	vld [tilespmem:s0+$0x5DD0]  }
0x246: {  	v1 =	vld [tilespmem:s0+$0x5DE0]  }
0x247: {  	v0 =	vld [tilespmem:s0+$0x5DF0]  }
0x248: {  	v12 =	vld [tilespmem:s0+$0xDA80]  }
0x249: {  	v10 =	vld [tilespmem:s0+$0xDA90]  }
0x24a: {  	v9 =	vld [tilespmem:s0+$0xDAA0]  }
0x24b: {  	v8 =	vld [tilespmem:s0+$0xDAB0]  }
0x24c: {  	v7 =	vld [tilespmem:s0+$0xDAC0];
	v6 =	vand.u32 $0x1F, v6  }
0x24d: {  	s1 =	simm.s32 $0x200;
	v11 =	vand.u32 $0x1F, v11;
	v12 =	vshrl.u32 v12, v6;
	v6 =	vld [tilespmem:s0+$0xDAD0]  }
.LBB2_34:
0x24e: {  	p2 =	sne.s32 s1, $0x3C00;
	v12 =	vand.u32 $0x1, v12;
	v10 =	vshrl.u32 v10, v11;
	v5 =	vand.u32 $0x1F, v5;
	v11 =	vld [tilespmem:s0+$0xDAE0]  }
0x24f: {  	s8 =	sshra.s32 s1, $0x2;
	v4 =	vand.u32 $0x1F, v4;
	[tilespmem:s0+$0xDA80] =	vst v12;
	v10 =	vand.u32 $0x1, v10;
	v5 =	vshrl.u32 v9, v5;
	v9 =	vld [tilespmem:s0+$0xDAF0]  }
0x250: {  	v3 =	vand.u32 $0x1F, v3;
	v12 =	vld [tilespmem:s8+$0x5D80];
	[tilespmem:s0+$0xDA90] =	vst v10;
	v5 =	vand.u32 $0x1, v5;
	v4 =	vshrl.u32 v8, v4  }
0x251: {  	v2 =	vand.u32 $0x1F, v2;
	v13 =	vld [tilespmem:s8+$0x5D90];
	[tilespmem:s0+$0xDAA0] =	vst v5;
	v4 =	vand.u32 $0x1, v4;
	v3 =	vshrl.u32 v7, v3  }
0x252: {  	v1 =	vand.u32 $0x1F, v1;
	v5 =	vld [tilespmem:s8+$0x5DA0];
	[tilespmem:s0+$0xDAB0] =	vst v4;
	v3 =	vand.u32 $0x1, v3;
	v2 =	vshrl.u32 v6, v2  }
0x253: {  	v0 =	vand.u32 $0x1F, v0;
	v4 =	vld [tilespmem:s8+$0x5DB0];
	[tilespmem:s0+$0xDAC0] =	vst v3;
	v2 =	vand.u32 $0x1, v2;
	v1 =	vshrl.u32 v11, v1  }
0x254: {  	v3 =	vld [tilespmem:s8+$0x5DC0];
	[tilespmem:s0+$0xDAD0] =	vst v2;
	v1 =	vand.u32 $0x1, v1;
	v0 =	vshrl.u32 v9, v0  }
0x255: {  	v2 =	vld [tilespmem:s8+$0x5DD0];
	[tilespmem:s0+$0xDAE0] =	vst v1;
	v0 =	vand.u32 $0x1, v0  }
0x256: {  	v1 =	vld [tilespmem:s8+$0x5DE0];
	[tilespmem:s0+$0xDAF0] =	vst v0;
	s0 =	smov.u32 s8  }
0x257: {  	v0 =	vld [tilespmem:s0+$0x5DF0]  }
0x258: {  	v6 =	vld [tilespmem:s0+$0xDA80]  }
.Ltmp20:
0x259: {  	v10 =	vld [tilespmem:s0+$0xDA90];
	(pc) =	sbr.rel @p2 .LBB2_34-.Ltmp20, $4  }
0x25a: {  	v9 =	vld [tilespmem:s0+$0xDAA0]  }
0x25b: {  	v8 =	vld [tilespmem:s0+$0xDAB0]  }
0x25c: {  	v11 =	vand.u32 $0x1F, v12;
	v7 =	vld [tilespmem:s0+$0xDAC0]  }
0x25d: {  	s1 =	sadd.s32 $0x200, s1;
	v12 =	vshrl.u32 v6, v11;
	v11 =	vand.u32 $0x1F, v13;
	v6 =	vld [tilespmem:s0+$0xDAD0]  }
0x25e: {  	v12 =	vand.u32 $0x1, v12;
	v13 =	vld [tilespmem:s0+$0xDAE0];
	v10 =	vshrl.u32 v10, v11;
	v5 =	vand.u32 $0x1F, v5  }
0x25f: {  	v4 =	vand.u32 $0x1F, v4;
	[tilespmem:s0+$0xDA80] =	vst v12;
	v10 =	vand.u32 $0x1, v10;
	v5 =	vshrl.u32 v9, v5;
	v9 =	vld [tilespmem:s0+$0xDAF0]  }
0x260: {  	v3 =	vand.u32 $0x1F, v3;
	[tilespmem:s0+$0xDA90] =	vst v10;
	v5 =	vand.u32 $0x1, v5;
	v4 =	vshrl.u32 v8, v4  }
0x261: {  	v2 =	vand.u32 $0x1F, v2;
	[tilespmem:s0+$0xDAA0] =	vst v5;
	v4 =	vand.u32 $0x1, v4;
	v3 =	vshrl.u32 v7, v3  }
0x262: {  	v1 =	vand.u32 $0x1F, v1;
	[tilespmem:s0+$0xDAB0] =	vst v4;
	v3 =	vand.u32 $0x1, v3;
	v2 =	vshrl.u32 v6, v2  }
0x263: {  	v0 =	vand.u32 $0x1F, v0;
	[tilespmem:s0+$0xDAC0] =	vst v3;
	v2 =	vand.u32 $0x1, v2;
	v1 =	vshrl.u32 v13, v1  }
0x264: {  	[tilespmem:s0+$0xDAD0] =	vst v2;
	v1 =	vand.u32 $0x1, v1;
	v0 =	vshrl.u32 v9, v0  }
0x265: {  	[tilespmem:s0+$0xDAE0] =	vst v1;
	v0 =	vand.u32 $0x1, v0  }
0x266: {  	[tilespmem:s0+$0xDAF0] =	vst v0  }
0x267: {  	_ =	swait.ge [sflag:s24], $0xFA0  }
0x268: {  	[sflag:s24] =	ssyncset.done $0x0  }
0x269: {  	s0 =	simm.s32 $0x0;
	[sflag:s24] =	ssyncadd.s32 $0xFFFFF060  }
0x26a: {  	v6 =	vld [tilespmem:s0+$0x6D00]  }
0x26b: {  	v11 =	vld [tilespmem:s0+$0x6D10]  }
0x26c: {  	v5 =	vld [tilespmem:s0+$0x6D20]  }
0x26d: {  	v4 =	vld [tilespmem:s0+$0x6D30]  }
0x26e: {  	v3 =	vld [tilespmem:s0+$0x6D40]  }
0x26f: {  	v2 =	vld [tilespmem:s0+$0x6D50]  }
0x270: {  	v1 =	vld [tilespmem:s0+$0x6D60]  }
0x271: {  	v0 =	vld [tilespmem:s0+$0x6D70]  }
0x272: {  	v12 =	vld [tilespmem:s0+$0xEA00]  }
0x273: {  	v10 =	vld [tilespmem:s0+$0xEA10]  }
0x274: {  	v9 =	vld [tilespmem:s0+$0xEA20]  }
0x275: {  	v8 =	vld [tilespmem:s0+$0xEA30]  }
0x276: {  	v7 =	vld [tilespmem:s0+$0xEA40];
	v6 =	vand.u32 $0x1F, v6  }
0x277: {  	s1 =	simm.s32 $0x200;
	v11 =	vand.u32 $0x1F, v11;
	v12 =	vshrl.u32 v12, v6;
	v6 =	vld [tilespmem:s0+$0xEA50]  }
.LBB2_36:
0x278: {  	p2 =	sne.s32 s1, $0x3E00;
	v12 =	vand.u32 $0x1, v12;
	v10 =	vshrl.u32 v10, v11;
	v5 =	vand.u32 $0x1F, v5;
	v11 =	vld [tilespmem:s0+$0xEA60]  }
0x279: {  	s8 =	sshra.s32 s1, $0x2;
	v4 =	vand.u32 $0x1F, v4;
	[tilespmem:s0+$0xEA00] =	vst v12;
	v10 =	vand.u32 $0x1, v10;
	v5 =	vshrl.u32 v9, v5;
	v9 =	vld [tilespmem:s0+$0xEA70]  }
0x27a: {  	v3 =	vand.u32 $0x1F, v3;
	v12 =	vld [tilespmem:s8+$0x6D00];
	[tilespmem:s0+$0xEA10] =	vst v10;
	v5 =	vand.u32 $0x1, v5;
	v4 =	vshrl.u32 v8, v4  }
0x27b: {  	v2 =	vand.u32 $0x1F, v2;
	v13 =	vld [tilespmem:s8+$0x6D10];
	[tilespmem:s0+$0xEA20] =	vst v5;
	v4 =	vand.u32 $0x1, v4;
	v3 =	vshrl.u32 v7, v3  }
0x27c: {  	v1 =	vand.u32 $0x1F, v1;
	v5 =	vld [tilespmem:s8+$0x6D20];
	[tilespmem:s0+$0xEA30] =	vst v4;
	v3 =	vand.u32 $0x1, v3;
	v2 =	vshrl.u32 v6, v2  }
0x27d: {  	v0 =	vand.u32 $0x1F, v0;
	v4 =	vld [tilespmem:s8+$0x6D30];
	[tilespmem:s0+$0xEA40] =	vst v3;
	v2 =	vand.u32 $0x1, v2;
	v1 =	vshrl.u32 v11, v1  }
0x27e: {  	v3 =	vld [tilespmem:s8+$0x6D40];
	[tilespmem:s0+$0xEA50] =	vst v2;
	v1 =	vand.u32 $0x1, v1;
	v0 =	vshrl.u32 v9, v0  }
0x27f: {  	v2 =	vld [tilespmem:s8+$0x6D50];
	[tilespmem:s0+$0xEA60] =	vst v1;
	v0 =	vand.u32 $0x1, v0  }
0x280: {  	v1 =	vld [tilespmem:s8+$0x6D60];
	[tilespmem:s0+$0xEA70] =	vst v0;
	s0 =	smov.u32 s8  }
0x281: {  	v0 =	vld [tilespmem:s0+$0x6D70]  }
0x282: {  	v6 =	vld [tilespmem:s0+$0xEA00]  }
.Ltmp21:
0x283: {  	v10 =	vld [tilespmem:s0+$0xEA10];
	(pc) =	sbr.rel @p2 .LBB2_36-.Ltmp21, $4  }
0x284: {  	v9 =	vld [tilespmem:s0+$0xEA20]  }
0x285: {  	v8 =	vld [tilespmem:s0+$0xEA30]  }
0x286: {  	v11 =	vand.u32 $0x1F, v12;
	v7 =	vld [tilespmem:s0+$0xEA40]  }
0x287: {  	s1 =	sadd.s32 $0x200, s1;
	v12 =	vshrl.u32 v6, v11;
	v11 =	vand.u32 $0x1F, v13;
	v6 =	vld [tilespmem:s0+$0xEA50]  }
0x288: {  	v12 =	vand.u32 $0x1, v12;
	v13 =	vld [tilespmem:s0+$0xEA60];
	v10 =	vshrl.u32 v10, v11;
	v5 =	vand.u32 $0x1F, v5  }
0x289: {  	v4 =	vand.u32 $0x1F, v4;
	v63 =	vld [tilespmem:s0+$0xEA70];
	[tilespmem:s0+$0xEA00] =	vst v12;
	v10 =	vand.u32 $0x1, v10;
	v5 =	vshrl.u32 v9, v5  }
0x28a: {  	v3 =	vand.u32 $0x1F, v3;
	[tilespmem:s0+$0xEA10] =	vst v10;
	v5 =	vand.u32 $0x1, v5;
	v4 =	vshrl.u32 v8, v4  }
0x28b: {  	v2 =	vand.u32 $0x1F, v2;
	[tilespmem:s0+$0xEA20] =	vst v5;
	v4 =	vand.u32 $0x1, v4;
	v3 =	vshrl.u32 v7, v3  }
0x28c: {  	v1 =	vand.u32 $0x1F, v1;
	[tilespmem:s0+$0xEA30] =	vst v4;
	v3 =	vand.u32 $0x1, v3;
	v2 =	vshrl.u32 v6, v2  }
0x28d: {  	v0 =	vand.u32 $0x1F, v0;
	[tilespmem:s0+$0xEA40] =	vst v3;
	v2 =	vand.u32 $0x1, v2;
	v1 =	vshrl.u32 v13, v1  }
0x28e: {  	s1 =	smul.u32 $0x7D0, s29;
	v0 =	vshrl.u32 v63, v0;
	[tilespmem:s0+$0xEA50] =	vst v2;
	v1 =	vand.u32 $0x1, v1  }
0x28f: {  	v0 =	vand.u32 $0x1, v0;
	[tilespmem:s0+$0xEA60] =	vst v1  }
.Ltmp22:
0x290: {  	s31 =	sadd.s32 s2, s1;
	[tilespmem:s0+$0xEA70] =	vst v0;
	s0 =	simm.s32 @!p1 $0x1;
	(pc) =	sbr.rel .LBB2_38-.Ltmp22, $4  }
0x291: {  	[hbm4b:s31+s4] =	stream.linear.scatter [tilespmem:s14], [sflag:$0x7], $0x3E80, $0x38;
	[tilespmem:$0x1FA00] =	vst v63  }
0x292: {  	_ =	swait.ge @!p1 [sflag:s0], $0x3E80  }
0x293: {  	[sflag:s0] =	ssyncset.done @!p1 $0x0  }
0x294: {  	[sflag:s0] =	ssyncadd.s32 @!p1 $0xFFFFC180  }
.LBB2_40:
0x295: {  	_ =	sfence.sel $0x180000  }
0x296: {  	[bflag:$0x0] =	sbarrier.arrive $0xFFFF  }
0x297: {  	_ =	strace $0x9000004A  }
0x298: {  	[bflag:$0x2] =	sbarrier.arrive $0xFFFF  }
0x299: {  	s0 =	rddreg [dreg:$0x4]  }
0x29a: {  	s0 =	sadd.s32 @!p0 $0x100000, s0  }
0x29b: {  	[sflag:s0] =	ssyncadd.tile.s32 @!p0 $0x1;
	_ =	shalt  }
.Lfunc_end2:
_tile_overlayer_lowered:
.L_overlay_start_2:
0x29c: {  	(tag) =	ssettag $0x2  }
0x29d: {  	s0 =	rddreg [dreg:$0x0];
	s2 =	stileid.u32  }
0x29e: {  	s1 =	rddreg [dreg:$0x1];
	p0 =	sne.s32 s2, $0x0  }
0x29f: {  	s3 =	rddreg [dreg:$0x2];
	[bflag:$0x3] =	sbarrier.arrive $0xFFFF;
	s2 =	simm.s32 @!p0 $0x1C08  }
0x2a0: {  	[timem:s3], [sflag:s2] =	dma.local @!p0 [hbm:s0], s1  }
0x2a1: {  	s0 =	simm.s32 @!p0 $0x8  }
0x2a2: {  	_ =	swait.ge @!p0 [sflag:s0], s1  }
0x2a3: {  	s1 =	ssub.s32 @!p0 $0x0, s1;
	[sflag:s0] =	ssyncset.done @!p0 $0x0  }
0x2a4: {  	[sflag:s0] =	ssyncadd.s32 @!p0 s1  }
0x2a5: {  	[bflag:$0x3] =	sbarrier.arrive $0xFFFF  }
0x2a6: {  	_ =	shalt  }

</sc_bundles>
